<compile_context>
chip_gen: v7x
topology: tpu7x:2x2x1
jax: 0.10.2.dev20260603
libtpu: 0.0.44.dev20260713+nightly
codegen_flags: <defaults>
</compile_context>

<pallas_src>
import functools

import jax
import jax.numpy as jnp
from jax import lax
from jax.experimental import pallas as pl
from jax.experimental.pallas import tpu as pltpu
from jax.experimental.pallas import tpu_sc as plsc

F32 = jnp.float32
NC, NS = 2, 16
NW = NC * NS
CHUNK = 128



def _tc_matmul(xp, W, br=2048):
    Np, D = xp.shape
    C = W.shape[1]

    def body(x_ref, w_ref, o_ref):
        o_ref[...] = jnp.dot(x_ref[...], w_ref[...], preferred_element_type=F32)

    return pl.pallas_call(
        body,
        grid=(Np // br,),
        in_specs=[pl.BlockSpec((br, D), lambda i: (i, 0)),
                  pl.BlockSpec((D, C), lambda i: (0, 0))],
        out_specs=pl.BlockSpec((br, C), lambda i: (i, 0)),
        out_shape=jax.ShapeDtypeStruct((Np, C), F32),
    )(xp, W)


def _tc_norm_matmul(pa, pb, ca, cb, y, b, W, br=2048):
    Np, C = y.shape
    C2 = W.shape[1]

    def body(pa_ref, pb_ref, ca_ref, cb_ref, y_ref, b_ref, w_ref, o_ref):
        s = pa_ref[...] + pb_ref[...] + y_ref[...]
        cnt = ca_ref[...] + cb_ref[...] + 1.0
        if C == 16:
            cw = cnt
        else:
            cw = jnp.broadcast_to(cnt[:, :1], (br, C))
        h = jnp.maximum(s / cw + b_ref[...], 0.0)
        o_ref[...] = jnp.dot(h, w_ref[...], preferred_element_type=F32)

    return pl.pallas_call(
        body,
        grid=(Np // br,),
        in_specs=[pl.BlockSpec((br, C), lambda i: (i, 0)),
                  pl.BlockSpec((br, C), lambda i: (i, 0)),
                  pl.BlockSpec((br, 16), lambda i: (i, 0)),
                  pl.BlockSpec((br, 16), lambda i: (i, 0)),
                  pl.BlockSpec((br, C), lambda i: (i, 0)),
                  pl.BlockSpec((1, C), lambda i: (0, 0)),
                  pl.BlockSpec((C, C2), lambda i: (0, 0))],
        out_specs=pl.BlockSpec((br, C2), lambda i: (i, 0)),
        out_shape=jax.ShapeDtypeStruct((Np, C2), F32),
    )(pa, pb, ca, cb, y, b, W)


def _tc_head(pa, pb, ca, cb, y, b, lw1, lb1, lw2, lb2, lw3, lb3, lw4, lb4,
             ow, ob, br=2048):
    Np, C = y.shape

    def body(pa_ref, pb_ref, ca_ref, cb_ref, y_ref, b_ref,
             w1, v1, w2, v2, w3, v3, w4, v4, wo, vo, o_ref):
        s = pa_ref[...] + pb_ref[...] + y_ref[...]
        cnt = ca_ref[...] + cb_ref[...] + 1.0
        cw = jnp.broadcast_to(cnt[:, :1], (br, C))
        h = jnp.maximum(s / cw + b_ref[...], 0.0)
        h = jnp.maximum(jnp.dot(h, w1[...], preferred_element_type=F32) + v1[...], 0.0)
        h = jnp.maximum(jnp.dot(h, w2[...], preferred_element_type=F32) + v2[...], 0.0)
        h = jnp.maximum(jnp.dot(h, w3[...], preferred_element_type=F32) + v3[...], 0.0)
        h = jnp.maximum(jnp.dot(h, w4[...], preferred_element_type=F32) + v4[...], 0.0)
        o = jnp.dot(h, wo[...], preferred_element_type=F32) + vo[...]
        o_ref[...] = jax.nn.sigmoid(o)

    def mat(a):
        return pl.BlockSpec(a.shape, lambda i: (0, 0))

    return pl.pallas_call(
        body,
        grid=(Np // br,),
        in_specs=[pl.BlockSpec((br, C), lambda i: (i, 0)),
                  pl.BlockSpec((br, C), lambda i: (i, 0)),
                  pl.BlockSpec((br, 16), lambda i: (i, 0)),
                  pl.BlockSpec((br, 16), lambda i: (i, 0)),
                  pl.BlockSpec((br, C), lambda i: (i, 0)),
                  pl.BlockSpec((1, C), lambda i: (0, 0)),
                  mat(lw1), mat(lb1), mat(lw2), mat(lb2),
                  mat(lw3), mat(lb3), mat(lw4), mat(lb4),
                  mat(ow), mat(ob)],
        out_specs=pl.BlockSpec((br, 1), lambda i: (i, 0)),
        out_shape=jax.ShapeDtypeStruct((Np, 1), F32),
    )(pa, pb, ca, cb, y, b, lw1, lb1, lw2, lb2, lw3, lb3, lw4, lb4, ow, ob)



def _sc_body(with_cnt, *refs):
    if with_cnt:
        (y_ref, src_ref, dst_ref, out_ref, cnt_out_ref,
         acc_sh, cnt_sh, src_v, dst_v, rows_v, zero_v, ones_v,
         *sems_g) = refs
    else:
        (y_ref, src_ref, dst_ref, out_ref,
         acc_sh, src_v, dst_v, rows_v, zero_v, *sems_g) = refs

    Np, C = acc_sh.shape
    NCH = src_v.shape[0] - 2
    rt = Np // NS
    c = lax.axis_index("c")
    s = lax.axis_index("s")
    wid = c * NS + s

    z16 = jnp.zeros((16,), F32)

    def zrow(i, _):
        for k in range(C // 16):
            zero_v[i, pl.ds(k * 16, 16)] = z16
        return 0

    lax.fori_loop(0, CHUNK, zrow, 0)
    if with_cnt:
        o16 = jnp.ones((16,), F32)

        def orow(i, _):
            ones_v[i, pl.ds(0, 16)] = o16
            return 0

        lax.fori_loop(0, CHUNK, orow, 0)

    for q in range(rt // CHUNK):
        off = s * rt + q * CHUNK
        pltpu.sync_copy(zero_v, acc_sh.at[pl.ds(off, CHUNK)])
        if with_cnt:
            pltpu.sync_copy(zero_v, cnt_sh.at[pl.ds(off, CHUNK)])
    plsc.subcore_barrier()

    pltpu.sync_copy(src_ref.at[wid], src_v.at[pl.ds(0, NCH)])
    pltpu.sync_copy(dst_ref.at[wid], dst_v.at[pl.ds(0, NCH)])
    sent16 = (Np - 16) + lax.iota(jnp.int32, 16)
    for p in range(2):
        for k in range(CHUNK // 16):
            src_v[NCH + p, pl.ds(k * 16, 16)] = sent16

    def g_start(j, b):
        pltpu.async_copy(y_ref.at[src_v.at[j]], rows_v.at[b], sems_g[b])

    def g_wait(j, b):
        pltpu.make_async_copy(y_ref.at[src_v.at[j]], rows_v.at[b],
                              sems_g[b]).wait()

    g_start(0, 0)
    g_start(1, 1)

    def chunk_body(j4, _):
        for b in range(4):
            j = 4 * j4 + b
            g_start(j + 2, (b + 2) % 4)
            g_wait(j, b)
            pltpu.sync_copy(rows_v.at[b], acc_sh.at[dst_v.at[j]], add=True)
            if with_cnt:
                pltpu.sync_copy(ones_v, cnt_sh.at[dst_v.at[j]], add=True)
        return 0

    lax.fori_loop(0, NCH // 4, chunk_body, 0)
    g_wait(NCH, NCH % 4)
    g_wait(NCH + 1, (NCH + 1) % 4)
    plsc.subcore_barrier()

    pltpu.sync_copy(acc_sh.at[pl.ds(s * rt, rt)], out_ref.at[c, pl.ds(s * rt, rt)])
    if with_cnt:
        pltpu.sync_copy(cnt_sh.at[pl.ds(s * rt, rt)],
                        cnt_out_ref.at[c, pl.ds(s * rt, rt)])


def _sc_aggregate(y, src3, dst3, with_cnt):
    Np, C = y.shape
    NCH = src3.shape[1]
    mesh = plsc.VectorSubcoreMesh(core_axis_name="c", subcore_axis_name="s",
                                  num_cores=NC, num_subcores=NS)
    out_type = [jax.ShapeDtypeStruct((NC, Np, C), F32)]
    assert NCH % 4 == 0 and NCH >= 8
    scratch = [
        pltpu.VMEM_SHARED((Np, C), F32),
        pltpu.VMEM((NCH + 2, CHUNK), jnp.int32),
        pltpu.VMEM((NCH + 2, CHUNK), jnp.int32),
        pltpu.VMEM((4, CHUNK, C), F32),
        pltpu.VMEM((CHUNK, C), F32),
    ] + [pltpu.SemaphoreType.DMA] * 4
    if with_cnt:
        out_type.append(jax.ShapeDtypeStruct((NC, Np, 16), F32))
        scratch.insert(1, pltpu.VMEM_SHARED((Np, 16), F32))
        scratch.insert(6, pltpu.VMEM((CHUNK, 16), F32))
    fn = pl.kernel(functools.partial(_sc_body, with_cnt),
                   out_type=tuple(out_type), mesh=mesh,
                   scratch_types=tuple(scratch),
                   compiler_params=pltpu.CompilerParams(use_tc_tiling_on_sc=False))
    res = fn(y, src3, dst3)
    return res if isinstance(res, (tuple, list)) else (res,)



def kernel(x, edge_index, W1, u1, c1, b1, W2, u2, c2, b2, W3, u3, c3, b3,
           lw1, lb1, lw2, lb2, lw3, lb3, lw4, lb4, ow, ob):
    N, D = x.shape
    E = edge_index.shape[1]
    Np = 10240
    epw = -(-E // NW)
    nch = -(-epw // CHUNK)
    nch = -(-nch // 4) * 4
    ep = NW * nch * CHUNK

    xpad = jnp.zeros((Np, D), F32).at[:N].set(x)
    pad = (Np - CHUNK) + (jnp.arange(ep, dtype=jnp.int32) % CHUNK)
    src3 = pad.at[:E].set(edge_index[0]).reshape(NW, nch, CHUNK)
    dst3 = pad.at[:E].set(edge_index[1]).reshape(NW, nch, CHUNK)

    b1r = b1.reshape(1, -1)
    b2r = b2.reshape(1, -1)
    b3r = b3.reshape(1, -1)

    y1 = _tc_matmul(xpad, W1)
    s1, cnt = _sc_aggregate(y1, src3, dst3, with_cnt=True)
    y2 = _tc_norm_matmul(s1[0], s1[1], cnt[0], cnt[1], y1, b1r, W2)
    (s2,) = _sc_aggregate(y2, src3, dst3, with_cnt=False)
    y3 = _tc_norm_matmul(s2[0], s2[1], cnt[0], cnt[1], y2, b2r, W3)
    (s3,) = _sc_aggregate(y3, src3, dst3, with_cnt=False)
    out = _tc_head(s3[0], s3[1], cnt[0], cnt[1], y3, b3r,
                   lw1, lb1.reshape(1, -1), lw2, lb2.reshape(1, -1),
                   lw3, lb3.reshape(1, -1), lw4, lb4.reshape(1, -1),
                   ow, ob.reshape(1, -1))
    return out[:N]

# --- scband reference (transcript-rebuilt; emitter-appended) ---
"""Pipeline reference for scband-three-conv-57157424775210 (READ-ONLY COPY).

The authoritative reference and input builder live on the scoring server;
editing this copy changes nothing except your own understanding.
"""

import jax, jax.numpy as jnp
import numpy as np

HEADS = 1

def _feast_conv(x, src, dst, W, u, c, b, out_ch):
    # PyG FeaStConv: q_h = softmax_h(u_h^T (x_j - x_i) + c_h); out_i = mean_j sum_h q_h * (W_h x_j) + b
    # add_self_loops already applied by caller (src/dst include loops)
    N = x.shape[0]
    x_i = x[dst]
    x_j = x[src]
    q = jax.nn.softmax((x_j - x_i) @ u + c, axis=-1)            # [E, H]
    xw = (x_j @ W).reshape(x_j.shape[0], HEADS, out_ch)          # [E, H, out]
    msg = jnp.sum(q[:, :, None] * xw, axis=1)                    # [E, out]
    s = jax.ops.segment_sum(msg, dst, num_segments=N)
    cnt = jax.ops.segment_sum(jnp.ones((dst.shape[0],), dtype=x.dtype), dst, num_segments=N)
    out = s / jnp.maximum(cnt, 1.0)[:, None]
    return out + b

def setup_inputs(seed: int = 0):
    key = jax.random.key(seed)
    ks = jax.random.split(key, 32)
    N, E, D = 10000, 320000, 128
    x = jax.random.normal(ks[0], (N, D), dtype=jnp.float32)
    edge_index = jax.random.randint(ks[1], (2, E), 0, N, dtype=jnp.int32)
    def lin(k, fi, fo):
        s = 1.0 / np.sqrt(fi)
        return jax.random.normal(k, (fi, fo), dtype=jnp.float32) * s
    inp = {"x": x, "edge_index": edge_index}
    # FeaStConv params: W[in, H*out], u[in, H], c[H], b[out]
    inp["W1"] = lin(ks[2], 128, HEADS * 16); inp["u1"] = lin(ks[3], 128, HEADS); inp["c1"] = jnp.zeros((HEADS,), jnp.float32); inp["b1"] = jnp.zeros((16,), jnp.float32)
    inp["W2"] = lin(ks[4], 16, HEADS * 32); inp["u2"] = lin(ks[5], 16, HEADS); inp["c2"] = jnp.zeros((HEADS,), jnp.float32); inp["b2"] = jnp.zeros((32,), jnp.float32)
    inp["W3"] = lin(ks[6], 32, HEADS * 64); inp["u3"] = lin(ks[7], 32, HEADS); inp["c3"] = jnp.zeros((HEADS,), jnp.float32); inp["b3"] = jnp.zeros((64,), jnp.float32)
    # MLP head
    inp["lw1"] = lin(ks[8], 64, 32); inp["lb1"] = jnp.zeros((32,), jnp.float32)
    inp["lw2"] = lin(ks[9], 32, 16); inp["lb2"] = jnp.zeros((16,), jnp.float32)
    inp["lw3"] = lin(ks[10], 16, 8); inp["lb3"] = jnp.zeros((8,), jnp.float32)
    inp["lw4"] = lin(ks[11], 8, 4); inp["lb4"] = jnp.zeros((4,), jnp.float32)
    inp["ow"] = lin(ks[12], 4, 1); inp["ob"] = jnp.zeros((1,), jnp.float32)
    return inp

def reference(x, edge_index, W1, u1, c1, b1, W2, u2, c2, b2, W3, u3, c3, b3, lw1, lb1, lw2, lb2, lw3, lb3, lw4, lb4, ow, ob):
    N = x.shape[0]
    loop = jnp.arange(N, dtype=edge_index.dtype)
    src = jnp.concatenate([edge_index[0], loop])
    dst = jnp.concatenate([edge_index[1], loop])
    h = jax.nn.relu(_feast_conv(x, src, dst, W1, u1, c1, b1, 16))
    h = jax.nn.relu(_feast_conv(h, src, dst, W2, u2, c2, b2, 32))
    h = jax.nn.relu(_feast_conv(h, src, dst, W3, u3, c3, b3, 64))
    h = jax.nn.relu(h @ lw1 + lb1)
    h = jax.nn.relu(h @ lw2 + lb2)
    h = jax.nn.relu(h @ lw3 + lb3)
    h = jax.nn.relu(h @ lw4 + lb4)
    return jax.nn.sigmoid(h @ ow + ob)

if __name__ == "__main__":
    import jax
    _d = setup_inputs()
    print(jax.jit(kernel)(*tuple(_d.values())))

</pallas_src>

<mosaic_0001>
#map = affine_map<(d0, d1) -> (0, 0)>
#map1 = affine_map<(d0, d1) -> (0, 0, 0)>
module attributes {stable_mosaic.version = 14 : i64} {
  func.func @_sc_body(%arg0: i32, %arg1: i32, %arg2: memref<10240x32xf32, #tpu.memory_space<hbm>>, %arg3: memref<32x80x128xi32, #tpu.memory_space<hbm>>, %arg4: memref<32x80x128xi32, #tpu.memory_space<hbm>>, %arg5: memref<2x10240x32xf32, #tpu.memory_space<hbm>>, %arg6: memref<10240x32xf32, #tpu.memory_space<vmem_shared>>, %arg7: memref<82x128xi32, #tpu.memory_space<vmem>>, %arg8: memref<82x128xi32, #tpu.memory_space<vmem>>, %arg9: memref<4x128x32xf32, #tpu.memory_space<vmem>>, %arg10: memref<128x32xf32, #tpu.memory_space<vmem>>, %arg11: memref<!tpu.dma_semaphore, #tpu.memory_space<semaphore_mem>>, %arg12: memref<!tpu.dma_semaphore, #tpu.memory_space<semaphore_mem>>, %arg13: memref<!tpu.dma_semaphore, #tpu.memory_space<semaphore_mem>>, %arg14: memref<!tpu.dma_semaphore, #tpu.memory_space<semaphore_mem>>) attributes {dimension_semantics = [#tpu.dimension_semantics<core_parallel>, #tpu.dimension_semantics<subcore_parallel>], iteration_bounds = array<i64: 2, 16>, scalar_prefetch = 0 : i64, scratch_operands = 9 : i64, tpu.core_type = #tpu.core_type<sc_vector_subcore>, window_params = [{transform_indices = #map}, {transform_indices = #map1}, {transform_indices = #map1}, {transform_indices = #map1}]} {
    %mul3A = arith.constant 16 : i32
    %mul3A_0 = arith.muli %arg0, %mul3A : i32
    %add3A = arith.addi %mul3A_0, %arg1 : i32
    %broadcast_in_dim3A = arith.constant 0.000000e+00 : f32
    %broadcast_in_dim3A_1 = vector.broadcast %broadcast_in_dim3A : f32 to vector<16xf32>
    %scan3A = arith.constant 0 : i32
    %scan3A_2 = arith.constant 0 : i32
    %scan3A_3 = arith.constant 128 : i32
    %scan3A_4 = arith.addi %scan3A_2, %scan3A_3 : i32
    %scan3A_5 = arith.constant 1 : i32
    %scan3A_6 = scf.for %scan3A_184 = %scan3A_2 to %scan3A_4 step %scan3A_5 iter_args(%scan3A_185 = %scan3A) -> (i32)  : i32 {
      %swap3A_186 = arith.index_cast %scan3A_184 : i32 to index
      %swap3A_187 = arith.constant 0 : index
      %swap3A_188 = tpu.vector_load %arg10[%swap3A_186, %swap3A_187] {strides = array<i32>} : memref<128x32xf32, #tpu.memory_space<vmem>>, vector<1x16xf32>,
      %swap3A_189 = vector.shape_cast %swap3A_188 : vector<1x16xf32> to vector<16xf32>
      %swap3A_190 = vector.shape_cast %broadcast_in_dim3A_1 : vector<16xf32> to vector<1x16xf32>
      tpu.vector_store %arg10[%swap3A_186, %swap3A_187], %swap3A_190 {strides = array<i32>} : memref<128x32xf32, #tpu.memory_space<vmem>>, vector<1x16xf32>,
      %swap3A_191 = arith.index_cast %scan3A_184 : i32 to index
      %swap3A_192 = arith.constant 16 : index
      %swap3A_193 = tpu.vector_load %arg10[%swap3A_191, %swap3A_192] {strides = array<i32>} : memref<128x32xf32, #tpu.memory_space<vmem>>, vector<1x16xf32>,
      %swap3A_194 = vector.shape_cast %swap3A_193 : vector<1x16xf32> to vector<16xf32>
      %swap3A_195 = vector.shape_cast %broadcast_in_dim3A_1 : vector<16xf32> to vector<1x16xf32>
      tpu.vector_store %arg10[%swap3A_191, %swap3A_192], %swap3A_195 {strides = array<i32>} : memref<128x32xf32, #tpu.memory_space<vmem>>, vector<1x16xf32>,
      %scan3A_196 = arith.constant 0 : i32
      scf.yield %scan3A_196 : i32
    }
    %scan3A_7 = arith.constant 128 : i32
    %mul3A_8 = arith.constant 640 : i32
    %mul3A_9 = arith.muli %arg1, %mul3A_8 : i32
    %add3A_10 = arith.constant 0 : i32
    %add3A_11 = arith.addi %mul3A_9, %add3A_10 : i32
    "tpu.region"() ({
      %run_scoped3A = tpu.sem_alloc : memref<!tpu.dma_semaphore, #tpu.memory_space<semaphore_mem>>
      %dma_start3A_184 = arith.constant 0 : i32
      %dma_start3A_185 = tpu.memref_slice %arg6[%add3A_11, %dma_start3A_184] : memref<10240x32xf32, #tpu.memory_space<vmem_shared>> -> memref<128x32xf32, #tpu.memory_space<vmem_shared>>
      %dma_start3A_186 = arith.constant 0 : i32
      %dma_start3A_187 = tpu.memref_slice %arg6[%add3A_11, %dma_start3A_186] : memref<10240x32xf32, #tpu.memory_space<vmem_shared>> -> memref<128x32xf32, #tpu.memory_space<vmem_shared>>
      tpu.enqueue_dma source(%arg10 : memref<128x32xf32, #tpu.memory_space<vmem>>) target(%dma_start3A_187 : memref<128x32xf32, #tpu.memory_space<vmem_shared>>) target_semaphore(%run_scoped3A : memref<!tpu.dma_semaphore, #tpu.memory_space<semaphore_mem>>)
      %dma_wait3A_188 = arith.constant 0 : i32
      %dma_wait3A_189 = tpu.memref_slice %arg6[%add3A_11, %dma_wait3A_188] : memref<10240x32xf32, #tpu.memory_space<vmem_shared>> -> memref<128x32xf32, #tpu.memory_space<vmem_shared>>
      %dma_wait3A_190 = arith.constant 0 : i32
      %dma_wait3A_191 = tpu.memref_slice %arg6[%add3A_11, %dma_wait3A_190] : memref<10240x32xf32, #tpu.memory_space<vmem_shared>> -> memref<128x32xf32, #tpu.memory_space<vmem_shared>>
      tpu.wait_dma2 semaphore(%run_scoped3A : memref<!tpu.dma_semaphore, #tpu.memory_space<semaphore_mem>>) src(%arg10 : memref<128x32xf32, #tpu.memory_space<vmem>>) dst(%dma_wait3A_191 : memref<128x32xf32, #tpu.memory_space<vmem_shared>>)
      tpu.yield
    }) : () -> ()
    %mul3A_12 = arith.constant 640 : i32
    %mul3A_13 = arith.muli %arg1, %mul3A_12 : i32
    %add3A_14 = arith.constant 128 : i32
    %add3A_15 = arith.addi %mul3A_13, %add3A_14 : i32
    "tpu.region"() ({
      %run_scoped3A = tpu.sem_alloc : memref<!tpu.dma_semaphore, #tpu.memory_space<semaphore_mem>>
      %dma_start3A_184 = arith.constant 0 : i32
      %dma_start3A_185 = tpu.memref_slice %arg6[%add3A_15, %dma_start3A_184] : memref<10240x32xf32, #tpu.memory_space<vmem_shared>> -> memref<128x32xf32, #tpu.memory_space<vmem_shared>>
      %dma_start3A_186 = arith.constant 0 : i32
      %dma_start3A_187 = tpu.memref_slice %arg6[%add3A_15, %dma_start3A_186] : memref<10240x32xf32, #tpu.memory_space<vmem_shared>> -> memref<128x32xf32, #tpu.memory_space<vmem_shared>>
      tpu.enqueue_dma source(%arg10 : memref<128x32xf32, #tpu.memory_space<vmem>>) target(%dma_start3A_187 : memref<128x32xf32, #tpu.memory_space<vmem_shared>>) target_semaphore(%run_scoped3A : memref<!tpu.dma_semaphore, #tpu.memory_space<semaphore_mem>>)
      %dma_wait3A_188 = arith.constant 0 : i32
      %dma_wait3A_189 = tpu.memref_slice %arg6[%add3A_15, %dma_wait3A_188] : memref<10240x32xf32, #tpu.memory_space<vmem_shared>> -> memref<128x32xf32, #tpu.memory_space<vmem_shared>>
      %dma_wait3A_190 = arith.constant 0 : i32
      %dma_wait3A_191 = tpu.memref_slice %arg6[%add3A_15, %dma_wait3A_190] : memref<10240x32xf32, #tpu.memory_space<vmem_shared>> -> memref<128x32xf32, #tpu.memory_space<vmem_shared>>
      tpu.wait_dma2 semaphore(%run_scoped3A : memref<!tpu.dma_semaphore, #tpu.memory_space<semaphore_mem>>) src(%arg10 : memref<128x32xf32, #tpu.memory_space<vmem>>) dst(%dma_wait3A_191 : memref<128x32xf32, #tpu.memory_space<vmem_shared>>)
      tpu.yield
    }) : () -> ()
    %mul3A_16 = arith.constant 640 : i32
    %mul3A_17 = arith.muli %arg1, %mul3A_16 : i32
    %add3A_18 = arith.constant 256 : i32
    %add3A_19 = arith.addi %mul3A_17, %add3A_18 : i32
    "tpu.region"() ({
      %run_scoped3A = tpu.sem_alloc : memref<!tpu.dma_semaphore, #tpu.memory_space<semaphore_mem>>
      %dma_start3A_184 = arith.constant 0 : i32
      %dma_start3A_185 = tpu.memref_slice %arg6[%add3A_19, %dma_start3A_184] : memref<10240x32xf32, #tpu.memory_space<vmem_shared>> -> memref<128x32xf32, #tpu.memory_space<vmem_shared>>
      %dma_start3A_186 = arith.constant 0 : i32
      %dma_start3A_187 = tpu.memref_slice %arg6[%add3A_19, %dma_start3A_186] : memref<10240x32xf32, #tpu.memory_space<vmem_shared>> -> memref<128x32xf32, #tpu.memory_space<vmem_shared>>
      tpu.enqueue_dma source(%arg10 : memref<128x32xf32, #tpu.memory_space<vmem>>) target(%dma_start3A_187 : memref<128x32xf32, #tpu.memory_space<vmem_shared>>) target_semaphore(%run_scoped3A : memref<!tpu.dma_semaphore, #tpu.memory_space<semaphore_mem>>)
      %dma_wait3A_188 = arith.constant 0 : i32
      %dma_wait3A_189 = tpu.memref_slice %arg6[%add3A_19, %dma_wait3A_188] : memref<10240x32xf32, #tpu.memory_space<vmem_shared>> -> memref<128x32xf32, #tpu.memory_space<vmem_shared>>
      %dma_wait3A_190 = arith.constant 0 : i32
      %dma_wait3A_191 = tpu.memref_slice %arg6[%add3A_19, %dma_wait3A_190] : memref<10240x32xf32, #tpu.memory_space<vmem_shared>> -> memref<128x32xf32, #tpu.memory_space<vmem_shared>>
      tpu.wait_dma2 semaphore(%run_scoped3A : memref<!tpu.dma_semaphore, #tpu.memory_space<semaphore_mem>>) src(%arg10 : memref<128x32xf32, #tpu.memory_space<vmem>>) dst(%dma_wait3A_191 : memref<128x32xf32, #tpu.memory_space<vmem_shared>>)
      tpu.yield
    }) : () -> ()
    %mul3A_20 = arith.constant 640 : i32
    %mul3A_21 = arith.muli %arg1, %mul3A_20 : i32
    %add3A_22 = arith.constant 384 : i32
    %add3A_23 = arith.addi %mul3A_21, %add3A_22 : i32
    "tpu.region"() ({
      %run_scoped3A = tpu.sem_alloc : memref<!tpu.dma_semaphore, #tpu.memory_space<semaphore_mem>>
      %dma_start3A_184 = arith.constant 0 : i32
      %dma_start3A_185 = tpu.memref_slice %arg6[%add3A_23, %dma_start3A_184] : memref<10240x32xf32, #tpu.memory_space<vmem_shared>> -> memref<128x32xf32, #tpu.memory_space<vmem_shared>>
      %dma_start3A_186 = arith.constant 0 : i32
      %dma_start3A_187 = tpu.memref_slice %arg6[%add3A_23, %dma_start3A_186] : memref<10240x32xf32, #tpu.memory_space<vmem_shared>> -> memref<128x32xf32, #tpu.memory_space<vmem_shared>>
      tpu.enqueue_dma source(%arg10 : memref<128x32xf32, #tpu.memory_space<vmem>>) target(%dma_start3A_187 : memref<128x32xf32, #tpu.memory_space<vmem_shared>>) target_semaphore(%run_scoped3A : memref<!tpu.dma_semaphore, #tpu.memory_space<semaphore_mem>>)
      %dma_wait3A_188 = arith.constant 0 : i32
      %dma_wait3A_189 = tpu.memref_slice %arg6[%add3A_23, %dma_wait3A_188] : memref<10240x32xf32, #tpu.memory_space<vmem_shared>> -> memref<128x32xf32, #tpu.memory_space<vmem_shared>>
      %dma_wait3A_190 = arith.constant 0 : i32
      %dma_wait3A_191 = tpu.memref_slice %arg6[%add3A_23, %dma_wait3A_190] : memref<10240x32xf32, #tpu.memory_space<vmem_shared>> -> memref<128x32xf32, #tpu.memory_space<vmem_shared>>
      tpu.wait_dma2 semaphore(%run_scoped3A : memref<!tpu.dma_semaphore, #tpu.memory_space<semaphore_mem>>) src(%arg10 : memref<128x32xf32, #tpu.memory_space<vmem>>) dst(%dma_wait3A_191 : memref<128x32xf32, #tpu.memory_space<vmem_shared>>)
      tpu.yield
    }) : () -> ()
    %mul3A_24 = arith.constant 640 : i32
    %mul3A_25 = arith.muli %arg1, %mul3A_24 : i32
    %add3A_26 = arith.constant 512 : i32
    %add3A_27 = arith.addi %mul3A_25, %add3A_26 : i32
    "tpu.region"() ({
      %run_scoped3A = tpu.sem_alloc : memref<!tpu.dma_semaphore, #tpu.memory_space<semaphore_mem>>
      %dma_start3A_184 = arith.constant 0 : i32
      %dma_start3A_185 = tpu.memref_slice %arg6[%add3A_27, %dma_start3A_184] : memref<10240x32xf32, #tpu.memory_space<vmem_shared>> -> memref<128x32xf32, #tpu.memory_space<vmem_shared>>
      %dma_start3A_186 = arith.constant 0 : i32
      %dma_start3A_187 = tpu.memref_slice %arg6[%add3A_27, %dma_start3A_186] : memref<10240x32xf32, #tpu.memory_space<vmem_shared>> -> memref<128x32xf32, #tpu.memory_space<vmem_shared>>
      tpu.enqueue_dma source(%arg10 : memref<128x32xf32, #tpu.memory_space<vmem>>) target(%dma_start3A_187 : memref<128x32xf32, #tpu.memory_space<vmem_shared>>) target_semaphore(%run_scoped3A : memref<!tpu.dma_semaphore, #tpu.memory_space<semaphore_mem>>)
      %dma_wait3A_188 = arith.constant 0 : i32
      %dma_wait3A_189 = tpu.memref_slice %arg6[%add3A_27, %dma_wait3A_188] : memref<10240x32xf32, #tpu.memory_space<vmem_shared>> -> memref<128x32xf32, #tpu.memory_space<vmem_shared>>
      %dma_wait3A_190 = arith.constant 0 : i32
      %dma_wait3A_191 = tpu.memref_slice %arg6[%add3A_27, %dma_wait3A_190] : memref<10240x32xf32, #tpu.memory_space<vmem_shared>> -> memref<128x32xf32, #tpu.memory_space<vmem_shared>>
      tpu.wait_dma2 semaphore(%run_scoped3A : memref<!tpu.dma_semaphore, #tpu.memory_space<semaphore_mem>>) src(%arg10 : memref<128x32xf32, #tpu.memory_space<vmem>>) dst(%dma_wait3A_191 : memref<128x32xf32, #tpu.memory_space<vmem_shared>>)
      tpu.yield
    }) : () -> ()
    %barrier3A = arith.constant 0 : index
    tpu.barrier barrier_id(%barrier3A)
    "tpu.region"() ({
      %run_scoped3A = tpu.sem_alloc : memref<!tpu.dma_semaphore, #tpu.memory_space<semaphore_mem>>
      %dma_start3A_184 = arith.constant 0 : i32
      %dma_start3A_185 = arith.constant 0 : i32
      %dma_start3A_186 = tpu.memref_slice %arg7[%dma_start3A_184, %dma_start3A_185] : memref<82x128xi32, #tpu.memory_space<vmem>> -> memref<80x128xi32, #tpu.memory_space<vmem>>
      %dma_start3A_187 = arith.constant 0 : i32
      %dma_start3A_188 = arith.constant 0 : i32
      %dma_start3A_189 = tpu.memref_slice %arg3[%add3A, %dma_start3A_187, %dma_start3A_188] : memref<32x80x128xi32, #tpu.memory_space<hbm>> -> memref<1x80x128xi32, #tpu.memory_space<hbm>>
      %dma_start3A_190 = tpu.memref_squeeze %dma_start3A_189 : memref<1x80x128xi32, #tpu.memory_space<hbm>> -> memref<80x128xi32, #tpu.memory_space<hbm>>
      %dma_start3A_191 = arith.constant 0 : i32
      %dma_start3A_192 = arith.constant 0 : i32
      %dma_start3A_193 = tpu.memref_slice %arg7[%dma_start3A_191, %dma_start3A_192] : memref<82x128xi32, #tpu.memory_space<vmem>> -> memref<80x128xi32, #tpu.memory_space<vmem>>
      %dma_start3A_194 = arith.constant 0 : i32
      %dma_start3A_195 = arith.constant 0 : i32
      %dma_start3A_196 = tpu.memref_slice %arg3[%add3A, %dma_start3A_194, %dma_start3A_195] : memref<32x80x128xi32, #tpu.memory_space<hbm>> -> memref<1x80x128xi32, #tpu.memory_space<hbm>>
      %dma_start3A_197 = tpu.memref_squeeze %dma_start3A_196 : memref<1x80x128xi32, #tpu.memory_space<hbm>> -> memref<80x128xi32, #tpu.memory_space<hbm>>
      tpu.enqueue_dma source(%dma_start3A_197 : memref<80x128xi32, #tpu.memory_space<hbm>>) target(%dma_start3A_193 : memref<80x128xi32, #tpu.memory_space<vmem>>) target_semaphore(%run_scoped3A : memref<!tpu.dma_semaphore, #tpu.memory_space<semaphore_mem>>)
      %dma_wait3A_198 = arith.constant 0 : i32
      %dma_wait3A_199 = arith.constant 0 : i32
      %dma_wait3A_200 = tpu.memref_slice %arg7[%dma_wait3A_198, %dma_wait3A_199] : memref<82x128xi32, #tpu.memory_space<vmem>> -> memref<80x128xi32, #tpu.memory_space<vmem>>
      %dma_wait3A_201 = arith.constant 0 : i32
      %dma_wait3A_202 = arith.constant 0 : i32
      %dma_wait3A_203 = tpu.memref_slice %arg3[%add3A, %dma_wait3A_201, %dma_wait3A_202] : memref<32x80x128xi32, #tpu.memory_space<hbm>> -> memref<1x80x128xi32, #tpu.memory_space<hbm>>
      %dma_wait3A_204 = tpu.memref_squeeze %dma_wait3A_203 : memref<1x80x128xi32, #tpu.memory_space<hbm>> -> memref<80x128xi32, #tpu.memory_space<hbm>>
      %dma_wait3A_205 = arith.constant 0 : i32
      %dma_wait3A_206 = arith.constant 0 : i32
      %dma_wait3A_207 = tpu.memref_slice %arg7[%dma_wait3A_205, %dma_wait3A_206] : memref<82x128xi32, #tpu.memory_space<vmem>> -> memref<80x128xi32, #tpu.memory_space<vmem>>
      %dma_wait3A_208 = arith.constant 0 : i32
      %dma_wait3A_209 = arith.constant 0 : i32
      %dma_wait3A_210 = tpu.memref_slice %arg3[%add3A, %dma_wait3A_208, %dma_wait3A_209] : memref<32x80x128xi32, #tpu.memory_space<hbm>> -> memref<1x80x128xi32, #tpu.memory_space<hbm>>
      %dma_wait3A_211 = tpu.memref_squeeze %dma_wait3A_210 : memref<1x80x128xi32, #tpu.memory_space<hbm>> -> memref<80x128xi32, #tpu.memory_space<hbm>>
      tpu.wait_dma2 semaphore(%run_scoped3A : memref<!tpu.dma_semaphore, #tpu.memory_space<semaphore_mem>>) src(%dma_wait3A_211 : memref<80x128xi32, #tpu.memory_space<hbm>>) dst(%dma_wait3A_207 : memref<80x128xi32, #tpu.memory_space<vmem>>)
      tpu.yield
    }) : () -> ()
    "tpu.region"() ({
      %run_scoped3A = tpu.sem_alloc : memref<!tpu.dma_semaphore, #tpu.memory_space<semaphore_mem>>
      %dma_start3A_184 = arith.constant 0 : i32
      %dma_start3A_185 = arith.constant 0 : i32
      %dma_start3A_186 = tpu.memref_slice %arg8[%dma_start3A_184, %dma_start3A_185] : memref<82x128xi32, #tpu.memory_space<vmem>> -> memref<80x128xi32, #tpu.memory_space<vmem>>
      %dma_start3A_187 = arith.constant 0 : i32
      %dma_start3A_188 = arith.constant 0 : i32
      %dma_start3A_189 = tpu.memref_slice %arg4[%add3A, %dma_start3A_187, %dma_start3A_188] : memref<32x80x128xi32, #tpu.memory_space<hbm>> -> memref<1x80x128xi32, #tpu.memory_space<hbm>>
      %dma_start3A_190 = tpu.memref_squeeze %dma_start3A_189 : memref<1x80x128xi32, #tpu.memory_space<hbm>> -> memref<80x128xi32, #tpu.memory_space<hbm>>
      %dma_start3A_191 = arith.constant 0 : i32
      %dma_start3A_192 = arith.constant 0 : i32
      %dma_start3A_193 = tpu.memref_slice %arg8[%dma_start3A_191, %dma_start3A_192] : memref<82x128xi32, #tpu.memory_space<vmem>> -> memref<80x128xi32, #tpu.memory_space<vmem>>
      %dma_start3A_194 = arith.constant 0 : i32
      %dma_start3A_195 = arith.constant 0 : i32
      %dma_start3A_196 = tpu.memref_slice %arg4[%add3A, %dma_start3A_194, %dma_start3A_195] : memref<32x80x128xi32, #tpu.memory_space<hbm>> -> memref<1x80x128xi32, #tpu.memory_space<hbm>>
      %dma_start3A_197 = tpu.memref_squeeze %dma_start3A_196 : memref<1x80x128xi32, #tpu.memory_space<hbm>> -> memref<80x128xi32, #tpu.memory_space<hbm>>
      tpu.enqueue_dma source(%dma_start3A_197 : memref<80x128xi32, #tpu.memory_space<hbm>>) target(%dma_start3A_193 : memref<80x128xi32, #tpu.memory_space<vmem>>) target_semaphore(%run_scoped3A : memref<!tpu.dma_semaphore, #tpu.memory_space<semaphore_mem>>)
      %dma_wait3A_198 = arith.constant 0 : i32
      %dma_wait3A_199 = arith.constant 0 : i32
      %dma_wait3A_200 = tpu.memref_slice %arg8[%dma_wait3A_198, %dma_wait3A_199] : memref<82x128xi32, #tpu.memory_space<vmem>> -> memref<80x128xi32, #tpu.memory_space<vmem>>
      %dma_wait3A_201 = arith.constant 0 : i32
      %dma_wait3A_202 = arith.constant 0 : i32
      %dma_wait3A_203 = tpu.memref_slice %arg4[%add3A, %dma_wait3A_201, %dma_wait3A_202] : memref<32x80x128xi32, #tpu.memory_space<hbm>> -> memref<1x80x128xi32, #tpu.memory_space<hbm>>
      %dma_wait3A_204 = tpu.memref_squeeze %dma_wait3A_203 : memref<1x80x128xi32, #tpu.memory_space<hbm>> -> memref<80x128xi32, #tpu.memory_space<hbm>>
      %dma_wait3A_205 = arith.constant 0 : i32
      %dma_wait3A_206 = arith.constant 0 : i32
      %dma_wait3A_207 = tpu.memref_slice %arg8[%dma_wait3A_205, %dma_wait3A_206] : memref<82x128xi32, #tpu.memory_space<vmem>> -> memref<80x128xi32, #tpu.memory_space<vmem>>
      %dma_wait3A_208 = arith.constant 0 : i32
      %dma_wait3A_209 = arith.constant 0 : i32
      %dma_wait3A_210 = tpu.memref_slice %arg4[%add3A, %dma_wait3A_208, %dma_wait3A_209] : memref<32x80x128xi32, #tpu.memory_space<hbm>> -> memref<1x80x128xi32, #tpu.memory_space<hbm>>
      %dma_wait3A_211 = tpu.memref_squeeze %dma_wait3A_210 : memref<1x80x128xi32, #tpu.memory_space<hbm>> -> memref<80x128xi32, #tpu.memory_space<hbm>>
      tpu.wait_dma2 semaphore(%run_scoped3A : memref<!tpu.dma_semaphore, #tpu.memory_space<semaphore_mem>>) src(%dma_wait3A_211 : memref<80x128xi32, #tpu.memory_space<hbm>>) dst(%dma_wait3A_207 : memref<80x128xi32, #tpu.memory_space<vmem>>)
      tpu.yield
    }) : () -> ()
    %iota3A = tpu.iota {dimensions = array<i32: 0>} : vector<16xi32>
    %add3A_28 = arith.constant 10224 : i32
    %add3A_29 = vector.broadcast %add3A_28 : i32 to vector<16xi32>
    %add3A_30 = arith.addi %add3A_29, %iota3A : vector<16xi32>
    %swap3A = arith.constant 80 : i32
    %swap3A_31 = arith.index_cast %swap3A : i32 to index
    %swap3A_32 = arith.constant 0 : index
    %swap3A_33 = tpu.vector_load %arg7[%swap3A_31, %swap3A_32] {strides = array<i32>} : memref<82x128xi32, #tpu.memory_space<vmem>>, vector<1x16xi32>,
    %swap3A_34 = vector.shape_cast %swap3A_33 : vector<1x16xi32> to vector<16xi32>
    %swap3A_35 = vector.shape_cast %add3A_30 : vector<16xi32> to vector<1x16xi32>
    tpu.vector_store %arg7[%swap3A_31, %swap3A_32], %swap3A_35 {strides = array<i32>} : memref<82x128xi32, #tpu.memory_space<vmem>>, vector<1x16xi32>,
    %swap3A_36 = arith.constant 80 : i32
    %swap3A_37 = arith.index_cast %swap3A_36 : i32 to index
    %swap3A_38 = arith.constant 16 : index
    %swap3A_39 = tpu.vector_load %arg7[%swap3A_37, %swap3A_38] {strides = array<i32>} : memref<82x128xi32, #tpu.memory_space<vmem>>, vector<1x16xi32>,
    %swap3A_40 = vector.shape_cast %swap3A_39 : vector<1x16xi32> to vector<16xi32>
    %swap3A_41 = vector.shape_cast %add3A_30 : vector<16xi32> to vector<1x16xi32>
    tpu.vector_store %arg7[%swap3A_37, %swap3A_38], %swap3A_41 {strides = array<i32>} : memref<82x128xi32, #tpu.memory_space<vmem>>, vector<1x16xi32>,
    %swap3A_42 = arith.constant 80 : i32
    %swap3A_43 = arith.index_cast %swap3A_42 : i32 to index
    %swap3A_44 = arith.constant 32 : index
    %swap3A_45 = tpu.vector_load %arg7[%swap3A_43, %swap3A_44] {strides = array<i32>} : memref<82x128xi32, #tpu.memory_space<vmem>>, vector<1x16xi32>,
    %swap3A_46 = vector.shape_cast %swap3A_45 : vector<1x16xi32> to vector<16xi32>
    %swap3A_47 = vector.shape_cast %add3A_30 : vector<16xi32> to vector<1x16xi32>
    tpu.vector_store %arg7[%swap3A_43, %swap3A_44], %swap3A_47 {strides = array<i32>} : memref<82x128xi32, #tpu.memory_space<vmem>>, vector<1x16xi32>,
    %swap3A_48 = arith.constant 80 : i32
    %swap3A_49 = arith.index_cast %swap3A_48 : i32 to index
    %swap3A_50 = arith.constant 48 : index
    %swap3A_51 = tpu.vector_load %arg7[%swap3A_49, %swap3A_50] {strides = array<i32>} : memref<82x128xi32, #tpu.memory_space<vmem>>, vector<1x16xi32>,
    %swap3A_52 = vector.shape_cast %swap3A_51 : vector<1x16xi32> to vector<16xi32>
    %swap3A_53 = vector.shape_cast %add3A_30 : vector<16xi32> to vector<1x16xi32>
    tpu.vector_store %arg7[%swap3A_49, %swap3A_50], %swap3A_53 {strides = array<i32>} : memref<82x128xi32, #tpu.memory_space<vmem>>, vector<1x16xi32>,
    %swap3A_54 = arith.constant 80 : i32
    %swap3A_55 = arith.index_cast %swap3A_54 : i32 to index
    %swap3A_56 = arith.constant 64 : index
    %swap3A_57 = tpu.vector_load %arg7[%swap3A_55, %swap3A_56] {strides = array<i32>} : memref<82x128xi32, #tpu.memory_space<vmem>>, vector<1x16xi32>,
    %swap3A_58 = vector.shape_cast %swap3A_57 : vector<1x16xi32> to vector<16xi32>
    %swap3A_59 = vector.shape_cast %add3A_30 : vector<16xi32> to vector<1x16xi32>
    tpu.vector_store %arg7[%swap3A_55, %swap3A_56], %swap3A_59 {strides = array<i32>} : memref<82x128xi32, #tpu.memory_space<vmem>>, vector<1x16xi32>,
    %swap3A_60 = arith.constant 80 : i32
    %swap3A_61 = arith.index_cast %swap3A_60 : i32 to index
    %swap3A_62 = arith.constant 80 : index
    %swap3A_63 = tpu.vector_load %arg7[%swap3A_61, %swap3A_62] {strides = array<i32>} : memref<82x128xi32, #tpu.memory_space<vmem>>, vector<1x16xi32>,
    %swap3A_64 = vector.shape_cast %swap3A_63 : vector<1x16xi32> to vector<16xi32>
    %swap3A_65 = vector.shape_cast %add3A_30 : vector<16xi32> to vector<1x16xi32>
    tpu.vector_store %arg7[%swap3A_61, %swap3A_62], %swap3A_65 {strides = array<i32>} : memref<82x128xi32, #tpu.memory_space<vmem>>, vector<1x16xi32>,
    %swap3A_66 = arith.constant 80 : i32
    %swap3A_67 = arith.index_cast %swap3A_66 : i32 to index
    %swap3A_68 = arith.constant 96 : index
    %swap3A_69 = tpu.vector_load %arg7[%swap3A_67, %swap3A_68] {strides = array<i32>} : memref<82x128xi32, #tpu.memory_space<vmem>>, vector<1x16xi32>,
    %swap3A_70 = vector.shape_cast %swap3A_69 : vector<1x16xi32> to vector<16xi32>
    %swap3A_71 = vector.shape_cast %add3A_30 : vector<16xi32> to vector<1x16xi32>
    tpu.vector_store %arg7[%swap3A_67, %swap3A_68], %swap3A_71 {strides = array<i32>} : memref<82x128xi32, #tpu.memory_space<vmem>>, vector<1x16xi32>,
    %swap3A_72 = arith.constant 80 : i32
    %swap3A_73 = arith.index_cast %swap3A_72 : i32 to index
    %swap3A_74 = arith.constant 112 : index
    %swap3A_75 = tpu.vector_load %arg7[%swap3A_73, %swap3A_74] {strides = array<i32>} : memref<82x128xi32, #tpu.memory_space<vmem>>, vector<1x16xi32>,
    %swap3A_76 = vector.shape_cast %swap3A_75 : vector<1x16xi32> to vector<16xi32>
    %swap3A_77 = vector.shape_cast %add3A_30 : vector<16xi32> to vector<1x16xi32>
    tpu.vector_store %arg7[%swap3A_73, %swap3A_74], %swap3A_77 {strides = array<i32>} : memref<82x128xi32, #tpu.memory_space<vmem>>, vector<1x16xi32>,
    %swap3A_78 = arith.constant 81 : i32
    %swap3A_79 = arith.index_cast %swap3A_78 : i32 to index
    %swap3A_80 = arith.constant 0 : index
    %swap3A_81 = tpu.vector_load %arg7[%swap3A_79, %swap3A_80] {strides = array<i32>} : memref<82x128xi32, #tpu.memory_space<vmem>>, vector<1x16xi32>,
    %swap3A_82 = vector.shape_cast %swap3A_81 : vector<1x16xi32> to vector<16xi32>
    %swap3A_83 = vector.shape_cast %add3A_30 : vector<16xi32> to vector<1x16xi32>
    tpu.vector_store %arg7[%swap3A_79, %swap3A_80], %swap3A_83 {strides = array<i32>} : memref<82x128xi32, #tpu.memory_space<vmem>>, vector<1x16xi32>,
    %swap3A_84 = arith.constant 81 : i32
    %swap3A_85 = arith.index_cast %swap3A_84 : i32 to index
    %swap3A_86 = arith.constant 16 : index
    %swap3A_87 = tpu.vector_load %arg7[%swap3A_85, %swap3A_86] {strides = array<i32>} : memref<82x128xi32, #tpu.memory_space<vmem>>, vector<1x16xi32>,
    %swap3A_88 = vector.shape_cast %swap3A_87 : vector<1x16xi32> to vector<16xi32>
    %swap3A_89 = vector.shape_cast %add3A_30 : vector<16xi32> to vector<1x16xi32>
    tpu.vector_store %arg7[%swap3A_85, %swap3A_86], %swap3A_89 {strides = array<i32>} : memref<82x128xi32, #tpu.memory_space<vmem>>, vector<1x16xi32>,
    %swap3A_90 = arith.constant 81 : i32
    %swap3A_91 = arith.index_cast %swap3A_90 : i32 to index
    %swap3A_92 = arith.constant 32 : index
    %swap3A_93 = tpu.vector_load %arg7[%swap3A_91, %swap3A_92] {strides = array<i32>} : memref<82x128xi32, #tpu.memory_space<vmem>>, vector<1x16xi32>,
    %swap3A_94 = vector.shape_cast %swap3A_93 : vector<1x16xi32> to vector<16xi32>
    %swap3A_95 = vector.shape_cast %add3A_30 : vector<16xi32> to vector<1x16xi32>
    tpu.vector_store %arg7[%swap3A_91, %swap3A_92], %swap3A_95 {strides = array<i32>} : memref<82x128xi32, #tpu.memory_space<vmem>>, vector<1x16xi32>,
    %swap3A_96 = arith.constant 81 : i32
    %swap3A_97 = arith.index_cast %swap3A_96 : i32 to index
    %swap3A_98 = arith.constant 48 : index
    %swap3A_99 = tpu.vector_load %arg7[%swap3A_97, %swap3A_98] {strides = array<i32>} : memref<82x128xi32, #tpu.memory_space<vmem>>, vector<1x16xi32>,
    %swap3A_100 = vector.shape_cast %swap3A_99 : vector<1x16xi32> to vector<16xi32>
    %swap3A_101 = vector.shape_cast %add3A_30 : vector<16xi32> to vector<1x16xi32>
    tpu.vector_store %arg7[%swap3A_97, %swap3A_98], %swap3A_101 {strides = array<i32>} : memref<82x128xi32, #tpu.memory_space<vmem>>, vector<1x16xi32>,
    %swap3A_102 = arith.constant 81 : i32
    %swap3A_103 = arith.index_cast %swap3A_102 : i32 to index
    %swap3A_104 = arith.constant 64 : index
    %swap3A_105 = tpu.vector_load %arg7[%swap3A_103, %swap3A_104] {strides = array<i32>} : memref<82x128xi32, #tpu.memory_space<vmem>>, vector<1x16xi32>,
    %swap3A_106 = vector.shape_cast %swap3A_105 : vector<1x16xi32> to vector<16xi32>
    %swap3A_107 = vector.shape_cast %add3A_30 : vector<16xi32> to vector<1x16xi32>
    tpu.vector_store %arg7[%swap3A_103, %swap3A_104], %swap3A_107 {strides = array<i32>} : memref<82x128xi32, #tpu.memory_space<vmem>>, vector<1x16xi32>,
    %swap3A_108 = arith.constant 81 : i32
    %swap3A_109 = arith.index_cast %swap3A_108 : i32 to index
    %swap3A_110 = arith.constant 80 : index
    %swap3A_111 = tpu.vector_load %arg7[%swap3A_109, %swap3A_110] {strides = array<i32>} : memref<82x128xi32, #tpu.memory_space<vmem>>, vector<1x16xi32>,
    %swap3A_112 = vector.shape_cast %swap3A_111 : vector<1x16xi32> to vector<16xi32>
    %swap3A_113 = vector.shape_cast %add3A_30 : vector<16xi32> to vector<1x16xi32>
    tpu.vector_store %arg7[%swap3A_109, %swap3A_110], %swap3A_113 {strides = array<i32>} : memref<82x128xi32, #tpu.memory_space<vmem>>, vector<1x16xi32>,
    %swap3A_114 = arith.constant 81 : i32
    %swap3A_115 = arith.index_cast %swap3A_114 : i32 to index
    %swap3A_116 = arith.constant 96 : index
    %swap3A_117 = tpu.vector_load %arg7[%swap3A_115, %swap3A_116] {strides = array<i32>} : memref<82x128xi32, #tpu.memory_space<vmem>>, vector<1x16xi32>,
    %swap3A_118 = vector.shape_cast %swap3A_117 : vector<1x16xi32> to vector<16xi32>
    %swap3A_119 = vector.shape_cast %add3A_30 : vector<16xi32> to vector<1x16xi32>
    tpu.vector_store %arg7[%swap3A_115, %swap3A_116], %swap3A_119 {strides = array<i32>} : memref<82x128xi32, #tpu.memory_space<vmem>>, vector<1x16xi32>,
    %swap3A_120 = arith.constant 81 : i32
    %swap3A_121 = arith.index_cast %swap3A_120 : i32 to index
    %swap3A_122 = arith.constant 112 : index
    %swap3A_123 = tpu.vector_load %arg7[%swap3A_121, %swap3A_122] {strides = array<i32>} : memref<82x128xi32, #tpu.memory_space<vmem>>, vector<1x16xi32>,
    %swap3A_124 = vector.shape_cast %swap3A_123 : vector<1x16xi32> to vector<16xi32>
    %swap3A_125 = vector.shape_cast %add3A_30 : vector<16xi32> to vector<1x16xi32>
    tpu.vector_store %arg7[%swap3A_121, %swap3A_122], %swap3A_125 {strides = array<i32>} : memref<82x128xi32, #tpu.memory_space<vmem>>, vector<1x16xi32>,
    %dma_start3A = arith.constant 0 : i32
    %dma_start3A_126 = arith.constant 0 : i32
    %dma_start3A_127 = arith.constant 0 : i32
    %dma_start3A_128 = arith.constant 0 : i32
    %dma_start3A_129 = tpu.memref_slice %arg9[%dma_start3A_126, %dma_start3A_127, %dma_start3A_128] : memref<4x128x32xf32, #tpu.memory_space<vmem>> -> memref<1x128x32xf32, #tpu.memory_space<vmem>>
    %dma_start3A_130 = tpu.memref_squeeze %dma_start3A_129 : memref<1x128x32xf32, #tpu.memory_space<vmem>> -> memref<128x32xf32, #tpu.memory_space<vmem>>
    %dma_start3A_131 = arith.constant 0 : i32
    %dma_start3A_132 = tpu.memref_slice %arg7[%dma_start3A, %dma_start3A_131] : memref<82x128xi32, #tpu.memory_space<vmem>> -> memref<1x128xi32, #tpu.memory_space<vmem>>
    %dma_start3A_133 = tpu.memref_squeeze %dma_start3A_132 : memref<1x128xi32, #tpu.memory_space<vmem>> -> memref<128xi32, #tpu.memory_space<vmem>>
    %dma_start3A_134 = arith.constant 0 : i32
    %dma_start3A_135 = arith.constant 0 : i32
    %dma_start3A_136 = tpu.memref_slice %arg2[%dma_start3A_134, %dma_start3A_135] : memref<10240x32xf32, #tpu.memory_space<hbm>> -> memref<10240x32xf32, #tpu.memory_space<hbm>>
    tpu.enqueue_indirect_dma source(%dma_start3A_136 : memref<10240x32xf32, #tpu.memory_space<hbm>>) target(%dma_start3A_130 : memref<128x32xf32, #tpu.memory_space<vmem>>) offsets(%dma_start3A_133 : memref<128xi32, #tpu.memory_space<vmem>>) semaphore(%arg11 : memref<!tpu.dma_semaphore, #tpu.memory_space<semaphore_mem>>)
    %dma_start3A_137 = arith.constant 1 : i32
    %dma_start3A_138 = arith.constant 1 : i32
    %dma_start3A_139 = arith.constant 0 : i32
    %dma_start3A_140 = arith.constant 0 : i32
    %dma_start3A_141 = tpu.memref_slice %arg9[%dma_start3A_138, %dma_start3A_139, %dma_start3A_140] : memref<4x128x32xf32, #tpu.memory_space<vmem>> -> memref<1x128x32xf32, #tpu.memory_space<vmem>>
    %dma_start3A_142 = tpu.memref_squeeze %dma_start3A_141 : memref<1x128x32xf32, #tpu.memory_space<vmem>> -> memref<128x32xf32, #tpu.memory_space<vmem>>
    %dma_start3A_143 = arith.constant 0 : i32
    %dma_start3A_144 = tpu.memref_slice %arg7[%dma_start3A_137, %dma_start3A_143] : memref<82x128xi32, #tpu.memory_space<vmem>> -> memref<1x128xi32, #tpu.memory_space<vmem>>
    %dma_start3A_145 = tpu.memref_squeeze %dma_start3A_144 : memref<1x128xi32, #tpu.memory_space<vmem>> -> memref<128xi32, #tpu.memory_space<vmem>>
    %dma_start3A_146 = arith.constant 0 : i32
    %dma_start3A_147 = arith.constant 0 : i32
    %dma_start3A_148 = tpu.memref_slice %arg2[%dma_start3A_146, %dma_start3A_147] : memref<10240x32xf32, #tpu.memory_space<hbm>> -> memref<10240x32xf32, #tpu.memory_space<hbm>>
    tpu.enqueue_indirect_dma source(%dma_start3A_148 : memref<10240x32xf32, #tpu.memory_space<hbm>>) target(%dma_start3A_142 : memref<128x32xf32, #tpu.memory_space<vmem>>) offsets(%dma_start3A_145 : memref<128xi32, #tpu.memory_space<vmem>>) semaphore(%arg12 : memref<!tpu.dma_semaphore, #tpu.memory_space<semaphore_mem>>)
    %scan3A_149 = arith.constant 0 : i32
    %scan3A_150 = arith.constant 0 : i32
    %scan3A_151 = arith.constant 20 : i32
    %scan3A_152 = arith.addi %scan3A_150, %scan3A_151 : i32
    %scan3A_153 = arith.constant 1 : i32
    %scan3A_154 = scf.for %scan3A_184 = %scan3A_150 to %scan3A_152 step %scan3A_153 iter_args(%scan3A_185 = %scan3A_149) -> (i32)  : i32 {
      %mul3A_186 = arith.constant 4 : i32
      %mul3A_187 = arith.muli %mul3A_186, %scan3A_184 : i32
      %add3A_188 = arith.constant 0 : i32
      %add3A_189 = arith.addi %mul3A_187, %add3A_188 : i32
      %add3A_190 = arith.constant 2 : i32
      %add3A_191 = arith.addi %add3A_189, %add3A_190 : i32
      %dma_start3A_192 = arith.constant 2 : i32
      %dma_start3A_193 = arith.constant 0 : i32
      %dma_start3A_194 = arith.constant 0 : i32
      %dma_start3A_195 = tpu.memref_slice %arg9[%dma_start3A_192, %dma_start3A_193, %dma_start3A_194] : memref<4x128x32xf32, #tpu.memory_space<vmem>> -> memref<1x128x32xf32, #tpu.memory_space<vmem>>
      %dma_start3A_196 = tpu.memref_squeeze %dma_start3A_195 : memref<1x128x32xf32, #tpu.memory_space<vmem>> -> memref<128x32xf32, #tpu.memory_space<vmem>>
      %dma_start3A_197 = arith.constant 0 : i32
      %dma_start3A_198 = tpu.memref_slice %arg7[%add3A_191, %dma_start3A_197] : memref<82x128xi32, #tpu.memory_space<vmem>> -> memref<1x128xi32, #tpu.memory_space<vmem>>
      %dma_start3A_199 = tpu.memref_squeeze %dma_start3A_198 : memref<1x128xi32, #tpu.memory_space<vmem>> -> memref<128xi32, #tpu.memory_space<vmem>>
      %dma_start3A_200 = arith.constant 0 : i32
      %dma_start3A_201 = arith.constant 0 : i32
      %dma_start3A_202 = tpu.memref_slice %arg2[%dma_start3A_200, %dma_start3A_201] : memref<10240x32xf32, #tpu.memory_space<hbm>> -> memref<10240x32xf32, #tpu.memory_space<hbm>>
      tpu.enqueue_indirect_dma source(%dma_start3A_202 : memref<10240x32xf32, #tpu.memory_space<hbm>>) target(%dma_start3A_196 : memref<128x32xf32, #tpu.memory_space<vmem>>) offsets(%dma_start3A_199 : memref<128xi32, #tpu.memory_space<vmem>>) semaphore(%arg13 : memref<!tpu.dma_semaphore, #tpu.memory_space<semaphore_mem>>)
      %dma_wait3A_203 = arith.constant 0 : i32
      %dma_wait3A_204 = arith.constant 0 : i32
      %dma_wait3A_205 = arith.constant 0 : i32
      %dma_wait3A_206 = tpu.memref_slice %arg9[%dma_wait3A_203, %dma_wait3A_204, %dma_wait3A_205] : memref<4x128x32xf32, #tpu.memory_space<vmem>> -> memref<1x128x32xf32, #tpu.memory_space<vmem>>
      %dma_wait3A_207 = tpu.memref_squeeze %dma_wait3A_206 : memref<1x128x32xf32, #tpu.memory_space<vmem>> -> memref<128x32xf32, #tpu.memory_space<vmem>>
      %dma_wait3A_208 = arith.constant 0 : i32
      %dma_wait3A_209 = tpu.memref_slice %arg7[%add3A_189, %dma_wait3A_208] : memref<82x128xi32, #tpu.memory_space<vmem>> -> memref<1x128xi32, #tpu.memory_space<vmem>>
      %dma_wait3A_210 = tpu.memref_squeeze %dma_wait3A_209 : memref<1x128xi32, #tpu.memory_space<vmem>> -> memref<128xi32, #tpu.memory_space<vmem>>
      %dma_wait3A_211 = arith.constant 0 : i32
      %dma_wait3A_212 = arith.constant 0 : i32
      %dma_wait3A_213 = tpu.memref_slice %arg2[%dma_wait3A_211, %dma_wait3A_212] : memref<10240x32xf32, #tpu.memory_space<hbm>> -> memref<10240x32xf32, #tpu.memory_space<hbm>>
      tpu.wait_indirect_dma semaphore(%arg11 : memref<!tpu.dma_semaphore, #tpu.memory_space<semaphore_mem>>) src(%dma_wait3A_213 : memref<10240x32xf32, #tpu.memory_space<hbm>>) dst(%dma_wait3A_207 : memref<128x32xf32, #tpu.memory_space<vmem>>)
      %run_scoped3A = arith.constant 0 : i32
      "tpu.region"() ({
        %run_scoped3A_302 = tpu.sem_alloc : memref<!tpu.dma_semaphore, #tpu.memory_space<semaphore_mem>>
        %dma_start3A_303 = arith.constant 0 : i32
        %dma_start3A_304 = arith.constant 0 : i32
        %dma_start3A_305 = tpu.memref_slice %arg9[%run_scoped3A, %dma_start3A_303, %dma_start3A_304] : memref<4x128x32xf32, #tpu.memory_space<vmem>> -> memref<1x128x32xf32, #tpu.memory_space<vmem>>
        %dma_start3A_306 = tpu.memref_squeeze %dma_start3A_305 : memref<1x128x32xf32, #tpu.memory_space<vmem>> -> memref<128x32xf32, #tpu.memory_space<vmem>>
        %dma_start3A_307 = arith.constant 0 : i32
        %dma_start3A_308 = tpu.memref_slice %arg8[%add3A_189, %dma_start3A_307] : memref<82x128xi32, #tpu.memory_space<vmem>> -> memref<1x128xi32, #tpu.memory_space<vmem>>
        %dma_start3A_309 = tpu.memref_squeeze %dma_start3A_308 : memref<1x128xi32, #tpu.memory_space<vmem>> -> memref<128xi32, #tpu.memory_space<vmem>>
        %dma_start3A_310 = arith.constant 0 : i32
        %dma_start3A_311 = arith.constant 0 : i32
        %dma_start3A_312 = tpu.memref_slice %arg6[%dma_start3A_310, %dma_start3A_311] : memref<10240x32xf32, #tpu.memory_space<vmem_shared>> -> memref<10240x32xf32, #tpu.memory_space<vmem_shared>>
        tpu.enqueue_indirect_dma source(%dma_start3A_306 : memref<128x32xf32, #tpu.memory_space<vmem>>) target(%dma_start3A_312 : memref<10240x32xf32, #tpu.memory_space<vmem_shared>>) offsets(%dma_start3A_309 : memref<128xi32, #tpu.memory_space<vmem>>) semaphore(%run_scoped3A_302 : memref<!tpu.dma_semaphore, #tpu.memory_space<semaphore_mem>>) {add = true}
        %dma_wait3A_313 = arith.constant 0 : i32
        %dma_wait3A_314 = arith.constant 0 : i32
        %dma_wait3A_315 = tpu.memref_slice %arg9[%run_scoped3A, %dma_wait3A_313, %dma_wait3A_314] : memref<4x128x32xf32, #tpu.memory_space<vmem>> -> memref<1x128x32xf32, #tpu.memory_space<vmem>>
        %dma_wait3A_316 = tpu.memref_squeeze %dma_wait3A_315 : memref<1x128x32xf32, #tpu.memory_space<vmem>> -> memref<128x32xf32, #tpu.memory_space<vmem>>
        %dma_wait3A_317 = arith.constant 0 : i32
        %dma_wait3A_318 = tpu.memref_slice %arg8[%add3A_189, %dma_wait3A_317] : memref<82x128xi32, #tpu.memory_space<vmem>> -> memref<1x128xi32, #tpu.memory_space<vmem>>
        %dma_wait3A_319 = tpu.memref_squeeze %dma_wait3A_318 : memref<1x128xi32, #tpu.memory_space<vmem>> -> memref<128xi32, #tpu.memory_space<vmem>>
        %dma_wait3A_320 = arith.constant 0 : i32
        %dma_wait3A_321 = arith.constant 0 : i32
        %dma_wait3A_322 = tpu.memref_slice %arg6[%dma_wait3A_320, %dma_wait3A_321] : memref<10240x32xf32, #tpu.memory_space<vmem_shared>> -> memref<10240x32xf32, #tpu.memory_space<vmem_shared>>
        tpu.wait_indirect_dma semaphore(%run_scoped3A_302 : memref<!tpu.dma_semaphore, #tpu.memory_space<semaphore_mem>>) src(%dma_wait3A_316 : memref<128x32xf32, #tpu.memory_space<vmem>>) dst(%dma_wait3A_322 : memref<10240x32xf32, #tpu.memory_space<vmem_shared>>)
        tpu.yield
      }) : () -> ()
      %mul3A_214 = arith.constant 4 : i32
      %mul3A_215 = arith.muli %mul3A_214, %scan3A_184 : i32
      %add3A_216 = arith.constant 1 : i32
      %add3A_217 = arith.addi %mul3A_215, %add3A_216 : i32
      %add3A_218 = arith.constant 2 : i32
      %add3A_219 = arith.addi %add3A_217, %add3A_218 : i32
      %dma_start3A_220 = arith.constant 3 : i32
      %dma_start3A_221 = arith.constant 0 : i32
      %dma_start3A_222 = arith.constant 0 : i32
      %dma_start3A_223 = tpu.memref_slice %arg9[%dma_start3A_220, %dma_start3A_221, %dma_start3A_222] : memref<4x128x32xf32, #tpu.memory_space<vmem>> -> memref<1x128x32xf32, #tpu.memory_space<vmem>>
      %dma_start3A_224 = tpu.memref_squeeze %dma_start3A_223 : memref<1x128x32xf32, #tpu.memory_space<vmem>> -> memref<128x32xf32, #tpu.memory_space<vmem>>
      %dma_start3A_225 = arith.constant 0 : i32
      %dma_start3A_226 = tpu.memref_slice %arg7[%add3A_219, %dma_start3A_225] : memref<82x128xi32, #tpu.memory_space<vmem>> -> memref<1x128xi32, #tpu.memory_space<vmem>>
      %dma_start3A_227 = tpu.memref_squeeze %dma_start3A_226 : memref<1x128xi32, #tpu.memory_space<vmem>> -> memref<128xi32, #tpu.memory_space<vmem>>
      %dma_start3A_228 = arith.constant 0 : i32
      %dma_start3A_229 = arith.constant 0 : i32
      %dma_start3A_230 = tpu.memref_slice %arg2[%dma_start3A_228, %dma_start3A_229] : memref<10240x32xf32, #tpu.memory_space<hbm>> -> memref<10240x32xf32, #tpu.memory_space<hbm>>
      tpu.enqueue_indirect_dma source(%dma_start3A_230 : memref<10240x32xf32, #tpu.memory_space<hbm>>) target(%dma_start3A_224 : memref<128x32xf32, #tpu.memory_space<vmem>>) offsets(%dma_start3A_227 : memref<128xi32, #tpu.memory_space<vmem>>) semaphore(%arg14 : memref<!tpu.dma_semaphore, #tpu.memory_space<semaphore_mem>>)
      %dma_wait3A_231 = arith.constant 1 : i32
      %dma_wait3A_232 = arith.constant 0 : i32
      %dma_wait3A_233 = arith.constant 0 : i32
      %dma_wait3A_234 = tpu.memref_slice %arg9[%dma_wait3A_231, %dma_wait3A_232, %dma_wait3A_233] : memref<4x128x32xf32, #tpu.memory_space<vmem>> -> memref<1x128x32xf32, #tpu.memory_space<vmem>>
      %dma_wait3A_235 = tpu.memref_squeeze %dma_wait3A_234 : memref<1x128x32xf32, #tpu.memory_space<vmem>> -> memref<128x32xf32, #tpu.memory_space<vmem>>
      %dma_wait3A_236 = arith.constant 0 : i32
      %dma_wait3A_237 = tpu.memref_slice %arg7[%add3A_217, %dma_wait3A_236] : memref<82x128xi32, #tpu.memory_space<vmem>> -> memref<1x128xi32, #tpu.memory_space<vmem>>
      %dma_wait3A_238 = tpu.memref_squeeze %dma_wait3A_237 : memref<1x128xi32, #tpu.memory_space<vmem>> -> memref<128xi32, #tpu.memory_space<vmem>>
      %dma_wait3A_239 = arith.constant 0 : i32
      %dma_wait3A_240 = arith.constant 0 : i32
      %dma_wait3A_241 = tpu.memref_slice %arg2[%dma_wait3A_239, %dma_wait3A_240] : memref<10240x32xf32, #tpu.memory_space<hbm>> -> memref<10240x32xf32, #tpu.memory_space<hbm>>
      tpu.wait_indirect_dma semaphore(%arg12 : memref<!tpu.dma_semaphore, #tpu.memory_space<semaphore_mem>>) src(%dma_wait3A_241 : memref<10240x32xf32, #tpu.memory_space<hbm>>) dst(%dma_wait3A_235 : memref<128x32xf32, #tpu.memory_space<vmem>>)
      %run_scoped3A_242 = arith.constant 1 : i32
      "tpu.region"() ({
        %run_scoped3A_302 = tpu.sem_alloc : memref<!tpu.dma_semaphore, #tpu.memory_space<semaphore_mem>>
        %dma_start3A_303 = arith.constant 0 : i32
        %dma_start3A_304 = arith.constant 0 : i32
        %dma_start3A_305 = tpu.memref_slice %arg9[%run_scoped3A_242, %dma_start3A_303, %dma_start3A_304] : memref<4x128x32xf32, #tpu.memory_space<vmem>> -> memref<1x128x32xf32, #tpu.memory_space<vmem>>
        %dma_start3A_306 = tpu.memref_squeeze %dma_start3A_305 : memref<1x128x32xf32, #tpu.memory_space<vmem>> -> memref<128x32xf32, #tpu.memory_space<vmem>>
        %dma_start3A_307 = arith.constant 0 : i32
        %dma_start3A_308 = tpu.memref_slice %arg8[%add3A_217, %dma_start3A_307] : memref<82x128xi32, #tpu.memory_space<vmem>> -> memref<1x128xi32, #tpu.memory_space<vmem>>
        %dma_start3A_309 = tpu.memref_squeeze %dma_start3A_308 : memref<1x128xi32, #tpu.memory_space<vmem>> -> memref<128xi32, #tpu.memory_space<vmem>>
        %dma_start3A_310 = arith.constant 0 : i32
        %dma_start3A_311 = arith.constant 0 : i32
        %dma_start3A_312 = tpu.memref_slice %arg6[%dma_start3A_310, %dma_start3A_311] : memref<10240x32xf32, #tpu.memory_space<vmem_shared>> -> memref<10240x32xf32, #tpu.memory_space<vmem_shared>>
        tpu.enqueue_indirect_dma source(%dma_start3A_306 : memref<128x32xf32, #tpu.memory_space<vmem>>) target(%dma_start3A_312 : memref<10240x32xf32, #tpu.memory_space<vmem_shared>>) offsets(%dma_start3A_309 : memref<128xi32, #tpu.memory_space<vmem>>) semaphore(%run_scoped3A_302 : memref<!tpu.dma_semaphore, #tpu.memory_space<semaphore_mem>>) {add = true}
        %dma_wait3A_313 = arith.constant 0 : i32
        %dma_wait3A_314 = arith.constant 0 : i32
        %dma_wait3A_315 = tpu.memref_slice %arg9[%run_scoped3A_242, %dma_wait3A_313, %dma_wait3A_314] : memref<4x128x32xf32, #tpu.memory_space<vmem>> -> memref<1x128x32xf32, #tpu.memory_space<vmem>>
        %dma_wait3A_316 = tpu.memref_squeeze %dma_wait3A_315 : memref<1x128x32xf32, #tpu.memory_space<vmem>> -> memref<128x32xf32, #tpu.memory_space<vmem>>
        %dma_wait3A_317 = arith.constant 0 : i32
        %dma_wait3A_318 = tpu.memref_slice %arg8[%add3A_217, %dma_wait3A_317] : memref<82x128xi32, #tpu.memory_space<vmem>> -> memref<1x128xi32, #tpu.memory_space<vmem>>
        %dma_wait3A_319 = tpu.memref_squeeze %dma_wait3A_318 : memref<1x128xi32, #tpu.memory_space<vmem>> -> memref<128xi32, #tpu.memory_space<vmem>>
        %dma_wait3A_320 = arith.constant 0 : i32
        %dma_wait3A_321 = arith.constant 0 : i32
        %dma_wait3A_322 = tpu.memref_slice %arg6[%dma_wait3A_320, %dma_wait3A_321] : memref<10240x32xf32, #tpu.memory_space<vmem_shared>> -> memref<10240x32xf32, #tpu.memory_space<vmem_shared>>
        tpu.wait_indirect_dma semaphore(%run_scoped3A_302 : memref<!tpu.dma_semaphore, #tpu.memory_space<semaphore_mem>>) src(%dma_wait3A_316 : memref<128x32xf32, #tpu.memory_space<vmem>>) dst(%dma_wait3A_322 : memref<10240x32xf32, #tpu.memory_space<vmem_shared>>)
        tpu.yield
      }) : () -> ()
      %mul3A_243 = arith.constant 4 : i32
      %mul3A_244 = arith.muli %mul3A_243, %scan3A_184 : i32
      %add3A_245 = arith.constant 2 : i32
      %add3A_246 = arith.addi %mul3A_244, %add3A_245 : i32
      %add3A_247 = arith.constant 2 : i32
      %add3A_248 = arith.addi %add3A_246, %add3A_247 : i32
      %dma_start3A_249 = arith.constant 0 : i32
      %dma_start3A_250 = arith.constant 0 : i32
      %dma_start3A_251 = arith.constant 0 : i32
      %dma_start3A_252 = tpu.memref_slice %arg9[%dma_start3A_249, %dma_start3A_250, %dma_start3A_251] : memref<4x128x32xf32, #tpu.memory_space<vmem>> -> memref<1x128x32xf32, #tpu.memory_space<vmem>>
      %dma_start3A_253 = tpu.memref_squeeze %dma_start3A_252 : memref<1x128x32xf32, #tpu.memory_space<vmem>> -> memref<128x32xf32, #tpu.memory_space<vmem>>
      %dma_start3A_254 = arith.constant 0 : i32
      %dma_start3A_255 = tpu.memref_slice %arg7[%add3A_248, %dma_start3A_254] : memref<82x128xi32, #tpu.memory_space<vmem>> -> memref<1x128xi32, #tpu.memory_space<vmem>>
      %dma_start3A_256 = tpu.memref_squeeze %dma_start3A_255 : memref<1x128xi32, #tpu.memory_space<vmem>> -> memref<128xi32, #tpu.memory_space<vmem>>
      %dma_start3A_257 = arith.constant 0 : i32
      %dma_start3A_258 = arith.constant 0 : i32
      %dma_start3A_259 = tpu.memref_slice %arg2[%dma_start3A_257, %dma_start3A_258] : memref<10240x32xf32, #tpu.memory_space<hbm>> -> memref<10240x32xf32, #tpu.memory_space<hbm>>
      tpu.enqueue_indirect_dma source(%dma_start3A_259 : memref<10240x32xf32, #tpu.memory_space<hbm>>) target(%dma_start3A_253 : memref<128x32xf32, #tpu.memory_space<vmem>>) offsets(%dma_start3A_256 : memref<128xi32, #tpu.memory_space<vmem>>) semaphore(%arg11 : memref<!tpu.dma_semaphore, #tpu.memory_space<semaphore_mem>>)
      %dma_wait3A_260 = arith.constant 2 : i32
      %dma_wait3A_261 = arith.constant 0 : i32
      %dma_wait3A_262 = arith.constant 0 : i32
      %dma_wait3A_263 = tpu.memref_slice %arg9[%dma_wait3A_260, %dma_wait3A_261, %dma_wait3A_262] : memref<4x128x32xf32, #tpu.memory_space<vmem>> -> memref<1x128x32xf32, #tpu.memory_space<vmem>>
      %dma_wait3A_264 = tpu.memref_squeeze %dma_wait3A_263 : memref<1x128x32xf32, #tpu.memory_space<vmem>> -> memref<128x32xf32, #tpu.memory_space<vmem>>
      %dma_wait3A_265 = arith.constant 0 : i32
      %dma_wait3A_266 = tpu.memref_slice %arg7[%add3A_246, %dma_wait3A_265] : memref<82x128xi32, #tpu.memory_space<vmem>> -> memref<1x128xi32, #tpu.memory_space<vmem>>
      %dma_wait3A_267 = tpu.memref_squeeze %dma_wait3A_266 : memref<1x128xi32, #tpu.memory_space<vmem>> -> memref<128xi32, #tpu.memory_space<vmem>>
      %dma_wait3A_268 = arith.constant 0 : i32
      %dma_wait3A_269 = arith.constant 0 : i32
      %dma_wait3A_270 = tpu.memref_slice %arg2[%dma_wait3A_268, %dma_wait3A_269] : memref<10240x32xf32, #tpu.memory_space<hbm>> -> memref<10240x32xf32, #tpu.memory_space<hbm>>
      tpu.wait_indirect_dma semaphore(%arg13 : memref<!tpu.dma_semaphore, #tpu.memory_space<semaphore_mem>>) src(%dma_wait3A_270 : memref<10240x32xf32, #tpu.memory_space<hbm>>) dst(%dma_wait3A_264 : memref<128x32xf32, #tpu.memory_space<vmem>>)
      %run_scoped3A_271 = arith.constant 2 : i32
      "tpu.region"() ({
        %run_scoped3A_302 = tpu.sem_alloc : memref<!tpu.dma_semaphore, #tpu.memory_space<semaphore_mem>>
        %dma_start3A_303 = arith.constant 0 : i32
        %dma_start3A_304 = arith.constant 0 : i32
        %dma_start3A_305 = tpu.memref_slice %arg9[%run_scoped3A_271, %dma_start3A_303, %dma_start3A_304] : memref<4x128x32xf32, #tpu.memory_space<vmem>> -> memref<1x128x32xf32, #tpu.memory_space<vmem>>
        %dma_start3A_306 = tpu.memref_squeeze %dma_start3A_305 : memref<1x128x32xf32, #tpu.memory_space<vmem>> -> memref<128x32xf32, #tpu.memory_space<vmem>>
        %dma_start3A_307 = arith.constant 0 : i32
        %dma_start3A_308 = tpu.memref_slice %arg8[%add3A_246, %dma_start3A_307] : memref<82x128xi32, #tpu.memory_space<vmem>> -> memref<1x128xi32, #tpu.memory_space<vmem>>
        %dma_start3A_309 = tpu.memref_squeeze %dma_start3A_308 : memref<1x128xi32, #tpu.memory_space<vmem>> -> memref<128xi32, #tpu.memory_space<vmem>>
        %dma_start3A_310 = arith.constant 0 : i32
        %dma_start3A_311 = arith.constant 0 : i32
        %dma_start3A_312 = tpu.memref_slice %arg6[%dma_start3A_310, %dma_start3A_311] : memref<10240x32xf32, #tpu.memory_space<vmem_shared>> -> memref<10240x32xf32, #tpu.memory_space<vmem_shared>>
        tpu.enqueue_indirect_dma source(%dma_start3A_306 : memref<128x32xf32, #tpu.memory_space<vmem>>) target(%dma_start3A_312 : memref<10240x32xf32, #tpu.memory_space<vmem_shared>>) offsets(%dma_start3A_309 : memref<128xi32, #tpu.memory_space<vmem>>) semaphore(%run_scoped3A_302 : memref<!tpu.dma_semaphore, #tpu.memory_space<semaphore_mem>>) {add = true}
        %dma_wait3A_313 = arith.constant 0 : i32
        %dma_wait3A_314 = arith.constant 0 : i32
        %dma_wait3A_315 = tpu.memref_slice %arg9[%run_scoped3A_271, %dma_wait3A_313, %dma_wait3A_314] : memref<4x128x32xf32, #tpu.memory_space<vmem>> -> memref<1x128x32xf32, #tpu.memory_space<vmem>>
        %dma_wait3A_316 = tpu.memref_squeeze %dma_wait3A_315 : memref<1x128x32xf32, #tpu.memory_space<vmem>> -> memref<128x32xf32, #tpu.memory_space<vmem>>
        %dma_wait3A_317 = arith.constant 0 : i32
        %dma_wait3A_318 = tpu.memref_slice %arg8[%add3A_246, %dma_wait3A_317] : memref<82x128xi32, #tpu.memory_space<vmem>> -> memref<1x128xi32, #tpu.memory_space<vmem>>
        %dma_wait3A_319 = tpu.memref_squeeze %dma_wait3A_318 : memref<1x128xi32, #tpu.memory_space<vmem>> -> memref<128xi32, #tpu.memory_space<vmem>>
        %dma_wait3A_320 = arith.constant 0 : i32
        %dma_wait3A_321 = arith.constant 0 : i32
        %dma_wait3A_322 = tpu.memref_slice %arg6[%dma_wait3A_320, %dma_wait3A_321] : memref<10240x32xf32, #tpu.memory_space<vmem_shared>> -> memref<10240x32xf32, #tpu.memory_space<vmem_shared>>
        tpu.wait_indirect_dma semaphore(%run_scoped3A_302 : memref<!tpu.dma_semaphore, #tpu.memory_space<semaphore_mem>>) src(%dma_wait3A_316 : memref<128x32xf32, #tpu.memory_space<vmem>>) dst(%dma_wait3A_322 : memref<10240x32xf32, #tpu.memory_space<vmem_shared>>)
        tpu.yield
      }) : () -> ()
      %mul3A_272 = arith.constant 4 : i32
      %mul3A_273 = arith.muli %mul3A_272, %scan3A_184 : i32
      %add3A_274 = arith.constant 3 : i32
      %add3A_275 = arith.addi %mul3A_273, %add3A_274 : i32
      %add3A_276 = arith.constant 2 : i32
      %add3A_277 = arith.addi %add3A_275, %add3A_276 : i32
      %dma_start3A_278 = arith.constant 1 : i32
      %dma_start3A_279 = arith.constant 0 : i32
      %dma_start3A_280 = arith.constant 0 : i32
      %dma_start3A_281 = tpu.memref_slice %arg9[%dma_start3A_278, %dma_start3A_279, %dma_start3A_280] : memref<4x128x32xf32, #tpu.memory_space<vmem>> -> memref<1x128x32xf32, #tpu.memory_space<vmem>>
      %dma_start3A_282 = tpu.memref_squeeze %dma_start3A_281 : memref<1x128x32xf32, #tpu.memory_space<vmem>> -> memref<128x32xf32, #tpu.memory_space<vmem>>
      %dma_start3A_283 = arith.constant 0 : i32
      %dma_start3A_284 = tpu.memref_slice %arg7[%add3A_277, %dma_start3A_283] : memref<82x128xi32, #tpu.memory_space<vmem>> -> memref<1x128xi32, #tpu.memory_space<vmem>>
      %dma_start3A_285 = tpu.memref_squeeze %dma_start3A_284 : memref<1x128xi32, #tpu.memory_space<vmem>> -> memref<128xi32, #tpu.memory_space<vmem>>
      %dma_start3A_286 = arith.constant 0 : i32
      %dma_start3A_287 = arith.constant 0 : i32
      %dma_start3A_288 = tpu.memref_slice %arg2[%dma_start3A_286, %dma_start3A_287] : memref<10240x32xf32, #tpu.memory_space<hbm>> -> memref<10240x32xf32, #tpu.memory_space<hbm>>
      tpu.enqueue_indirect_dma source(%dma_start3A_288 : memref<10240x32xf32, #tpu.memory_space<hbm>>) target(%dma_start3A_282 : memref<128x32xf32, #tpu.memory_space<vmem>>) offsets(%dma_start3A_285 : memref<128xi32, #tpu.memory_space<vmem>>) semaphore(%arg12 : memref<!tpu.dma_semaphore, #tpu.memory_space<semaphore_mem>>)
      %dma_wait3A_289 = arith.constant 3 : i32
      %dma_wait3A_290 = arith.constant 0 : i32
      %dma_wait3A_291 = arith.constant 0 : i32
      %dma_wait3A_292 = tpu.memref_slice %arg9[%dma_wait3A_289, %dma_wait3A_290, %dma_wait3A_291] : memref<4x128x32xf32, #tpu.memory_space<vmem>> -> memref<1x128x32xf32, #tpu.memory_space<vmem>>
      %dma_wait3A_293 = tpu.memref_squeeze %dma_wait3A_292 : memref<1x128x32xf32, #tpu.memory_space<vmem>> -> memref<128x32xf32, #tpu.memory_space<vmem>>
      %dma_wait3A_294 = arith.constant 0 : i32
      %dma_wait3A_295 = tpu.memref_slice %arg7[%add3A_275, %dma_wait3A_294] : memref<82x128xi32, #tpu.memory_space<vmem>> -> memref<1x128xi32, #tpu.memory_space<vmem>>
      %dma_wait3A_296 = tpu.memref_squeeze %dma_wait3A_295 : memref<1x128xi32, #tpu.memory_space<vmem>> -> memref<128xi32, #tpu.memory_space<vmem>>
      %dma_wait3A_297 = arith.constant 0 : i32
      %dma_wait3A_298 = arith.constant 0 : i32
      %dma_wait3A_299 = tpu.memref_slice %arg2[%dma_wait3A_297, %dma_wait3A_298] : memref<10240x32xf32, #tpu.memory_space<hbm>> -> memref<10240x32xf32, #tpu.memory_space<hbm>>
      tpu.wait_indirect_dma semaphore(%arg14 : memref<!tpu.dma_semaphore, #tpu.memory_space<semaphore_mem>>) src(%dma_wait3A_299 : memref<10240x32xf32, #tpu.memory_space<hbm>>) dst(%dma_wait3A_293 : memref<128x32xf32, #tpu.memory_space<vmem>>)
      %run_scoped3A_300 = arith.constant 3 : i32
      "tpu.region"() ({
        %run_scoped3A_302 = tpu.sem_alloc : memref<!tpu.dma_semaphore, #tpu.memory_space<semaphore_mem>>
        %dma_start3A_303 = arith.constant 0 : i32
        %dma_start3A_304 = arith.constant 0 : i32
        %dma_start3A_305 = tpu.memref_slice %arg9[%run_scoped3A_300, %dma_start3A_303, %dma_start3A_304] : memref<4x128x32xf32, #tpu.memory_space<vmem>> -> memref<1x128x32xf32, #tpu.memory_space<vmem>>
        %dma_start3A_306 = tpu.memref_squeeze %dma_start3A_305 : memref<1x128x32xf32, #tpu.memory_space<vmem>> -> memref<128x32xf32, #tpu.memory_space<vmem>>
        %dma_start3A_307 = arith.constant 0 : i32
        %dma_start3A_308 = tpu.memref_slice %arg8[%add3A_275, %dma_start3A_307] : memref<82x128xi32, #tpu.memory_space<vmem>> -> memref<1x128xi32, #tpu.memory_space<vmem>>
        %dma_start3A_309 = tpu.memref_squeeze %dma_start3A_308 : memref<1x128xi32, #tpu.memory_space<vmem>> -> memref<128xi32, #tpu.memory_space<vmem>>
        %dma_start3A_310 = arith.constant 0 : i32
        %dma_start3A_311 = arith.constant 0 : i32
        %dma_start3A_312 = tpu.memref_slice %arg6[%dma_start3A_310, %dma_start3A_311] : memref<10240x32xf32, #tpu.memory_space<vmem_shared>> -> memref<10240x32xf32, #tpu.memory_space<vmem_shared>>
        tpu.enqueue_indirect_dma source(%dma_start3A_306 : memref<128x32xf32, #tpu.memory_space<vmem>>) target(%dma_start3A_312 : memref<10240x32xf32, #tpu.memory_space<vmem_shared>>) offsets(%dma_start3A_309 : memref<128xi32, #tpu.memory_space<vmem>>) semaphore(%run_scoped3A_302 : memref<!tpu.dma_semaphore, #tpu.memory_space<semaphore_mem>>) {add = true}
        %dma_wait3A_313 = arith.constant 0 : i32
        %dma_wait3A_314 = arith.constant 0 : i32
        %dma_wait3A_315 = tpu.memref_slice %arg9[%run_scoped3A_300, %dma_wait3A_313, %dma_wait3A_314] : memref<4x128x32xf32, #tpu.memory_space<vmem>> -> memref<1x128x32xf32, #tpu.memory_space<vmem>>
        %dma_wait3A_316 = tpu.memref_squeeze %dma_wait3A_315 : memref<1x128x32xf32, #tpu.memory_space<vmem>> -> memref<128x32xf32, #tpu.memory_space<vmem>>
        %dma_wait3A_317 = arith.constant 0 : i32
        %dma_wait3A_318 = tpu.memref_slice %arg8[%add3A_275, %dma_wait3A_317] : memref<82x128xi32, #tpu.memory_space<vmem>> -> memref<1x128xi32, #tpu.memory_space<vmem>>
        %dma_wait3A_319 = tpu.memref_squeeze %dma_wait3A_318 : memref<1x128xi32, #tpu.memory_space<vmem>> -> memref<128xi32, #tpu.memory_space<vmem>>
        %dma_wait3A_320 = arith.constant 0 : i32
        %dma_wait3A_321 = arith.constant 0 : i32
        %dma_wait3A_322 = tpu.memref_slice %arg6[%dma_wait3A_320, %dma_wait3A_321] : memref<10240x32xf32, #tpu.memory_space<vmem_shared>> -> memref<10240x32xf32, #tpu.memory_space<vmem_shared>>
        tpu.wait_indirect_dma semaphore(%run_scoped3A_302 : memref<!tpu.dma_semaphore, #tpu.memory_space<semaphore_mem>>) src(%dma_wait3A_316 : memref<128x32xf32, #tpu.memory_space<vmem>>) dst(%dma_wait3A_322 : memref<10240x32xf32, #tpu.memory_space<vmem_shared>>)
        tpu.yield
      }) : () -> ()
      %scan3A_301 = arith.constant 0 : i32
      scf.yield %scan3A_301 : i32
    }
    %scan3A_155 = arith.constant 20 : i32
    %dma_wait3A = arith.constant 80 : i32
    %dma_wait3A_156 = arith.constant 0 : i32
    %dma_wait3A_157 = arith.constant 0 : i32
    %dma_wait3A_158 = arith.constant 0 : i32
    %dma_wait3A_159 = tpu.memref_slice %arg9[%dma_wait3A_156, %dma_wait3A_157, %dma_wait3A_158] : memref<4x128x32xf32, #tpu.memory_space<vmem>> -> memref<1x128x32xf32, #tpu.memory_space<vmem>>
    %dma_wait3A_160 = tpu.memref_squeeze %dma_wait3A_159 : memref<1x128x32xf32, #tpu.memory_space<vmem>> -> memref<128x32xf32, #tpu.memory_space<vmem>>
    %dma_wait3A_161 = arith.constant 0 : i32
    %dma_wait3A_162 = tpu.memref_slice %arg7[%dma_wait3A, %dma_wait3A_161] : memref<82x128xi32, #tpu.memory_space<vmem>> -> memref<1x128xi32, #tpu.memory_space<vmem>>
    %dma_wait3A_163 = tpu.memref_squeeze %dma_wait3A_162 : memref<1x128xi32, #tpu.memory_space<vmem>> -> memref<128xi32, #tpu.memory_space<vmem>>
    %dma_wait3A_164 = arith.constant 0 : i32
    %dma_wait3A_165 = arith.constant 0 : i32
    %dma_wait3A_166 = tpu.memref_slice %arg2[%dma_wait3A_164, %dma_wait3A_165] : memref<10240x32xf32, #tpu.memory_space<hbm>> -> memref<10240x32xf32, #tpu.memory_space<hbm>>
    tpu.wait_indirect_dma semaphore(%arg11 : memref<!tpu.dma_semaphore, #tpu.memory_space<semaphore_mem>>) src(%dma_wait3A_166 : memref<10240x32xf32, #tpu.memory_space<hbm>>) dst(%dma_wait3A_160 : memref<128x32xf32, #tpu.memory_space<vmem>>)
    %dma_wait3A_167 = arith.constant 81 : i32
    %dma_wait3A_168 = arith.constant 1 : i32
    %dma_wait3A_169 = arith.constant 0 : i32
    %dma_wait3A_170 = arith.constant 0 : i32
    %dma_wait3A_171 = tpu.memref_slice %arg9[%dma_wait3A_168, %dma_wait3A_169, %dma_wait3A_170] : memref<4x128x32xf32, #tpu.memory_space<vmem>> -> memref<1x128x32xf32, #tpu.memory_space<vmem>>
    %dma_wait3A_172 = tpu.memref_squeeze %dma_wait3A_171 : memref<1x128x32xf32, #tpu.memory_space<vmem>> -> memref<128x32xf32, #tpu.memory_space<vmem>>
    %dma_wait3A_173 = arith.constant 0 : i32
    %dma_wait3A_174 = tpu.memref_slice %arg7[%dma_wait3A_167, %dma_wait3A_173] : memref<82x128xi32, #tpu.memory_space<vmem>> -> memref<1x128xi32, #tpu.memory_space<vmem>>
    %dma_wait3A_175 = tpu.memref_squeeze %dma_wait3A_174 : memref<1x128xi32, #tpu.memory_space<vmem>> -> memref<128xi32, #tpu.memory_space<vmem>>
    %dma_wait3A_176 = arith.constant 0 : i32
    %dma_wait3A_177 = arith.constant 0 : i32
    %dma_wait3A_178 = tpu.memref_slice %arg2[%dma_wait3A_176, %dma_wait3A_177] : memref<10240x32xf32, #tpu.memory_space<hbm>> -> memref<10240x32xf32, #tpu.memory_space<hbm>>
    tpu.wait_indirect_dma semaphore(%arg12 : memref<!tpu.dma_semaphore, #tpu.memory_space<semaphore_mem>>) src(%dma_wait3A_178 : memref<10240x32xf32, #tpu.memory_space<hbm>>) dst(%dma_wait3A_172 : memref<128x32xf32, #tpu.memory_space<vmem>>)
    %barrier3A_179 = arith.constant 0 : index
    tpu.barrier barrier_id(%barrier3A_179)
    %mul3A_180 = arith.constant 640 : i32
    %mul3A_181 = arith.muli %arg1, %mul3A_180 : i32
    %mul3A_182 = arith.constant 640 : i32
    %mul3A_183 = arith.muli %arg1, %mul3A_182 : i32
    "tpu.region"() ({
      %run_scoped3A = tpu.sem_alloc : memref<!tpu.dma_semaphore, #tpu.memory_space<semaphore_mem>>
      %dma_start3A_184 = arith.constant 0 : i32
      %dma_start3A_185 = tpu.memref_slice %arg5[%arg0, %mul3A_183, %dma_start3A_184] : memref<2x10240x32xf32, #tpu.memory_space<hbm>> -> memref<1x640x32xf32, #tpu.memory_space<hbm>>
      %dma_start3A_186 = tpu.memref_squeeze %dma_start3A_185 : memref<1x640x32xf32, #tpu.memory_space<hbm>> -> memref<640x32xf32, #tpu.memory_space<hbm>>
      %dma_start3A_187 = arith.constant 0 : i32
      %dma_start3A_188 = tpu.memref_slice %arg6[%mul3A_181, %dma_start3A_187] : memref<10240x32xf32, #tpu.memory_space<vmem_shared>> -> memref<640x32xf32, #tpu.memory_space<vmem_shared>>
      tpu.enqueue_dma source(%dma_start3A_188 : memref<640x32xf32, #tpu.memory_space<vmem_shared>>) target(%dma_start3A_186 : memref<640x32xf32, #tpu.memory_space<hbm>>) target_semaphore(%run_scoped3A : memref<!tpu.dma_semaphore, #tpu.memory_space<semaphore_mem>>)
      %dma_wait3A_189 = arith.constant 0 : i32
      %dma_wait3A_190 = tpu.memref_slice %arg5[%arg0, %mul3A_183, %dma_wait3A_189] : memref<2x10240x32xf32, #tpu.memory_space<hbm>> -> memref<1x640x32xf32, #tpu.memory_space<hbm>>
      %dma_wait3A_191 = tpu.memref_squeeze %dma_wait3A_190 : memref<1x640x32xf32, #tpu.memory_space<hbm>> -> memref<640x32xf32, #tpu.memory_space<hbm>>
      %dma_wait3A_192 = arith.constant 0 : i32
      %dma_wait3A_193 = tpu.memref_slice %arg6[%mul3A_181, %dma_wait3A_192] : memref<10240x32xf32, #tpu.memory_space<vmem_shared>> -> memref<640x32xf32, #tpu.memory_space<vmem_shared>>
      tpu.wait_dma2 semaphore(%run_scoped3A : memref<!tpu.dma_semaphore, #tpu.memory_space<semaphore_mem>>) src(%dma_wait3A_193 : memref<640x32xf32, #tpu.memory_space<vmem_shared>>) dst(%dma_wait3A_191 : memref<640x32xf32, #tpu.memory_space<hbm>>)
      tpu.yield
    }) : () -> ()
    return
  }
}

#map = affine_map<(d0, d1) -> (0, 0)>
#map1 = affine_map<(d0, d1) -> (0, 0, 0)>
module attributes {stable_mosaic.version = 14 : i64} {
  func.func @_sc_body(%arg0: i32, %arg1: i32, %arg2: memref<10240x64xf32, #tpu.memory_space<hbm>>, %arg3: memref<32x80x128xi32, #tpu.memory_space<hbm>>, %arg4: memref<32x80x128xi32, #tpu.memory_space<hbm>>, %arg5: memref<2x10240x64xf32, #tpu.memory_space<hbm>>, %arg6: memref<10240x64xf32, #tpu.memory_space<vmem_shared>>, %arg7: memref<82x128xi32, #tpu.memory_space<vmem>>, %arg8: memref<82x128xi32, #tpu.memory_space<vmem>>, %arg9: memref<4x128x64xf32, #tpu.memory_space<vmem>>, %arg10: memref<128x64xf32, #tpu.memory_space<vmem>>, %arg11: memref<!tpu.dma_semaphore, #tpu.memory_space<semaphore_mem>>, %arg12: memref<!tpu.dma_semaphore, #tpu.memory_space<semaphore_mem>>, %arg13: memref<!tpu.dma_semaphore, #tpu.memory_space<semaphore_mem>>, %arg14: memref<!tpu.dma_semaphore, #tpu.memory_space<semaphore_mem>>) attributes {dimension_semantics = [#tpu.dimension_semantics<core_parallel>, #tpu.dimension_semantics<subcore_parallel>], iteration_bounds = array<i64: 2, 16>, scalar_prefetch = 0 : i64, scratch_operands = 9 : i64, tpu.core_type = #tpu.core_type<sc_vector_subcore>, window_params = [{transform_indices = #map}, {transform_indices = #map1}, {transform_indices = #map1}, {transform_indices = #map1}]} {
    %mul3A = arith.constant 16 : i32
    %mul3A_0 = arith.muli %arg0, %mul3A : i32
    %add3A = arith.addi %mul3A_0, %arg1 : i32
    %broadcast_in_dim3A = arith.constant 0.000000e+00 : f32
    %broadcast_in_dim3A_1 = vector.broadcast %broadcast_in_dim3A : f32 to vector<16xf32>
    %scan3A = arith.constant 0 : i32
    %scan3A_2 = arith.constant 0 : i32
    %scan3A_3 = arith.constant 128 : i32
    %scan3A_4 = arith.addi %scan3A_2, %scan3A_3 : i32
    %scan3A_5 = arith.constant 1 : i32
    %scan3A_6 = scf.for %scan3A_184 = %scan3A_2 to %scan3A_4 step %scan3A_5 iter_args(%scan3A_185 = %scan3A) -> (i32)  : i32 {
      %swap3A_186 = arith.index_cast %scan3A_184 : i32 to index
      %swap3A_187 = arith.constant 0 : index
      %swap3A_188 = tpu.vector_load %arg10[%swap3A_186, %swap3A_187] {strides = array<i32>} : memref<128x64xf32, #tpu.memory_space<vmem>>, vector<1x16xf32>,
      %swap3A_189 = vector.shape_cast %swap3A_188 : vector<1x16xf32> to vector<16xf32>
      %swap3A_190 = vector.shape_cast %broadcast_in_dim3A_1 : vector<16xf32> to vector<1x16xf32>
      tpu.vector_store %arg10[%swap3A_186, %swap3A_187], %swap3A_190 {strides = array<i32>} : memref<128x64xf32, #tpu.memory_space<vmem>>, vector<1x16xf32>,
      %swap3A_191 = arith.index_cast %scan3A_184 : i32 to index
      %swap3A_192 = arith.constant 16 : index
      %swap3A_193 = tpu.vector_load %arg10[%swap3A_191, %swap3A_192] {strides = array<i32>} : memref<128x64xf32, #tpu.memory_space<vmem>>, vector<1x16xf32>,
      %swap3A_194 = vector.shape_cast %swap3A_193 : vector<1x16xf32> to vector<16xf32>
      %swap3A_195 = vector.shape_cast %broadcast_in_dim3A_1 : vector<16xf32> to vector<1x16xf32>
      tpu.vector_store %arg10[%swap3A_191, %swap3A_192], %swap3A_195 {strides = array<i32>} : memref<128x64xf32, #tpu.memory_space<vmem>>, vector<1x16xf32>,
      %swap3A_196 = arith.index_cast %scan3A_184 : i32 to index
      %swap3A_197 = arith.constant 32 : index
      %swap3A_198 = tpu.vector_load %arg10[%swap3A_196, %swap3A_197] {strides = array<i32>} : memref<128x64xf32, #tpu.memory_space<vmem>>, vector<1x16xf32>,
      %swap3A_199 = vector.shape_cast %swap3A_198 : vector<1x16xf32> to vector<16xf32>
      %swap3A_200 = vector.shape_cast %broadcast_in_dim3A_1 : vector<16xf32> to vector<1x16xf32>
      tpu.vector_store %arg10[%swap3A_196, %swap3A_197], %swap3A_200 {strides = array<i32>} : memref<128x64xf32, #tpu.memory_space<vmem>>, vector<1x16xf32>,
      %swap3A_201 = arith.index_cast %scan3A_184 : i32 to index
      %swap3A_202 = arith.constant 48 : index
      %swap3A_203 = tpu.vector_load %arg10[%swap3A_201, %swap3A_202] {strides = array<i32>} : memref<128x64xf32, #tpu.memory_space<vmem>>, vector<1x16xf32>,
      %swap3A_204 = vector.shape_cast %swap3A_203 : vector<1x16xf32> to vector<16xf32>
      %swap3A_205 = vector.shape_cast %broadcast_in_dim3A_1 : vector<16xf32> to vector<1x16xf32>
      tpu.vector_store %arg10[%swap3A_201, %swap3A_202], %swap3A_205 {strides = array<i32>} : memref<128x64xf32, #tpu.memory_space<vmem>>, vector<1x16xf32>,
      %scan3A_206 = arith.constant 0 : i32
      scf.yield %scan3A_206 : i32
    }
    %scan3A_7 = arith.constant 128 : i32
    %mul3A_8 = arith.constant 640 : i32
    %mul3A_9 = arith.muli %arg1, %mul3A_8 : i32
    %add3A_10 = arith.constant 0 : i32
    %add3A_11 = arith.addi %mul3A_9, %add3A_10 : i32
    "tpu.region"() ({
      %run_scoped3A = tpu.sem_alloc : memref<!tpu.dma_semaphore, #tpu.memory_space<semaphore_mem>>
      %dma_start3A_184 = arith.constant 0 : i32
      %dma_start3A_185 = tpu.memref_slice %arg6[%add3A_11, %dma_start3A_184] : memref<10240x64xf32, #tpu.memory_space<vmem_shared>> -> memref<128x64xf32, #tpu.memory_space<vmem_shared>>
      %dma_start3A_186 = arith.constant 0 : i32
      %dma_start3A_187 = tpu.memref_slice %arg6[%add3A_11, %dma_start3A_186] : memref<10240x64xf32, #tpu.memory_space<vmem_shared>> -> memref<128x64xf32, #tpu.memory_space<vmem_shared>>
      tpu.enqueue_dma source(%arg10 : memref<128x64xf32, #tpu.memory_space<vmem>>) target(%dma_start3A_187 : memref<128x64xf32, #tpu.memory_space<vmem_shared>>) target_semaphore(%run_scoped3A : memref<!tpu.dma_semaphore, #tpu.memory_space<semaphore_mem>>)
      %dma_wait3A_188 = arith.constant 0 : i32
      %dma_wait3A_189 = tpu.memref_slice %arg6[%add3A_11, %dma_wait3A_188] : memref<10240x64xf32, #tpu.memory_space<vmem_shared>> -> memref<128x64xf32, #tpu.memory_space<vmem_shared>>
      %dma_wait3A_190 = arith.constant 0 : i32
      %dma_wait3A_191 = tpu.memref_slice %arg6[%add3A_11, %dma_wait3A_190] : memref<10240x64xf32, #tpu.memory_space<vmem_shared>> -> memref<128x64xf32, #tpu.memory_space<vmem_shared>>
      tpu.wait_dma2 semaphore(%run_scoped3A : memref<!tpu.dma_semaphore, #tpu.memory_space<semaphore_mem>>) src(%arg10 : memref<128x64xf32, #tpu.memory_space<vmem>>) dst(%dma_wait3A_191 : memref<128x64xf32, #tpu.memory_space<vmem_shared>>)
      tpu.yield
    }) : () -> ()
    %mul3A_12 = arith.constant 640 : i32
    %mul3A_13 = arith.muli %arg1, %mul3A_12 : i32
    %add3A_14 = arith.constant 128 : i32
    %add3A_15 = arith.addi %mul3A_13, %add3A_14 : i32
    "tpu.region"() ({
      %run_scoped3A = tpu.sem_alloc : memref<!tpu.dma_semaphore, #tpu.memory_space<semaphore_mem>>
      %dma_start3A_184 = arith.constant 0 : i32
      %dma_start3A_185 = tpu.memref_slice %arg6[%add3A_15, %dma_start3A_184] : memref<10240x64xf32, #tpu.memory_space<vmem_shared>> -> memref<128x64xf32, #tpu.memory_space<vmem_shared>>
      %dma_start3A_186 = arith.constant 0 : i32
      %dma_start3A_187 = tpu.memref_slice %arg6[%add3A_15, %dma_start3A_186] : memref<10240x64xf32, #tpu.memory_space<vmem_shared>> -> memref<128x64xf32, #tpu.memory_space<vmem_shared>>
      tpu.enqueue_dma source(%arg10 : memref<128x64xf32, #tpu.memory_space<vmem>>) target(%dma_start3A_187 : memref<128x64xf32, #tpu.memory_space<vmem_shared>>) target_semaphore(%run_scoped3A : memref<!tpu.dma_semaphore, #tpu.memory_space<semaphore_mem>>)
      %dma_wait3A_188 = arith.constant 0 : i32
      %dma_wait3A_189 = tpu.memref_slice %arg6[%add3A_15, %dma_wait3A_188] : memref<10240x64xf32, #tpu.memory_space<vmem_shared>> -> memref<128x64xf32, #tpu.memory_space<vmem_shared>>
      %dma_wait3A_190 = arith.constant 0 : i32
      %dma_wait3A_191 = tpu.memref_slice %arg6[%add3A_15, %dma_wait3A_190] : memref<10240x64xf32, #tpu.memory_space<vmem_shared>> -> memref<128x64xf32, #tpu.memory_space<vmem_shared>>
      tpu.wait_dma2 semaphore(%run_scoped3A : memref<!tpu.dma_semaphore, #tpu.memory_space<semaphore_mem>>) src(%arg10 : memref<128x64xf32, #tpu.memory_space<vmem>>) dst(%dma_wait3A_191 : memref<128x64xf32, #tpu.memory_space<vmem_shared>>)
      tpu.yield
    }) : () -> ()
    %mul3A_16 = arith.constant 640 : i32
    %mul3A_17 = arith.muli %arg1, %mul3A_16 : i32
    %add3A_18 = arith.constant 256 : i32
    %add3A_19 = arith.addi %mul3A_17, %add3A_18 : i32
    "tpu.region"() ({
      %run_scoped3A = tpu.sem_alloc : memref<!tpu.dma_semaphore, #tpu.memory_space<semaphore_mem>>
      %dma_start3A_184 = arith.constant 0 : i32
      %dma_start3A_185 = tpu.memref_slice %arg6[%add3A_19, %dma_start3A_184] : memref<10240x64xf32, #tpu.memory_space<vmem_shared>> -> memref<128x64xf32, #tpu.memory_space<vmem_shared>>
      %dma_start3A_186 = arith.constant 0 : i32
      %dma_start3A_187 = tpu.memref_slice %arg6[%add3A_19, %dma_start3A_186] : memref<10240x64xf32, #tpu.memory_space<vmem_shared>> -> memref<128x64xf32, #tpu.memory_space<vmem_shared>>
      tpu.enqueue_dma source(%arg10 : memref<128x64xf32, #tpu.memory_space<vmem>>) target(%dma_start3A_187 : memref<128x64xf32, #tpu.memory_space<vmem_shared>>) target_semaphore(%run_scoped3A : memref<!tpu.dma_semaphore, #tpu.memory_space<semaphore_mem>>)
      %dma_wait3A_188 = arith.constant 0 : i32
      %dma_wait3A_189 = tpu.memref_slice %arg6[%add3A_19, %dma_wait3A_188] : memref<10240x64xf32, #tpu.memory_space<vmem_shared>> -> memref<128x64xf32, #tpu.memory_space<vmem_shared>>
      %dma_wait3A_190 = arith.constant 0 : i32
      %dma_wait3A_191 = tpu.memref_slice %arg6[%add3A_19, %dma_wait3A_190] : memref<10240x64xf32, #tpu.memory_space<vmem_shared>> -> memref<128x64xf32, #tpu.memory_space<vmem_shared>>
      tpu.wait_dma2 semaphore(%run_scoped3A : memref<!tpu.dma_semaphore, #tpu.memory_space<semaphore_mem>>) src(%arg10 : memref<128x64xf32, #tpu.memory_space<vmem>>) dst(%dma_wait3A_191 : memref<128x64xf32, #tpu.memory_space<vmem_shared>>)
      tpu.yield
    }) : () -> ()
    %mul3A_20 = arith.constant 640 : i32
    %mul3A_21 = arith.muli %arg1, %mul3A_20 : i32
    %add3A_22 = arith.constant 384 : i32
    %add3A_23 = arith.addi %mul3A_21, %add3A_22 : i32
    "tpu.region"() ({
      %run_scoped3A = tpu.sem_alloc : memref<!tpu.dma_semaphore, #tpu.memory_space<semaphore_mem>>
      %dma_start3A_184 = arith.constant 0 : i32
      %dma_start3A_185 = tpu.memref_slice %arg6[%add3A_23, %dma_start3A_184] : memref<10240x64xf32, #tpu.memory_space<vmem_shared>> -> memref<128x64xf32, #tpu.memory_space<vmem_shared>>
      %dma_start3A_186 = arith.constant 0 : i32
      %dma_start3A_187 = tpu.memref_slice %arg6[%add3A_23, %dma_start3A_186] : memref<10240x64xf32, #tpu.memory_space<vmem_shared>> -> memref<128x64xf32, #tpu.memory_space<vmem_shared>>
      tpu.enqueue_dma source(%arg10 : memref<128x64xf32, #tpu.memory_space<vmem>>) target(%dma_start3A_187 : memref<128x64xf32, #tpu.memory_space<vmem_shared>>) target_semaphore(%run_scoped3A : memref<!tpu.dma_semaphore, #tpu.memory_space<semaphore_mem>>)
      %dma_wait3A_188 = arith.constant 0 : i32
      %dma_wait3A_189 = tpu.memref_slice %arg6[%add3A_23, %dma_wait3A_188] : memref<10240x64xf32, #tpu.memory_space<vmem_shared>> -> memref<128x64xf32, #tpu.memory_space<vmem_shared>>
      %dma_wait3A_190 = arith.constant 0 : i32
      %dma_wait3A_191 = tpu.memref_slice %arg6[%add3A_23, %dma_wait3A_190] : memref<10240x64xf32, #tpu.memory_space<vmem_shared>> -> memref<128x64xf32, #tpu.memory_space<vmem_shared>>
      tpu.wait_dma2 semaphore(%run_scoped3A : memref<!tpu.dma_semaphore, #tpu.memory_space<semaphore_mem>>) src(%arg10 : memref<128x64xf32, #tpu.memory_space<vmem>>) dst(%dma_wait3A_191 : memref<128x64xf32, #tpu.memory_space<vmem_shared>>)
      tpu.yield
    }) : () -> ()
    %mul3A_24 = arith.constant 640 : i32
    %mul3A_25 = arith.muli %arg1, %mul3A_24 : i32
    %add3A_26 = arith.constant 512 : i32
    %add3A_27 = arith.addi %mul3A_25, %add3A_26 : i32
    "tpu.region"() ({
      %run_scoped3A = tpu.sem_alloc : memref<!tpu.dma_semaphore, #tpu.memory_space<semaphore_mem>>
      %dma_start3A_184 = arith.constant 0 : i32
      %dma_start3A_185 = tpu.memref_slice %arg6[%add3A_27, %dma_start3A_184] : memref<10240x64xf32, #tpu.memory_space<vmem_shared>> -> memref<128x64xf32, #tpu.memory_space<vmem_shared>>
      %dma_start3A_186 = arith.constant 0 : i32
      %dma_start3A_187 = tpu.memref_slice %arg6[%add3A_27, %dma_start3A_186] : memref<10240x64xf32, #tpu.memory_space<vmem_shared>> -> memref<128x64xf32, #tpu.memory_space<vmem_shared>>
      tpu.enqueue_dma source(%arg10 : memref<128x64xf32, #tpu.memory_space<vmem>>) target(%dma_start3A_187 : memref<128x64xf32, #tpu.memory_space<vmem_shared>>) target_semaphore(%run_scoped3A : memref<!tpu.dma_semaphore, #tpu.memory_space<semaphore_mem>>)
      %dma_wait3A_188 = arith.constant 0 : i32
      %dma_wait3A_189 = tpu.memref_slice %arg6[%add3A_27, %dma_wait3A_188] : memref<10240x64xf32, #tpu.memory_space<vmem_shared>> -> memref<128x64xf32, #tpu.memory_space<vmem_shared>>
      %dma_wait3A_190 = arith.constant 0 : i32
      %dma_wait3A_191 = tpu.memref_slice %arg6[%add3A_27, %dma_wait3A_190] : memref<10240x64xf32, #tpu.memory_space<vmem_shared>> -> memref<128x64xf32, #tpu.memory_space<vmem_shared>>
      tpu.wait_dma2 semaphore(%run_scoped3A : memref<!tpu.dma_semaphore, #tpu.memory_space<semaphore_mem>>) src(%arg10 : memref<128x64xf32, #tpu.memory_space<vmem>>) dst(%dma_wait3A_191 : memref<128x64xf32, #tpu.memory_space<vmem_shared>>)
      tpu.yield
    }) : () -> ()
    %barrier3A = arith.constant 0 : index
    tpu.barrier barrier_id(%barrier3A)
    "tpu.region"() ({
      %run_scoped3A = tpu.sem_alloc : memref<!tpu.dma_semaphore, #tpu.memory_space<semaphore_mem>>
      %dma_start3A_184 = arith.constant 0 : i32
      %dma_start3A_185 = arith.constant 0 : i32
      %dma_start3A_186 = tpu.memref_slice %arg7[%dma_start3A_184, %dma_start3A_185] : memref<82x128xi32, #tpu.memory_space<vmem>> -> memref<80x128xi32, #tpu.memory_space<vmem>>
      %dma_start3A_187 = arith.constant 0 : i32
      %dma_start3A_188 = arith.constant 0 : i32
      %dma_start3A_189 = tpu.memref_slice %arg3[%add3A, %dma_start3A_187, %dma_start3A_188] : memref<32x80x128xi32, #tpu.memory_space<hbm>> -> memref<1x80x128xi32, #tpu.memory_space<hbm>>
      %dma_start3A_190 = tpu.memref_squeeze %dma_start3A_189 : memref<1x80x128xi32, #tpu.memory_space<hbm>> -> memref<80x128xi32, #tpu.memory_space<hbm>>
      %dma_start3A_191 = arith.constant 0 : i32
      %dma_start3A_192 = arith.constant 0 : i32
      %dma_start3A_193 = tpu.memref_slice %arg7[%dma_start3A_191, %dma_start3A_192] : memref<82x128xi32, #tpu.memory_space<vmem>> -> memref<80x128xi32, #tpu.memory_space<vmem>>
      %dma_start3A_194 = arith.constant 0 : i32
      %dma_start3A_195 = arith.constant 0 : i32
      %dma_start3A_196 = tpu.memref_slice %arg3[%add3A, %dma_start3A_194, %dma_start3A_195] : memref<32x80x128xi32, #tpu.memory_space<hbm>> -> memref<1x80x128xi32, #tpu.memory_space<hbm>>
      %dma_start3A_197 = tpu.memref_squeeze %dma_start3A_196 : memref<1x80x128xi32, #tpu.memory_space<hbm>> -> memref<80x128xi32, #tpu.memory_space<hbm>>
      tpu.enqueue_dma source(%dma_start3A_197 : memref<80x128xi32, #tpu.memory_space<hbm>>) target(%dma_start3A_193 : memref<80x128xi32, #tpu.memory_space<vmem>>) target_semaphore(%run_scoped3A : memref<!tpu.dma_semaphore, #tpu.memory_space<semaphore_mem>>)
      %dma_wait3A_198 = arith.constant 0 : i32
      %dma_wait3A_199 = arith.constant 0 : i32
      %dma_wait3A_200 = tpu.memref_slice %arg7[%dma_wait3A_198, %dma_wait3A_199] : memref<82x128xi32, #tpu.memory_space<vmem>> -> memref<80x128xi32, #tpu.memory_space<vmem>>
      %dma_wait3A_201 = arith.constant 0 : i32
      %dma_wait3A_202 = arith.constant 0 : i32
      %dma_wait3A_203 = tpu.memref_slice %arg3[%add3A, %dma_wait3A_201, %dma_wait3A_202] : memref<32x80x128xi32, #tpu.memory_space<hbm>> -> memref<1x80x128xi32, #tpu.memory_space<hbm>>
      %dma_wait3A_204 = tpu.memref_squeeze %dma_wait3A_203 : memref<1x80x128xi32, #tpu.memory_space<hbm>> -> memref<80x128xi32, #tpu.memory_space<hbm>>
      %dma_wait3A_205 = arith.constant 0 : i32
      %dma_wait3A_206 = arith.constant 0 : i32
      %dma_wait3A_207 = tpu.memref_slice %arg7[%dma_wait3A_205, %dma_wait3A_206] : memref<82x128xi32, #tpu.memory_space<vmem>> -> memref<80x128xi32, #tpu.memory_space<vmem>>
      %dma_wait3A_208 = arith.constant 0 : i32
      %dma_wait3A_209 = arith.constant 0 : i32
      %dma_wait3A_210 = tpu.memref_slice %arg3[%add3A, %dma_wait3A_208, %dma_wait3A_209] : memref<32x80x128xi32, #tpu.memory_space<hbm>> -> memref<1x80x128xi32, #tpu.memory_space<hbm>>
      %dma_wait3A_211 = tpu.memref_squeeze %dma_wait3A_210 : memref<1x80x128xi32, #tpu.memory_space<hbm>> -> memref<80x128xi32, #tpu.memory_space<hbm>>
      tpu.wait_dma2 semaphore(%run_scoped3A : memref<!tpu.dma_semaphore, #tpu.memory_space<semaphore_mem>>) src(%dma_wait3A_211 : memref<80x128xi32, #tpu.memory_space<hbm>>) dst(%dma_wait3A_207 : memref<80x128xi32, #tpu.memory_space<vmem>>)
      tpu.yield
    }) : () -> ()
    "tpu.region"() ({
      %run_scoped3A = tpu.sem_alloc : memref<!tpu.dma_semaphore, #tpu.memory_space<semaphore_mem>>
      %dma_start3A_184 = arith.constant 0 : i32
      %dma_start3A_185 = arith.constant 0 : i32
      %dma_start3A_186 = tpu.memref_slice %arg8[%dma_start3A_184, %dma_start3A_185] : memref<82x128xi32, #tpu.memory_space<vmem>> -> memref<80x128xi32, #tpu.memory_space<vmem>>
      %dma_start3A_187 = arith.constant 0 : i32
      %dma_start3A_188 = arith.constant 0 : i32
      %dma_start3A_189 = tpu.memref_slice %arg4[%add3A, %dma_start3A_187, %dma_start3A_188] : memref<32x80x128xi32, #tpu.memory_space<hbm>> -> memref<1x80x128xi32, #tpu.memory_space<hbm>>
      %dma_start3A_190 = tpu.memref_squeeze %dma_start3A_189 : memref<1x80x128xi32, #tpu.memory_space<hbm>> -> memref<80x128xi32, #tpu.memory_space<hbm>>
      %dma_start3A_191 = arith.constant 0 : i32
      %dma_start3A_192 = arith.constant 0 : i32
      %dma_start3A_193 = tpu.memref_slice %arg8[%dma_start3A_191, %dma_start3A_192] : memref<82x128xi32, #tpu.memory_space<vmem>> -> memref<80x128xi32, #tpu.memory_space<vmem>>
      %dma_start3A_194 = arith.constant 0 : i32
      %dma_start3A_195 = arith.constant 0 : i32
      %dma_start3A_196 = tpu.memref_slice %arg4[%add3A, %dma_start3A_194, %dma_start3A_195] : memref<32x80x128xi32, #tpu.memory_space<hbm>> -> memref<1x80x128xi32, #tpu.memory_space<hbm>>
      %dma_start3A_197 = tpu.memref_squeeze %dma_start3A_196 : memref<1x80x128xi32, #tpu.memory_space<hbm>> -> memref<80x128xi32, #tpu.memory_space<hbm>>
      tpu.enqueue_dma source(%dma_start3A_197 : memref<80x128xi32, #tpu.memory_space<hbm>>) target(%dma_start3A_193 : memref<80x128xi32, #tpu.memory_space<vmem>>) target_semaphore(%run_scoped3A : memref<!tpu.dma_semaphore, #tpu.memory_space<semaphore_mem>>)
      %dma_wait3A_198 = arith.constant 0 : i32
      %dma_wait3A_199 = arith.constant 0 : i32
      %dma_wait3A_200 = tpu.memref_slice %arg8[%dma_wait3A_198, %dma_wait3A_199] : memref<82x128xi32, #tpu.memory_space<vmem>> -> memref<80x128xi32, #tpu.memory_space<vmem>>
      %dma_wait3A_201 = arith.constant 0 : i32
      %dma_wait3A_202 = arith.constant 0 : i32
      %dma_wait3A_203 = tpu.memref_slice %arg4[%add3A, %dma_wait3A_201, %dma_wait3A_202] : memref<32x80x128xi32, #tpu.memory_space<hbm>> -> memref<1x80x128xi32, #tpu.memory_space<hbm>>
      %dma_wait3A_204 = tpu.memref_squeeze %dma_wait3A_203 : memref<1x80x128xi32, #tpu.memory_space<hbm>> -> memref<80x128xi32, #tpu.memory_space<hbm>>
      %dma_wait3A_205 = arith.constant 0 : i32
      %dma_wait3A_206 = arith.constant 0 : i32
      %dma_wait3A_207 = tpu.memref_slice %arg8[%dma_wait3A_205, %dma_wait3A_206] : memref<82x128xi32, #tpu.memory_space<vmem>> -> memref<80x128xi32, #tpu.memory_space<vmem>>
      %dma_wait3A_208 = arith.constant 0 : i32
      %dma_wait3A_209 = arith.constant 0 : i32
      %dma_wait3A_210 = tpu.memref_slice %arg4[%add3A, %dma_wait3A_208, %dma_wait3A_209] : memref<32x80x128xi32, #tpu.memory_space<hbm>> -> memref<1x80x128xi32, #tpu.memory_space<hbm>>
      %dma_wait3A_211 = tpu.memref_squeeze %dma_wait3A_210 : memref<1x80x128xi32, #tpu.memory_space<hbm>> -> memref<80x128xi32, #tpu.memory_space<hbm>>
      tpu.wait_dma2 semaphore(%run_scoped3A : memref<!tpu.dma_semaphore, #tpu.memory_space<semaphore_mem>>) src(%dma_wait3A_211 : memref<80x128xi32, #tpu.memory_space<hbm>>) dst(%dma_wait3A_207 : memref<80x128xi32, #tpu.memory_space<vmem>>)
      tpu.yield
    }) : () -> ()
    %iota3A = tpu.iota {dimensions = array<i32: 0>} : vector<16xi32>
    %add3A_28 = arith.constant 10224 : i32
    %add3A_29 = vector.broadcast %add3A_28 : i32 to vector<16xi32>
    %add3A_30 = arith.addi %add3A_29, %iota3A : vector<16xi32>
    %swap3A = arith.constant 80 : i32
    %swap3A_31 = arith.index_cast %swap3A : i32 to index
    %swap3A_32 = arith.constant 0 : index
    %swap3A_33 = tpu.vector_load %arg7[%swap3A_31, %swap3A_32] {strides = array<i32>} : memref<82x128xi32, #tpu.memory_space<vmem>>, vector<1x16xi32>,
    %swap3A_34 = vector.shape_cast %swap3A_33 : vector<1x16xi32> to vector<16xi32>
    %swap3A_35 = vector.shape_cast %add3A_30 : vector<16xi32> to vector<1x16xi32>
    tpu.vector_store %arg7[%swap3A_31, %swap3A_32], %swap3A_35 {strides = array<i32>} : memref<82x128xi32, #tpu.memory_space<vmem>>, vector<1x16xi32>,
    %swap3A_36 = arith.constant 80 : i32
    %swap3A_37 = arith.index_cast %swap3A_36 : i32 to index
    %swap3A_38 = arith.constant 16 : index
    %swap3A_39 = tpu.vector_load %arg7[%swap3A_37, %swap3A_38] {strides = array<i32>} : memref<82x128xi32, #tpu.memory_space<vmem>>, vector<1x16xi32>,
    %swap3A_40 = vector.shape_cast %swap3A_39 : vector<1x16xi32> to vector<16xi32>
    %swap3A_41 = vector.shape_cast %add3A_30 : vector<16xi32> to vector<1x16xi32>
    tpu.vector_store %arg7[%swap3A_37, %swap3A_38], %swap3A_41 {strides = array<i32>} : memref<82x128xi32, #tpu.memory_space<vmem>>, vector<1x16xi32>,
    %swap3A_42 = arith.constant 80 : i32
    %swap3A_43 = arith.index_cast %swap3A_42 : i32 to index
    %swap3A_44 = arith.constant 32 : index
    %swap3A_45 = tpu.vector_load %arg7[%swap3A_43, %swap3A_44] {strides = array<i32>} : memref<82x128xi32, #tpu.memory_space<vmem>>, vector<1x16xi32>,
    %swap3A_46 = vector.shape_cast %swap3A_45 : vector<1x16xi32> to vector<16xi32>
    %swap3A_47 = vector.shape_cast %add3A_30 : vector<16xi32> to vector<1x16xi32>
    tpu.vector_store %arg7[%swap3A_43, %swap3A_44], %swap3A_47 {strides = array<i32>} : memref<82x128xi32, #tpu.memory_space<vmem>>, vector<1x16xi32>,
    %swap3A_48 = arith.constant 80 : i32
    %swap3A_49 = arith.index_cast %swap3A_48 : i32 to index
    %swap3A_50 = arith.constant 48 : index
    %swap3A_51 = tpu.vector_load %arg7[%swap3A_49, %swap3A_50] {strides = array<i32>} : memref<82x128xi32, #tpu.memory_space<vmem>>, vector<1x16xi32>,
    %swap3A_52 = vector.shape_cast %swap3A_51 : vector<1x16xi32> to vector<16xi32>
    %swap3A_53 = vector.shape_cast %add3A_30 : vector<16xi32> to vector<1x16xi32>
    tpu.vector_store %arg7[%swap3A_49, %swap3A_50], %swap3A_53 {strides = array<i32>} : memref<82x128xi32, #tpu.memory_space<vmem>>, vector<1x16xi32>,
    %swap3A_54 = arith.constant 80 : i32
    %swap3A_55 = arith.index_cast %swap3A_54 : i32 to index
    %swap3A_56 = arith.constant 64 : index
    %swap3A_57 = tpu.vector_load %arg7[%swap3A_55, %swap3A_56] {strides = array<i32>} : memref<82x128xi32, #tpu.memory_space<vmem>>, vector<1x16xi32>,
    %swap3A_58 = vector.shape_cast %swap3A_57 : vector<1x16xi32> to vector<16xi32>
    %swap3A_59 = vector.shape_cast %add3A_30 : vector<16xi32> to vector<1x16xi32>
    tpu.vector_store %arg7[%swap3A_55, %swap3A_56], %swap3A_59 {strides = array<i32>} : memref<82x128xi32, #tpu.memory_space<vmem>>, vector<1x16xi32>,
    %swap3A_60 = arith.constant 80 : i32
    %swap3A_61 = arith.index_cast %swap3A_60 : i32 to index
    %swap3A_62 = arith.constant 80 : index
    %swap3A_63 = tpu.vector_load %arg7[%swap3A_61, %swap3A_62] {strides = array<i32>} : memref<82x128xi32, #tpu.memory_space<vmem>>, vector<1x16xi32>,
    %swap3A_64 = vector.shape_cast %swap3A_63 : vector<1x16xi32> to vector<16xi32>
    %swap3A_65 = vector.shape_cast %add3A_30 : vector<16xi32> to vector<1x16xi32>
    tpu.vector_store %arg7[%swap3A_61, %swap3A_62], %swap3A_65 {strides = array<i32>} : memref<82x128xi32, #tpu.memory_space<vmem>>, vector<1x16xi32>,
    %swap3A_66 = arith.constant 80 : i32
    %swap3A_67 = arith.index_cast %swap3A_66 : i32 to index
    %swap3A_68 = arith.constant 96 : index
    %swap3A_69 = tpu.vector_load %arg7[%swap3A_67, %swap3A_68] {strides = array<i32>} : memref<82x128xi32, #tpu.memory_space<vmem>>, vector<1x16xi32>,
    %swap3A_70 = vector.shape_cast %swap3A_69 : vector<1x16xi32> to vector<16xi32>
    %swap3A_71 = vector.shape_cast %add3A_30 : vector<16xi32> to vector<1x16xi32>
    tpu.vector_store %arg7[%swap3A_67, %swap3A_68], %swap3A_71 {strides = array<i32>} : memref<82x128xi32, #tpu.memory_space<vmem>>, vector<1x16xi32>,
    %swap3A_72 = arith.constant 80 : i32
    %swap3A_73 = arith.index_cast %swap3A_72 : i32 to index
    %swap3A_74 = arith.constant 112 : index
    %swap3A_75 = tpu.vector_load %arg7[%swap3A_73, %swap3A_74] {strides = array<i32>} : memref<82x128xi32, #tpu.memory_space<vmem>>, vector<1x16xi32>,
    %swap3A_76 = vector.shape_cast %swap3A_75 : vector<1x16xi32> to vector<16xi32>
    %swap3A_77 = vector.shape_cast %add3A_30 : vector<16xi32> to vector<1x16xi32>
    tpu.vector_store %arg7[%swap3A_73, %swap3A_74], %swap3A_77 {strides = array<i32>} : memref<82x128xi32, #tpu.memory_space<vmem>>, vector<1x16xi32>,
    %swap3A_78 = arith.constant 81 : i32
    %swap3A_79 = arith.index_cast %swap3A_78 : i32 to index
    %swap3A_80 = arith.constant 0 : index
    %swap3A_81 = tpu.vector_load %arg7[%swap3A_79, %swap3A_80] {strides = array<i32>} : memref<82x128xi32, #tpu.memory_space<vmem>>, vector<1x16xi32>,
    %swap3A_82 = vector.shape_cast %swap3A_81 : vector<1x16xi32> to vector<16xi32>
    %swap3A_83 = vector.shape_cast %add3A_30 : vector<16xi32> to vector<1x16xi32>
    tpu.vector_store %arg7[%swap3A_79, %swap3A_80], %swap3A_83 {strides = array<i32>} : memref<82x128xi32, #tpu.memory_space<vmem>>, vector<1x16xi32>,
    %swap3A_84 = arith.constant 81 : i32
    %swap3A_85 = arith.index_cast %swap3A_84 : i32 to index
    %swap3A_86 = arith.constant 16 : index
    %swap3A_87 = tpu.vector_load %arg7[%swap3A_85, %swap3A_86] {strides = array<i32>} : memref<82x128xi32, #tpu.memory_space<vmem>>, vector<1x16xi32>,
    %swap3A_88 = vector.shape_cast %swap3A_87 : vector<1x16xi32> to vector<16xi32>
    %swap3A_89 = vector.shape_cast %add3A_30 : vector<16xi32> to vector<1x16xi32>
    tpu.vector_store %arg7[%swap3A_85, %swap3A_86], %swap3A_89 {strides = array<i32>} : memref<82x128xi32, #tpu.memory_space<vmem>>, vector<1x16xi32>,
    %swap3A_90 = arith.constant 81 : i32
    %swap3A_91 = arith.index_cast %swap3A_90 : i32 to index
    %swap3A_92 = arith.constant 32 : index
    %swap3A_93 = tpu.vector_load %arg7[%swap3A_91, %swap3A_92] {strides = array<i32>} : memref<82x128xi32, #tpu.memory_space<vmem>>, vector<1x16xi32>,
    %swap3A_94 = vector.shape_cast %swap3A_93 : vector<1x16xi32> to vector<16xi32>
    %swap3A_95 = vector.shape_cast %add3A_30 : vector<16xi32> to vector<1x16xi32>
    tpu.vector_store %arg7[%swap3A_91, %swap3A_92], %swap3A_95 {strides = array<i32>} : memref<82x128xi32, #tpu.memory_space<vmem>>, vector<1x16xi32>,
    %swap3A_96 = arith.constant 81 : i32
    %swap3A_97 = arith.index_cast %swap3A_96 : i32 to index
    %swap3A_98 = arith.constant 48 : index
    %swap3A_99 = tpu.vector_load %arg7[%swap3A_97, %swap3A_98] {strides = array<i32>} : memref<82x128xi32, #tpu.memory_space<vmem>>, vector<1x16xi32>,
    %swap3A_100 = vector.shape_cast %swap3A_99 : vector<1x16xi32> to vector<16xi32>
    %swap3A_101 = vector.shape_cast %add3A_30 : vector<16xi32> to vector<1x16xi32>
    tpu.vector_store %arg7[%swap3A_97, %swap3A_98], %swap3A_101 {strides = array<i32>} : memref<82x128xi32, #tpu.memory_space<vmem>>, vector<1x16xi32>,
    %swap3A_102 = arith.constant 81 : i32
    %swap3A_103 = arith.index_cast %swap3A_102 : i32 to index
    %swap3A_104 = arith.constant 64 : index
    %swap3A_105 = tpu.vector_load %arg7[%swap3A_103, %swap3A_104] {strides = array<i32>} : memref<82x128xi32, #tpu.memory_space<vmem>>, vector<1x16xi32>,
    %swap3A_106 = vector.shape_cast %swap3A_105 : vector<1x16xi32> to vector<16xi32>
    %swap3A_107 = vector.shape_cast %add3A_30 : vector<16xi32> to vector<1x16xi32>
    tpu.vector_store %arg7[%swap3A_103, %swap3A_104], %swap3A_107 {strides = array<i32>} : memref<82x128xi32, #tpu.memory_space<vmem>>, vector<1x16xi32>,
    %swap3A_108 = arith.constant 81 : i32
    %swap3A_109 = arith.index_cast %swap3A_108 : i32 to index
    %swap3A_110 = arith.constant 80 : index
    %swap3A_111 = tpu.vector_load %arg7[%swap3A_109, %swap3A_110] {strides = array<i32>} : memref<82x128xi32, #tpu.memory_space<vmem>>, vector<1x16xi32>,
    %swap3A_112 = vector.shape_cast %swap3A_111 : vector<1x16xi32> to vector<16xi32>
    %swap3A_113 = vector.shape_cast %add3A_30 : vector<16xi32> to vector<1x16xi32>
    tpu.vector_store %arg7[%swap3A_109, %swap3A_110], %swap3A_113 {strides = array<i32>} : memref<82x128xi32, #tpu.memory_space<vmem>>, vector<1x16xi32>,
    %swap3A_114 = arith.constant 81 : i32
    %swap3A_115 = arith.index_cast %swap3A_114 : i32 to index
    %swap3A_116 = arith.constant 96 : index
    %swap3A_117 = tpu.vector_load %arg7[%swap3A_115, %swap3A_116] {strides = array<i32>} : memref<82x128xi32, #tpu.memory_space<vmem>>, vector<1x16xi32>,
    %swap3A_118 = vector.shape_cast %swap3A_117 : vector<1x16xi32> to vector<16xi32>
    %swap3A_119 = vector.shape_cast %add3A_30 : vector<16xi32> to vector<1x16xi32>
    tpu.vector_store %arg7[%swap3A_115, %swap3A_116], %swap3A_119 {strides = array<i32>} : memref<82x128xi32, #tpu.memory_space<vmem>>, vector<1x16xi32>,
    %swap3A_120 = arith.constant 81 : i32
    %swap3A_121 = arith.index_cast %swap3A_120 : i32 to index
    %swap3A_122 = arith.constant 112 : index
    %swap3A_123 = tpu.vector_load %arg7[%swap3A_121, %swap3A_122] {strides = array<i32>} : memref<82x128xi32, #tpu.memory_space<vmem>>, vector<1x16xi32>,
    %swap3A_124 = vector.shape_cast %swap3A_123 : vector<1x16xi32> to vector<16xi32>
    %swap3A_125 = vector.shape_cast %add3A_30 : vector<16xi32> to vector<1x16xi32>
    tpu.vector_store %arg7[%swap3A_121, %swap3A_122], %swap3A_125 {strides = array<i32>} : memref<82x128xi32, #tpu.memory_space<vmem>>, vector<1x16xi32>,
    %dma_start3A = arith.constant 0 : i32
    %dma_start3A_126 = arith.constant 0 : i32
    %dma_start3A_127 = arith.constant 0 : i32
    %dma_start3A_128 = arith.constant 0 : i32
    %dma_start3A_129 = tpu.memref_slice %arg9[%dma_start3A_126, %dma_start3A_127, %dma_start3A_128] : memref<4x128x64xf32, #tpu.memory_space<vmem>> -> memref<1x128x64xf32, #tpu.memory_space<vmem>>
    %dma_start3A_130 = tpu.memref_squeeze %dma_start3A_129 : memref<1x128x64xf32, #tpu.memory_space<vmem>> -> memref<128x64xf32, #tpu.memory_space<vmem>>
    %dma_start3A_131 = arith.constant 0 : i32
    %dma_start3A_132 = tpu.memref_slice %arg7[%dma_start3A, %dma_start3A_131] : memref<82x128xi32, #tpu.memory_space<vmem>> -> memref<1x128xi32, #tpu.memory_space<vmem>>
    %dma_start3A_133 = tpu.memref_squeeze %dma_start3A_132 : memref<1x128xi32, #tpu.memory_space<vmem>> -> memref<128xi32, #tpu.memory_space<vmem>>
    %dma_start3A_134 = arith.constant 0 : i32
    %dma_start3A_135 = arith.constant 0 : i32
    %dma_start3A_136 = tpu.memref_slice %arg2[%dma_start3A_134, %dma_start3A_135] : memref<10240x64xf32, #tpu.memory_space<hbm>> -> memref<10240x64xf32, #tpu.memory_space<hbm>>
    tpu.enqueue_indirect_dma source(%dma_start3A_136 : memref<10240x64xf32, #tpu.memory_space<hbm>>) target(%dma_start3A_130 : memref<128x64xf32, #tpu.memory_space<vmem>>) offsets(%dma_start3A_133 : memref<128xi32, #tpu.memory_space<vmem>>) semaphore(%arg11 : memref<!tpu.dma_semaphore, #tpu.memory_space<semaphore_mem>>)
    %dma_start3A_137 = arith.constant 1 : i32
    %dma_start3A_138 = arith.constant 1 : i32
    %dma_start3A_139 = arith.constant 0 : i32
    %dma_start3A_140 = arith.constant 0 : i32
    %dma_start3A_141 = tpu.memref_slice %arg9[%dma_start3A_138, %dma_start3A_139, %dma_start3A_140] : memref<4x128x64xf32, #tpu.memory_space<vmem>> -> memref<1x128x64xf32, #tpu.memory_space<vmem>>
    %dma_start3A_142 = tpu.memref_squeeze %dma_start3A_141 : memref<1x128x64xf32, #tpu.memory_space<vmem>> -> memref<128x64xf32, #tpu.memory_space<vmem>>
    %dma_start3A_143 = arith.constant 0 : i32
    %dma_start3A_144 = tpu.memref_slice %arg7[%dma_start3A_137, %dma_start3A_143] : memref<82x128xi32, #tpu.memory_space<vmem>> -> memref<1x128xi32, #tpu.memory_space<vmem>>
    %dma_start3A_145 = tpu.memref_squeeze %dma_start3A_144 : memref<1x128xi32, #tpu.memory_space<vmem>> -> memref<128xi32, #tpu.memory_space<vmem>>
    %dma_start3A_146 = arith.constant 0 : i32
    %dma_start3A_147 = arith.constant 0 : i32
    %dma_start3A_148 = tpu.memref_slice %arg2[%dma_start3A_146, %dma_start3A_147] : memref<10240x64xf32, #tpu.memory_space<hbm>> -> memref<10240x64xf32, #tpu.memory_space<hbm>>
    tpu.enqueue_indirect_dma source(%dma_start3A_148 : memref<10240x64xf32, #tpu.memory_space<hbm>>) target(%dma_start3A_142 : memref<128x64xf32, #tpu.memory_space<vmem>>) offsets(%dma_start3A_145 : memref<128xi32, #tpu.memory_space<vmem>>) semaphore(%arg12 : memref<!tpu.dma_semaphore, #tpu.memory_space<semaphore_mem>>)
    %scan3A_149 = arith.constant 0 : i32
    %scan3A_150 = arith.constant 0 : i32
    %scan3A_151 = arith.constant 20 : i32
    %scan3A_152 = arith.addi %scan3A_150, %scan3A_151 : i32
    %scan3A_153 = arith.constant 1 : i32
    %scan3A_154 = scf.for %scan3A_184 = %scan3A_150 to %scan3A_152 step %scan3A_153 iter_args(%scan3A_185 = %scan3A_149) -> (i32)  : i32 {
      %mul3A_186 = arith.constant 4 : i32
      %mul3A_187 = arith.muli %mul3A_186, %scan3A_184 : i32
      %add3A_188 = arith.constant 0 : i32
      %add3A_189 = arith.addi %mul3A_187, %add3A_188 : i32
      %add3A_190 = arith.constant 2 : i32
      %add3A_191 = arith.addi %add3A_189, %add3A_190 : i32
      %dma_start3A_192 = arith.constant 2 : i32
      %dma_start3A_193 = arith.constant 0 : i32
      %dma_start3A_194 = arith.constant 0 : i32
      %dma_start3A_195 = tpu.memref_slice %arg9[%dma_start3A_192, %dma_start3A_193, %dma_start3A_194] : memref<4x128x64xf32, #tpu.memory_space<vmem>> -> memref<1x128x64xf32, #tpu.memory_space<vmem>>
      %dma_start3A_196 = tpu.memref_squeeze %dma_start3A_195 : memref<1x128x64xf32, #tpu.memory_space<vmem>> -> memref<128x64xf32, #tpu.memory_space<vmem>>
      %dma_start3A_197 = arith.constant 0 : i32
      %dma_start3A_198 = tpu.memref_slice %arg7[%add3A_191, %dma_start3A_197] : memref<82x128xi32, #tpu.memory_space<vmem>> -> memref<1x128xi32, #tpu.memory_space<vmem>>
      %dma_start3A_199 = tpu.memref_squeeze %dma_start3A_198 : memref<1x128xi32, #tpu.memory_space<vmem>> -> memref<128xi32, #tpu.memory_space<vmem>>
      %dma_start3A_200 = arith.constant 0 : i32
      %dma_start3A_201 = arith.constant 0 : i32
      %dma_start3A_202 = tpu.memref_slice %arg2[%dma_start3A_200, %dma_start3A_201] : memref<10240x64xf32, #tpu.memory_space<hbm>> -> memref<10240x64xf32, #tpu.memory_space<hbm>>
      tpu.enqueue_indirect_dma source(%dma_start3A_202 : memref<10240x64xf32, #tpu.memory_space<hbm>>) target(%dma_start3A_196 : memref<128x64xf32, #tpu.memory_space<vmem>>) offsets(%dma_start3A_199 : memref<128xi32, #tpu.memory_space<vmem>>) semaphore(%arg13 : memref<!tpu.dma_semaphore, #tpu.memory_space<semaphore_mem>>)
      %dma_wait3A_203 = arith.constant 0 : i32
      %dma_wait3A_204 = arith.constant 0 : i32
      %dma_wait3A_205 = arith.constant 0 : i32
      %dma_wait3A_206 = tpu.memref_slice %arg9[%dma_wait3A_203, %dma_wait3A_204, %dma_wait3A_205] : memref<4x128x64xf32, #tpu.memory_space<vmem>> -> memref<1x128x64xf32, #tpu.memory_space<vmem>>
      %dma_wait3A_207 = tpu.memref_squeeze %dma_wait3A_206 : memref<1x128x64xf32, #tpu.memory_space<vmem>> -> memref<128x64xf32, #tpu.memory_space<vmem>>
      %dma_wait3A_208 = arith.constant 0 : i32
      %dma_wait3A_209 = tpu.memref_slice %arg7[%add3A_189, %dma_wait3A_208] : memref<82x128xi32, #tpu.memory_space<vmem>> -> memref<1x128xi32, #tpu.memory_space<vmem>>
      %dma_wait3A_210 = tpu.memref_squeeze %dma_wait3A_209 : memref<1x128xi32, #tpu.memory_space<vmem>> -> memref<128xi32, #tpu.memory_space<vmem>>
      %dma_wait3A_211 = arith.constant 0 : i32
      %dma_wait3A_212 = arith.constant 0 : i32
      %dma_wait3A_213 = tpu.memref_slice %arg2[%dma_wait3A_211, %dma_wait3A_212] : memref<10240x64xf32, #tpu.memory_space<hbm>> -> memref<10240x64xf32, #tpu.memory_space<hbm>>
      tpu.wait_indirect_dma semaphore(%arg11 : memref<!tpu.dma_semaphore, #tpu.memory_space<semaphore_mem>>) src(%dma_wait3A_213 : memref<10240x64xf32, #tpu.memory_space<hbm>>) dst(%dma_wait3A_207 : memref<128x64xf32, #tpu.memory_space<vmem>>)
      %run_scoped3A = arith.constant 0 : i32
      "tpu.region"() ({
        %run_scoped3A_302 = tpu.sem_alloc : memref<!tpu.dma_semaphore, #tpu.memory_space<semaphore_mem>>
        %dma_start3A_303 = arith.constant 0 : i32
        %dma_start3A_304 = arith.constant 0 : i32
        %dma_start3A_305 = tpu.memref_slice %arg9[%run_scoped3A, %dma_start3A_303, %dma_start3A_304] : memref<4x128x64xf32, #tpu.memory_space<vmem>> -> memref<1x128x64xf32, #tpu.memory_space<vmem>>
        %dma_start3A_306 = tpu.memref_squeeze %dma_start3A_305 : memref<1x128x64xf32, #tpu.memory_space<vmem>> -> memref<128x64xf32, #tpu.memory_space<vmem>>
        %dma_start3A_307 = arith.constant 0 : i32
        %dma_start3A_308 = tpu.memref_slice %arg8[%add3A_189, %dma_start3A_307] : memref<82x128xi32, #tpu.memory_space<vmem>> -> memref<1x128xi32, #tpu.memory_space<vmem>>
        %dma_start3A_309 = tpu.memref_squeeze %dma_start3A_308 : memref<1x128xi32, #tpu.memory_space<vmem>> -> memref<128xi32, #tpu.memory_space<vmem>>
        %dma_start3A_310 = arith.constant 0 : i32
        %dma_start3A_311 = arith.constant 0 : i32
        %dma_start3A_312 = tpu.memref_slice %arg6[%dma_start3A_310, %dma_start3A_311] : memref<10240x64xf32, #tpu.memory_space<vmem_shared>> -> memref<10240x64xf32, #tpu.memory_space<vmem_shared>>
        tpu.enqueue_indirect_dma source(%dma_start3A_306 : memref<128x64xf32, #tpu.memory_space<vmem>>) target(%dma_start3A_312 : memref<10240x64xf32, #tpu.memory_space<vmem_shared>>) offsets(%dma_start3A_309 : memref<128xi32, #tpu.memory_space<vmem>>) semaphore(%run_scoped3A_302 : memref<!tpu.dma_semaphore, #tpu.memory_space<semaphore_mem>>) {add = true}
        %dma_wait3A_313 = arith.constant 0 : i32
        %dma_wait3A_314 = arith.constant 0 : i32
        %dma_wait3A_315 = tpu.memref_slice %arg9[%run_scoped3A, %dma_wait3A_313, %dma_wait3A_314] : memref<4x128x64xf32, #tpu.memory_space<vmem>> -> memref<1x128x64xf32, #tpu.memory_space<vmem>>
        %dma_wait3A_316 = tpu.memref_squeeze %dma_wait3A_315 : memref<1x128x64xf32, #tpu.memory_space<vmem>> -> memref<128x64xf32, #tpu.memory_space<vmem>>
        %dma_wait3A_317 = arith.constant 0 : i32
        %dma_wait3A_318 = tpu.memref_slice %arg8[%add3A_189, %dma_wait3A_317] : memref<82x128xi32, #tpu.memory_space<vmem>> -> memref<1x128xi32, #tpu.memory_space<vmem>>
        %dma_wait3A_319 = tpu.memref_squeeze %dma_wait3A_318 : memref<1x128xi32, #tpu.memory_space<vmem>> -> memref<128xi32, #tpu.memory_space<vmem>>
        %dma_wait3A_320 = arith.constant 0 : i32
        %dma_wait3A_321 = arith.constant 0 : i32
        %dma_wait3A_322 = tpu.memref_slice %arg6[%dma_wait3A_320, %dma_wait3A_321] : memref<10240x64xf32, #tpu.memory_space<vmem_shared>> -> memref<10240x64xf32, #tpu.memory_space<vmem_shared>>
        tpu.wait_indirect_dma semaphore(%run_scoped3A_302 : memref<!tpu.dma_semaphore, #tpu.memory_space<semaphore_mem>>) src(%dma_wait3A_316 : memref<128x64xf32, #tpu.memory_space<vmem>>) dst(%dma_wait3A_322 : memref<10240x64xf32, #tpu.memory_space<vmem_shared>>)
        tpu.yield
      }) : () -> ()
      %mul3A_214 = arith.constant 4 : i32
      %mul3A_215 = arith.muli %mul3A_214, %scan3A_184 : i32
      %add3A_216 = arith.constant 1 : i32
      %add3A_217 = arith.addi %mul3A_215, %add3A_216 : i32
      %add3A_218 = arith.constant 2 : i32
      %add3A_219 = arith.addi %add3A_217, %add3A_218 : i32
      %dma_start3A_220 = arith.constant 3 : i32
      %dma_start3A_221 = arith.constant 0 : i32
      %dma_start3A_222 = arith.constant 0 : i32
      %dma_start3A_223 = tpu.memref_slice %arg9[%dma_start3A_220, %dma_start3A_221, %dma_start3A_222] : memref<4x128x64xf32, #tpu.memory_space<vmem>> -> memref<1x128x64xf32, #tpu.memory_space<vmem>>
      %dma_start3A_224 = tpu.memref_squeeze %dma_start3A_223 : memref<1x128x64xf32, #tpu.memory_space<vmem>> -> memref<128x64xf32, #tpu.memory_space<vmem>>
      %dma_start3A_225 = arith.constant 0 : i32
      %dma_start3A_226 = tpu.memref_slice %arg7[%add3A_219, %dma_start3A_225] : memref<82x128xi32, #tpu.memory_space<vmem>> -> memref<1x128xi32, #tpu.memory_space<vmem>>
      %dma_start3A_227 = tpu.memref_squeeze %dma_start3A_226 : memref<1x128xi32, #tpu.memory_space<vmem>> -> memref<128xi32, #tpu.memory_space<vmem>>
      %dma_start3A_228 = arith.constant 0 : i32
      %dma_start3A_229 = arith.constant 0 : i32
      %dma_start3A_230 = tpu.memref_slice %arg2[%dma_start3A_228, %dma_start3A_229] : memref<10240x64xf32, #tpu.memory_space<hbm>> -> memref<10240x64xf32, #tpu.memory_space<hbm>>
      tpu.enqueue_indirect_dma source(%dma_start3A_230 : memref<10240x64xf32, #tpu.memory_space<hbm>>) target(%dma_start3A_224 : memref<128x64xf32, #tpu.memory_space<vmem>>) offsets(%dma_start3A_227 : memref<128xi32, #tpu.memory_space<vmem>>) semaphore(%arg14 : memref<!tpu.dma_semaphore, #tpu.memory_space<semaphore_mem>>)
      %dma_wait3A_231 = arith.constant 1 : i32
      %dma_wait3A_232 = arith.constant 0 : i32
      %dma_wait3A_233 = arith.constant 0 : i32
      %dma_wait3A_234 = tpu.memref_slice %arg9[%dma_wait3A_231, %dma_wait3A_232, %dma_wait3A_233] : memref<4x128x64xf32, #tpu.memory_space<vmem>> -> memref<1x128x64xf32, #tpu.memory_space<vmem>>
      %dma_wait3A_235 = tpu.memref_squeeze %dma_wait3A_234 : memref<1x128x64xf32, #tpu.memory_space<vmem>> -> memref<128x64xf32, #tpu.memory_space<vmem>>
      %dma_wait3A_236 = arith.constant 0 : i32
      %dma_wait3A_237 = tpu.memref_slice %arg7[%add3A_217, %dma_wait3A_236] : memref<82x128xi32, #tpu.memory_space<vmem>> -> memref<1x128xi32, #tpu.memory_space<vmem>>
      %dma_wait3A_238 = tpu.memref_squeeze %dma_wait3A_237 : memref<1x128xi32, #tpu.memory_space<vmem>> -> memref<128xi32, #tpu.memory_space<vmem>>
      %dma_wait3A_239 = arith.constant 0 : i32
      %dma_wait3A_240 = arith.constant 0 : i32
      %dma_wait3A_241 = tpu.memref_slice %arg2[%dma_wait3A_239, %dma_wait3A_240] : memref<10240x64xf32, #tpu.memory_space<hbm>> -> memref<10240x64xf32, #tpu.memory_space<hbm>>
      tpu.wait_indirect_dma semaphore(%arg12 : memref<!tpu.dma_semaphore, #tpu.memory_space<semaphore_mem>>) src(%dma_wait3A_241 : memref<10240x64xf32, #tpu.memory_space<hbm>>) dst(%dma_wait3A_235 : memref<128x64xf32, #tpu.memory_space<vmem>>)
      %run_scoped3A_242 = arith.constant 1 : i32
      "tpu.region"() ({
        %run_scoped3A_302 = tpu.sem_alloc : memref<!tpu.dma_semaphore, #tpu.memory_space<semaphore_mem>>
        %dma_start3A_303 = arith.constant 0 : i32
        %dma_start3A_304 = arith.constant 0 : i32
        %dma_start3A_305 = tpu.memref_slice %arg9[%run_scoped3A_242, %dma_start3A_303, %dma_start3A_304] : memref<4x128x64xf32, #tpu.memory_space<vmem>> -> memref<1x128x64xf32, #tpu.memory_space<vmem>>
        %dma_start3A_306 = tpu.memref_squeeze %dma_start3A_305 : memref<1x128x64xf32, #tpu.memory_space<vmem>> -> memref<128x64xf32, #tpu.memory_space<vmem>>
        %dma_start3A_307 = arith.constant 0 : i32
        %dma_start3A_308 = tpu.memref_slice %arg8[%add3A_217, %dma_start3A_307] : memref<82x128xi32, #tpu.memory_space<vmem>> -> memref<1x128xi32, #tpu.memory_space<vmem>>
        %dma_start3A_309 = tpu.memref_squeeze %dma_start3A_308 : memref<1x128xi32, #tpu.memory_space<vmem>> -> memref<128xi32, #tpu.memory_space<vmem>>
        %dma_start3A_310 = arith.constant 0 : i32
        %dma_start3A_311 = arith.constant 0 : i32
        %dma_start3A_312 = tpu.memref_slice %arg6[%dma_start3A_310, %dma_start3A_311] : memref<10240x64xf32, #tpu.memory_space<vmem_shared>> -> memref<10240x64xf32, #tpu.memory_space<vmem_shared>>
        tpu.enqueue_indirect_dma source(%dma_start3A_306 : memref<128x64xf32, #tpu.memory_space<vmem>>) target(%dma_start3A_312 : memref<10240x64xf32, #tpu.memory_space<vmem_shared>>) offsets(%dma_start3A_309 : memref<128xi32, #tpu.memory_space<vmem>>) semaphore(%run_scoped3A_302 : memref<!tpu.dma_semaphore, #tpu.memory_space<semaphore_mem>>) {add = true}
        %dma_wait3A_313 = arith.constant 0 : i32
        %dma_wait3A_314 = arith.constant 0 : i32
        %dma_wait3A_315 = tpu.memref_slice %arg9[%run_scoped3A_242, %dma_wait3A_313, %dma_wait3A_314] : memref<4x128x64xf32, #tpu.memory_space<vmem>> -> memref<1x128x64xf32, #tpu.memory_space<vmem>>
        %dma_wait3A_316 = tpu.memref_squeeze %dma_wait3A_315 : memref<1x128x64xf32, #tpu.memory_space<vmem>> -> memref<128x64xf32, #tpu.memory_space<vmem>>
        %dma_wait3A_317 = arith.constant 0 : i32
        %dma_wait3A_318 = tpu.memref_slice %arg8[%add3A_217, %dma_wait3A_317] : memref<82x128xi32, #tpu.memory_space<vmem>> -> memref<1x128xi32, #tpu.memory_space<vmem>>
        %dma_wait3A_319 = tpu.memref_squeeze %dma_wait3A_318 : memref<1x128xi32, #tpu.memory_space<vmem>> -> memref<128xi32, #tpu.memory_space<vmem>>
        %dma_wait3A_320 = arith.constant 0 : i32
        %dma_wait3A_321 = arith.constant 0 : i32
        %dma_wait3A_322 = tpu.memref_slice %arg6[%dma_wait3A_320, %dma_wait3A_321] : memref<10240x64xf32, #tpu.memory_space<vmem_shared>> -> memref<10240x64xf32, #tpu.memory_space<vmem_shared>>
        tpu.wait_indirect_dma semaphore(%run_scoped3A_302 : memref<!tpu.dma_semaphore, #tpu.memory_space<semaphore_mem>>) src(%dma_wait3A_316 : memref<128x64xf32, #tpu.memory_space<vmem>>) dst(%dma_wait3A_322 : memref<10240x64xf32, #tpu.memory_space<vmem_shared>>)
        tpu.yield
      }) : () -> ()
      %mul3A_243 = arith.constant 4 : i32
      %mul3A_244 = arith.muli %mul3A_243, %scan3A_184 : i32
      %add3A_245 = arith.constant 2 : i32
      %add3A_246 = arith.addi %mul3A_244, %add3A_245 : i32
      %add3A_247 = arith.constant 2 : i32
      %add3A_248 = arith.addi %add3A_246, %add3A_247 : i32
      %dma_start3A_249 = arith.constant 0 : i32
      %dma_start3A_250 = arith.constant 0 : i32
      %dma_start3A_251 = arith.constant 0 : i32
      %dma_start3A_252 = tpu.memref_slice %arg9[%dma_start3A_249, %dma_start3A_250, %dma_start3A_251] : memref<4x128x64xf32, #tpu.memory_space<vmem>> -> memref<1x128x64xf32, #tpu.memory_space<vmem>>
      %dma_start3A_253 = tpu.memref_squeeze %dma_start3A_252 : memref<1x128x64xf32, #tpu.memory_space<vmem>> -> memref<128x64xf32, #tpu.memory_space<vmem>>
      %dma_start3A_254 = arith.constant 0 : i32
      %dma_start3A_255 = tpu.memref_slice %arg7[%add3A_248, %dma_start3A_254] : memref<82x128xi32, #tpu.memory_space<vmem>> -> memref<1x128xi32, #tpu.memory_space<vmem>>
      %dma_start3A_256 = tpu.memref_squeeze %dma_start3A_255 : memref<1x128xi32, #tpu.memory_space<vmem>> -> memref<128xi32, #tpu.memory_space<vmem>>
      %dma_start3A_257 = arith.constant 0 : i32
      %dma_start3A_258 = arith.constant 0 : i32
      %dma_start3A_259 = tpu.memref_slice %arg2[%dma_start3A_257, %dma_start3A_258] : memref<10240x64xf32, #tpu.memory_space<hbm>> -> memref<10240x64xf32, #tpu.memory_space<hbm>>
      tpu.enqueue_indirect_dma source(%dma_start3A_259 : memref<10240x64xf32, #tpu.memory_space<hbm>>) target(%dma_start3A_253 : memref<128x64xf32, #tpu.memory_space<vmem>>) offsets(%dma_start3A_256 : memref<128xi32, #tpu.memory_space<vmem>>) semaphore(%arg11 : memref<!tpu.dma_semaphore, #tpu.memory_space<semaphore_mem>>)
      %dma_wait3A_260 = arith.constant 2 : i32
      %dma_wait3A_261 = arith.constant 0 : i32
      %dma_wait3A_262 = arith.constant 0 : i32
      %dma_wait3A_263 = tpu.memref_slice %arg9[%dma_wait3A_260, %dma_wait3A_261, %dma_wait3A_262] : memref<4x128x64xf32, #tpu.memory_space<vmem>> -> memref<1x128x64xf32, #tpu.memory_space<vmem>>
      %dma_wait3A_264 = tpu.memref_squeeze %dma_wait3A_263 : memref<1x128x64xf32, #tpu.memory_space<vmem>> -> memref<128x64xf32, #tpu.memory_space<vmem>>
      %dma_wait3A_265 = arith.constant 0 : i32
      %dma_wait3A_266 = tpu.memref_slice %arg7[%add3A_246, %dma_wait3A_265] : memref<82x128xi32, #tpu.memory_space<vmem>> -> memref<1x128xi32, #tpu.memory_space<vmem>>
      %dma_wait3A_267 = tpu.memref_squeeze %dma_wait3A_266 : memref<1x128xi32, #tpu.memory_space<vmem>> -> memref<128xi32, #tpu.memory_space<vmem>>
      %dma_wait3A_268 = arith.constant 0 : i32
      %dma_wait3A_269 = arith.constant 0 : i32
      %dma_wait3A_270 = tpu.memref_slice %arg2[%dma_wait3A_268, %dma_wait3A_269] : memref<10240x64xf32, #tpu.memory_space<hbm>> -> memref<10240x64xf32, #tpu.memory_space<hbm>>
      tpu.wait_indirect_dma semaphore(%arg13 : memref<!tpu.dma_semaphore, #tpu.memory_space<semaphore_mem>>) src(%dma_wait3A_270 : memref<10240x64xf32, #tpu.memory_space<hbm>>) dst(%dma_wait3A_264 : memref<128x64xf32, #tpu.memory_space<vmem>>)
      %run_scoped3A_271 = arith.constant 2 : i32
      "tpu.region"() ({
        %run_scoped3A_302 = tpu.sem_alloc : memref<!tpu.dma_semaphore, #tpu.memory_space<semaphore_mem>>
        %dma_start3A_303 = arith.constant 0 : i32
        %dma_start3A_304 = arith.constant 0 : i32
        %dma_start3A_305 = tpu.memref_slice %arg9[%run_scoped3A_271, %dma_start3A_303, %dma_start3A_304] : memref<4x128x64xf32, #tpu.memory_space<vmem>> -> memref<1x128x64xf32, #tpu.memory_space<vmem>>
        %dma_start3A_306 = tpu.memref_squeeze %dma_start3A_305 : memref<1x128x64xf32, #tpu.memory_space<vmem>> -> memref<128x64xf32, #tpu.memory_space<vmem>>
        %dma_start3A_307 = arith.constant 0 : i32
        %dma_start3A_308 = tpu.memref_slice %arg8[%add3A_246, %dma_start3A_307] : memref<82x128xi32, #tpu.memory_space<vmem>> -> memref<1x128xi32, #tpu.memory_space<vmem>>
        %dma_start3A_309 = tpu.memref_squeeze %dma_start3A_308 : memref<1x128xi32, #tpu.memory_space<vmem>> -> memref<128xi32, #tpu.memory_space<vmem>>
        %dma_start3A_310 = arith.constant 0 : i32
        %dma_start3A_311 = arith.constant 0 : i32
        %dma_start3A_312 = tpu.memref_slice %arg6[%dma_start3A_310, %dma_start3A_311] : memref<10240x64xf32, #tpu.memory_space<vmem_shared>> -> memref<10240x64xf32, #tpu.memory_space<vmem_shared>>
        tpu.enqueue_indirect_dma source(%dma_start3A_306 : memref<128x64xf32, #tpu.memory_space<vmem>>) target(%dma_start3A_312 : memref<10240x64xf32, #tpu.memory_space<vmem_shared>>) offsets(%dma_start3A_309 : memref<128xi32, #tpu.memory_space<vmem>>) semaphore(%run_scoped3A_302 : memref<!tpu.dma_semaphore, #tpu.memory_space<semaphore_mem>>) {add = true}
        %dma_wait3A_313 = arith.constant 0 : i32
        %dma_wait3A_314 = arith.constant 0 : i32
        %dma_wait3A_315 = tpu.memref_slice %arg9[%run_scoped3A_271, %dma_wait3A_313, %dma_wait3A_314] : memref<4x128x64xf32, #tpu.memory_space<vmem>> -> memref<1x128x64xf32, #tpu.memory_space<vmem>>
        %dma_wait3A_316 = tpu.memref_squeeze %dma_wait3A_315 : memref<1x128x64xf32, #tpu.memory_space<vmem>> -> memref<128x64xf32, #tpu.memory_space<vmem>>
        %dma_wait3A_317 = arith.constant 0 : i32
        %dma_wait3A_318 = tpu.memref_slice %arg8[%add3A_246, %dma_wait3A_317] : memref<82x128xi32, #tpu.memory_space<vmem>> -> memref<1x128xi32, #tpu.memory_space<vmem>>
        %dma_wait3A_319 = tpu.memref_squeeze %dma_wait3A_318 : memref<1x128xi32, #tpu.memory_space<vmem>> -> memref<128xi32, #tpu.memory_space<vmem>>
        %dma_wait3A_320 = arith.constant 0 : i32
        %dma_wait3A_321 = arith.constant 0 : i32
        %dma_wait3A_322 = tpu.memref_slice %arg6[%dma_wait3A_320, %dma_wait3A_321] : memref<10240x64xf32, #tpu.memory_space<vmem_shared>> -> memref<10240x64xf32, #tpu.memory_space<vmem_shared>>
        tpu.wait_indirect_dma semaphore(%run_scoped3A_302 : memref<!tpu.dma_semaphore, #tpu.memory_space<semaphore_mem>>) src(%dma_wait3A_316 : memref<128x64xf32, #tpu.memory_space<vmem>>) dst(%dma_wait3A_322 : memref<10240x64xf32, #tpu.memory_space<vmem_shared>>)
        tpu.yield
      }) : () -> ()
      %mul3A_272 = arith.constant 4 : i32
      %mul3A_273 = arith.muli %mul3A_272, %scan3A_184 : i32
      %add3A_274 = arith.constant 3 : i32
      %add3A_275 = arith.addi %mul3A_273, %add3A_274 : i32
      %add3A_276 = arith.constant 2 : i32
      %add3A_277 = arith.addi %add3A_275, %add3A_276 : i32
      %dma_start3A_278 = arith.constant 1 : i32
      %dma_start3A_279 = arith.constant 0 : i32
      %dma_start3A_280 = arith.constant 0 : i32
      %dma_start3A_281 = tpu.memref_slice %arg9[%dma_start3A_278, %dma_start3A_279, %dma_start3A_280] : memref<4x128x64xf32, #tpu.memory_space<vmem>> -> memref<1x128x64xf32, #tpu.memory_space<vmem>>
      %dma_start3A_282 = tpu.memref_squeeze %dma_start3A_281 : memref<1x128x64xf32, #tpu.memory_space<vmem>> -> memref<128x64xf32, #tpu.memory_space<vmem>>
      %dma_start3A_283 = arith.constant 0 : i32
      %dma_start3A_284 = tpu.memref_slice %arg7[%add3A_277, %dma_start3A_283] : memref<82x128xi32, #tpu.memory_space<vmem>> -> memref<1x128xi32, #tpu.memory_space<vmem>>
      %dma_start3A_285 = tpu.memref_squeeze %dma_start3A_284 : memref<1x128xi32, #tpu.memory_space<vmem>> -> memref<128xi32, #tpu.memory_space<vmem>>
      %dma_start3A_286 = arith.constant 0 : i32
      %dma_start3A_287 = arith.constant 0 : i32
      %dma_start3A_288 = tpu.memref_slice %arg2[%dma_start3A_286, %dma_start3A_287] : memref<10240x64xf32, #tpu.memory_space<hbm>> -> memref<10240x64xf32, #tpu.memory_space<hbm>>
      tpu.enqueue_indirect_dma source(%dma_start3A_288 : memref<10240x64xf32, #tpu.memory_space<hbm>>) target(%dma_start3A_282 : memref<128x64xf32, #tpu.memory_space<vmem>>) offsets(%dma_start3A_285 : memref<128xi32, #tpu.memory_space<vmem>>) semaphore(%arg12 : memref<!tpu.dma_semaphore, #tpu.memory_space<semaphore_mem>>)
      %dma_wait3A_289 = arith.constant 3 : i32
      %dma_wait3A_290 = arith.constant 0 : i32
      %dma_wait3A_291 = arith.constant 0 : i32
      %dma_wait3A_292 = tpu.memref_slice %arg9[%dma_wait3A_289, %dma_wait3A_290, %dma_wait3A_291] : memref<4x128x64xf32, #tpu.memory_space<vmem>> -> memref<1x128x64xf32, #tpu.memory_space<vmem>>
      %dma_wait3A_293 = tpu.memref_squeeze %dma_wait3A_292 : memref<1x128x64xf32, #tpu.memory_space<vmem>> -> memref<128x64xf32, #tpu.memory_space<vmem>>
      %dma_wait3A_294 = arith.constant 0 : i32
      %dma_wait3A_295 = tpu.memref_slice %arg7[%add3A_275, %dma_wait3A_294] : memref<82x128xi32, #tpu.memory_space<vmem>> -> memref<1x128xi32, #tpu.memory_space<vmem>>
      %dma_wait3A_296 = tpu.memref_squeeze %dma_wait3A_295 : memref<1x128xi32, #tpu.memory_space<vmem>> -> memref<128xi32, #tpu.memory_space<vmem>>
      %dma_wait3A_297 = arith.constant 0 : i32
      %dma_wait3A_298 = arith.constant 0 : i32
      %dma_wait3A_299 = tpu.memref_slice %arg2[%dma_wait3A_297, %dma_wait3A_298] : memref<10240x64xf32, #tpu.memory_space<hbm>> -> memref<10240x64xf32, #tpu.memory_space<hbm>>
      tpu.wait_indirect_dma semaphore(%arg14 : memref<!tpu.dma_semaphore, #tpu.memory_space<semaphore_mem>>) src(%dma_wait3A_299 : memref<10240x64xf32, #tpu.memory_space<hbm>>) dst(%dma_wait3A_293 : memref<128x64xf32, #tpu.memory_space<vmem>>)
      %run_scoped3A_300 = arith.constant 3 : i32
      "tpu.region"() ({
        %run_scoped3A_302 = tpu.sem_alloc : memref<!tpu.dma_semaphore, #tpu.memory_space<semaphore_mem>>
        %dma_start3A_303 = arith.constant 0 : i32
        %dma_start3A_304 = arith.constant 0 : i32
        %dma_start3A_305 = tpu.memref_slice %arg9[%run_scoped3A_300, %dma_start3A_303, %dma_start3A_304] : memref<4x128x64xf32, #tpu.memory_space<vmem>> -> memref<1x128x64xf32, #tpu.memory_space<vmem>>
        %dma_start3A_306 = tpu.memref_squeeze %dma_start3A_305 : memref<1x128x64xf32, #tpu.memory_space<vmem>> -> memref<128x64xf32, #tpu.memory_space<vmem>>
        %dma_start3A_307 = arith.constant 0 : i32
        %dma_start3A_308 = tpu.memref_slice %arg8[%add3A_275, %dma_start3A_307] : memref<82x128xi32, #tpu.memory_space<vmem>> -> memref<1x128xi32, #tpu.memory_space<vmem>>
        %dma_start3A_309 = tpu.memref_squeeze %dma_start3A_308 : memref<1x128xi32, #tpu.memory_space<vmem>> -> memref<128xi32, #tpu.memory_space<vmem>>
        %dma_start3A_310 = arith.constant 0 : i32
        %dma_start3A_311 = arith.constant 0 : i32
        %dma_start3A_312 = tpu.memref_slice %arg6[%dma_start3A_310, %dma_start3A_311] : memref<10240x64xf32, #tpu.memory_space<vmem_shared>> -> memref<10240x64xf32, #tpu.memory_space<vmem_shared>>
        tpu.enqueue_indirect_dma source(%dma_start3A_306 : memref<128x64xf32, #tpu.memory_space<vmem>>) target(%dma_start3A_312 : memref<10240x64xf32, #tpu.memory_space<vmem_shared>>) offsets(%dma_start3A_309 : memref<128xi32, #tpu.memory_space<vmem>>) semaphore(%run_scoped3A_302 : memref<!tpu.dma_semaphore, #tpu.memory_space<semaphore_mem>>) {add = true}
        %dma_wait3A_313 = arith.constant 0 : i32
        %dma_wait3A_314 = arith.constant 0 : i32
        %dma_wait3A_315 = tpu.memref_slice %arg9[%run_scoped3A_300, %dma_wait3A_313, %dma_wait3A_314] : memref<4x128x64xf32, #tpu.memory_space<vmem>> -> memref<1x128x64xf32, #tpu.memory_space<vmem>>
        %dma_wait3A_316 = tpu.memref_squeeze %dma_wait3A_315 : memref<1x128x64xf32, #tpu.memory_space<vmem>> -> memref<128x64xf32, #tpu.memory_space<vmem>>
        %dma_wait3A_317 = arith.constant 0 : i32
        %dma_wait3A_318 = tpu.memref_slice %arg8[%add3A_275, %dma_wait3A_317] : memref<82x128xi32, #tpu.memory_space<vmem>> -> memref<1x128xi32, #tpu.memory_space<vmem>>
        %dma_wait3A_319 = tpu.memref_squeeze %dma_wait3A_318 : memref<1x128xi32, #tpu.memory_space<vmem>> -> memref<128xi32, #tpu.memory_space<vmem>>
        %dma_wait3A_320 = arith.constant 0 : i32
        %dma_wait3A_321 = arith.constant 0 : i32
        %dma_wait3A_322 = tpu.memref_slice %arg6[%dma_wait3A_320, %dma_wait3A_321] : memref<10240x64xf32, #tpu.memory_space<vmem_shared>> -> memref<10240x64xf32, #tpu.memory_space<vmem_shared>>
        tpu.wait_indirect_dma semaphore(%run_scoped3A_302 : memref<!tpu.dma_semaphore, #tpu.memory_space<semaphore_mem>>) src(%dma_wait3A_316 : memref<128x64xf32, #tpu.memory_space<vmem>>) dst(%dma_wait3A_322 : memref<10240x64xf32, #tpu.memory_space<vmem_shared>>)
        tpu.yield
      }) : () -> ()
      %scan3A_301 = arith.constant 0 : i32
      scf.yield %scan3A_301 : i32
    }
    %scan3A_155 = arith.constant 20 : i32
    %dma_wait3A = arith.constant 80 : i32
    %dma_wait3A_156 = arith.constant 0 : i32
    %dma_wait3A_157 = arith.constant 0 : i32
    %dma_wait3A_158 = arith.constant 0 : i32
    %dma_wait3A_159 = tpu.memref_slice %arg9[%dma_wait3A_156, %dma_wait3A_157, %dma_wait3A_158] : memref<4x128x64xf32, #tpu.memory_space<vmem>> -> memref<1x128x64xf32, #tpu.memory_space<vmem>>
    %dma_wait3A_160 = tpu.memref_squeeze %dma_wait3A_159 : memref<1x128x64xf32, #tpu.memory_space<vmem>> -> memref<128x64xf32, #tpu.memory_space<vmem>>
    %dma_wait3A_161 = arith.constant 0 : i32
    %dma_wait3A_162 = tpu.memref_slice %arg7[%dma_wait3A, %dma_wait3A_161] : memref<82x128xi32, #tpu.memory_space<vmem>> -> memref<1x128xi32, #tpu.memory_space<vmem>>
    %dma_wait3A_163 = tpu.memref_squeeze %dma_wait3A_162 : memref<1x128xi32, #tpu.memory_space<vmem>> -> memref<128xi32, #tpu.memory_space<vmem>>
    %dma_wait3A_164 = arith.constant 0 : i32
    %dma_wait3A_165 = arith.constant 0 : i32
    %dma_wait3A_166 = tpu.memref_slice %arg2[%dma_wait3A_164, %dma_wait3A_165] : memref<10240x64xf32, #tpu.memory_space<hbm>> -> memref<10240x64xf32, #tpu.memory_space<hbm>>
    tpu.wait_indirect_dma semaphore(%arg11 : memref<!tpu.dma_semaphore, #tpu.memory_space<semaphore_mem>>) src(%dma_wait3A_166 : memref<10240x64xf32, #tpu.memory_space<hbm>>) dst(%dma_wait3A_160 : memref<128x64xf32, #tpu.memory_space<vmem>>)
    %dma_wait3A_167 = arith.constant 81 : i32
    %dma_wait3A_168 = arith.constant 1 : i32
    %dma_wait3A_169 = arith.constant 0 : i32
    %dma_wait3A_170 = arith.constant 0 : i32
    %dma_wait3A_171 = tpu.memref_slice %arg9[%dma_wait3A_168, %dma_wait3A_169, %dma_wait3A_170] : memref<4x128x64xf32, #tpu.memory_space<vmem>> -> memref<1x128x64xf32, #tpu.memory_space<vmem>>
    %dma_wait3A_172 = tpu.memref_squeeze %dma_wait3A_171 : memref<1x128x64xf32, #tpu.memory_space<vmem>> -> memref<128x64xf32, #tpu.memory_space<vmem>>
    %dma_wait3A_173 = arith.constant 0 : i32
    %dma_wait3A_174 = tpu.memref_slice %arg7[%dma_wait3A_167, %dma_wait3A_173] : memref<82x128xi32, #tpu.memory_space<vmem>> -> memref<1x128xi32, #tpu.memory_space<vmem>>
    %dma_wait3A_175 = tpu.memref_squeeze %dma_wait3A_174 : memref<1x128xi32, #tpu.memory_space<vmem>> -> memref<128xi32, #tpu.memory_space<vmem>>
    %dma_wait3A_176 = arith.constant 0 : i32
    %dma_wait3A_177 = arith.constant 0 : i32
    %dma_wait3A_178 = tpu.memref_slice %arg2[%dma_wait3A_176, %dma_wait3A_177] : memref<10240x64xf32, #tpu.memory_space<hbm>> -> memref<10240x64xf32, #tpu.memory_space<hbm>>
    tpu.wait_indirect_dma semaphore(%arg12 : memref<!tpu.dma_semaphore, #tpu.memory_space<semaphore_mem>>) src(%dma_wait3A_178 : memref<10240x64xf32, #tpu.memory_space<hbm>>) dst(%dma_wait3A_172 : memref<128x64xf32, #tpu.memory_space<vmem>>)
    %barrier3A_179 = arith.constant 0 : index
    tpu.barrier barrier_id(%barrier3A_179)
    %mul3A_180 = arith.constant 640 : i32
    %mul3A_181 = arith.muli %arg1, %mul3A_180 : i32
    %mul3A_182 = arith.constant 640 : i32
    %mul3A_183 = arith.muli %arg1, %mul3A_182 : i32
    "tpu.region"() ({
      %run_scoped3A = tpu.sem_alloc : memref<!tpu.dma_semaphore, #tpu.memory_space<semaphore_mem>>
      %dma_start3A_184 = arith.constant 0 : i32
      %dma_start3A_185 = tpu.memref_slice %arg5[%arg0, %mul3A_183, %dma_start3A_184] : memref<2x10240x64xf32, #tpu.memory_space<hbm>> -> memref<1x640x64xf32, #tpu.memory_space<hbm>>
      %dma_start3A_186 = tpu.memref_squeeze %dma_start3A_185 : memref<1x640x64xf32, #tpu.memory_space<hbm>> -> memref<640x64xf32, #tpu.memory_space<hbm>>
      %dma_start3A_187 = arith.constant 0 : i32
      %dma_start3A_188 = tpu.memref_slice %arg6[%mul3A_181, %dma_start3A_187] : memref<10240x64xf32, #tpu.memory_space<vmem_shared>> -> memref<640x64xf32, #tpu.memory_space<vmem_shared>>
      tpu.enqueue_dma source(%dma_start3A_188 : memref<640x64xf32, #tpu.memory_space<vmem_shared>>) target(%dma_start3A_186 : memref<640x64xf32, #tpu.memory_space<hbm>>) target_semaphore(%run_scoped3A : memref<!tpu.dma_semaphore, #tpu.memory_space<semaphore_mem>>)
      %dma_wait3A_189 = arith.constant 0 : i32
      %dma_wait3A_190 = tpu.memref_slice %arg5[%arg0, %mul3A_183, %dma_wait3A_189] : memref<2x10240x64xf32, #tpu.memory_space<hbm>> -> memref<1x640x64xf32, #tpu.memory_space<hbm>>
      %dma_wait3A_191 = tpu.memref_squeeze %dma_wait3A_190 : memref<1x640x64xf32, #tpu.memory_space<hbm>> -> memref<640x64xf32, #tpu.memory_space<hbm>>
      %dma_wait3A_192 = arith.constant 0 : i32
      %dma_wait3A_193 = tpu.memref_slice %arg6[%mul3A_181, %dma_wait3A_192] : memref<10240x64xf32, #tpu.memory_space<vmem_shared>> -> memref<640x64xf32, #tpu.memory_space<vmem_shared>>
      tpu.wait_dma2 semaphore(%run_scoped3A : memref<!tpu.dma_semaphore, #tpu.memory_space<semaphore_mem>>) src(%dma_wait3A_193 : memref<640x64xf32, #tpu.memory_space<vmem_shared>>) dst(%dma_wait3A_191 : memref<640x64xf32, #tpu.memory_space<hbm>>)
      tpu.yield
    }) : () -> ()
    return
  }
}

#map = affine_map<(d0, d1) -> (0, 0)>
#map1 = affine_map<(d0, d1) -> (0, 0, 0)>
module attributes {stable_mosaic.version = 14 : i64} {
  func.func @_sc_body(%arg0: i32, %arg1: i32, %arg2: memref<10240x16xf32, #tpu.memory_space<hbm>>, %arg3: memref<32x80x128xi32, #tpu.memory_space<hbm>>, %arg4: memref<32x80x128xi32, #tpu.memory_space<hbm>>, %arg5: memref<2x10240x16xf32, #tpu.memory_space<hbm>>, %arg6: memref<2x10240x16xf32, #tpu.memory_space<hbm>>, %arg7: memref<10240x16xf32, #tpu.memory_space<vmem_shared>>, %arg8: memref<10240x16xf32, #tpu.memory_space<vmem_shared>>, %arg9: memref<82x128xi32, #tpu.memory_space<vmem>>, %arg10: memref<82x128xi32, #tpu.memory_space<vmem>>, %arg11: memref<4x128x16xf32, #tpu.memory_space<vmem>>, %arg12: memref<128x16xf32, #tpu.memory_space<vmem>>, %arg13: memref<128x16xf32, #tpu.memory_space<vmem>>, %arg14: memref<!tpu.dma_semaphore, #tpu.memory_space<semaphore_mem>>, %arg15: memref<!tpu.dma_semaphore, #tpu.memory_space<semaphore_mem>>, %arg16: memref<!tpu.dma_semaphore, #tpu.memory_space<semaphore_mem>>, %arg17: memref<!tpu.dma_semaphore, #tpu.memory_space<semaphore_mem>>) attributes {dimension_semantics = [#tpu.dimension_semantics<core_parallel>, #tpu.dimension_semantics<subcore_parallel>], iteration_bounds = array<i64: 2, 16>, scalar_prefetch = 0 : i64, scratch_operands = 11 : i64, tpu.core_type = #tpu.core_type<sc_vector_subcore>, window_params = [{transform_indices = #map}, {transform_indices = #map1}, {transform_indices = #map1}, {transform_indices = #map1}, {transform_indices = #map1}]} {
    %mul3A = arith.constant 16 : i32
    %mul3A_0 = arith.muli %arg0, %mul3A : i32
    %add3A = arith.addi %mul3A_0, %arg1 : i32
    %broadcast_in_dim3A = arith.constant 0.000000e+00 : f32
    %broadcast_in_dim3A_1 = vector.broadcast %broadcast_in_dim3A : f32 to vector<16xf32>
    %scan3A = arith.constant 0 : i32
    %scan3A_2 = arith.constant 0 : i32
    %scan3A_3 = arith.constant 128 : i32
    %scan3A_4 = arith.addi %scan3A_2, %scan3A_3 : i32
    %scan3A_5 = arith.constant 1 : i32
    %scan3A_6 = scf.for %scan3A_197 = %scan3A_2 to %scan3A_4 step %scan3A_5 iter_args(%scan3A_198 = %scan3A) -> (i32)  : i32 {
      %swap3A_199 = arith.index_cast %scan3A_197 : i32 to index
      %swap3A_200 = arith.constant 0 : index
      %swap3A_201 = tpu.vector_load %arg12[%swap3A_199, %swap3A_200] {strides = array<i32>} : memref<128x16xf32, #tpu.memory_space<vmem>>, vector<1x16xf32>,
      %swap3A_202 = vector.shape_cast %swap3A_201 : vector<1x16xf32> to vector<16xf32>
      %swap3A_203 = vector.shape_cast %broadcast_in_dim3A_1 : vector<16xf32> to vector<1x16xf32>
      tpu.vector_store %arg12[%swap3A_199, %swap3A_200], %swap3A_203 {strides = array<i32>} : memref<128x16xf32, #tpu.memory_space<vmem>>, vector<1x16xf32>,
      %scan3A_204 = arith.constant 0 : i32
      scf.yield %scan3A_204 : i32
    }
    %scan3A_7 = arith.constant 128 : i32
    %broadcast_in_dim3A_8 = arith.constant 1.000000e+00 : f32
    %broadcast_in_dim3A_9 = vector.broadcast %broadcast_in_dim3A_8 : f32 to vector<16xf32>
    %scan3A_10 = arith.constant 0 : i32
    %scan3A_11 = arith.constant 0 : i32
    %scan3A_12 = arith.constant 128 : i32
    %scan3A_13 = arith.addi %scan3A_11, %scan3A_12 : i32
    %scan3A_14 = arith.constant 1 : i32
    %scan3A_15 = scf.for %scan3A_197 = %scan3A_11 to %scan3A_13 step %scan3A_14 iter_args(%scan3A_198 = %scan3A_10) -> (i32)  : i32 {
      %swap3A_199 = arith.index_cast %scan3A_197 : i32 to index
      %swap3A_200 = arith.constant 0 : index
      %swap3A_201 = tpu.vector_load %arg13[%swap3A_199, %swap3A_200] {strides = array<i32>} : memref<128x16xf32, #tpu.memory_space<vmem>>, vector<1x16xf32>,
      %swap3A_202 = vector.shape_cast %swap3A_201 : vector<1x16xf32> to vector<16xf32>
      %swap3A_203 = vector.shape_cast %broadcast_in_dim3A_9 : vector<16xf32> to vector<1x16xf32>
      tpu.vector_store %arg13[%swap3A_199, %swap3A_200], %swap3A_203 {strides = array<i32>} : memref<128x16xf32, #tpu.memory_space<vmem>>, vector<1x16xf32>,
      %scan3A_204 = arith.constant 0 : i32
      scf.yield %scan3A_204 : i32
    }
    %scan3A_16 = arith.constant 128 : i32
    %mul3A_17 = arith.constant 640 : i32
    %mul3A_18 = arith.muli %arg1, %mul3A_17 : i32
    %add3A_19 = arith.constant 0 : i32
    %add3A_20 = arith.addi %mul3A_18, %add3A_19 : i32
    "tpu.region"() ({
      %run_scoped3A = tpu.sem_alloc : memref<!tpu.dma_semaphore, #tpu.memory_space<semaphore_mem>>
      %dma_start3A_197 = arith.constant 0 : i32
      %dma_start3A_198 = tpu.memref_slice %arg7[%add3A_20, %dma_start3A_197] : memref<10240x16xf32, #tpu.memory_space<vmem_shared>> -> memref<128x16xf32, #tpu.memory_space<vmem_shared>>
      %dma_start3A_199 = arith.constant 0 : i32
      %dma_start3A_200 = tpu.memref_slice %arg7[%add3A_20, %dma_start3A_199] : memref<10240x16xf32, #tpu.memory_space<vmem_shared>> -> memref<128x16xf32, #tpu.memory_space<vmem_shared>>
      tpu.enqueue_dma source(%arg12 : memref<128x16xf32, #tpu.memory_space<vmem>>) target(%dma_start3A_200 : memref<128x16xf32, #tpu.memory_space<vmem_shared>>) target_semaphore(%run_scoped3A : memref<!tpu.dma_semaphore, #tpu.memory_space<semaphore_mem>>)
      %dma_wait3A_201 = arith.constant 0 : i32
      %dma_wait3A_202 = tpu.memref_slice %arg7[%add3A_20, %dma_wait3A_201] : memref<10240x16xf32, #tpu.memory_space<vmem_shared>> -> memref<128x16xf32, #tpu.memory_space<vmem_shared>>
      %dma_wait3A_203 = arith.constant 0 : i32
      %dma_wait3A_204 = tpu.memref_slice %arg7[%add3A_20, %dma_wait3A_203] : memref<10240x16xf32, #tpu.memory_space<vmem_shared>> -> memref<128x16xf32, #tpu.memory_space<vmem_shared>>
      tpu.wait_dma2 semaphore(%run_scoped3A : memref<!tpu.dma_semaphore, #tpu.memory_space<semaphore_mem>>) src(%arg12 : memref<128x16xf32, #tpu.memory_space<vmem>>) dst(%dma_wait3A_204 : memref<128x16xf32, #tpu.memory_space<vmem_shared>>)
      tpu.yield
    }) : () -> ()
    "tpu.region"() ({
      %run_scoped3A = tpu.sem_alloc : memref<!tpu.dma_semaphore, #tpu.memory_space<semaphore_mem>>
      %dma_start3A_197 = arith.constant 0 : i32
      %dma_start3A_198 = tpu.memref_slice %arg8[%add3A_20, %dma_start3A_197] : memref<10240x16xf32, #tpu.memory_space<vmem_shared>> -> memref<128x16xf32, #tpu.memory_space<vmem_shared>>
      %dma_start3A_199 = arith.constant 0 : i32
      %dma_start3A_200 = tpu.memref_slice %arg8[%add3A_20, %dma_start3A_199] : memref<10240x16xf32, #tpu.memory_space<vmem_shared>> -> memref<128x16xf32, #tpu.memory_space<vmem_shared>>
      tpu.enqueue_dma source(%arg12 : memref<128x16xf32, #tpu.memory_space<vmem>>) target(%dma_start3A_200 : memref<128x16xf32, #tpu.memory_space<vmem_shared>>) target_semaphore(%run_scoped3A : memref<!tpu.dma_semaphore, #tpu.memory_space<semaphore_mem>>)
      %dma_wait3A_201 = arith.constant 0 : i32
      %dma_wait3A_202 = tpu.memref_slice %arg8[%add3A_20, %dma_wait3A_201] : memref<10240x16xf32, #tpu.memory_space<vmem_shared>> -> memref<128x16xf32, #tpu.memory_space<vmem_shared>>
      %dma_wait3A_203 = arith.constant 0 : i32
      %dma_wait3A_204 = tpu.memref_slice %arg8[%add3A_20, %dma_wait3A_203] : memref<10240x16xf32, #tpu.memory_space<vmem_shared>> -> memref<128x16xf32, #tpu.memory_space<vmem_shared>>
      tpu.wait_dma2 semaphore(%run_scoped3A : memref<!tpu.dma_semaphore, #tpu.memory_space<semaphore_mem>>) src(%arg12 : memref<128x16xf32, #tpu.memory_space<vmem>>) dst(%dma_wait3A_204 : memref<128x16xf32, #tpu.memory_space<vmem_shared>>)
      tpu.yield
    }) : () -> ()
    %mul3A_21 = arith.constant 640 : i32
    %mul3A_22 = arith.muli %arg1, %mul3A_21 : i32
    %add3A_23 = arith.constant 128 : i32
    %add3A_24 = arith.addi %mul3A_22, %add3A_23 : i32
    "tpu.region"() ({
      %run_scoped3A = tpu.sem_alloc : memref<!tpu.dma_semaphore, #tpu.memory_space<semaphore_mem>>
      %dma_start3A_197 = arith.constant 0 : i32
      %dma_start3A_198 = tpu.memref_slice %arg7[%add3A_24, %dma_start3A_197] : memref<10240x16xf32, #tpu.memory_space<vmem_shared>> -> memref<128x16xf32, #tpu.memory_space<vmem_shared>>
      %dma_start3A_199 = arith.constant 0 : i32
      %dma_start3A_200 = tpu.memref_slice %arg7[%add3A_24, %dma_start3A_199] : memref<10240x16xf32, #tpu.memory_space<vmem_shared>> -> memref<128x16xf32, #tpu.memory_space<vmem_shared>>
      tpu.enqueue_dma source(%arg12 : memref<128x16xf32, #tpu.memory_space<vmem>>) target(%dma_start3A_200 : memref<128x16xf32, #tpu.memory_space<vmem_shared>>) target_semaphore(%run_scoped3A : memref<!tpu.dma_semaphore, #tpu.memory_space<semaphore_mem>>)
      %dma_wait3A_201 = arith.constant 0 : i32
      %dma_wait3A_202 = tpu.memref_slice %arg7[%add3A_24, %dma_wait3A_201] : memref<10240x16xf32, #tpu.memory_space<vmem_shared>> -> memref<128x16xf32, #tpu.memory_space<vmem_shared>>
      %dma_wait3A_203 = arith.constant 0 : i32
      %dma_wait3A_204 = tpu.memref_slice %arg7[%add3A_24, %dma_wait3A_203] : memref<10240x16xf32, #tpu.memory_space<vmem_shared>> -> memref<128x16xf32, #tpu.memory_space<vmem_shared>>
      tpu.wait_dma2 semaphore(%run_scoped3A : memref<!tpu.dma_semaphore, #tpu.memory_space<semaphore_mem>>) src(%arg12 : memref<128x16xf32, #tpu.memory_space<vmem>>) dst(%dma_wait3A_204 : memref<128x16xf32, #tpu.memory_space<vmem_shared>>)
      tpu.yield
    }) : () -> ()
    "tpu.region"() ({
      %run_scoped3A = tpu.sem_alloc : memref<!tpu.dma_semaphore, #tpu.memory_space<semaphore_mem>>
      %dma_start3A_197 = arith.constant 0 : i32
      %dma_start3A_198 = tpu.memref_slice %arg8[%add3A_24, %dma_start3A_197] : memref<10240x16xf32, #tpu.memory_space<vmem_shared>> -> memref<128x16xf32, #tpu.memory_space<vmem_shared>>
      %dma_start3A_199 = arith.constant 0 : i32
      %dma_start3A_200 = tpu.memref_slice %arg8[%add3A_24, %dma_start3A_199] : memref<10240x16xf32, #tpu.memory_space<vmem_shared>> -> memref<128x16xf32, #tpu.memory_space<vmem_shared>>
      tpu.enqueue_dma source(%arg12 : memref<128x16xf32, #tpu.memory_space<vmem>>) target(%dma_start3A_200 : memref<128x16xf32, #tpu.memory_space<vmem_shared>>) target_semaphore(%run_scoped3A : memref<!tpu.dma_semaphore, #tpu.memory_space<semaphore_mem>>)
      %dma_wait3A_201 = arith.constant 0 : i32
      %dma_wait3A_202 = tpu.memref_slice %arg8[%add3A_24, %dma_wait3A_201] : memref<10240x16xf32, #tpu.memory_space<vmem_shared>> -> memref<128x16xf32, #tpu.memory_space<vmem_shared>>
      %dma_wait3A_203 = arith.constant 0 : i32
      %dma_wait3A_204 = tpu.memref_slice %arg8[%add3A_24, %dma_wait3A_203] : memref<10240x16xf32, #tpu.memory_space<vmem_shared>> -> memref<128x16xf32, #tpu.memory_space<vmem_shared>>
      tpu.wait_dma2 semaphore(%run_scoped3A : memref<!tpu.dma_semaphore, #tpu.memory_space<semaphore_mem>>) src(%arg12 : memref<128x16xf32, #tpu.memory_space<vmem>>) dst(%dma_wait3A_204 : memref<128x16xf32, #tpu.memory_space<vmem_shared>>)
      tpu.yield
    }) : () -> ()
    %mul3A_25 = arith.constant 640 : i32
    %mul3A_26 = arith.muli %arg1, %mul3A_25 : i32
    %add3A_27 = arith.constant 256 : i32
    %add3A_28 = arith.addi %mul3A_26, %add3A_27 : i32
    "tpu.region"() ({
      %run_scoped3A = tpu.sem_alloc : memref<!tpu.dma_semaphore, #tpu.memory_space<semaphore_mem>>
      %dma_start3A_197 = arith.constant 0 : i32
      %dma_start3A_198 = tpu.memref_slice %arg7[%add3A_28, %dma_start3A_197] : memref<10240x16xf32, #tpu.memory_space<vmem_shared>> -> memref<128x16xf32, #tpu.memory_space<vmem_shared>>
      %dma_start3A_199 = arith.constant 0 : i32
      %dma_start3A_200 = tpu.memref_slice %arg7[%add3A_28, %dma_start3A_199] : memref<10240x16xf32, #tpu.memory_space<vmem_shared>> -> memref<128x16xf32, #tpu.memory_space<vmem_shared>>
      tpu.enqueue_dma source(%arg12 : memref<128x16xf32, #tpu.memory_space<vmem>>) target(%dma_start3A_200 : memref<128x16xf32, #tpu.memory_space<vmem_shared>>) target_semaphore(%run_scoped3A : memref<!tpu.dma_semaphore, #tpu.memory_space<semaphore_mem>>)
      %dma_wait3A_201 = arith.constant 0 : i32
      %dma_wait3A_202 = tpu.memref_slice %arg7[%add3A_28, %dma_wait3A_201] : memref<10240x16xf32, #tpu.memory_space<vmem_shared>> -> memref<128x16xf32, #tpu.memory_space<vmem_shared>>
      %dma_wait3A_203 = arith.constant 0 : i32
      %dma_wait3A_204 = tpu.memref_slice %arg7[%add3A_28, %dma_wait3A_203] : memref<10240x16xf32, #tpu.memory_space<vmem_shared>> -> memref<128x16xf32, #tpu.memory_space<vmem_shared>>
      tpu.wait_dma2 semaphore(%run_scoped3A : memref<!tpu.dma_semaphore, #tpu.memory_space<semaphore_mem>>) src(%arg12 : memref<128x16xf32, #tpu.memory_space<vmem>>) dst(%dma_wait3A_204 : memref<128x16xf32, #tpu.memory_space<vmem_shared>>)
      tpu.yield
    }) : () -> ()
    "tpu.region"() ({
      %run_scoped3A = tpu.sem_alloc : memref<!tpu.dma_semaphore, #tpu.memory_space<semaphore_mem>>
      %dma_start3A_197 = arith.constant 0 : i32
      %dma_start3A_198 = tpu.memref_slice %arg8[%add3A_28, %dma_start3A_197] : memref<10240x16xf32, #tpu.memory_space<vmem_shared>> -> memref<128x16xf32, #tpu.memory_space<vmem_shared>>
      %dma_start3A_199 = arith.constant 0 : i32
      %dma_start3A_200 = tpu.memref_slice %arg8[%add3A_28, %dma_start3A_199] : memref<10240x16xf32, #tpu.memory_space<vmem_shared>> -> memref<128x16xf32, #tpu.memory_space<vmem_shared>>
      tpu.enqueue_dma source(%arg12 : memref<128x16xf32, #tpu.memory_space<vmem>>) target(%dma_start3A_200 : memref<128x16xf32, #tpu.memory_space<vmem_shared>>) target_semaphore(%run_scoped3A : memref<!tpu.dma_semaphore, #tpu.memory_space<semaphore_mem>>)
      %dma_wait3A_201 = arith.constant 0 : i32
      %dma_wait3A_202 = tpu.memref_slice %arg8[%add3A_28, %dma_wait3A_201] : memref<10240x16xf32, #tpu.memory_space<vmem_shared>> -> memref<128x16xf32, #tpu.memory_space<vmem_shared>>
      %dma_wait3A_203 = arith.constant 0 : i32
      %dma_wait3A_204 = tpu.memref_slice %arg8[%add3A_28, %dma_wait3A_203] : memref<10240x16xf32, #tpu.memory_space<vmem_shared>> -> memref<128x16xf32, #tpu.memory_space<vmem_shared>>
      tpu.wait_dma2 semaphore(%run_scoped3A : memref<!tpu.dma_semaphore, #tpu.memory_space<semaphore_mem>>) src(%arg12 : memref<128x16xf32, #tpu.memory_space<vmem>>) dst(%dma_wait3A_204 : memref<128x16xf32, #tpu.memory_space<vmem_shared>>)
      tpu.yield
    }) : () -> ()
    %mul3A_29 = arith.constant 640 : i32
    %mul3A_30 = arith.muli %arg1, %mul3A_29 : i32
    %add3A_31 = arith.constant 384 : i32
    %add3A_32 = arith.addi %mul3A_30, %add3A_31 : i32
    "tpu.region"() ({
      %run_scoped3A = tpu.sem_alloc : memref<!tpu.dma_semaphore, #tpu.memory_space<semaphore_mem>>
      %dma_start3A_197 = arith.constant 0 : i32
      %dma_start3A_198 = tpu.memref_slice %arg7[%add3A_32, %dma_start3A_197] : memref<10240x16xf32, #tpu.memory_space<vmem_shared>> -> memref<128x16xf32, #tpu.memory_space<vmem_shared>>
      %dma_start3A_199 = arith.constant 0 : i32
      %dma_start3A_200 = tpu.memref_slice %arg7[%add3A_32, %dma_start3A_199] : memref<10240x16xf32, #tpu.memory_space<vmem_shared>> -> memref<128x16xf32, #tpu.memory_space<vmem_shared>>
      tpu.enqueue_dma source(%arg12 : memref<128x16xf32, #tpu.memory_space<vmem>>) target(%dma_start3A_200 : memref<128x16xf32, #tpu.memory_space<vmem_shared>>) target_semaphore(%run_scoped3A : memref<!tpu.dma_semaphore, #tpu.memory_space<semaphore_mem>>)
      %dma_wait3A_201 = arith.constant 0 : i32
      %dma_wait3A_202 = tpu.memref_slice %arg7[%add3A_32, %dma_wait3A_201] : memref<10240x16xf32, #tpu.memory_space<vmem_shared>> -> memref<128x16xf32, #tpu.memory_space<vmem_shared>>
      %dma_wait3A_203 = arith.constant 0 : i32
      %dma_wait3A_204 = tpu.memref_slice %arg7[%add3A_32, %dma_wait3A_203] : memref<10240x16xf32, #tpu.memory_space<vmem_shared>> -> memref<128x16xf32, #tpu.memory_space<vmem_shared>>
      tpu.wait_dma2 semaphore(%run_scoped3A : memref<!tpu.dma_semaphore, #tpu.memory_space<semaphore_mem>>) src(%arg12 : memref<128x16xf32, #tpu.memory_space<vmem>>) dst(%dma_wait3A_204 : memref<128x16xf32, #tpu.memory_space<vmem_shared>>)
      tpu.yield
    }) : () -> ()
    "tpu.region"() ({
      %run_scoped3A = tpu.sem_alloc : memref<!tpu.dma_semaphore, #tpu.memory_space<semaphore_mem>>
      %dma_start3A_197 = arith.constant 0 : i32
      %dma_start3A_198 = tpu.memref_slice %arg8[%add3A_32, %dma_start3A_197] : memref<10240x16xf32, #tpu.memory_space<vmem_shared>> -> memref<128x16xf32, #tpu.memory_space<vmem_shared>>
      %dma_start3A_199 = arith.constant 0 : i32
      %dma_start3A_200 = tpu.memref_slice %arg8[%add3A_32, %dma_start3A_199] : memref<10240x16xf32, #tpu.memory_space<vmem_shared>> -> memref<128x16xf32, #tpu.memory_space<vmem_shared>>
      tpu.enqueue_dma source(%arg12 : memref<128x16xf32, #tpu.memory_space<vmem>>) target(%dma_start3A_200 : memref<128x16xf32, #tpu.memory_space<vmem_shared>>) target_semaphore(%run_scoped3A : memref<!tpu.dma_semaphore, #tpu.memory_space<semaphore_mem>>)
      %dma_wait3A_201 = arith.constant 0 : i32
      %dma_wait3A_202 = tpu.memref_slice %arg8[%add3A_32, %dma_wait3A_201] : memref<10240x16xf32, #tpu.memory_space<vmem_shared>> -> memref<128x16xf32, #tpu.memory_space<vmem_shared>>
      %dma_wait3A_203 = arith.constant 0 : i32
      %dma_wait3A_204 = tpu.memref_slice %arg8[%add3A_32, %dma_wait3A_203] : memref<10240x16xf32, #tpu.memory_space<vmem_shared>> -> memref<128x16xf32, #tpu.memory_space<vmem_shared>>
      tpu.wait_dma2 semaphore(%run_scoped3A : memref<!tpu.dma_semaphore, #tpu.memory_space<semaphore_mem>>) src(%arg12 : memref<128x16xf32, #tpu.memory_space<vmem>>) dst(%dma_wait3A_204 : memref<128x16xf32, #tpu.memory_space<vmem_shared>>)
      tpu.yield
    }) : () -> ()
    %mul3A_33 = arith.constant 640 : i32
    %mul3A_34 = arith.muli %arg1, %mul3A_33 : i32
    %add3A_35 = arith.constant 512 : i32
    %add3A_36 = arith.addi %mul3A_34, %add3A_35 : i32
    "tpu.region"() ({
      %run_scoped3A = tpu.sem_alloc : memref<!tpu.dma_semaphore, #tpu.memory_space<semaphore_mem>>
      %dma_start3A_197 = arith.constant 0 : i32
      %dma_start3A_198 = tpu.memref_slice %arg7[%add3A_36, %dma_start3A_197] : memref<10240x16xf32, #tpu.memory_space<vmem_shared>> -> memref<128x16xf32, #tpu.memory_space<vmem_shared>>
      %dma_start3A_199 = arith.constant 0 : i32
      %dma_start3A_200 = tpu.memref_slice %arg7[%add3A_36, %dma_start3A_199] : memref<10240x16xf32, #tpu.memory_space<vmem_shared>> -> memref<128x16xf32, #tpu.memory_space<vmem_shared>>
      tpu.enqueue_dma source(%arg12 : memref<128x16xf32, #tpu.memory_space<vmem>>) target(%dma_start3A_200 : memref<128x16xf32, #tpu.memory_space<vmem_shared>>) target_semaphore(%run_scoped3A : memref<!tpu.dma_semaphore, #tpu.memory_space<semaphore_mem>>)
      %dma_wait3A_201 = arith.constant 0 : i32
      %dma_wait3A_202 = tpu.memref_slice %arg7[%add3A_36, %dma_wait3A_201] : memref<10240x16xf32, #tpu.memory_space<vmem_shared>> -> memref<128x16xf32, #tpu.memory_space<vmem_shared>>
      %dma_wait3A_203 = arith.constant 0 : i32
      %dma_wait3A_204 = tpu.memref_slice %arg7[%add3A_36, %dma_wait3A_203] : memref<10240x16xf32, #tpu.memory_space<vmem_shared>> -> memref<128x16xf32, #tpu.memory_space<vmem_shared>>
      tpu.wait_dma2 semaphore(%run_scoped3A : memref<!tpu.dma_semaphore, #tpu.memory_space<semaphore_mem>>) src(%arg12 : memref<128x16xf32, #tpu.memory_space<vmem>>) dst(%dma_wait3A_204 : memref<128x16xf32, #tpu.memory_space<vmem_shared>>)
      tpu.yield
    }) : () -> ()
    "tpu.region"() ({
      %run_scoped3A = tpu.sem_alloc : memref<!tpu.dma_semaphore, #tpu.memory_space<semaphore_mem>>
      %dma_start3A_197 = arith.constant 0 : i32
      %dma_start3A_198 = tpu.memref_slice %arg8[%add3A_36, %dma_start3A_197] : memref<10240x16xf32, #tpu.memory_space<vmem_shared>> -> memref<128x16xf32, #tpu.memory_space<vmem_shared>>
      %dma_start3A_199 = arith.constant 0 : i32
      %dma_start3A_200 = tpu.memref_slice %arg8[%add3A_36, %dma_start3A_199] : memref<10240x16xf32, #tpu.memory_space<vmem_shared>> -> memref<128x16xf32, #tpu.memory_space<vmem_shared>>
      tpu.enqueue_dma source(%arg12 : memref<128x16xf32, #tpu.memory_space<vmem>>) target(%dma_start3A_200 : memref<128x16xf32, #tpu.memory_space<vmem_shared>>) target_semaphore(%run_scoped3A : memref<!tpu.dma_semaphore, #tpu.memory_space<semaphore_mem>>)
      %dma_wait3A_201 = arith.constant 0 : i32
      %dma_wait3A_202 = tpu.memref_slice %arg8[%add3A_36, %dma_wait3A_201] : memref<10240x16xf32, #tpu.memory_space<vmem_shared>> -> memref<128x16xf32, #tpu.memory_space<vmem_shared>>
      %dma_wait3A_203 = arith.constant 0 : i32
      %dma_wait3A_204 = tpu.memref_slice %arg8[%add3A_36, %dma_wait3A_203] : memref<10240x16xf32, #tpu.memory_space<vmem_shared>> -> memref<128x16xf32, #tpu.memory_space<vmem_shared>>
      tpu.wait_dma2 semaphore(%run_scoped3A : memref<!tpu.dma_semaphore, #tpu.memory_space<semaphore_mem>>) src(%arg12 : memref<128x16xf32, #tpu.memory_space<vmem>>) dst(%dma_wait3A_204 : memref<128x16xf32, #tpu.memory_space<vmem_shared>>)
      tpu.yield
    }) : () -> ()
    %barrier3A = arith.constant 0 : index
    tpu.barrier barrier_id(%barrier3A)
    "tpu.region"() ({
      %run_scoped3A = tpu.sem_alloc : memref<!tpu.dma_semaphore, #tpu.memory_space<semaphore_mem>>
      %dma_start3A_197 = arith.constant 0 : i32
      %dma_start3A_198 = arith.constant 0 : i32
      %dma_start3A_199 = tpu.memref_slice %arg9[%dma_start3A_197, %dma_start3A_198] : memref<82x128xi32, #tpu.memory_space<vmem>> -> memref<80x128xi32, #tpu.memory_space<vmem>>
      %dma_start3A_200 = arith.constant 0 : i32
      %dma_start3A_201 = arith.constant 0 : i32
      %dma_start3A_202 = tpu.memref_slice %arg3[%add3A, %dma_start3A_200, %dma_start3A_201] : memref<32x80x128xi32, #tpu.memory_space<hbm>> -> memref<1x80x128xi32, #tpu.memory_space<hbm>>
      %dma_start3A_203 = tpu.memref_squeeze %dma_start3A_202 : memref<1x80x128xi32, #tpu.memory_space<hbm>> -> memref<80x128xi32, #tpu.memory_space<hbm>>
      %dma_start3A_204 = arith.constant 0 : i32
      %dma_start3A_205 = arith.constant 0 : i32
      %dma_start3A_206 = tpu.memref_slice %arg9[%dma_start3A_204, %dma_start3A_205] : memref<82x128xi32, #tpu.memory_space<vmem>> -> memref<80x128xi32, #tpu.memory_space<vmem>>
      %dma_start3A_207 = arith.constant 0 : i32
      %dma_start3A_208 = arith.constant 0 : i32
      %dma_start3A_209 = tpu.memref_slice %arg3[%add3A, %dma_start3A_207, %dma_start3A_208] : memref<32x80x128xi32, #tpu.memory_space<hbm>> -> memref<1x80x128xi32, #tpu.memory_space<hbm>>
      %dma_start3A_210 = tpu.memref_squeeze %dma_start3A_209 : memref<1x80x128xi32, #tpu.memory_space<hbm>> -> memref<80x128xi32, #tpu.memory_space<hbm>>
      tpu.enqueue_dma source(%dma_start3A_210 : memref<80x128xi32, #tpu.memory_space<hbm>>) target(%dma_start3A_206 : memref<80x128xi32, #tpu.memory_space<vmem>>) target_semaphore(%run_scoped3A : memref<!tpu.dma_semaphore, #tpu.memory_space<semaphore_mem>>)
      %dma_wait3A_211 = arith.constant 0 : i32
      %dma_wait3A_212 = arith.constant 0 : i32
      %dma_wait3A_213 = tpu.memref_slice %arg9[%dma_wait3A_211, %dma_wait3A_212] : memref<82x128xi32, #tpu.memory_space<vmem>> -> memref<80x128xi32, #tpu.memory_space<vmem>>
      %dma_wait3A_214 = arith.constant 0 : i32
      %dma_wait3A_215 = arith.constant 0 : i32
      %dma_wait3A_216 = tpu.memref_slice %arg3[%add3A, %dma_wait3A_214, %dma_wait3A_215] : memref<32x80x128xi32, #tpu.memory_space<hbm>> -> memref<1x80x128xi32, #tpu.memory_space<hbm>>
      %dma_wait3A_217 = tpu.memref_squeeze %dma_wait3A_216 : memref<1x80x128xi32, #tpu.memory_space<hbm>> -> memref<80x128xi32, #tpu.memory_space<hbm>>
      %dma_wait3A_218 = arith.constant 0 : i32
      %dma_wait3A_219 = arith.constant 0 : i32
      %dma_wait3A_220 = tpu.memref_slice %arg9[%dma_wait3A_218, %dma_wait3A_219] : memref<82x128xi32, #tpu.memory_space<vmem>> -> memref<80x128xi32, #tpu.memory_space<vmem>>
      %dma_wait3A_221 = arith.constant 0 : i32
      %dma_wait3A_222 = arith.constant 0 : i32
      %dma_wait3A_223 = tpu.memref_slice %arg3[%add3A, %dma_wait3A_221, %dma_wait3A_222] : memref<32x80x128xi32, #tpu.memory_space<hbm>> -> memref<1x80x128xi32, #tpu.memory_space<hbm>>
      %dma_wait3A_224 = tpu.memref_squeeze %dma_wait3A_223 : memref<1x80x128xi32, #tpu.memory_space<hbm>> -> memref<80x128xi32, #tpu.memory_space<hbm>>
      tpu.wait_dma2 semaphore(%run_scoped3A : memref<!tpu.dma_semaphore, #tpu.memory_space<semaphore_mem>>) src(%dma_wait3A_224 : memref<80x128xi32, #tpu.memory_space<hbm>>) dst(%dma_wait3A_220 : memref<80x128xi32, #tpu.memory_space<vmem>>)
      tpu.yield
    }) : () -> ()
    "tpu.region"() ({
      %run_scoped3A = tpu.sem_alloc : memref<!tpu.dma_semaphore, #tpu.memory_space<semaphore_mem>>
      %dma_start3A_197 = arith.constant 0 : i32
      %dma_start3A_198 = arith.constant 0 : i32
      %dma_start3A_199 = tpu.memref_slice %arg10[%dma_start3A_197, %dma_start3A_198] : memref<82x128xi32, #tpu.memory_space<vmem>> -> memref<80x128xi32, #tpu.memory_space<vmem>>
      %dma_start3A_200 = arith.constant 0 : i32
      %dma_start3A_201 = arith.constant 0 : i32
      %dma_start3A_202 = tpu.memref_slice %arg4[%add3A, %dma_start3A_200, %dma_start3A_201] : memref<32x80x128xi32, #tpu.memory_space<hbm>> -> memref<1x80x128xi32, #tpu.memory_space<hbm>>
      %dma_start3A_203 = tpu.memref_squeeze %dma_start3A_202 : memref<1x80x128xi32, #tpu.memory_space<hbm>> -> memref<80x128xi32, #tpu.memory_space<hbm>>
      %dma_start3A_204 = arith.constant 0 : i32
      %dma_start3A_205 = arith.constant 0 : i32
      %dma_start3A_206 = tpu.memref_slice %arg10[%dma_start3A_204, %dma_start3A_205] : memref<82x128xi32, #tpu.memory_space<vmem>> -> memref<80x128xi32, #tpu.memory_space<vmem>>
      %dma_start3A_207 = arith.constant 0 : i32
      %dma_start3A_208 = arith.constant 0 : i32
      %dma_start3A_209 = tpu.memref_slice %arg4[%add3A, %dma_start3A_207, %dma_start3A_208] : memref<32x80x128xi32, #tpu.memory_space<hbm>> -> memref<1x80x128xi32, #tpu.memory_space<hbm>>
      %dma_start3A_210 = tpu.memref_squeeze %dma_start3A_209 : memref<1x80x128xi32, #tpu.memory_space<hbm>> -> memref<80x128xi32, #tpu.memory_space<hbm>>
      tpu.enqueue_dma source(%dma_start3A_210 : memref<80x128xi32, #tpu.memory_space<hbm>>) target(%dma_start3A_206 : memref<80x128xi32, #tpu.memory_space<vmem>>) target_semaphore(%run_scoped3A : memref<!tpu.dma_semaphore, #tpu.memory_space<semaphore_mem>>)
      %dma_wait3A_211 = arith.constant 0 : i32
      %dma_wait3A_212 = arith.constant 0 : i32
      %dma_wait3A_213 = tpu.memref_slice %arg10[%dma_wait3A_211, %dma_wait3A_212] : memref<82x128xi32, #tpu.memory_space<vmem>> -> memref<80x128xi32, #tpu.memory_space<vmem>>
      %dma_wait3A_214 = arith.constant 0 : i32
      %dma_wait3A_215 = arith.constant 0 : i32
      %dma_wait3A_216 = tpu.memref_slice %arg4[%add3A, %dma_wait3A_214, %dma_wait3A_215] : memref<32x80x128xi32, #tpu.memory_space<hbm>> -> memref<1x80x128xi32, #tpu.memory_space<hbm>>
      %dma_wait3A_217 = tpu.memref_squeeze %dma_wait3A_216 : memref<1x80x128xi32, #tpu.memory_space<hbm>> -> memref<80x128xi32, #tpu.memory_space<hbm>>
      %dma_wait3A_218 = arith.constant 0 : i32
      %dma_wait3A_219 = arith.constant 0 : i32
      %dma_wait3A_220 = tpu.memref_slice %arg10[%dma_wait3A_218, %dma_wait3A_219] : memref<82x128xi32, #tpu.memory_space<vmem>> -> memref<80x128xi32, #tpu.memory_space<vmem>>
      %dma_wait3A_221 = arith.constant 0 : i32
      %dma_wait3A_222 = arith.constant 0 : i32
      %dma_wait3A_223 = tpu.memref_slice %arg4[%add3A, %dma_wait3A_221, %dma_wait3A_222] : memref<32x80x128xi32, #tpu.memory_space<hbm>> -> memref<1x80x128xi32, #tpu.memory_space<hbm>>
      %dma_wait3A_224 = tpu.memref_squeeze %dma_wait3A_223 : memref<1x80x128xi32, #tpu.memory_space<hbm>> -> memref<80x128xi32, #tpu.memory_space<hbm>>
      tpu.wait_dma2 semaphore(%run_scoped3A : memref<!tpu.dma_semaphore, #tpu.memory_space<semaphore_mem>>) src(%dma_wait3A_224 : memref<80x128xi32, #tpu.memory_space<hbm>>) dst(%dma_wait3A_220 : memref<80x128xi32, #tpu.memory_space<vmem>>)
      tpu.yield
    }) : () -> ()
    %iota3A = tpu.iota {dimensions = array<i32: 0>} : vector<16xi32>
    %add3A_37 = arith.constant 10224 : i32
    %add3A_38 = vector.broadcast %add3A_37 : i32 to vector<16xi32>
    %add3A_39 = arith.addi %add3A_38, %iota3A : vector<16xi32>
    %swap3A = arith.constant 80 : i32
    %swap3A_40 = arith.index_cast %swap3A : i32 to index
    %swap3A_41 = arith.constant 0 : index
    %swap3A_42 = tpu.vector_load %arg9[%swap3A_40, %swap3A_41] {strides = array<i32>} : memref<82x128xi32, #tpu.memory_space<vmem>>, vector<1x16xi32>,
    %swap3A_43 = vector.shape_cast %swap3A_42 : vector<1x16xi32> to vector<16xi32>
    %swap3A_44 = vector.shape_cast %add3A_39 : vector<16xi32> to vector<1x16xi32>
    tpu.vector_store %arg9[%swap3A_40, %swap3A_41], %swap3A_44 {strides = array<i32>} : memref<82x128xi32, #tpu.memory_space<vmem>>, vector<1x16xi32>,
    %swap3A_45 = arith.constant 80 : i32
    %swap3A_46 = arith.index_cast %swap3A_45 : i32 to index
    %swap3A_47 = arith.constant 16 : index
    %swap3A_48 = tpu.vector_load %arg9[%swap3A_46, %swap3A_47] {strides = array<i32>} : memref<82x128xi32, #tpu.memory_space<vmem>>, vector<1x16xi32>,
    %swap3A_49 = vector.shape_cast %swap3A_48 : vector<1x16xi32> to vector<16xi32>
    %swap3A_50 = vector.shape_cast %add3A_39 : vector<16xi32> to vector<1x16xi32>
    tpu.vector_store %arg9[%swap3A_46, %swap3A_47], %swap3A_50 {strides = array<i32>} : memref<82x128xi32, #tpu.memory_space<vmem>>, vector<1x16xi32>,
    %swap3A_51 = arith.constant 80 : i32
    %swap3A_52 = arith.index_cast %swap3A_51 : i32 to index
    %swap3A_53 = arith.constant 32 : index
    %swap3A_54 = tpu.vector_load %arg9[%swap3A_52, %swap3A_53] {strides = array<i32>} : memref<82x128xi32, #tpu.memory_space<vmem>>, vector<1x16xi32>,
    %swap3A_55 = vector.shape_cast %swap3A_54 : vector<1x16xi32> to vector<16xi32>
    %swap3A_56 = vector.shape_cast %add3A_39 : vector<16xi32> to vector<1x16xi32>
    tpu.vector_store %arg9[%swap3A_52, %swap3A_53], %swap3A_56 {strides = array<i32>} : memref<82x128xi32, #tpu.memory_space<vmem>>, vector<1x16xi32>,
    %swap3A_57 = arith.constant 80 : i32
    %swap3A_58 = arith.index_cast %swap3A_57 : i32 to index
    %swap3A_59 = arith.constant 48 : index
    %swap3A_60 = tpu.vector_load %arg9[%swap3A_58, %swap3A_59] {strides = array<i32>} : memref<82x128xi32, #tpu.memory_space<vmem>>, vector<1x16xi32>,
    %swap3A_61 = vector.shape_cast %swap3A_60 : vector<1x16xi32> to vector<16xi32>
    %swap3A_62 = vector.shape_cast %add3A_39 : vector<16xi32> to vector<1x16xi32>
    tpu.vector_store %arg9[%swap3A_58, %swap3A_59], %swap3A_62 {strides = array<i32>} : memref<82x128xi32, #tpu.memory_space<vmem>>, vector<1x16xi32>,
    %swap3A_63 = arith.constant 80 : i32
    %swap3A_64 = arith.index_cast %swap3A_63 : i32 to index
    %swap3A_65 = arith.constant 64 : index
    %swap3A_66 = tpu.vector_load %arg9[%swap3A_64, %swap3A_65] {strides = array<i32>} : memref<82x128xi32, #tpu.memory_space<vmem>>, vector<1x16xi32>,
    %swap3A_67 = vector.shape_cast %swap3A_66 : vector<1x16xi32> to vector<16xi32>
    %swap3A_68 = vector.shape_cast %add3A_39 : vector<16xi32> to vector<1x16xi32>
    tpu.vector_store %arg9[%swap3A_64, %swap3A_65], %swap3A_68 {strides = array<i32>} : memref<82x128xi32, #tpu.memory_space<vmem>>, vector<1x16xi32>,
    %swap3A_69 = arith.constant 80 : i32
    %swap3A_70 = arith.index_cast %swap3A_69 : i32 to index
    %swap3A_71 = arith.constant 80 : index
    %swap3A_72 = tpu.vector_load %arg9[%swap3A_70, %swap3A_71] {strides = array<i32>} : memref<82x128xi32, #tpu.memory_space<vmem>>, vector<1x16xi32>,
    %swap3A_73 = vector.shape_cast %swap3A_72 : vector<1x16xi32> to vector<16xi32>
    %swap3A_74 = vector.shape_cast %add3A_39 : vector<16xi32> to vector<1x16xi32>
    tpu.vector_store %arg9[%swap3A_70, %swap3A_71], %swap3A_74 {strides = array<i32>} : memref<82x128xi32, #tpu.memory_space<vmem>>, vector<1x16xi32>,
    %swap3A_75 = arith.constant 80 : i32
    %swap3A_76 = arith.index_cast %swap3A_75 : i32 to index
    %swap3A_77 = arith.constant 96 : index
    %swap3A_78 = tpu.vector_load %arg9[%swap3A_76, %swap3A_77] {strides = array<i32>} : memref<82x128xi32, #tpu.memory_space<vmem>>, vector<1x16xi32>,
    %swap3A_79 = vector.shape_cast %swap3A_78 : vector<1x16xi32> to vector<16xi32>
    %swap3A_80 = vector.shape_cast %add3A_39 : vector<16xi32> to vector<1x16xi32>
    tpu.vector_store %arg9[%swap3A_76, %swap3A_77], %swap3A_80 {strides = array<i32>} : memref<82x128xi32, #tpu.memory_space<vmem>>, vector<1x16xi32>,
    %swap3A_81 = arith.constant 80 : i32
    %swap3A_82 = arith.index_cast %swap3A_81 : i32 to index
    %swap3A_83 = arith.constant 112 : index
    %swap3A_84 = tpu.vector_load %arg9[%swap3A_82, %swap3A_83] {strides = array<i32>} : memref<82x128xi32, #tpu.memory_space<vmem>>, vector<1x16xi32>,
    %swap3A_85 = vector.shape_cast %swap3A_84 : vector<1x16xi32> to vector<16xi32>
    %swap3A_86 = vector.shape_cast %add3A_39 : vector<16xi32> to vector<1x16xi32>
    tpu.vector_store %arg9[%swap3A_82, %swap3A_83], %swap3A_86 {strides = array<i32>} : memref<82x128xi32, #tpu.memory_space<vmem>>, vector<1x16xi32>,
    %swap3A_87 = arith.constant 81 : i32
    %swap3A_88 = arith.index_cast %swap3A_87 : i32 to index
    %swap3A_89 = arith.constant 0 : index
    %swap3A_90 = tpu.vector_load %arg9[%swap3A_88, %swap3A_89] {strides = array<i32>} : memref<82x128xi32, #tpu.memory_space<vmem>>, vector<1x16xi32>,
    %swap3A_91 = vector.shape_cast %swap3A_90 : vector<1x16xi32> to vector<16xi32>
    %swap3A_92 = vector.shape_cast %add3A_39 : vector<16xi32> to vector<1x16xi32>
    tpu.vector_store %arg9[%swap3A_88, %swap3A_89], %swap3A_92 {strides = array<i32>} : memref<82x128xi32, #tpu.memory_space<vmem>>, vector<1x16xi32>,
    %swap3A_93 = arith.constant 81 : i32
    %swap3A_94 = arith.index_cast %swap3A_93 : i32 to index
    %swap3A_95 = arith.constant 16 : index
    %swap3A_96 = tpu.vector_load %arg9[%swap3A_94, %swap3A_95] {strides = array<i32>} : memref<82x128xi32, #tpu.memory_space<vmem>>, vector<1x16xi32>,
    %swap3A_97 = vector.shape_cast %swap3A_96 : vector<1x16xi32> to vector<16xi32>
    %swap3A_98 = vector.shape_cast %add3A_39 : vector<16xi32> to vector<1x16xi32>
    tpu.vector_store %arg9[%swap3A_94, %swap3A_95], %swap3A_98 {strides = array<i32>} : memref<82x128xi32, #tpu.memory_space<vmem>>, vector<1x16xi32>,
    %swap3A_99 = arith.constant 81 : i32
    %swap3A_100 = arith.index_cast %swap3A_99 : i32 to index
    %swap3A_101 = arith.constant 32 : index
    %swap3A_102 = tpu.vector_load %arg9[%swap3A_100, %swap3A_101] {strides = array<i32>} : memref<82x128xi32, #tpu.memory_space<vmem>>, vector<1x16xi32>,
    %swap3A_103 = vector.shape_cast %swap3A_102 : vector<1x16xi32> to vector<16xi32>
    %swap3A_104 = vector.shape_cast %add3A_39 : vector<16xi32> to vector<1x16xi32>
    tpu.vector_store %arg9[%swap3A_100, %swap3A_101], %swap3A_104 {strides = array<i32>} : memref<82x128xi32, #tpu.memory_space<vmem>>, vector<1x16xi32>,
    %swap3A_105 = arith.constant 81 : i32
    %swap3A_106 = arith.index_cast %swap3A_105 : i32 to index
    %swap3A_107 = arith.constant 48 : index
    %swap3A_108 = tpu.vector_load %arg9[%swap3A_106, %swap3A_107] {strides = array<i32>} : memref<82x128xi32, #tpu.memory_space<vmem>>, vector<1x16xi32>,
    %swap3A_109 = vector.shape_cast %swap3A_108 : vector<1x16xi32> to vector<16xi32>
    %swap3A_110 = vector.shape_cast %add3A_39 : vector<16xi32> to vector<1x16xi32>
    tpu.vector_store %arg9[%swap3A_106, %swap3A_107], %swap3A_110 {strides = array<i32>} : memref<82x128xi32, #tpu.memory_space<vmem>>, vector<1x16xi32>,
    %swap3A_111 = arith.constant 81 : i32
    %swap3A_112 = arith.index_cast %swap3A_111 : i32 to index
    %swap3A_113 = arith.constant 64 : index
    %swap3A_114 = tpu.vector_load %arg9[%swap3A_112, %swap3A_113] {strides = array<i32>} : memref<82x128xi32, #tpu.memory_space<vmem>>, vector<1x16xi32>,
    %swap3A_115 = vector.shape_cast %swap3A_114 : vector<1x16xi32> to vector<16xi32>
    %swap3A_116 = vector.shape_cast %add3A_39 : vector<16xi32> to vector<1x16xi32>
    tpu.vector_store %arg9[%swap3A_112, %swap3A_113], %swap3A_116 {strides = array<i32>} : memref<82x128xi32, #tpu.memory_space<vmem>>, vector<1x16xi32>,
    %swap3A_117 = arith.constant 81 : i32
    %swap3A_118 = arith.index_cast %swap3A_117 : i32 to index
    %swap3A_119 = arith.constant 80 : index
    %swap3A_120 = tpu.vector_load %arg9[%swap3A_118, %swap3A_119] {strides = array<i32>} : memref<82x128xi32, #tpu.memory_space<vmem>>, vector<1x16xi32>,
    %swap3A_121 = vector.shape_cast %swap3A_120 : vector<1x16xi32> to vector<16xi32>
    %swap3A_122 = vector.shape_cast %add3A_39 : vector<16xi32> to vector<1x16xi32>
    tpu.vector_store %arg9[%swap3A_118, %swap3A_119], %swap3A_122 {strides = array<i32>} : memref<82x128xi32, #tpu.memory_space<vmem>>, vector<1x16xi32>,
    %swap3A_123 = arith.constant 81 : i32
    %swap3A_124 = arith.index_cast %swap3A_123 : i32 to index
    %swap3A_125 = arith.constant 96 : index
    %swap3A_126 = tpu.vector_load %arg9[%swap3A_124, %swap3A_125] {strides = array<i32>} : memref<82x128xi32, #tpu.memory_space<vmem>>, vector<1x16xi32>,
    %swap3A_127 = vector.shape_cast %swap3A_126 : vector<1x16xi32> to vector<16xi32>
    %swap3A_128 = vector.shape_cast %add3A_39 : vector<16xi32> to vector<1x16xi32>
    tpu.vector_store %arg9[%swap3A_124, %swap3A_125], %swap3A_128 {strides = array<i32>} : memref<82x128xi32, #tpu.memory_space<vmem>>, vector<1x16xi32>,
    %swap3A_129 = arith.constant 81 : i32
    %swap3A_130 = arith.index_cast %swap3A_129 : i32 to index
    %swap3A_131 = arith.constant 112 : index
    %swap3A_132 = tpu.vector_load %arg9[%swap3A_130, %swap3A_131] {strides = array<i32>} : memref<82x128xi32, #tpu.memory_space<vmem>>, vector<1x16xi32>,
    %swap3A_133 = vector.shape_cast %swap3A_132 : vector<1x16xi32> to vector<16xi32>
    %swap3A_134 = vector.shape_cast %add3A_39 : vector<16xi32> to vector<1x16xi32>
    tpu.vector_store %arg9[%swap3A_130, %swap3A_131], %swap3A_134 {strides = array<i32>} : memref<82x128xi32, #tpu.memory_space<vmem>>, vector<1x16xi32>,
    %dma_start3A = arith.constant 0 : i32
    %dma_start3A_135 = arith.constant 0 : i32
    %dma_start3A_136 = arith.constant 0 : i32
    %dma_start3A_137 = arith.constant 0 : i32
    %dma_start3A_138 = tpu.memref_slice %arg11[%dma_start3A_135, %dma_start3A_136, %dma_start3A_137] : memref<4x128x16xf32, #tpu.memory_space<vmem>> -> memref<1x128x16xf32, #tpu.memory_space<vmem>>
    %dma_start3A_139 = tpu.memref_squeeze %dma_start3A_138 : memref<1x128x16xf32, #tpu.memory_space<vmem>> -> memref<128x16xf32, #tpu.memory_space<vmem>>
    %dma_start3A_140 = arith.constant 0 : i32
    %dma_start3A_141 = tpu.memref_slice %arg9[%dma_start3A, %dma_start3A_140] : memref<82x128xi32, #tpu.memory_space<vmem>> -> memref<1x128xi32, #tpu.memory_space<vmem>>
    %dma_start3A_142 = tpu.memref_squeeze %dma_start3A_141 : memref<1x128xi32, #tpu.memory_space<vmem>> -> memref<128xi32, #tpu.memory_space<vmem>>
    %dma_start3A_143 = arith.constant 0 : i32
    %dma_start3A_144 = arith.constant 0 : i32
    %dma_start3A_145 = tpu.memref_slice %arg2[%dma_start3A_143, %dma_start3A_144] : memref<10240x16xf32, #tpu.memory_space<hbm>> -> memref<10240x16xf32, #tpu.memory_space<hbm>>
    tpu.enqueue_indirect_dma source(%dma_start3A_145 : memref<10240x16xf32, #tpu.memory_space<hbm>>) target(%dma_start3A_139 : memref<128x16xf32, #tpu.memory_space<vmem>>) offsets(%dma_start3A_142 : memref<128xi32, #tpu.memory_space<vmem>>) semaphore(%arg14 : memref<!tpu.dma_semaphore, #tpu.memory_space<semaphore_mem>>)
    %dma_start3A_146 = arith.constant 1 : i32
    %dma_start3A_147 = arith.constant 1 : i32
    %dma_start3A_148 = arith.constant 0 : i32
    %dma_start3A_149 = arith.constant 0 : i32
    %dma_start3A_150 = tpu.memref_slice %arg11[%dma_start3A_147, %dma_start3A_148, %dma_start3A_149] : memref<4x128x16xf32, #tpu.memory_space<vmem>> -> memref<1x128x16xf32, #tpu.memory_space<vmem>>
    %dma_start3A_151 = tpu.memref_squeeze %dma_start3A_150 : memref<1x128x16xf32, #tpu.memory_space<vmem>> -> memref<128x16xf32, #tpu.memory_space<vmem>>
    %dma_start3A_152 = arith.constant 0 : i32
    %dma_start3A_153 = tpu.memref_slice %arg9[%dma_start3A_146, %dma_start3A_152] : memref<82x128xi32, #tpu.memory_space<vmem>> -> memref<1x128xi32, #tpu.memory_space<vmem>>
    %dma_start3A_154 = tpu.memref_squeeze %dma_start3A_153 : memref<1x128xi32, #tpu.memory_space<vmem>> -> memref<128xi32, #tpu.memory_space<vmem>>
    %dma_start3A_155 = arith.constant 0 : i32
    %dma_start3A_156 = arith.constant 0 : i32
    %dma_start3A_157 = tpu.memref_slice %arg2[%dma_start3A_155, %dma_start3A_156] : memref<10240x16xf32, #tpu.memory_space<hbm>> -> memref<10240x16xf32, #tpu.memory_space<hbm>>
    tpu.enqueue_indirect_dma source(%dma_start3A_157 : memref<10240x16xf32, #tpu.memory_space<hbm>>) target(%dma_start3A_151 : memref<128x16xf32, #tpu.memory_space<vmem>>) offsets(%dma_start3A_154 : memref<128xi32, #tpu.memory_space<vmem>>) semaphore(%arg15 : memref<!tpu.dma_semaphore, #tpu.memory_space<semaphore_mem>>)
    %scan3A_158 = arith.constant 0 : i32
    %scan3A_159 = arith.constant 0 : i32
    %scan3A_160 = arith.constant 20 : i32
    %scan3A_161 = arith.addi %scan3A_159, %scan3A_160 : i32
    %scan3A_162 = arith.constant 1 : i32
    %scan3A_163 = scf.for %scan3A_197 = %scan3A_159 to %scan3A_161 step %scan3A_162 iter_args(%scan3A_198 = %scan3A_158) -> (i32)  : i32 {
      %mul3A_199 = arith.constant 4 : i32
      %mul3A_200 = arith.muli %mul3A_199, %scan3A_197 : i32
      %add3A_201 = arith.constant 0 : i32
      %add3A_202 = arith.addi %mul3A_200, %add3A_201 : i32
      %add3A_203 = arith.constant 2 : i32
      %add3A_204 = arith.addi %add3A_202, %add3A_203 : i32
      %dma_start3A_205 = arith.constant 2 : i32
      %dma_start3A_206 = arith.constant 0 : i32
      %dma_start3A_207 = arith.constant 0 : i32
      %dma_start3A_208 = tpu.memref_slice %arg11[%dma_start3A_205, %dma_start3A_206, %dma_start3A_207] : memref<4x128x16xf32, #tpu.memory_space<vmem>> -> memref<1x128x16xf32, #tpu.memory_space<vmem>>
      %dma_start3A_209 = tpu.memref_squeeze %dma_start3A_208 : memref<1x128x16xf32, #tpu.memory_space<vmem>> -> memref<128x16xf32, #tpu.memory_space<vmem>>
      %dma_start3A_210 = arith.constant 0 : i32
      %dma_start3A_211 = tpu.memref_slice %arg9[%add3A_204, %dma_start3A_210] : memref<82x128xi32, #tpu.memory_space<vmem>> -> memref<1x128xi32, #tpu.memory_space<vmem>>
      %dma_start3A_212 = tpu.memref_squeeze %dma_start3A_211 : memref<1x128xi32, #tpu.memory_space<vmem>> -> memref<128xi32, #tpu.memory_space<vmem>>
      %dma_start3A_213 = arith.constant 0 : i32
      %dma_start3A_214 = arith.constant 0 : i32
      %dma_start3A_215 = tpu.memref_slice %arg2[%dma_start3A_213, %dma_start3A_214] : memref<10240x16xf32, #tpu.memory_space<hbm>> -> memref<10240x16xf32, #tpu.memory_space<hbm>>
      tpu.enqueue_indirect_dma source(%dma_start3A_215 : memref<10240x16xf32, #tpu.memory_space<hbm>>) target(%dma_start3A_209 : memref<128x16xf32, #tpu.memory_space<vmem>>) offsets(%dma_start3A_212 : memref<128xi32, #tpu.memory_space<vmem>>) semaphore(%arg16 : memref<!tpu.dma_semaphore, #tpu.memory_space<semaphore_mem>>)
      %dma_wait3A_216 = arith.constant 0 : i32
      %dma_wait3A_217 = arith.constant 0 : i32
      %dma_wait3A_218 = arith.constant 0 : i32
      %dma_wait3A_219 = tpu.memref_slice %arg11[%dma_wait3A_216, %dma_wait3A_217, %dma_wait3A_218] : memref<4x128x16xf32, #tpu.memory_space<vmem>> -> memref<1x128x16xf32, #tpu.memory_space<vmem>>
      %dma_wait3A_220 = tpu.memref_squeeze %dma_wait3A_219 : memref<1x128x16xf32, #tpu.memory_space<vmem>> -> memref<128x16xf32, #tpu.memory_space<vmem>>
      %dma_wait3A_221 = arith.constant 0 : i32
      %dma_wait3A_222 = tpu.memref_slice %arg9[%add3A_202, %dma_wait3A_221] : memref<82x128xi32, #tpu.memory_space<vmem>> -> memref<1x128xi32, #tpu.memory_space<vmem>>
      %dma_wait3A_223 = tpu.memref_squeeze %dma_wait3A_222 : memref<1x128xi32, #tpu.memory_space<vmem>> -> memref<128xi32, #tpu.memory_space<vmem>>
      %dma_wait3A_224 = arith.constant 0 : i32
      %dma_wait3A_225 = arith.constant 0 : i32
      %dma_wait3A_226 = tpu.memref_slice %arg2[%dma_wait3A_224, %dma_wait3A_225] : memref<10240x16xf32, #tpu.memory_space<hbm>> -> memref<10240x16xf32, #tpu.memory_space<hbm>>
      tpu.wait_indirect_dma semaphore(%arg14 : memref<!tpu.dma_semaphore, #tpu.memory_space<semaphore_mem>>) src(%dma_wait3A_226 : memref<10240x16xf32, #tpu.memory_space<hbm>>) dst(%dma_wait3A_220 : memref<128x16xf32, #tpu.memory_space<vmem>>)
      %run_scoped3A = arith.constant 0 : i32
      "tpu.region"() ({
        %run_scoped3A_315 = tpu.sem_alloc : memref<!tpu.dma_semaphore, #tpu.memory_space<semaphore_mem>>
        %dma_start3A_316 = arith.constant 0 : i32
        %dma_start3A_317 = arith.constant 0 : i32
        %dma_start3A_318 = tpu.memref_slice %arg11[%run_scoped3A, %dma_start3A_316, %dma_start3A_317] : memref<4x128x16xf32, #tpu.memory_space<vmem>> -> memref<1x128x16xf32, #tpu.memory_space<vmem>>
        %dma_start3A_319 = tpu.memref_squeeze %dma_start3A_318 : memref<1x128x16xf32, #tpu.memory_space<vmem>> -> memref<128x16xf32, #tpu.memory_space<vmem>>
        %dma_start3A_320 = arith.constant 0 : i32
        %dma_start3A_321 = tpu.memref_slice %arg10[%add3A_202, %dma_start3A_320] : memref<82x128xi32, #tpu.memory_space<vmem>> -> memref<1x128xi32, #tpu.memory_space<vmem>>
        %dma_start3A_322 = tpu.memref_squeeze %dma_start3A_321 : memref<1x128xi32, #tpu.memory_space<vmem>> -> memref<128xi32, #tpu.memory_space<vmem>>
        %dma_start3A_323 = arith.constant 0 : i32
        %dma_start3A_324 = arith.constant 0 : i32
        %dma_start3A_325 = tpu.memref_slice %arg7[%dma_start3A_323, %dma_start3A_324] : memref<10240x16xf32, #tpu.memory_space<vmem_shared>> -> memref<10240x16xf32, #tpu.memory_space<vmem_shared>>
        tpu.enqueue_indirect_dma source(%dma_start3A_319 : memref<128x16xf32, #tpu.memory_space<vmem>>) target(%dma_start3A_325 : memref<10240x16xf32, #tpu.memory_space<vmem_shared>>) offsets(%dma_start3A_322 : memref<128xi32, #tpu.memory_space<vmem>>) semaphore(%run_scoped3A_315 : memref<!tpu.dma_semaphore, #tpu.memory_space<semaphore_mem>>) {add = true}
        %dma_wait3A_326 = arith.constant 0 : i32
        %dma_wait3A_327 = arith.constant 0 : i32
        %dma_wait3A_328 = tpu.memref_slice %arg11[%run_scoped3A, %dma_wait3A_326, %dma_wait3A_327] : memref<4x128x16xf32, #tpu.memory_space<vmem>> -> memref<1x128x16xf32, #tpu.memory_space<vmem>>
        %dma_wait3A_329 = tpu.memref_squeeze %dma_wait3A_328 : memref<1x128x16xf32, #tpu.memory_space<vmem>> -> memref<128x16xf32, #tpu.memory_space<vmem>>
        %dma_wait3A_330 = arith.constant 0 : i32
        %dma_wait3A_331 = tpu.memref_slice %arg10[%add3A_202, %dma_wait3A_330] : memref<82x128xi32, #tpu.memory_space<vmem>> -> memref<1x128xi32, #tpu.memory_space<vmem>>
        %dma_wait3A_332 = tpu.memref_squeeze %dma_wait3A_331 : memref<1x128xi32, #tpu.memory_space<vmem>> -> memref<128xi32, #tpu.memory_space<vmem>>
        %dma_wait3A_333 = arith.constant 0 : i32
        %dma_wait3A_334 = arith.constant 0 : i32
        %dma_wait3A_335 = tpu.memref_slice %arg7[%dma_wait3A_333, %dma_wait3A_334] : memref<10240x16xf32, #tpu.memory_space<vmem_shared>> -> memref<10240x16xf32, #tpu.memory_space<vmem_shared>>
        tpu.wait_indirect_dma semaphore(%run_scoped3A_315 : memref<!tpu.dma_semaphore, #tpu.memory_space<semaphore_mem>>) src(%dma_wait3A_329 : memref<128x16xf32, #tpu.memory_space<vmem>>) dst(%dma_wait3A_335 : memref<10240x16xf32, #tpu.memory_space<vmem_shared>>)
        tpu.yield
      }) : () -> ()
      "tpu.region"() ({
        %run_scoped3A_315 = tpu.sem_alloc : memref<!tpu.dma_semaphore, #tpu.memory_space<semaphore_mem>>
        %dma_start3A_316 = arith.constant 0 : i32
        %dma_start3A_317 = tpu.memref_slice %arg10[%add3A_202, %dma_start3A_316] : memref<82x128xi32, #tpu.memory_space<vmem>> -> memref<1x128xi32, #tpu.memory_space<vmem>>
        %dma_start3A_318 = tpu.memref_squeeze %dma_start3A_317 : memref<1x128xi32, #tpu.memory_space<vmem>> -> memref<128xi32, #tpu.memory_space<vmem>>
        %dma_start3A_319 = arith.constant 0 : i32
        %dma_start3A_320 = arith.constant 0 : i32
        %dma_start3A_321 = tpu.memref_slice %arg8[%dma_start3A_319, %dma_start3A_320] : memref<10240x16xf32, #tpu.memory_space<vmem_shared>> -> memref<10240x16xf32, #tpu.memory_space<vmem_shared>>
        tpu.enqueue_indirect_dma source(%arg13 : memref<128x16xf32, #tpu.memory_space<vmem>>) target(%dma_start3A_321 : memref<10240x16xf32, #tpu.memory_space<vmem_shared>>) offsets(%dma_start3A_318 : memref<128xi32, #tpu.memory_space<vmem>>) semaphore(%run_scoped3A_315 : memref<!tpu.dma_semaphore, #tpu.memory_space<semaphore_mem>>) {add = true}
        %dma_wait3A_322 = arith.constant 0 : i32
        %dma_wait3A_323 = tpu.memref_slice %arg10[%add3A_202, %dma_wait3A_322] : memref<82x128xi32, #tpu.memory_space<vmem>> -> memref<1x128xi32, #tpu.memory_space<vmem>>
        %dma_wait3A_324 = tpu.memref_squeeze %dma_wait3A_323 : memref<1x128xi32, #tpu.memory_space<vmem>> -> memref<128xi32, #tpu.memory_space<vmem>>
        %dma_wait3A_325 = arith.constant 0 : i32
        %dma_wait3A_326 = arith.constant 0 : i32
        %dma_wait3A_327 = tpu.memref_slice %arg8[%dma_wait3A_325, %dma_wait3A_326] : memref<10240x16xf32, #tpu.memory_space<vmem_shared>> -> memref<10240x16xf32, #tpu.memory_space<vmem_shared>>
        tpu.wait_indirect_dma semaphore(%run_scoped3A_315 : memref<!tpu.dma_semaphore, #tpu.memory_space<semaphore_mem>>) src(%arg13 : memref<128x16xf32, #tpu.memory_space<vmem>>) dst(%dma_wait3A_327 : memref<10240x16xf32, #tpu.memory_space<vmem_shared>>)
        tpu.yield
      }) : () -> ()
      %mul3A_227 = arith.constant 4 : i32
      %mul3A_228 = arith.muli %mul3A_227, %scan3A_197 : i32
      %add3A_229 = arith.constant 1 : i32
      %add3A_230 = arith.addi %mul3A_228, %add3A_229 : i32
      %add3A_231 = arith.constant 2 : i32
      %add3A_232 = arith.addi %add3A_230, %add3A_231 : i32
      %dma_start3A_233 = arith.constant 3 : i32
      %dma_start3A_234 = arith.constant 0 : i32
      %dma_start3A_235 = arith.constant 0 : i32
      %dma_start3A_236 = tpu.memref_slice %arg11[%dma_start3A_233, %dma_start3A_234, %dma_start3A_235] : memref<4x128x16xf32, #tpu.memory_space<vmem>> -> memref<1x128x16xf32, #tpu.memory_space<vmem>>
      %dma_start3A_237 = tpu.memref_squeeze %dma_start3A_236 : memref<1x128x16xf32, #tpu.memory_space<vmem>> -> memref<128x16xf32, #tpu.memory_space<vmem>>
      %dma_start3A_238 = arith.constant 0 : i32
      %dma_start3A_239 = tpu.memref_slice %arg9[%add3A_232, %dma_start3A_238] : memref<82x128xi32, #tpu.memory_space<vmem>> -> memref<1x128xi32, #tpu.memory_space<vmem>>
      %dma_start3A_240 = tpu.memref_squeeze %dma_start3A_239 : memref<1x128xi32, #tpu.memory_space<vmem>> -> memref<128xi32, #tpu.memory_space<vmem>>
      %dma_start3A_241 = arith.constant 0 : i32
      %dma_start3A_242 = arith.constant 0 : i32
      %dma_start3A_243 = tpu.memref_slice %arg2[%dma_start3A_241, %dma_start3A_242] : memref<10240x16xf32, #tpu.memory_space<hbm>> -> memref<10240x16xf32, #tpu.memory_space<hbm>>
      tpu.enqueue_indirect_dma source(%dma_start3A_243 : memref<10240x16xf32, #tpu.memory_space<hbm>>) target(%dma_start3A_237 : memref<128x16xf32, #tpu.memory_space<vmem>>) offsets(%dma_start3A_240 : memref<128xi32, #tpu.memory_space<vmem>>) semaphore(%arg17 : memref<!tpu.dma_semaphore, #tpu.memory_space<semaphore_mem>>)
      %dma_wait3A_244 = arith.constant 1 : i32
      %dma_wait3A_245 = arith.constant 0 : i32
      %dma_wait3A_246 = arith.constant 0 : i32
      %dma_wait3A_247 = tpu.memref_slice %arg11[%dma_wait3A_244, %dma_wait3A_245, %dma_wait3A_246] : memref<4x128x16xf32, #tpu.memory_space<vmem>> -> memref<1x128x16xf32, #tpu.memory_space<vmem>>
      %dma_wait3A_248 = tpu.memref_squeeze %dma_wait3A_247 : memref<1x128x16xf32, #tpu.memory_space<vmem>> -> memref<128x16xf32, #tpu.memory_space<vmem>>
      %dma_wait3A_249 = arith.constant 0 : i32
      %dma_wait3A_250 = tpu.memref_slice %arg9[%add3A_230, %dma_wait3A_249] : memref<82x128xi32, #tpu.memory_space<vmem>> -> memref<1x128xi32, #tpu.memory_space<vmem>>
      %dma_wait3A_251 = tpu.memref_squeeze %dma_wait3A_250 : memref<1x128xi32, #tpu.memory_space<vmem>> -> memref<128xi32, #tpu.memory_space<vmem>>
      %dma_wait3A_252 = arith.constant 0 : i32
      %dma_wait3A_253 = arith.constant 0 : i32
      %dma_wait3A_254 = tpu.memref_slice %arg2[%dma_wait3A_252, %dma_wait3A_253] : memref<10240x16xf32, #tpu.memory_space<hbm>> -> memref<10240x16xf32, #tpu.memory_space<hbm>>
      tpu.wait_indirect_dma semaphore(%arg15 : memref<!tpu.dma_semaphore, #tpu.memory_space<semaphore_mem>>) src(%dma_wait3A_254 : memref<10240x16xf32, #tpu.memory_space<hbm>>) dst(%dma_wait3A_248 : memref<128x16xf32, #tpu.memory_space<vmem>>)
      %run_scoped3A_255 = arith.constant 1 : i32
      "tpu.region"() ({
        %run_scoped3A_315 = tpu.sem_alloc : memref<!tpu.dma_semaphore, #tpu.memory_space<semaphore_mem>>
        %dma_start3A_316 = arith.constant 0 : i32
        %dma_start3A_317 = arith.constant 0 : i32
        %dma_start3A_318 = tpu.memref_slice %arg11[%run_scoped3A_255, %dma_start3A_316, %dma_start3A_317] : memref<4x128x16xf32, #tpu.memory_space<vmem>> -> memref<1x128x16xf32, #tpu.memory_space<vmem>>
        %dma_start3A_319 = tpu.memref_squeeze %dma_start3A_318 : memref<1x128x16xf32, #tpu.memory_space<vmem>> -> memref<128x16xf32, #tpu.memory_space<vmem>>
        %dma_start3A_320 = arith.constant 0 : i32
        %dma_start3A_321 = tpu.memref_slice %arg10[%add3A_230, %dma_start3A_320] : memref<82x128xi32, #tpu.memory_space<vmem>> -> memref<1x128xi32, #tpu.memory_space<vmem>>
        %dma_start3A_322 = tpu.memref_squeeze %dma_start3A_321 : memref<1x128xi32, #tpu.memory_space<vmem>> -> memref<128xi32, #tpu.memory_space<vmem>>
        %dma_start3A_323 = arith.constant 0 : i32
        %dma_start3A_324 = arith.constant 0 : i32
        %dma_start3A_325 = tpu.memref_slice %arg7[%dma_start3A_323, %dma_start3A_324] : memref<10240x16xf32, #tpu.memory_space<vmem_shared>> -> memref<10240x16xf32, #tpu.memory_space<vmem_shared>>
        tpu.enqueue_indirect_dma source(%dma_start3A_319 : memref<128x16xf32, #tpu.memory_space<vmem>>) target(%dma_start3A_325 : memref<10240x16xf32, #tpu.memory_space<vmem_shared>>) offsets(%dma_start3A_322 : memref<128xi32, #tpu.memory_space<vmem>>) semaphore(%run_scoped3A_315 : memref<!tpu.dma_semaphore, #tpu.memory_space<semaphore_mem>>) {add = true}
        %dma_wait3A_326 = arith.constant 0 : i32
        %dma_wait3A_327 = arith.constant 0 : i32
        %dma_wait3A_328 = tpu.memref_slice %arg11[%run_scoped3A_255, %dma_wait3A_326, %dma_wait3A_327] : memref<4x128x16xf32, #tpu.memory_space<vmem>> -> memref<1x128x16xf32, #tpu.memory_space<vmem>>
        %dma_wait3A_329 = tpu.memref_squeeze %dma_wait3A_328 : memref<1x128x16xf32, #tpu.memory_space<vmem>> -> memref<128x16xf32, #tpu.memory_space<vmem>>
        %dma_wait3A_330 = arith.constant 0 : i32
        %dma_wait3A_331 = tpu.memref_slice %arg10[%add3A_230, %dma_wait3A_330] : memref<82x128xi32, #tpu.memory_space<vmem>> -> memref<1x128xi32, #tpu.memory_space<vmem>>
        %dma_wait3A_332 = tpu.memref_squeeze %dma_wait3A_331 : memref<1x128xi32, #tpu.memory_space<vmem>> -> memref<128xi32, #tpu.memory_space<vmem>>
        %dma_wait3A_333 = arith.constant 0 : i32
        %dma_wait3A_334 = arith.constant 0 : i32
        %dma_wait3A_335 = tpu.memref_slice %arg7[%dma_wait3A_333, %dma_wait3A_334] : memref<10240x16xf32, #tpu.memory_space<vmem_shared>> -> memref<10240x16xf32, #tpu.memory_space<vmem_shared>>
        tpu.wait_indirect_dma semaphore(%run_scoped3A_315 : memref<!tpu.dma_semaphore, #tpu.memory_space<semaphore_mem>>) src(%dma_wait3A_329 : memref<128x16xf32, #tpu.memory_space<vmem>>) dst(%dma_wait3A_335 : memref<10240x16xf32, #tpu.memory_space<vmem_shared>>)
        tpu.yield
      }) : () -> ()
      "tpu.region"() ({
        %run_scoped3A_315 = tpu.sem_alloc : memref<!tpu.dma_semaphore, #tpu.memory_space<semaphore_mem>>
        %dma_start3A_316 = arith.constant 0 : i32
        %dma_start3A_317 = tpu.memref_slice %arg10[%add3A_230, %dma_start3A_316] : memref<82x128xi32, #tpu.memory_space<vmem>> -> memref<1x128xi32, #tpu.memory_space<vmem>>
        %dma_start3A_318 = tpu.memref_squeeze %dma_start3A_317 : memref<1x128xi32, #tpu.memory_space<vmem>> -> memref<128xi32, #tpu.memory_space<vmem>>
        %dma_start3A_319 = arith.constant 0 : i32
        %dma_start3A_320 = arith.constant 0 : i32
        %dma_start3A_321 = tpu.memref_slice %arg8[%dma_start3A_319, %dma_start3A_320] : memref<10240x16xf32, #tpu.memory_space<vmem_shared>> -> memref<10240x16xf32, #tpu.memory_space<vmem_shared>>
        tpu.enqueue_indirect_dma source(%arg13 : memref<128x16xf32, #tpu.memory_space<vmem>>) target(%dma_start3A_321 : memref<10240x16xf32, #tpu.memory_space<vmem_shared>>) offsets(%dma_start3A_318 : memref<128xi32, #tpu.memory_space<vmem>>) semaphore(%run_scoped3A_315 : memref<!tpu.dma_semaphore, #tpu.memory_space<semaphore_mem>>) {add = true}
        %dma_wait3A_322 = arith.constant 0 : i32
        %dma_wait3A_323 = tpu.memref_slice %arg10[%add3A_230, %dma_wait3A_322] : memref<82x128xi32, #tpu.memory_space<vmem>> -> memref<1x128xi32, #tpu.memory_space<vmem>>
        %dma_wait3A_324 = tpu.memref_squeeze %dma_wait3A_323 : memref<1x128xi32, #tpu.memory_space<vmem>> -> memref<128xi32, #tpu.memory_space<vmem>>
        %dma_wait3A_325 = arith.constant 0 : i32
        %dma_wait3A_326 = arith.constant 0 : i32
        %dma_wait3A_327 = tpu.memref_slice %arg8[%dma_wait3A_325, %dma_wait3A_326] : memref<10240x16xf32, #tpu.memory_space<vmem_shared>> -> memref<10240x16xf32, #tpu.memory_space<vmem_shared>>
        tpu.wait_indirect_dma semaphore(%run_scoped3A_315 : memref<!tpu.dma_semaphore, #tpu.memory_space<semaphore_mem>>) src(%arg13 : memref<128x16xf32, #tpu.memory_space<vmem>>) dst(%dma_wait3A_327 : memref<10240x16xf32, #tpu.memory_space<vmem_shared>>)
        tpu.yield
      }) : () -> ()
      %mul3A_256 = arith.constant 4 : i32
      %mul3A_257 = arith.muli %mul3A_256, %scan3A_197 : i32
      %add3A_258 = arith.constant 2 : i32
      %add3A_259 = arith.addi %mul3A_257, %add3A_258 : i32
      %add3A_260 = arith.constant 2 : i32
      %add3A_261 = arith.addi %add3A_259, %add3A_260 : i32
      %dma_start3A_262 = arith.constant 0 : i32
      %dma_start3A_263 = arith.constant 0 : i32
      %dma_start3A_264 = arith.constant 0 : i32
      %dma_start3A_265 = tpu.memref_slice %arg11[%dma_start3A_262, %dma_start3A_263, %dma_start3A_264] : memref<4x128x16xf32, #tpu.memory_space<vmem>> -> memref<1x128x16xf32, #tpu.memory_space<vmem>>
      %dma_start3A_266 = tpu.memref_squeeze %dma_start3A_265 : memref<1x128x16xf32, #tpu.memory_space<vmem>> -> memref<128x16xf32, #tpu.memory_space<vmem>>
      %dma_start3A_267 = arith.constant 0 : i32
      %dma_start3A_268 = tpu.memref_slice %arg9[%add3A_261, %dma_start3A_267] : memref<82x128xi32, #tpu.memory_space<vmem>> -> memref<1x128xi32, #tpu.memory_space<vmem>>
      %dma_start3A_269 = tpu.memref_squeeze %dma_start3A_268 : memref<1x128xi32, #tpu.memory_space<vmem>> -> memref<128xi32, #tpu.memory_space<vmem>>
      %dma_start3A_270 = arith.constant 0 : i32
      %dma_start3A_271 = arith.constant 0 : i32
      %dma_start3A_272 = tpu.memref_slice %arg2[%dma_start3A_270, %dma_start3A_271] : memref<10240x16xf32, #tpu.memory_space<hbm>> -> memref<10240x16xf32, #tpu.memory_space<hbm>>
      tpu.enqueue_indirect_dma source(%dma_start3A_272 : memref<10240x16xf32, #tpu.memory_space<hbm>>) target(%dma_start3A_266 : memref<128x16xf32, #tpu.memory_space<vmem>>) offsets(%dma_start3A_269 : memref<128xi32, #tpu.memory_space<vmem>>) semaphore(%arg14 : memref<!tpu.dma_semaphore, #tpu.memory_space<semaphore_mem>>)
      %dma_wait3A_273 = arith.constant 2 : i32
      %dma_wait3A_274 = arith.constant 0 : i32
      %dma_wait3A_275 = arith.constant 0 : i32
      %dma_wait3A_276 = tpu.memref_slice %arg11[%dma_wait3A_273, %dma_wait3A_274, %dma_wait3A_275] : memref<4x128x16xf32, #tpu.memory_space<vmem>> -> memref<1x128x16xf32, #tpu.memory_space<vmem>>
      %dma_wait3A_277 = tpu.memref_squeeze %dma_wait3A_276 : memref<1x128x16xf32, #tpu.memory_space<vmem>> -> memref<128x16xf32, #tpu.memory_space<vmem>>
      %dma_wait3A_278 = arith.constant 0 : i32
      %dma_wait3A_279 = tpu.memref_slice %arg9[%add3A_259, %dma_wait3A_278] : memref<82x128xi32, #tpu.memory_space<vmem>> -> memref<1x128xi32, #tpu.memory_space<vmem>>
      %dma_wait3A_280 = tpu.memref_squeeze %dma_wait3A_279 : memref<1x128xi32, #tpu.memory_space<vmem>> -> memref<128xi32, #tpu.memory_space<vmem>>
      %dma_wait3A_281 = arith.constant 0 : i32
      %dma_wait3A_282 = arith.constant 0 : i32
      %dma_wait3A_283 = tpu.memref_slice %arg2[%dma_wait3A_281, %dma_wait3A_282] : memref<10240x16xf32, #tpu.memory_space<hbm>> -> memref<10240x16xf32, #tpu.memory_space<hbm>>
      tpu.wait_indirect_dma semaphore(%arg16 : memref<!tpu.dma_semaphore, #tpu.memory_space<semaphore_mem>>) src(%dma_wait3A_283 : memref<10240x16xf32, #tpu.memory_space<hbm>>) dst(%dma_wait3A_277 : memref<128x16xf32, #tpu.memory_space<vmem>>)
      %run_scoped3A_284 = arith.constant 2 : i32
      "tpu.region"() ({
        %run_scoped3A_315 = tpu.sem_alloc : memref<!tpu.dma_semaphore, #tpu.memory_space<semaphore_mem>>
        %dma_start3A_316 = arith.constant 0 : i32
        %dma_start3A_317 = arith.constant 0 : i32
        %dma_start3A_318 = tpu.memref_slice %arg11[%run_scoped3A_284, %dma_start3A_316, %dma_start3A_317] : memref<4x128x16xf32, #tpu.memory_space<vmem>> -> memref<1x128x16xf32, #tpu.memory_space<vmem>>
        %dma_start3A_319 = tpu.memref_squeeze %dma_start3A_318 : memref<1x128x16xf32, #tpu.memory_space<vmem>> -> memref<128x16xf32, #tpu.memory_space<vmem>>
        %dma_start3A_320 = arith.constant 0 : i32
        %dma_start3A_321 = tpu.memref_slice %arg10[%add3A_259, %dma_start3A_320] : memref<82x128xi32, #tpu.memory_space<vmem>> -> memref<1x128xi32, #tpu.memory_space<vmem>>
        %dma_start3A_322 = tpu.memref_squeeze %dma_start3A_321 : memref<1x128xi32, #tpu.memory_space<vmem>> -> memref<128xi32, #tpu.memory_space<vmem>>
        %dma_start3A_323 = arith.constant 0 : i32
        %dma_start3A_324 = arith.constant 0 : i32
        %dma_start3A_325 = tpu.memref_slice %arg7[%dma_start3A_323, %dma_start3A_324] : memref<10240x16xf32, #tpu.memory_space<vmem_shared>> -> memref<10240x16xf32, #tpu.memory_space<vmem_shared>>
        tpu.enqueue_indirect_dma source(%dma_start3A_319 : memref<128x16xf32, #tpu.memory_space<vmem>>) target(%dma_start3A_325 : memref<10240x16xf32, #tpu.memory_space<vmem_shared>>) offsets(%dma_start3A_322 : memref<128xi32, #tpu.memory_space<vmem>>) semaphore(%run_scoped3A_315 : memref<!tpu.dma_semaphore, #tpu.memory_space<semaphore_mem>>) {add = true}
        %dma_wait3A_326 = arith.constant 0 : i32
        %dma_wait3A_327 = arith.constant 0 : i32
        %dma_wait3A_328 = tpu.memref_slice %arg11[%run_scoped3A_284, %dma_wait3A_326, %dma_wait3A_327] : memref<4x128x16xf32, #tpu.memory_space<vmem>> -> memref<1x128x16xf32, #tpu.memory_space<vmem>>
        %dma_wait3A_329 = tpu.memref_squeeze %dma_wait3A_328 : memref<1x128x16xf32, #tpu.memory_space<vmem>> -> memref<128x16xf32, #tpu.memory_space<vmem>>
        %dma_wait3A_330 = arith.constant 0 : i32
        %dma_wait3A_331 = tpu.memref_slice %arg10[%add3A_259, %dma_wait3A_330] : memref<82x128xi32, #tpu.memory_space<vmem>> -> memref<1x128xi32, #tpu.memory_space<vmem>>
        %dma_wait3A_332 = tpu.memref_squeeze %dma_wait3A_331 : memref<1x128xi32, #tpu.memory_space<vmem>> -> memref<128xi32, #tpu.memory_space<vmem>>
        %dma_wait3A_333 = arith.constant 0 : i32
        %dma_wait3A_334 = arith.constant 0 : i32
        %dma_wait3A_335 = tpu.memref_slice %arg7[%dma_wait3A_333, %dma_wait3A_334] : memref<10240x16xf32, #tpu.memory_space<vmem_shared>> -> memref<10240x16xf32, #tpu.memory_space<vmem_shared>>
        tpu.wait_indirect_dma semaphore(%run_scoped3A_315 : memref<!tpu.dma_semaphore, #tpu.memory_space<semaphore_mem>>) src(%dma_wait3A_329 : memref<128x16xf32, #tpu.memory_space<vmem>>) dst(%dma_wait3A_335 : memref<10240x16xf32, #tpu.memory_space<vmem_shared>>)
        tpu.yield
      }) : () -> ()
      "tpu.region"() ({
        %run_scoped3A_315 = tpu.sem_alloc : memref<!tpu.dma_semaphore, #tpu.memory_space<semaphore_mem>>
        %dma_start3A_316 = arith.constant 0 : i32
        %dma_start3A_317 = tpu.memref_slice %arg10[%add3A_259, %dma_start3A_316] : memref<82x128xi32, #tpu.memory_space<vmem>> -> memref<1x128xi32, #tpu.memory_space<vmem>>
        %dma_start3A_318 = tpu.memref_squeeze %dma_start3A_317 : memref<1x128xi32, #tpu.memory_space<vmem>> -> memref<128xi32, #tpu.memory_space<vmem>>
        %dma_start3A_319 = arith.constant 0 : i32
        %dma_start3A_320 = arith.constant 0 : i32
        %dma_start3A_321 = tpu.memref_slice %arg8[%dma_start3A_319, %dma_start3A_320] : memref<10240x16xf32, #tpu.memory_space<vmem_shared>> -> memref<10240x16xf32, #tpu.memory_space<vmem_shared>>
        tpu.enqueue_indirect_dma source(%arg13 : memref<128x16xf32, #tpu.memory_space<vmem>>) target(%dma_start3A_321 : memref<10240x16xf32, #tpu.memory_space<vmem_shared>>) offsets(%dma_start3A_318 : memref<128xi32, #tpu.memory_space<vmem>>) semaphore(%run_scoped3A_315 : memref<!tpu.dma_semaphore, #tpu.memory_space<semaphore_mem>>) {add = true}
        %dma_wait3A_322 = arith.constant 0 : i32
        %dma_wait3A_323 = tpu.memref_slice %arg10[%add3A_259, %dma_wait3A_322] : memref<82x128xi32, #tpu.memory_space<vmem>> -> memref<1x128xi32, #tpu.memory_space<vmem>>
        %dma_wait3A_324 = tpu.memref_squeeze %dma_wait3A_323 : memref<1x128xi32, #tpu.memory_space<vmem>> -> memref<128xi32, #tpu.memory_space<vmem>>
        %dma_wait3A_325 = arith.constant 0 : i32
        %dma_wait3A_326 = arith.constant 0 : i32
        %dma_wait3A_327 = tpu.memref_slice %arg8[%dma_wait3A_325, %dma_wait3A_326] : memref<10240x16xf32, #tpu.memory_space<vmem_shared>> -> memref<10240x16xf32, #tpu.memory_space<vmem_shared>>
        tpu.wait_indirect_dma semaphore(%run_scoped3A_315 : memref<!tpu.dma_semaphore, #tpu.memory_space<semaphore_mem>>) src(%arg13 : memref<128x16xf32, #tpu.memory_space<vmem>>) dst(%dma_wait3A_327 : memref<10240x16xf32, #tpu.memory_space<vmem_shared>>)
        tpu.yield
      }) : () -> ()
      %mul3A_285 = arith.constant 4 : i32
      %mul3A_286 = arith.muli %mul3A_285, %scan3A_197 : i32
      %add3A_287 = arith.constant 3 : i32
      %add3A_288 = arith.addi %mul3A_286, %add3A_287 : i32
      %add3A_289 = arith.constant 2 : i32
      %add3A_290 = arith.addi %add3A_288, %add3A_289 : i32
      %dma_start3A_291 = arith.constant 1 : i32
      %dma_start3A_292 = arith.constant 0 : i32
      %dma_start3A_293 = arith.constant 0 : i32
      %dma_start3A_294 = tpu.memref_slice %arg11[%dma_start3A_291, %dma_start3A_292, %dma_start3A_293] : memref<4x128x16xf32, #tpu.memory_space<vmem>> -> memref<1x128x16xf32, #tpu.memory_space<vmem>>
      %dma_start3A_295 = tpu.memref_squeeze %dma_start3A_294 : memref<1x128x16xf32, #tpu.memory_space<vmem>> -> memref<128x16xf32, #tpu.memory_space<vmem>>
      %dma_start3A_296 = arith.constant 0 : i32
      %dma_start3A_297 = tpu.memref_slice %arg9[%add3A_290, %dma_start3A_296] : memref<82x128xi32, #tpu.memory_space<vmem>> -> memref<1x128xi32, #tpu.memory_space<vmem>>
      %dma_start3A_298 = tpu.memref_squeeze %dma_start3A_297 : memref<1x128xi32, #tpu.memory_space<vmem>> -> memref<128xi32, #tpu.memory_space<vmem>>
      %dma_start3A_299 = arith.constant 0 : i32
      %dma_start3A_300 = arith.constant 0 : i32
      %dma_start3A_301 = tpu.memref_slice %arg2[%dma_start3A_299, %dma_start3A_300] : memref<10240x16xf32, #tpu.memory_space<hbm>> -> memref<10240x16xf32, #tpu.memory_space<hbm>>
      tpu.enqueue_indirect_dma source(%dma_start3A_301 : memref<10240x16xf32, #tpu.memory_space<hbm>>) target(%dma_start3A_295 : memref<128x16xf32, #tpu.memory_space<vmem>>) offsets(%dma_start3A_298 : memref<128xi32, #tpu.memory_space<vmem>>) semaphore(%arg15 : memref<!tpu.dma_semaphore, #tpu.memory_space<semaphore_mem>>)
      %dma_wait3A_302 = arith.constant 3 : i32
      %dma_wait3A_303 = arith.constant 0 : i32
      %dma_wait3A_304 = arith.constant 0 : i32
      %dma_wait3A_305 = tpu.memref_slice %arg11[%dma_wait3A_302, %dma_wait3A_303, %dma_wait3A_304] : memref<4x128x16xf32, #tpu.memory_space<vmem>> -> memref<1x128x16xf32, #tpu.memory_space<vmem>>
      %dma_wait3A_306 = tpu.memref_squeeze %dma_wait3A_305 : memref<1x128x16xf32, #tpu.memory_space<vmem>> -> memref<128x16xf32, #tpu.memory_space<vmem>>
      %dma_wait3A_307 = arith.constant 0 : i32
      %dma_wait3A_308 = tpu.memref_slice %arg9[%add3A_288, %dma_wait3A_307] : memref<82x128xi32, #tpu.memory_space<vmem>> -> memref<1x128xi32, #tpu.memory_space<vmem>>
      %dma_wait3A_309 = tpu.memref_squeeze %dma_wait3A_308 : memref<1x128xi32, #tpu.memory_space<vmem>> -> memref<128xi32, #tpu.memory_space<vmem>>
      %dma_wait3A_310 = arith.constant 0 : i32
      %dma_wait3A_311 = arith.constant 0 : i32
      %dma_wait3A_312 = tpu.memref_slice %arg2[%dma_wait3A_310, %dma_wait3A_311] : memref<10240x16xf32, #tpu.memory_space<hbm>> -> memref<10240x16xf32, #tpu.memory_space<hbm>>
      tpu.wait_indirect_dma semaphore(%arg17 : memref<!tpu.dma_semaphore, #tpu.memory_space<semaphore_mem>>) src(%dma_wait3A_312 : memref<10240x16xf32, #tpu.memory_space<hbm>>) dst(%dma_wait3A_306 : memref<128x16xf32, #tpu.memory_space<vmem>>)
      %run_scoped3A_313 = arith.constant 3 : i32
      "tpu.region"() ({
        %run_scoped3A_315 = tpu.sem_alloc : memref<!tpu.dma_semaphore, #tpu.memory_space<semaphore_mem>>
        %dma_start3A_316 = arith.constant 0 : i32
        %dma_start3A_317 = arith.constant 0 : i32
        %dma_start3A_318 = tpu.memref_slice %arg11[%run_scoped3A_313, %dma_start3A_316, %dma_start3A_317] : memref<4x128x16xf32, #tpu.memory_space<vmem>> -> memref<1x128x16xf32, #tpu.memory_space<vmem>>
        %dma_start3A_319 = tpu.memref_squeeze %dma_start3A_318 : memref<1x128x16xf32, #tpu.memory_space<vmem>> -> memref<128x16xf32, #tpu.memory_space<vmem>>
        %dma_start3A_320 = arith.constant 0 : i32
        %dma_start3A_321 = tpu.memref_slice %arg10[%add3A_288, %dma_start3A_320] : memref<82x128xi32, #tpu.memory_space<vmem>> -> memref<1x128xi32, #tpu.memory_space<vmem>>
        %dma_start3A_322 = tpu.memref_squeeze %dma_start3A_321 : memref<1x128xi32, #tpu.memory_space<vmem>> -> memref<128xi32, #tpu.memory_space<vmem>>
        %dma_start3A_323 = arith.constant 0 : i32
        %dma_start3A_324 = arith.constant 0 : i32
        %dma_start3A_325 = tpu.memref_slice %arg7[%dma_start3A_323, %dma_start3A_324] : memref<10240x16xf32, #tpu.memory_space<vmem_shared>> -> memref<10240x16xf32, #tpu.memory_space<vmem_shared>>
        tpu.enqueue_indirect_dma source(%dma_start3A_319 : memref<128x16xf32, #tpu.memory_space<vmem>>) target(%dma_start3A_325 : memref<10240x16xf32, #tpu.memory_space<vmem_shared>>) offsets(%dma_start3A_322 : memref<128xi32, #tpu.memory_space<vmem>>) semaphore(%run_scoped3A_315 : memref<!tpu.dma_semaphore, #tpu.memory_space<semaphore_mem>>) {add = true}
        %dma_wait3A_326 = arith.constant 0 : i32
        %dma_wait3A_327 = arith.constant 0 : i32
        %dma_wait3A_328 = tpu.memref_slice %arg11[%run_scoped3A_313, %dma_wait3A_326, %dma_wait3A_327] : memref<4x128x16xf32, #tpu.memory_space<vmem>> -> memref<1x128x16xf32, #tpu.memory_space<vmem>>
        %dma_wait3A_329 = tpu.memref_squeeze %dma_wait3A_328 : memref<1x128x16xf32, #tpu.memory_space<vmem>> -> memref<128x16xf32, #tpu.memory_space<vmem>>
        %dma_wait3A_330 = arith.constant 0 : i32
        %dma_wait3A_331 = tpu.memref_slice %arg10[%add3A_288, %dma_wait3A_330] : memref<82x128xi32, #tpu.memory_space<vmem>> -> memref<1x128xi32, #tpu.memory_space<vmem>>
        %dma_wait3A_332 = tpu.memref_squeeze %dma_wait3A_331 : memref<1x128xi32, #tpu.memory_space<vmem>> -> memref<128xi32, #tpu.memory_space<vmem>>
        %dma_wait3A_333 = arith.constant 0 : i32
        %dma_wait3A_334 = arith.constant 0 : i32
        %dma_wait3A_335 = tpu.memref_slice %arg7[%dma_wait3A_333, %dma_wait3A_334] : memref<10240x16xf32, #tpu.memory_space<vmem_shared>> -> memref<10240x16xf32, #tpu.memory_space<vmem_shared>>
        tpu.wait_indirect_dma semaphore(%run_scoped3A_315 : memref<!tpu.dma_semaphore, #tpu.memory_space<semaphore_mem>>) src(%dma_wait3A_329 : memref<128x16xf32, #tpu.memory_space<vmem>>) dst(%dma_wait3A_335 : memref<10240x16xf32, #tpu.memory_space<vmem_shared>>)
        tpu.yield
      }) : () -> ()
      "tpu.region"() ({
        %run_scoped3A_315 = tpu.sem_alloc : memref<!tpu.dma_semaphore, #tpu.memory_space<semaphore_mem>>
        %dma_start3A_316 = arith.constant 0 : i32
        %dma_start3A_317 = tpu.memref_slice %arg10[%add3A_288, %dma_start3A_316] : memref<82x128xi32, #tpu.memory_space<vmem>> -> memref<1x128xi32, #tpu.memory_space<vmem>>
        %dma_start3A_318 = tpu.memref_squeeze %dma_start3A_317 : memref<1x128xi32, #tpu.memory_space<vmem>> -> memref<128xi32, #tpu.memory_space<vmem>>
        %dma_start3A_319 = arith.constant 0 : i32
        %dma_start3A_320 = arith.constant 0 : i32
        %dma_start3A_321 = tpu.memref_slice %arg8[%dma_start3A_319, %dma_start3A_320] : memref<10240x16xf32, #tpu.memory_space<vmem_shared>> -> memref<10240x16xf32, #tpu.memory_space<vmem_shared>>
        tpu.enqueue_indirect_dma source(%arg13 : memref<128x16xf32, #tpu.memory_space<vmem>>) target(%dma_start3A_321 : memref<10240x16xf32, #tpu.memory_space<vmem_shared>>) offsets(%dma_start3A_318 : memref<128xi32, #tpu.memory_space<vmem>>) semaphore(%run_scoped3A_315 : memref<!tpu.dma_semaphore, #tpu.memory_space<semaphore_mem>>) {add = true}
        %dma_wait3A_322 = arith.constant 0 : i32
        %dma_wait3A_323 = tpu.memref_slice %arg10[%add3A_288, %dma_wait3A_322] : memref<82x128xi32, #tpu.memory_space<vmem>> -> memref<1x128xi32, #tpu.memory_space<vmem>>
        %dma_wait3A_324 = tpu.memref_squeeze %dma_wait3A_323 : memref<1x128xi32, #tpu.memory_space<vmem>> -> memref<128xi32, #tpu.memory_space<vmem>>
        %dma_wait3A_325 = arith.constant 0 : i32
        %dma_wait3A_326 = arith.constant 0 : i32
        %dma_wait3A_327 = tpu.memref_slice %arg8[%dma_wait3A_325, %dma_wait3A_326] : memref<10240x16xf32, #tpu.memory_space<vmem_shared>> -> memref<10240x16xf32, #tpu.memory_space<vmem_shared>>
        tpu.wait_indirect_dma semaphore(%run_scoped3A_315 : memref<!tpu.dma_semaphore, #tpu.memory_space<semaphore_mem>>) src(%arg13 : memref<128x16xf32, #tpu.memory_space<vmem>>) dst(%dma_wait3A_327 : memref<10240x16xf32, #tpu.memory_space<vmem_shared>>)
        tpu.yield
      }) : () -> ()
      %scan3A_314 = arith.constant 0 : i32
      scf.yield %scan3A_314 : i32
    }
    %scan3A_164 = arith.constant 20 : i32
    %dma_wait3A = arith.constant 80 : i32
    %dma_wait3A_165 = arith.constant 0 : i32
    %dma_wait3A_166 = arith.constant 0 : i32
    %dma_wait3A_167 = arith.constant 0 : i32
    %dma_wait3A_168 = tpu.memref_slice %arg11[%dma_wait3A_165, %dma_wait3A_166, %dma_wait3A_167] : memref<4x128x16xf32, #tpu.memory_space<vmem>> -> memref<1x128x16xf32, #tpu.memory_space<vmem>>
    %dma_wait3A_169 = tpu.memref_squeeze %dma_wait3A_168 : memref<1x128x16xf32, #tpu.memory_space<vmem>> -> memref<128x16xf32, #tpu.memory_space<vmem>>
    %dma_wait3A_170 = arith.constant 0 : i32
    %dma_wait3A_171 = tpu.memref_slice %arg9[%dma_wait3A, %dma_wait3A_170] : memref<82x128xi32, #tpu.memory_space<vmem>> -> memref<1x128xi32, #tpu.memory_space<vmem>>
    %dma_wait3A_172 = tpu.memref_squeeze %dma_wait3A_171 : memref<1x128xi32, #tpu.memory_space<vmem>> -> memref<128xi32, #tpu.memory_space<vmem>>
    %dma_wait3A_173 = arith.constant 0 : i32
    %dma_wait3A_174 = arith.constant 0 : i32
    %dma_wait3A_175 = tpu.memref_slice %arg2[%dma_wait3A_173, %dma_wait3A_174] : memref<10240x16xf32, #tpu.memory_space<hbm>> -> memref<10240x16xf32, #tpu.memory_space<hbm>>
    tpu.wait_indirect_dma semaphore(%arg14 : memref<!tpu.dma_semaphore, #tpu.memory_space<semaphore_mem>>) src(%dma_wait3A_175 : memref<10240x16xf32, #tpu.memory_space<hbm>>) dst(%dma_wait3A_169 : memref<128x16xf32, #tpu.memory_space<vmem>>)
    %dma_wait3A_176 = arith.constant 81 : i32
    %dma_wait3A_177 = arith.constant 1 : i32
    %dma_wait3A_178 = arith.constant 0 : i32
    %dma_wait3A_179 = arith.constant 0 : i32
    %dma_wait3A_180 = tpu.memref_slice %arg11[%dma_wait3A_177, %dma_wait3A_178, %dma_wait3A_179] : memref<4x128x16xf32, #tpu.memory_space<vmem>> -> memref<1x128x16xf32, #tpu.memory_space<vmem>>
    %dma_wait3A_181 = tpu.memref_squeeze %dma_wait3A_180 : memref<1x128x16xf32, #tpu.memory_space<vmem>> -> memref<128x16xf32, #tpu.memory_space<vmem>>
    %dma_wait3A_182 = arith.constant 0 : i32
    %dma_wait3A_183 = tpu.memref_slice %arg9[%dma_wait3A_176, %dma_wait3A_182] : memref<82x128xi32, #tpu.memory_space<vmem>> -> memref<1x128xi32, #tpu.memory_space<vmem>>
    %dma_wait3A_184 = tpu.memref_squeeze %dma_wait3A_183 : memref<1x128xi32, #tpu.memory_space<vmem>> -> memref<128xi32, #tpu.memory_space<vmem>>
    %dma_wait3A_185 = arith.constant 0 : i32
    %dma_wait3A_186 = arith.constant 0 : i32
    %dma_wait3A_187 = tpu.memref_slice %arg2[%dma_wait3A_185, %dma_wait3A_186] : memref<10240x16xf32, #tpu.memory_space<hbm>> -> memref<10240x16xf32, #tpu.memory_space<hbm>>
    tpu.wait_indirect_dma semaphore(%arg15 : memref<!tpu.dma_semaphore, #tpu.memory_space<semaphore_mem>>) src(%dma_wait3A_187 : memref<10240x16xf32, #tpu.memory_space<hbm>>) dst(%dma_wait3A_181 : memref<128x16xf32, #tpu.memory_space<vmem>>)
    %barrier3A_188 = arith.constant 0 : index
    tpu.barrier barrier_id(%barrier3A_188)
    %mul3A_189 = arith.constant 640 : i32
    %mul3A_190 = arith.muli %arg1, %mul3A_189 : i32
    %mul3A_191 = arith.constant 640 : i32
    %mul3A_192 = arith.muli %arg1, %mul3A_191 : i32
    "tpu.region"() ({
      %run_scoped3A = tpu.sem_alloc : memref<!tpu.dma_semaphore, #tpu.memory_space<semaphore_mem>>
      %dma_start3A_197 = arith.constant 0 : i32
      %dma_start3A_198 = tpu.memref_slice %arg5[%arg0, %mul3A_192, %dma_start3A_197] : memref<2x10240x16xf32, #tpu.memory_space<hbm>> -> memref<1x640x16xf32, #tpu.memory_space<hbm>>
      %dma_start3A_199 = tpu.memref_squeeze %dma_start3A_198 : memref<1x640x16xf32, #tpu.memory_space<hbm>> -> memref<640x16xf32, #tpu.memory_space<hbm>>
      %dma_start3A_200 = arith.constant 0 : i32
      %dma_start3A_201 = tpu.memref_slice %arg7[%mul3A_190, %dma_start3A_200] : memref<10240x16xf32, #tpu.memory_space<vmem_shared>> -> memref<640x16xf32, #tpu.memory_space<vmem_shared>>
      tpu.enqueue_dma source(%dma_start3A_201 : memref<640x16xf32, #tpu.memory_space<vmem_shared>>) target(%dma_start3A_199 : memref<640x16xf32, #tpu.memory_space<hbm>>) target_semaphore(%run_scoped3A : memref<!tpu.dma_semaphore, #tpu.memory_space<semaphore_mem>>)
      %dma_wait3A_202 = arith.constant 0 : i32
      %dma_wait3A_203 = tpu.memref_slice %arg5[%arg0, %mul3A_192, %dma_wait3A_202] : memref<2x10240x16xf32, #tpu.memory_space<hbm>> -> memref<1x640x16xf32, #tpu.memory_space<hbm>>
      %dma_wait3A_204 = tpu.memref_squeeze %dma_wait3A_203 : memref<1x640x16xf32, #tpu.memory_space<hbm>> -> memref<640x16xf32, #tpu.memory_space<hbm>>
      %dma_wait3A_205 = arith.constant 0 : i32
      %dma_wait3A_206 = tpu.memref_slice %arg7[%mul3A_190, %dma_wait3A_205] : memref<10240x16xf32, #tpu.memory_space<vmem_shared>> -> memref<640x16xf32, #tpu.memory_space<vmem_shared>>
      tpu.wait_dma2 semaphore(%run_scoped3A : memref<!tpu.dma_semaphore, #tpu.memory_space<semaphore_mem>>) src(%dma_wait3A_206 : memref<640x16xf32, #tpu.memory_space<vmem_shared>>) dst(%dma_wait3A_204 : memref<640x16xf32, #tpu.memory_space<hbm>>)
      tpu.yield
    }) : () -> ()
    %mul3A_193 = arith.constant 640 : i32
    %mul3A_194 = arith.muli %arg1, %mul3A_193 : i32
    %mul3A_195 = arith.constant 640 : i32
    %mul3A_196 = arith.muli %arg1, %mul3A_195 : i32
    "tpu.region"() ({
      %run_scoped3A = tpu.sem_alloc : memref<!tpu.dma_semaphore, #tpu.memory_space<semaphore_mem>>
      %dma_start3A_197 = arith.constant 0 : i32
      %dma_start3A_198 = tpu.memref_slice %arg6[%arg0, %mul3A_196, %dma_start3A_197] : memref<2x10240x16xf32, #tpu.memory_space<hbm>> -> memref<1x640x16xf32, #tpu.memory_space<hbm>>
      %dma_start3A_199 = tpu.memref_squeeze %dma_start3A_198 : memref<1x640x16xf32, #tpu.memory_space<hbm>> -> memref<640x16xf32, #tpu.memory_space<hbm>>
      %dma_start3A_200 = arith.constant 0 : i32
      %dma_start3A_201 = tpu.memref_slice %arg8[%mul3A_194, %dma_start3A_200] : memref<10240x16xf32, #tpu.memory_space<vmem_shared>> -> memref<640x16xf32, #tpu.memory_space<vmem_shared>>
      tpu.enqueue_dma source(%dma_start3A_201 : memref<640x16xf32, #tpu.memory_space<vmem_shared>>) target(%dma_start3A_199 : memref<640x16xf32, #tpu.memory_space<hbm>>) target_semaphore(%run_scoped3A : memref<!tpu.dma_semaphore, #tpu.memory_space<semaphore_mem>>)
      %dma_wait3A_202 = arith.constant 0 : i32
      %dma_wait3A_203 = tpu.memref_slice %arg6[%arg0, %mul3A_196, %dma_wait3A_202] : memref<2x10240x16xf32, #tpu.memory_space<hbm>> -> memref<1x640x16xf32, #tpu.memory_space<hbm>>
      %dma_wait3A_204 = tpu.memref_squeeze %dma_wait3A_203 : memref<1x640x16xf32, #tpu.memory_space<hbm>> -> memref<640x16xf32, #tpu.memory_space<hbm>>
      %dma_wait3A_205 = arith.constant 0 : i32
      %dma_wait3A_206 = tpu.memref_slice %arg8[%mul3A_194, %dma_wait3A_205] : memref<10240x16xf32, #tpu.memory_space<vmem_shared>> -> memref<640x16xf32, #tpu.memory_space<vmem_shared>>
      tpu.wait_dma2 semaphore(%run_scoped3A : memref<!tpu.dma_semaphore, #tpu.memory_space<semaphore_mem>>) src(%dma_wait3A_206 : memref<640x16xf32, #tpu.memory_space<vmem_shared>>) dst(%dma_wait3A_204 : memref<640x16xf32, #tpu.memory_space<hbm>>)
      tpu.yield
    }) : () -> ()
    return
  }
}

module attributes {stable_mosaic.version = 14 : i64} {
  func.func @body(%arg0: i32, %arg1: memref<2048x128xf32, #tpu.memory_space<vmem>>, %arg2: memref<128x16xf32, #tpu.memory_space<vmem>>, %arg3: memref<2048x16xf32, #tpu.memory_space<vmem>>) attributes {dimension_semantics = [#tpu.dimension_semantics<arbitrary>], iteration_bounds = array<i64: 5>, scalar_prefetch = 0 : i64, scratch_operands = 0 : i64, tpu.core_type = #tpu.core_type<tc>, window_params = [{transform_indices = @transform_0, window_bounds = array<i64: 2048, 128>}, {pipeline_mode = #tpu.pipeline_mode<synchronous>, transform_indices = @transform_1, window_bounds = array<i64: 128, 16>}, {transform_indices = @transform_2, window_bounds = array<i64: 2048, 16>}]} {
    %get3A = arith.constant 0 : index
    %get3A_0 = arith.constant 0 : index
    %get3A_1 = vector.load %arg1[%get3A, %get3A_0] : memref<2048x128xf32, #tpu.memory_space<vmem>>, vector<2048x128xf32>
    %get3A_2 = arith.constant 0 : index
    %get3A_3 = arith.constant 0 : index
    %get3A_4 = vector.load %arg2[%get3A_2, %get3A_3] : memref<128x16xf32, #tpu.memory_space<vmem>>, vector<128x16xf32>
    %dot_general3A = arith.constant dense<0.000000e+00> : vector<2048x16xf32>
    %dot_general3A_5 = tpu.matmul %get3A_1, %get3A_4, %dot_general3A {dimension_numbers = #tpu.dot_dimension_numbers<[1], [0], [0], [1], [0, 0, 1, 1], [], []>, transpose_lhs_hint = false} : vector<2048x128xf32>, vector<128x16xf32>, vector<2048x16xf32> -> vector<2048x16xf32>
    %swap3A = arith.constant 0 : index
    %swap3A_6 = arith.constant 0 : index
    %swap3A_7 = vector.load %arg3[%swap3A, %swap3A_6] : memref<2048x16xf32, #tpu.memory_space<vmem>>, vector<2048x16xf32>
    tpu.vector_store %arg3[%swap3A, %swap3A_6], %dot_general3A_5 {strides = array<i32>} : memref<2048x16xf32, #tpu.memory_space<vmem>>, vector<2048x16xf32>,
    return
  }
  func.func @transform_0(%arg0: i32) -> (i32, i32) {
    %c0_i32 = arith.constant 0 : i32
    %c0_i32_0 = arith.constant 0 : i32
    return %arg0, %c0_i32 : i32, i32
  }
  func.func @transform_1(%arg0: i32) -> (i32, i32) {
    %c0_i32 = arith.constant 0 : i32
    %c0_i32_0 = arith.constant 0 : i32
    %c0_i32_1 = arith.constant 0 : i32
    return %c0_i32, %c0_i32_0 : i32, i32
  }
  func.func @transform_2(%arg0: i32) -> (i32, i32) {
    %c0_i32 = arith.constant 0 : i32
    %c0_i32_0 = arith.constant 0 : i32
    return %arg0, %c0_i32 : i32, i32
  }
}

module attributes {stable_mosaic.version = 14 : i64} {
  func.func @body(%arg0: i32, %arg1: memref<2048x16xf32, #tpu.memory_space<vmem>>, %arg2: memref<2048x16xf32, #tpu.memory_space<vmem>>, %arg3: memref<2048x16xf32, #tpu.memory_space<vmem>>, %arg4: memref<2048x16xf32, #tpu.memory_space<vmem>>, %arg5: memref<2048x16xf32, #tpu.memory_space<vmem>>, %arg6: memref<1x16xf32, #tpu.memory_space<vmem>>, %arg7: memref<16x32xf32, #tpu.memory_space<vmem>>, %arg8: memref<2048x32xf32, #tpu.memory_space<vmem>>) attributes {dimension_semantics = [#tpu.dimension_semantics<arbitrary>], iteration_bounds = array<i64: 5>, scalar_prefetch = 0 : i64, scratch_operands = 0 : i64, tpu.core_type = #tpu.core_type<tc>, window_params = [{transform_indices = @transform_0, window_bounds = array<i64: 2048, 16>}, {transform_indices = @transform_1, window_bounds = array<i64: 2048, 16>}, {transform_indices = @transform_2, window_bounds = array<i64: 2048, 16>}, {transform_indices = @transform_3, window_bounds = array<i64: 2048, 16>}, {transform_indices = @transform_4, window_bounds = array<i64: 2048, 16>}, {pipeline_mode = #tpu.pipeline_mode<synchronous>, transform_indices = @transform_5, window_bounds = array<i64: 1, 16>}, {pipeline_mode = #tpu.pipeline_mode<synchronous>, transform_indices = @transform_6, window_bounds = array<i64: 16, 32>}, {transform_indices = @transform_7, window_bounds = array<i64: 2048, 32>}]} {
    %get3A = arith.constant 0 : index
    %get3A_0 = arith.constant 0 : index
    %get3A_1 = vector.load %arg1[%get3A, %get3A_0] : memref<2048x16xf32, #tpu.memory_space<vmem>>, vector<2048x16xf32>
    %get3A_2 = arith.constant 0 : index
    %get3A_3 = arith.constant 0 : index
    %get3A_4 = vector.load %arg2[%get3A_2, %get3A_3] : memref<2048x16xf32, #tpu.memory_space<vmem>>, vector<2048x16xf32>
    %add3A = arith.addf %get3A_1, %get3A_4 : vector<2048x16xf32>
    %get3A_5 = arith.constant 0 : index
    %get3A_6 = arith.constant 0 : index
    %get3A_7 = vector.load %arg5[%get3A_5, %get3A_6] : memref<2048x16xf32, #tpu.memory_space<vmem>>, vector<2048x16xf32>
    %add3A_8 = arith.addf %add3A, %get3A_7 : vector<2048x16xf32>
    %get3A_9 = arith.constant 0 : index
    %get3A_10 = arith.constant 0 : index
    %get3A_11 = vector.load %arg3[%get3A_9, %get3A_10] : memref<2048x16xf32, #tpu.memory_space<vmem>>, vector<2048x16xf32>
    %get3A_12 = arith.constant 0 : index
    %get3A_13 = arith.constant 0 : index
    %get3A_14 = vector.load %arg4[%get3A_12, %get3A_13] : memref<2048x16xf32, #tpu.memory_space<vmem>>, vector<2048x16xf32>
    %add3A_15 = arith.addf %get3A_11, %get3A_14 : vector<2048x16xf32>
    %add3A_16 = arith.constant 1.000000e+00 : f32
    %add3A_17 = vector.broadcast %add3A_16 : f32 to vector<2048x16xf32>
    %add3A_18 = arith.addf %add3A_15, %add3A_17 : vector<2048x16xf32>
    %div3A = arith.divf %add3A_8, %add3A_18 : vector<2048x16xf32>
    %get3A_19 = arith.constant 0 : index
    %get3A_20 = arith.constant 0 : index
    %get3A_21 = vector.load %arg6[%get3A_19, %get3A_20] : memref<1x16xf32, #tpu.memory_space<vmem>>, vector<1x16xf32>
    %add3A_22 = vector.broadcast %get3A_21 : vector<1x16xf32> to vector<2048x16xf32>
    %add3A_23 = arith.addf %div3A, %add3A_22 : vector<2048x16xf32>
    %max3A = arith.constant 0.000000e+00 : f32
    %max3A_24 = vector.broadcast %max3A : f32 to vector<2048x16xf32>
    %max3A_25 = arith.maximumf %add3A_23, %max3A_24 : vector<2048x16xf32>
    %get3A_26 = arith.constant 0 : index
    %get3A_27 = arith.constant 0 : index
    %get3A_28 = vector.load %arg7[%get3A_26, %get3A_27] : memref<16x32xf32, #tpu.memory_space<vmem>>, vector<16x32xf32>
    %dot_general3A = arith.constant dense<0.000000e+00> : vector<2048x32xf32>
    %dot_general3A_29 = tpu.matmul %max3A_25, %get3A_28, %dot_general3A {dimension_numbers = #tpu.dot_dimension_numbers<[1], [0], [0], [1], [0, 0, 1, 1], [], []>, transpose_lhs_hint = false} : vector<2048x16xf32>, vector<16x32xf32>, vector<2048x32xf32> -> vector<2048x32xf32>
    %swap3A = arith.constant 0 : index
    %swap3A_30 = arith.constant 0 : index
    %swap3A_31 = vector.load %arg8[%swap3A, %swap3A_30] : memref<2048x32xf32, #tpu.memory_space<vmem>>, vector<2048x32xf32>
    tpu.vector_store %arg8[%swap3A, %swap3A_30], %dot_general3A_29 {strides = array<i32>} : memref<2048x32xf32, #tpu.memory_space<vmem>>, vector<2048x32xf32>,
    return
  }
  func.func @transform_0(%arg0: i32) -> (i32, i32) {
    %c0_i32 = arith.constant 0 : i32
    %c0_i32_0 = arith.constant 0 : i32
    return %arg0, %c0_i32 : i32, i32
  }
  func.func @transform_1(%arg0: i32) -> (i32, i32) {
    %c0_i32 = arith.constant 0 : i32
    %c0_i32_0 = arith.constant 0 : i32
    return %arg0, %c0_i32 : i32, i32
  }
  func.func @transform_2(%arg0: i32) -> (i32, i32) {
    %c0_i32 = arith.constant 0 : i32
    %c0_i32_0 = arith.constant 0 : i32
    return %arg0, %c0_i32 : i32, i32
  }
  func.func @transform_3(%arg0: i32) -> (i32, i32) {
    %c0_i32 = arith.constant 0 : i32
    %c0_i32_0 = arith.constant 0 : i32
    return %arg0, %c0_i32 : i32, i32
  }
  func.func @transform_4(%arg0: i32) -> (i32, i32) {
    %c0_i32 = arith.constant 0 : i32
    %c0_i32_0 = arith.constant 0 : i32
    return %arg0, %c0_i32 : i32, i32
  }
  func.func @transform_5(%arg0: i32) -> (i32, i32) {
    %c0_i32 = arith.constant 0 : i32
    %c0_i32_0 = arith.constant 0 : i32
    %c0_i32_1 = arith.constant 0 : i32
    return %c0_i32, %c0_i32_0 : i32, i32
  }
  func.func @transform_6(%arg0: i32) -> (i32, i32) {
    %c0_i32 = arith.constant 0 : i32
    %c0_i32_0 = arith.constant 0 : i32
    %c0_i32_1 = arith.constant 0 : i32
    return %c0_i32, %c0_i32_0 : i32, i32
  }
  func.func @transform_7(%arg0: i32) -> (i32, i32) {
    %c0_i32 = arith.constant 0 : i32
    %c0_i32_0 = arith.constant 0 : i32
    return %arg0, %c0_i32 : i32, i32
  }
}

module attributes {stable_mosaic.version = 14 : i64} {
  func.func @body(%arg0: i32, %arg1: memref<2048x32xf32, #tpu.memory_space<vmem>>, %arg2: memref<2048x32xf32, #tpu.memory_space<vmem>>, %arg3: memref<2048x16xf32, #tpu.memory_space<vmem>>, %arg4: memref<2048x16xf32, #tpu.memory_space<vmem>>, %arg5: memref<2048x32xf32, #tpu.memory_space<vmem>>, %arg6: memref<1x32xf32, #tpu.memory_space<vmem>>, %arg7: memref<32x64xf32, #tpu.memory_space<vmem>>, %arg8: memref<2048x64xf32, #tpu.memory_space<vmem>>) attributes {dimension_semantics = [#tpu.dimension_semantics<arbitrary>], iteration_bounds = array<i64: 5>, scalar_prefetch = 0 : i64, scratch_operands = 0 : i64, tpu.core_type = #tpu.core_type<tc>, window_params = [{transform_indices = @transform_0, window_bounds = array<i64: 2048, 32>}, {transform_indices = @transform_1, window_bounds = array<i64: 2048, 32>}, {transform_indices = @transform_2, window_bounds = array<i64: 2048, 16>}, {transform_indices = @transform_3, window_bounds = array<i64: 2048, 16>}, {transform_indices = @transform_4, window_bounds = array<i64: 2048, 32>}, {pipeline_mode = #tpu.pipeline_mode<synchronous>, transform_indices = @transform_5, window_bounds = array<i64: 1, 32>}, {pipeline_mode = #tpu.pipeline_mode<synchronous>, transform_indices = @transform_6, window_bounds = array<i64: 32, 64>}, {transform_indices = @transform_7, window_bounds = array<i64: 2048, 64>}]} {
    %get3A = arith.constant 0 : index
    %get3A_0 = arith.constant 0 : index
    %get3A_1 = vector.load %arg1[%get3A, %get3A_0] : memref<2048x32xf32, #tpu.memory_space<vmem>>, vector<2048x32xf32>
    %get3A_2 = arith.constant 0 : index
    %get3A_3 = arith.constant 0 : index
    %get3A_4 = vector.load %arg2[%get3A_2, %get3A_3] : memref<2048x32xf32, #tpu.memory_space<vmem>>, vector<2048x32xf32>
    %add3A = arith.addf %get3A_1, %get3A_4 : vector<2048x32xf32>
    %get3A_5 = arith.constant 0 : index
    %get3A_6 = arith.constant 0 : index
    %get3A_7 = vector.load %arg5[%get3A_5, %get3A_6] : memref<2048x32xf32, #tpu.memory_space<vmem>>, vector<2048x32xf32>
    %add3A_8 = arith.addf %add3A, %get3A_7 : vector<2048x32xf32>
    %get3A_9 = arith.constant 0 : index
    %get3A_10 = arith.constant 0 : index
    %get3A_11 = vector.load %arg3[%get3A_9, %get3A_10] : memref<2048x16xf32, #tpu.memory_space<vmem>>, vector<2048x16xf32>
    %get3A_12 = arith.constant 0 : index
    %get3A_13 = arith.constant 0 : index
    %get3A_14 = vector.load %arg4[%get3A_12, %get3A_13] : memref<2048x16xf32, #tpu.memory_space<vmem>>, vector<2048x16xf32>
    %add3A_15 = arith.addf %get3A_11, %get3A_14 : vector<2048x16xf32>
    %add3A_16 = arith.constant 1.000000e+00 : f32
    %add3A_17 = vector.broadcast %add3A_16 : f32 to vector<2048x16xf32>
    %add3A_18 = arith.addf %add3A_15, %add3A_17 : vector<2048x16xf32>
    %slice3A = vector.extract_strided_slice %add3A_18 {offsets = [0, 0], sizes = [2048, 1], strides = [1, 1]} : vector<2048x16xf32> to vector<2048x1xf32>
    %broadcast_in_dim3A = vector.shape_cast %slice3A : vector<2048x1xf32> to vector<2048x1xf32>
    %broadcast_in_dim3A_19 = vector.broadcast %broadcast_in_dim3A : vector<2048x1xf32> to vector<2048x32xf32>
    %div3A = arith.divf %add3A_8, %broadcast_in_dim3A_19 : vector<2048x32xf32>
    %get3A_20 = arith.constant 0 : index
    %get3A_21 = arith.constant 0 : index
    %get3A_22 = vector.load %arg6[%get3A_20, %get3A_21] : memref<1x32xf32, #tpu.memory_space<vmem>>, vector<1x32xf32>
    %add3A_23 = vector.broadcast %get3A_22 : vector<1x32xf32> to vector<2048x32xf32>
    %add3A_24 = arith.addf %div3A, %add3A_23 : vector<2048x32xf32>
    %max3A = arith.constant 0.000000e+00 : f32
    %max3A_25 = vector.broadcast %max3A : f32 to vector<2048x32xf32>
    %max3A_26 = arith.maximumf %add3A_24, %max3A_25 : vector<2048x32xf32>
    %get3A_27 = arith.constant 0 : index
    %get3A_28 = arith.constant 0 : index
    %get3A_29 = vector.load %arg7[%get3A_27, %get3A_28] : memref<32x64xf32, #tpu.memory_space<vmem>>, vector<32x64xf32>
    %dot_general3A = arith.constant dense<0.000000e+00> : vector<2048x64xf32>
    %dot_general3A_30 = tpu.matmul %max3A_26, %get3A_29, %dot_general3A {dimension_numbers = #tpu.dot_dimension_numbers<[1], [0], [0], [1], [0, 0, 1, 1], [], []>, transpose_lhs_hint = false} : vector<2048x32xf32>, vector<32x64xf32>, vector<2048x64xf32> -> vector<2048x64xf32>
    %swap3A = arith.constant 0 : index
    %swap3A_31 = arith.constant 0 : index
    %swap3A_32 = vector.load %arg8[%swap3A, %swap3A_31] : memref<2048x64xf32, #tpu.memory_space<vmem>>, vector<2048x64xf32>
    tpu.vector_store %arg8[%swap3A, %swap3A_31], %dot_general3A_30 {strides = array<i32>} : memref<2048x64xf32, #tpu.memory_space<vmem>>, vector<2048x64xf32>,
    return
  }
  func.func @transform_0(%arg0: i32) -> (i32, i32) {
    %c0_i32 = arith.constant 0 : i32
    %c0_i32_0 = arith.constant 0 : i32
    return %arg0, %c0_i32 : i32, i32
  }
  func.func @transform_1(%arg0: i32) -> (i32, i32) {
    %c0_i32 = arith.constant 0 : i32
    %c0_i32_0 = arith.constant 0 : i32
    return %arg0, %c0_i32 : i32, i32
  }
  func.func @transform_2(%arg0: i32) -> (i32, i32) {
    %c0_i32 = arith.constant 0 : i32
    %c0_i32_0 = arith.constant 0 : i32
    return %arg0, %c0_i32 : i32, i32
  }
  func.func @transform_3(%arg0: i32) -> (i32, i32) {
    %c0_i32 = arith.constant 0 : i32
    %c0_i32_0 = arith.constant 0 : i32
    return %arg0, %c0_i32 : i32, i32
  }
  func.func @transform_4(%arg0: i32) -> (i32, i32) {
    %c0_i32 = arith.constant 0 : i32
    %c0_i32_0 = arith.constant 0 : i32
    return %arg0, %c0_i32 : i32, i32
  }
  func.func @transform_5(%arg0: i32) -> (i32, i32) {
    %c0_i32 = arith.constant 0 : i32
    %c0_i32_0 = arith.constant 0 : i32
    %c0_i32_1 = arith.constant 0 : i32
    return %c0_i32, %c0_i32_0 : i32, i32
  }
  func.func @transform_6(%arg0: i32) -> (i32, i32) {
    %c0_i32 = arith.constant 0 : i32
    %c0_i32_0 = arith.constant 0 : i32
    %c0_i32_1 = arith.constant 0 : i32
    return %c0_i32, %c0_i32_0 : i32, i32
  }
  func.func @transform_7(%arg0: i32) -> (i32, i32) {
    %c0_i32 = arith.constant 0 : i32
    %c0_i32_0 = arith.constant 0 : i32
    return %arg0, %c0_i32 : i32, i32
  }
}

module attributes {stable_mosaic.version = 14 : i64} {
  func.func @body(%arg0: i32, %arg1: memref<2048x64xf32, #tpu.memory_space<vmem>>, %arg2: memref<2048x64xf32, #tpu.memory_space<vmem>>, %arg3: memref<2048x16xf32, #tpu.memory_space<vmem>>, %arg4: memref<2048x16xf32, #tpu.memory_space<vmem>>, %arg5: memref<2048x64xf32, #tpu.memory_space<vmem>>, %arg6: memref<1x64xf32, #tpu.memory_space<vmem>>, %arg7: memref<64x32xf32, #tpu.memory_space<vmem>>, %arg8: memref<1x32xf32, #tpu.memory_space<vmem>>, %arg9: memref<32x16xf32, #tpu.memory_space<vmem>>, %arg10: memref<1x16xf32, #tpu.memory_space<vmem>>, %arg11: memref<16x8xf32, #tpu.memory_space<vmem>>, %arg12: memref<1x8xf32, #tpu.memory_space<vmem>>, %arg13: memref<8x4xf32, #tpu.memory_space<vmem>>, %arg14: memref<1x4xf32, #tpu.memory_space<vmem>>, %arg15: memref<4x1xf32, #tpu.memory_space<vmem>>, %arg16: memref<1x1xf32, #tpu.memory_space<vmem>>, %arg17: memref<2048x1xf32, #tpu.memory_space<vmem>>) attributes {dimension_semantics = [#tpu.dimension_semantics<arbitrary>], iteration_bounds = array<i64: 5>, scalar_prefetch = 0 : i64, scratch_operands = 0 : i64, tpu.core_type = #tpu.core_type<tc>, window_params = [{transform_indices = @transform_0, window_bounds = array<i64: 2048, 64>}, {transform_indices = @transform_1, window_bounds = array<i64: 2048, 64>}, {transform_indices = @transform_2, window_bounds = array<i64: 2048, 16>}, {transform_indices = @transform_3, window_bounds = array<i64: 2048, 16>}, {transform_indices = @transform_4, window_bounds = array<i64: 2048, 64>}, {pipeline_mode = #tpu.pipeline_mode<synchronous>, transform_indices = @transform_5, window_bounds = array<i64: 1, 64>}, {pipeline_mode = #tpu.pipeline_mode<synchronous>, transform_indices = @transform_6, window_bounds = array<i64: 64, 32>}, {pipeline_mode = #tpu.pipeline_mode<synchronous>, transform_indices = @transform_7, window_bounds = array<i64: 1, 32>}, {pipeline_mode = #tpu.pipeline_mode<synchronous>, transform_indices = @transform_8, window_bounds = array<i64: 32, 16>}, {pipeline_mode = #tpu.pipeline_mode<synchronous>, transform_indices = @transform_9, window_bounds = array<i64: 1, 16>}, {pipeline_mode = #tpu.pipeline_mode<synchronous>, transform_indices = @transform_10, window_bounds = array<i64: 16, 8>}, {pipeline_mode = #tpu.pipeline_mode<synchronous>, transform_indices = @transform_11, window_bounds = array<i64: 1, 8>}, {pipeline_mode = #tpu.pipeline_mode<synchronous>, transform_indices = @transform_12, window_bounds = array<i64: 8, 4>}, {pipeline_mode = #tpu.pipeline_mode<synchronous>, transform_indices = @transform_13, window_bounds = array<i64: 1, 4>}, {pipeline_mode = #tpu.pipeline_mode<synchronous>, transform_indices = @transform_14, window_bounds = array<i64: 4, 1>}, {pipeline_mode = #tpu.pipeline_mode<synchronous>, transform_indices = @transform_15, window_bounds = array<i64: 1, 1>}, {transform_indices = @transform_16, window_bounds = array<i64: 2048, 1>}]} {
    %get3A = arith.constant 0 : index
    %get3A_0 = arith.constant 0 : index
    %get3A_1 = vector.load %arg1[%get3A, %get3A_0] : memref<2048x64xf32, #tpu.memory_space<vmem>>, vector<2048x64xf32>
    %get3A_2 = arith.constant 0 : index
    %get3A_3 = arith.constant 0 : index
    %get3A_4 = vector.load %arg2[%get3A_2, %get3A_3] : memref<2048x64xf32, #tpu.memory_space<vmem>>, vector<2048x64xf32>
    %add3A = arith.addf %get3A_1, %get3A_4 : vector<2048x64xf32>
    %get3A_5 = arith.constant 0 : index
    %get3A_6 = arith.constant 0 : index
    %get3A_7 = vector.load %arg5[%get3A_5, %get3A_6] : memref<2048x64xf32, #tpu.memory_space<vmem>>, vector<2048x64xf32>
    %add3A_8 = arith.addf %add3A, %get3A_7 : vector<2048x64xf32>
    %get3A_9 = arith.constant 0 : index
    %get3A_10 = arith.constant 0 : index
    %get3A_11 = vector.load %arg3[%get3A_9, %get3A_10] : memref<2048x16xf32, #tpu.memory_space<vmem>>, vector<2048x16xf32>
    %get3A_12 = arith.constant 0 : index
    %get3A_13 = arith.constant 0 : index
    %get3A_14 = vector.load %arg4[%get3A_12, %get3A_13] : memref<2048x16xf32, #tpu.memory_space<vmem>>, vector<2048x16xf32>
    %add3A_15 = arith.addf %get3A_11, %get3A_14 : vector<2048x16xf32>
    %add3A_16 = arith.constant 1.000000e+00 : f32
    %add3A_17 = vector.broadcast %add3A_16 : f32 to vector<2048x16xf32>
    %add3A_18 = arith.addf %add3A_15, %add3A_17 : vector<2048x16xf32>
    %slice3A = vector.extract_strided_slice %add3A_18 {offsets = [0, 0], sizes = [2048, 1], strides = [1, 1]} : vector<2048x16xf32> to vector<2048x1xf32>
    %broadcast_in_dim3A = vector.shape_cast %slice3A : vector<2048x1xf32> to vector<2048x1xf32>
    %broadcast_in_dim3A_19 = vector.broadcast %broadcast_in_dim3A : vector<2048x1xf32> to vector<2048x64xf32>
    %div3A = arith.divf %add3A_8, %broadcast_in_dim3A_19 : vector<2048x64xf32>
    %get3A_20 = arith.constant 0 : index
    %get3A_21 = arith.constant 0 : index
    %get3A_22 = vector.load %arg6[%get3A_20, %get3A_21] : memref<1x64xf32, #tpu.memory_space<vmem>>, vector<1x64xf32>
    %add3A_23 = vector.broadcast %get3A_22 : vector<1x64xf32> to vector<2048x64xf32>
    %add3A_24 = arith.addf %div3A, %add3A_23 : vector<2048x64xf32>
    %max3A = arith.constant 0.000000e+00 : f32
    %max3A_25 = vector.broadcast %max3A : f32 to vector<2048x64xf32>
    %max3A_26 = arith.maximumf %add3A_24, %max3A_25 : vector<2048x64xf32>
    %get3A_27 = arith.constant 0 : index
    %get3A_28 = arith.constant 0 : index
    %get3A_29 = vector.load %arg7[%get3A_27, %get3A_28] : memref<64x32xf32, #tpu.memory_space<vmem>>, vector<64x32xf32>
    %dot_general3A = arith.constant dense<0.000000e+00> : vector<2048x32xf32>
    %dot_general3A_30 = tpu.matmul %max3A_26, %get3A_29, %dot_general3A {dimension_numbers = #tpu.dot_dimension_numbers<[1], [0], [0], [1], [0, 0, 1, 1], [], []>, transpose_lhs_hint = false} : vector<2048x64xf32>, vector<64x32xf32>, vector<2048x32xf32> -> vector<2048x32xf32>
    %get3A_31 = arith.constant 0 : index
    %get3A_32 = arith.constant 0 : index
    %get3A_33 = vector.load %arg8[%get3A_31, %get3A_32] : memref<1x32xf32, #tpu.memory_space<vmem>>, vector<1x32xf32>
    %add3A_34 = vector.broadcast %get3A_33 : vector<1x32xf32> to vector<2048x32xf32>
    %add3A_35 = arith.addf %dot_general3A_30, %add3A_34 : vector<2048x32xf32>
    %max3A_36 = arith.constant 0.000000e+00 : f32
    %max3A_37 = vector.broadcast %max3A_36 : f32 to vector<2048x32xf32>
    %max3A_38 = arith.maximumf %add3A_35, %max3A_37 : vector<2048x32xf32>
    %get3A_39 = arith.constant 0 : index
    %get3A_40 = arith.constant 0 : index
    %get3A_41 = vector.load %arg9[%get3A_39, %get3A_40] : memref<32x16xf32, #tpu.memory_space<vmem>>, vector<32x16xf32>
    %dot_general3A_42 = arith.constant dense<0.000000e+00> : vector<2048x16xf32>
    %dot_general3A_43 = tpu.matmul %max3A_38, %get3A_41, %dot_general3A_42 {dimension_numbers = #tpu.dot_dimension_numbers<[1], [0], [0], [1], [0, 0, 1, 1], [], []>, transpose_lhs_hint = false} : vector<2048x32xf32>, vector<32x16xf32>, vector<2048x16xf32> -> vector<2048x16xf32>
    %get3A_44 = arith.constant 0 : index
    %get3A_45 = arith.constant 0 : index
    %get3A_46 = vector.load %arg10[%get3A_44, %get3A_45] : memref<1x16xf32, #tpu.memory_space<vmem>>, vector<1x16xf32>
    %add3A_47 = vector.broadcast %get3A_46 : vector<1x16xf32> to vector<2048x16xf32>
    %add3A_48 = arith.addf %dot_general3A_43, %add3A_47 : vector<2048x16xf32>
    %max3A_49 = arith.constant 0.000000e+00 : f32
    %max3A_50 = vector.broadcast %max3A_49 : f32 to vector<2048x16xf32>
    %max3A_51 = arith.maximumf %add3A_48, %max3A_50 : vector<2048x16xf32>
    %get3A_52 = arith.constant 0 : index
    %get3A_53 = arith.constant 0 : index
    %get3A_54 = vector.load %arg11[%get3A_52, %get3A_53] : memref<16x8xf32, #tpu.memory_space<vmem>>, vector<16x8xf32>
    %dot_general3A_55 = arith.constant dense<0.000000e+00> : vector<2048x8xf32>
    %dot_general3A_56 = tpu.matmul %max3A_51, %get3A_54, %dot_general3A_55 {dimension_numbers = #tpu.dot_dimension_numbers<[1], [0], [0], [1], [0, 0, 1, 1], [], []>, transpose_lhs_hint = false} : vector<2048x16xf32>, vector<16x8xf32>, vector<2048x8xf32> -> vector<2048x8xf32>
    %get3A_57 = arith.constant 0 : index
    %get3A_58 = arith.constant 0 : index
    %get3A_59 = vector.load %arg12[%get3A_57, %get3A_58] : memref<1x8xf32, #tpu.memory_space<vmem>>, vector<1x8xf32>
    %add3A_60 = vector.broadcast %get3A_59 : vector<1x8xf32> to vector<2048x8xf32>
    %add3A_61 = arith.addf %dot_general3A_56, %add3A_60 : vector<2048x8xf32>
    %max3A_62 = arith.constant 0.000000e+00 : f32
    %max3A_63 = vector.broadcast %max3A_62 : f32 to vector<2048x8xf32>
    %max3A_64 = arith.maximumf %add3A_61, %max3A_63 : vector<2048x8xf32>
    %get3A_65 = arith.constant 0 : index
    %get3A_66 = arith.constant 0 : index
    %get3A_67 = vector.load %arg13[%get3A_65, %get3A_66] : memref<8x4xf32, #tpu.memory_space<vmem>>, vector<8x4xf32>
    %dot_general3A_68 = arith.constant dense<0.000000e+00> : vector<2048x4xf32>
    %dot_general3A_69 = tpu.matmul %max3A_64, %get3A_67, %dot_general3A_68 {dimension_numbers = #tpu.dot_dimension_numbers<[1], [0], [0], [1], [0, 0, 1, 1], [], []>, transpose_lhs_hint = false} : vector<2048x8xf32>, vector<8x4xf32>, vector<2048x4xf32> -> vector<2048x4xf32>
    %get3A_70 = arith.constant 0 : index
    %get3A_71 = arith.constant 0 : index
    %get3A_72 = vector.load %arg14[%get3A_70, %get3A_71] : memref<1x4xf32, #tpu.memory_space<vmem>>, vector<1x4xf32>
    %add3A_73 = vector.broadcast %get3A_72 : vector<1x4xf32> to vector<2048x4xf32>
    %add3A_74 = arith.addf %dot_general3A_69, %add3A_73 : vector<2048x4xf32>
    %max3A_75 = arith.constant 0.000000e+00 : f32
    %max3A_76 = vector.broadcast %max3A_75 : f32 to vector<2048x4xf32>
    %max3A_77 = arith.maximumf %add3A_74, %max3A_76 : vector<2048x4xf32>
    %get3A_78 = arith.constant 0 : index
    %get3A_79 = arith.constant 0 : index
    %get3A_80 = vector.load %arg15[%get3A_78, %get3A_79] : memref<4x1xf32, #tpu.memory_space<vmem>>, vector<4x1xf32>
    %dot_general3A_81 = arith.constant dense<0.000000e+00> : vector<2048x1xf32>
    %dot_general3A_82 = tpu.matmul %max3A_77, %get3A_80, %dot_general3A_81 {dimension_numbers = #tpu.dot_dimension_numbers<[1], [0], [0], [1], [0, 0, 1, 1], [], []>, transpose_lhs_hint = false} : vector<2048x4xf32>, vector<4x1xf32>, vector<2048x1xf32> -> vector<2048x1xf32>
    %get3A_83 = arith.constant 0 : index
    %get3A_84 = arith.constant 0 : index
    %get3A_85 = vector.load %arg16[%get3A_83, %get3A_84] : memref<1x1xf32, #tpu.memory_space<vmem>>, vector<1x1xf32>
    %add3A_86 = vector.broadcast %get3A_85 : vector<1x1xf32> to vector<2048x1xf32>
    %add3A_87 = arith.addf %dot_general3A_82, %add3A_86 : vector<2048x1xf32>
    %logistic3A = arith.negf %add3A_87 : vector<2048x1xf32>
    %logistic3A_88 = math.exp %logistic3A : vector<2048x1xf32>
    %logistic3A_89 = arith.constant 1.000000e+00 : f32
    %logistic3A_90 = vector.broadcast %logistic3A_89 : f32 to vector<2048x1xf32>
    %logistic3A_91 = arith.addf %logistic3A_90, %logistic3A_88 : vector<2048x1xf32>
    %logistic3A_92 = arith.divf %logistic3A_90, %logistic3A_91 : vector<2048x1xf32>
    %swap3A = arith.constant 0 : index
    %swap3A_93 = arith.constant 0 : index
    %swap3A_94 = vector.load %arg17[%swap3A, %swap3A_93] : memref<2048x1xf32, #tpu.memory_space<vmem>>, vector<2048x1xf32>
    tpu.vector_store %arg17[%swap3A, %swap3A_93], %logistic3A_92 {strides = array<i32>} : memref<2048x1xf32, #tpu.memory_space<vmem>>, vector<2048x1xf32>,
    return
  }
  func.func @transform_0(%arg0: i32) -> (i32, i32) {
    %c0_i32 = arith.constant 0 : i32
    %c0_i32_0 = arith.constant 0 : i32
    return %arg0, %c0_i32 : i32, i32
  }
  func.func @transform_1(%arg0: i32) -> (i32, i32) {
    %c0_i32 = arith.constant 0 : i32
    %c0_i32_0 = arith.constant 0 : i32
    return %arg0, %c0_i32 : i32, i32
  }
  func.func @transform_2(%arg0: i32) -> (i32, i32) {
    %c0_i32 = arith.constant 0 : i32
    %c0_i32_0 = arith.constant 0 : i32
    return %arg0, %c0_i32 : i32, i32
  }
  func.func @transform_3(%arg0: i32) -> (i32, i32) {
    %c0_i32 = arith.constant 0 : i32
    %c0_i32_0 = arith.constant 0 : i32
    return %arg0, %c0_i32 : i32, i32
  }
  func.func @transform_4(%arg0: i32) -> (i32, i32) {
    %c0_i32 = arith.constant 0 : i32
    %c0_i32_0 = arith.constant 0 : i32
    return %arg0, %c0_i32 : i32, i32
  }
  func.func @transform_5(%arg0: i32) -> (i32, i32) {
    %c0_i32 = arith.constant 0 : i32
    %c0_i32_0 = arith.constant 0 : i32
    %c0_i32_1 = arith.constant 0 : i32
    return %c0_i32, %c0_i32_0 : i32, i32
  }
  func.func @transform_6(%arg0: i32) -> (i32, i32) {
    %c0_i32 = arith.constant 0 : i32
    %c0_i32_0 = arith.constant 0 : i32
    %c0_i32_1 = arith.constant 0 : i32
    return %c0_i32, %c0_i32_0 : i32, i32
  }
  func.func @transform_7(%arg0: i32) -> (i32, i32) {
    %c0_i32 = arith.constant 0 : i32
    %c0_i32_0 = arith.constant 0 : i32
    %c0_i32_1 = arith.constant 0 : i32
    return %c0_i32, %c0_i32_0 : i32, i32
  }
  func.func @transform_8(%arg0: i32) -> (i32, i32) {
    %c0_i32 = arith.constant 0 : i32
    %c0_i32_0 = arith.constant 0 : i32
    %c0_i32_1 = arith.constant 0 : i32
    return %c0_i32, %c0_i32_0 : i32, i32
  }
  func.func @transform_9(%arg0: i32) -> (i32, i32) {
    %c0_i32 = arith.constant 0 : i32
    %c0_i32_0 = arith.constant 0 : i32
    %c0_i32_1 = arith.constant 0 : i32
    return %c0_i32, %c0_i32_0 : i32, i32
  }
  func.func @transform_10(%arg0: i32) -> (i32, i32) {
    %c0_i32 = arith.constant 0 : i32
    %c0_i32_0 = arith.constant 0 : i32
    %c0_i32_1 = arith.constant 0 : i32
    return %c0_i32, %c0_i32_0 : i32, i32
  }
  func.func @transform_11(%arg0: i32) -> (i32, i32) {
    %c0_i32 = arith.constant 0 : i32
    %c0_i32_0 = arith.constant 0 : i32
    %c0_i32_1 = arith.constant 0 : i32
    return %c0_i32, %c0_i32_0 : i32, i32
  }
  func.func @transform_12(%arg0: i32) -> (i32, i32) {
    %c0_i32 = arith.constant 0 : i32
    %c0_i32_0 = arith.constant 0 : i32
    %c0_i32_1 = arith.constant 0 : i32
    return %c0_i32, %c0_i32_0 : i32, i32
  }
  func.func @transform_13(%arg0: i32) -> (i32, i32) {
    %c0_i32 = arith.constant 0 : i32
    %c0_i32_0 = arith.constant 0 : i32
    %c0_i32_1 = arith.constant 0 : i32
    return %c0_i32, %c0_i32_0 : i32, i32
  }
  func.func @transform_14(%arg0: i32) -> (i32, i32) {
    %c0_i32 = arith.constant 0 : i32
    %c0_i32_0 = arith.constant 0 : i32
    %c0_i32_1 = arith.constant 0 : i32
    return %c0_i32, %c0_i32_0 : i32, i32
  }
  func.func @transform_15(%arg0: i32) -> (i32, i32) {
    %c0_i32 = arith.constant 0 : i32
    %c0_i32_0 = arith.constant 0 : i32
    %c0_i32_1 = arith.constant 0 : i32
    return %c0_i32, %c0_i32_0 : i32, i32
  }
  func.func @transform_16(%arg0: i32) -> (i32, i32) {
    %c0_i32 = arith.constant 0 : i32
    %c0_i32_0 = arith.constant 0 : i32
    return %arg0, %c0_i32 : i32, i32
  }
}

</mosaic_0001>

<sc_bundles>
// kernel: kernel.12.cloned.1.call-start
scs
__scs_entry_jumppad:
0x0: {  	(pc) =	sbr.rel $0x88, $3  }
0x1: {  	(tag) =	ssettag $0x0;
	lr =	simm.s32 $0x1  }
0x2: {  	[smem:$0x3F8F] =	sst lr;
	_ =	strace $0xD0000000  }
0x3: {  	_ = 	snop  }
0x4: {  	_ = 	snop  }
0x5: {  	_ = 	snop  }
0x6: {  	_ = 	snop  }
0x7: {  	_ = 	snop  }
__scs_overlays_trampoline_lowered:
0x8: {  	[smem:$0x3F9E] =	sst s0  }
0x9: {  	[smem:$0x3F9F] =	sst s1  }
0xa: {  	[smem:$0x3FA0] =	sst s2  }
0xb: {  	[smem:$0x3FA1] =	sst s3  }
0xc: {  	[smem:$0x3FA2] =	sst s4  }
0xd: {  	[smem:$0x3FA3] =	sst s5  }
0xe: {  	[smem:$0x3FA4] =	sst s6  }
0xf: {  	[smem:$0x3FA5] =	sst s7  }
0x10: {  	[smem:$0x3FA6] =	sst s8  }
0x11: {  	[smem:$0x3FA7] =	sst s9;
	s0 =	simm.s32 @!p0 $0x0  }
0x12: {  	s1 =	sld [smem:$0x3F8D];
	s0 =	simm.s32 @p0 $0x1  }
0x13: {  	[smem:$0x3FA8] =	sst s0;
	s0 =	simm.s32 @!p1 $0x0  }
0x14: {  	s2 =	sld [smem:$0x3F8C];
	s0 =	simm.s32 @p1 $0x1  }
0x15: {  	[smem:$0x3FA9] =	sst s0;
	s0 =	simm.s32 @!p2 $0x0  }
0x16: {  	s3 =	sld [smem:$0x3FDB];
	s0 =	simm.s32 @p2 $0x1  }
0x17: {  	s4 =	simm.s32 $0x1BF5;
	[smem:$0x3FAB] =	sst s0  }
0x18: {  	s0 =	sld [smem:$0x3F8E];
	_ =	swait.ge [sflag:s4], $0x0  }
0x19: {  	s7 =	sld [smem:$0x3F8F]  }
0x1a: {  	s8 =	sadd.s32 $0xFFFFE003, lr  }
0x1b: {  	s9 =	sadd.s32 $0xFFFFFEF7, lr;
	s5 =	simm.s32 $0xFFFFFFFF;
	p2 =	slt.u32 s8, $0xFFFFF086  }
0x1c: {  	p1 =	slt.u32 s9, $0xF7A;
	s5 =	simm.s32 @!p2 $0x0  }
0x1d: {  	s5 =	simm.s32 @p1 $0x1;
	p0 =	seq.s32 s7, s2  }
0x1e: {  	s7 =	smul.u32 @!p0 $0xF7A, s2;
	p2 =	seq.s32 @!p0 s5, $0x0  }
0x1f: {  	s9 =	smul.u32 $0xF7A, s1;
	s8 =	simm.s32 @!p0 $0x1BF5;
	p2 =	por !p2, p0  }
0x20: {  	[sflag:s8] =	ssyncset.s32 @!p0 $0xFFFFF086;
	s6 =	sadd.s32 @!p0 s3, s7;
	s7 =	simm.s32 @!p0 $0x108  }
0x21: {  	s3 =	sadd.s32 s3, s9;
	s6 =	sadd.s32 @!p0 $0x88, s6;
	s7 =	simm.s32 @p2 $0x1082  }
0x22: {  	[simem:s7], [sflag:s8] =	dma.local @!p0 [hbm:s6], $0xF7A  }
0x23: {  	s9 =	sor.u32 $0xD0000000, s2;
	s6 =	simm.s32 $0x108;
	_ =	swait.ge @!p0 [sflag:s8], $0x0  }
0x24: {  	s3 =	sadd.s32 $0x88, s3;
	s6 =	simm.s32 @!p1 $0x1082;
	[sflag:s4] =	ssyncset.s32 $0xFFFFF086  }
0x25: {  	[simem:s6], [sflag:s4] =	dma.local [hbm:s3], $0xF7A  }
0x26: {  	[smem:$0x3F8F] =	sst s1;
	(tag) =	ssettag s2;
	_ =	strace s9  }
0x27: {  	s1 =	sld [smem:$0x3F9F]  }
0x28: {  	s2 =	sld [smem:$0x3FA0]  }
0x29: {  	s4 =	sld [smem:$0x3FA2]  }
0x2a: {  	p0 =	seq.s32 s5, $0x0;
	s5 =	sld [smem:$0x3FA3]  }
0x2b: {  	s6 =	sld [smem:$0x3FA4]  }
0x2c: {  	s7 =	sld [smem:$0x3FA5]  }
0x2d: {  	s3 =	simm.s32 $0x108;
	s8 =	sld [smem:$0x3FA6]  }
0x2e: {  	s3 =	simm.s32 @!p0 $0x1082;
	s9 =	sld [smem:$0x3FA7]  }
0x2f: {  	lr =	sadd.s32 s0, s3;
	s0 =	sld [smem:$0x3F9E]  }
0x30: {  	s3 =	sld [smem:$0x3FA1]  }
0x31: {  	[smem:$0x3FAA] =	sst s10  }
0x32: {  	s10 =	sld [smem:$0x3FA8];
	_ =	sdelay $0x3  }
0x33: {  	p0 =	seq.s32 s10, $0x1;
	s10 =	sld [smem:$0x3FAA];
	_ =	sdelay $0x3  }
0x34: {  	[smem:$0x3FAA] =	sst s10  }
0x35: {  	s10 =	sld [smem:$0x3FA9];
	_ =	sdelay $0x3  }
0x36: {  	p1 =	seq.s32 s10, $0x1;
	s10 =	sld [smem:$0x3FAA];
	_ =	sdelay $0x3  }
0x37: {  	[smem:$0x3FAA] =	sst s10  }
0x38: {  	s10 =	sld [smem:$0x3FAB]  }
0x39: {  	_ = 	snop;
	(pc) =	sbr.ind lr, $3  }
0x3a: {  	_ = 	snop  }
0x3b: {  	_ = 	snop  }
0x3c: {  	p2 =	seq.s32 s10, $0x1;
	s10 =	sld [smem:$0x3FAA]  }
0x3d: {  	_ =	shalt  }
0x3e: {  	_ =	shalt  }
0x3f: {  	_ =	shalt  }
0x40: {  	_ =	shalt  }
0x41: {  	_ =	shalt  }
0x42: {  	_ =	shalt  }
0x43: {  	_ =	shalt  }
0x44: {  	_ =	shalt  }
0x45: {  	_ =	shalt  }
0x46: {  	_ =	shalt  }
0x47: {  	_ =	shalt  }
0x48: {  	_ =	shalt  }
0x49: {  	_ =	shalt  }
0x4a: {  	_ =	shalt  }
0x4b: {  	_ =	shalt  }
0x4c: {  	_ =	shalt  }
0x4d: {  	_ =	shalt  }
0x4e: {  	_ =	shalt  }
0x4f: {  	_ =	shalt  }
0x50: {  	_ =	shalt  }
0x51: {  	_ =	shalt  }
0x52: {  	_ =	shalt  }
0x53: {  	_ =	shalt  }
0x54: {  	_ =	shalt  }
0x55: {  	_ =	shalt  }
0x56: {  	_ =	shalt  }
0x57: {  	_ =	shalt  }
0x58: {  	_ =	shalt  }
0x59: {  	_ =	shalt  }
0x5a: {  	_ =	shalt  }
0x5b: {  	_ =	shalt  }
0x5c: {  	_ =	shalt  }
0x5d: {  	_ =	shalt  }
0x5e: {  	_ =	shalt  }
0x5f: {  	_ =	shalt  }
0x60: {  	_ =	shalt  }
0x61: {  	_ =	shalt  }
0x62: {  	_ =	shalt  }
0x63: {  	_ =	shalt  }
0x64: {  	_ =	shalt  }
0x65: {  	_ =	shalt  }
0x66: {  	_ =	shalt  }
0x67: {  	_ =	shalt  }
0x68: {  	_ =	shalt  }
0x69: {  	_ =	shalt  }
0x6a: {  	_ =	shalt  }
0x6b: {  	_ =	shalt  }
0x6c: {  	_ =	shalt  }
0x6d: {  	_ =	shalt  }
0x6e: {  	_ =	shalt  }
0x6f: {  	_ =	shalt  }
0x70: {  	_ =	shalt  }
0x71: {  	_ =	shalt  }
0x72: {  	_ =	shalt  }
0x73: {  	_ =	shalt  }
0x74: {  	_ =	shalt  }
0x75: {  	_ =	shalt  }
0x76: {  	_ =	shalt  }
0x77: {  	_ =	shalt  }
0x78: {  	_ =	shalt  }
0x79: {  	_ =	shalt  }
0x7a: {  	_ =	shalt  }
0x7b: {  	_ =	shalt  }
0x7c: {  	_ =	shalt  }
0x7d: {  	_ =	shalt  }
0x7e: {  	_ =	shalt  }
0x7f: {  	_ =	shalt  }
0x80: {  	_ =	shalt  }
0x81: {  	_ =	shalt  }
0x82: {  	_ =	shalt  }
0x83: {  	_ =	shalt  }
0x84: {  	_ =	shalt  }
0x85: {  	_ =	shalt  }
0x86: {  	_ =	shalt  }
0x87: {  	_ =	shalt  }
.Lfunc_end0:
.L_simem_size_0:
called_computation.1_lowered:
.L_overlay_start_0:
0x88: {  	s2 =	sld [smem:$0x3FD9]  }
0x89: {  	s3 =	sld [smem:$0x3FFE];
	_ =	sdelay $0x1  }
0x8a: {  	s1 =	srdreg.scid  }
0x8b: {  	s0 =	sand.u32 $0x1, s1  }
0x8c: {  	s16 =	sshll.u32 s0, $0xA;
	s2 =	sadd.s32 s3, s2  }
0x8d: {  	s2 =	sadd.s32 s2, s16  }
0x8e: {  	[smem:$0x3FB6] =	sst s2  }
0x8f: {  	_ = 	snop  }
0x90: {  	(tm) =	ssettm $0x1  }
0x91: {  	s17 =	sld [smem:$0x3FFB];
	_ =	sdelay $0x3  }
0x92: {  	_ =	strace s17  }
0x93: {  	s2 =	sld [smem:$0x3FFC];
	_ =	sdelay $0x3  }
0x94: {  	_ =	strace s2  }
0x95: {  	s2 =	sld [smem:$0x3FFD];
	_ =	sdelay $0x3  }
0x96: {  	_ =	strace s2  }
0x97: {  	_ =	strace $0x8FFFFFFF  }
0x98: {  	s18 =	sld [smem:$0x3FDB];
	_ =	sdelay $0x1  }
0x99: {  	s19 =	simm.s32 $_scs_section_size  }
0x9a: {  	s4 =	simm.s32 $_size__tile_overlayer_lowered;
	s5 =	simm.s32 $_tile_overlayer_lowered  }
0x9b: {  	s22 =	simm.s32 $0x1BFF;
	s21 =	sshll.u32 s5, $0x1;
	s2 =	sadd.s32 s19, s18  }
0x9c: {  	s6 =	simm.s32 $0x0;
	s20 =	sshll.u32 s4, $0x1;
	s4 =	sadd.s32 s21, s2  }
0x9d: {  	[timem:s6], [sflag:s22] =	dma.local [hbm:s4], s20  }
0x9e: {  	_ =	swait.ge [sflag:s22], s20  }
0x9f: {  	s3 =	ssub.s32 $0x0, s20;
	[sflag:s22] =	ssyncset.done $0x0  }
0xa0: {  	[sflag:s22] =	ssyncadd.s32 s3;
	_ =	sdelay $0x1  }
0xa1: {  	s23 =	simm.s32 $0x1B8B  }
0xa2: {  	_ =	swait.ge [sflag:s23], $0x1  }
0xa3: {  	[sflag:s23] =	ssyncset.done $0x0  }
0xa4: {  	s25 =	simm.s32 $0x1B8E;
	s24 =	sld [smem:$0x3FFE];
	[sflag:s23] =	ssyncadd.s32 $0xFFFFFFFF  }
0xa5: {  	s26 =	simm.s32 $execute0_lowered;
	[smem:$0x3FD2] =	sst s25  }
0xa6: {  	s4 =	sshll.u32 s26, $0x1;
	_ =	strace $0x80000049;
	[dreg:$0x1] =	wrdreg $0xFFFFFFFF  }
0xa7: {  	s28 =	simm.s32 $_size_execute0_lowered;
	s2 =	sadd.s32 s2, s4;
	[dreg:$0x0] =	wrdreg $0x0  }
0xa8: {  	s4 =	sshll.u32 s28, $0x1;
	[dreg:$0x2] =	wrdreg s2  }
0xa9: {  	[dreg:$0x3] =	wrdreg s4  }
0xaa: {  	[dreg:$0x4] =	wrdreg $0xC0  }
0xab: {  	_ =	task [dreg:s6], $0x5FFFF  }
0xac: {  	[dreg:$0x1] =	wrdreg $0xFFFFFFFF  }
0xad: {  	[dreg:$0x0] =	wrdreg $0x60  }
0xae: {  	[dreg:$0x2] =	wrdreg s24  }
0xaf: {  	[dreg:$0x3] =	wrdreg $0x0  }
0xb0: {  	[dreg:$0x4] =	wrdreg $0x9  }
0xb1: {  	_ =	task.clear_ibuf [dreg:s6], $0x5FFFF;
	_ =	strace $0x90000049  }
0xb2: {  	s29 =	simm.s32 $0x9;
	_ =	strace $0x8000004B  }
0xb3: {  	_ =	swait.ge [sflag:s29], $0x1  }
0xb4: {  	[sflag:s29] =	ssyncadd.s32 $0xFFFFFFFF  }
0xb5: {  	_ =	strace $0x9000004B  }
0xb6: {  	_ =	sfence  }
0xb7: {  	s30 =	sld [smem:$0x0];
	_ =	sdelay $0x2  }
0xb8: {  	s31 =	sshll.u32 s1, $0xD;
	s1 =	sshrl.u32 s1, $0x2  }
0xb9: {  	s3 =	sand.u32 $0x4000, s31;
	s1 =	sadd.s32 s1, s30  }
0xba: {  	s0 =	sor.u32 s3, s0;
	s1 =	sshll.u32 s1, $0x11  }
0xbb: {  	s0 =	sor.u32 s1, s0  }
0xbc: {  	s0 =	sadd.s32 $0x8F2B, s0  }
0xbd: {  	[sflag:s0] =	ssyncadd.remote.s32 $0x1  }
0xbe: {  	_ =	sfence.sel $0xFFFF  }
0xbf: {  	[dreg:$0x0] =	wrdreg $0xFFFFFFFF;
	(pc) =	sbr.abs _section_cstart, $3  }
0xc0: {  	[dreg:$0x1] =	wrdreg $0xFFFFFFFF  }
0xc1: {  	_ =	task.clear_ibuf [dreg:s6], $0x2FFFF;
	_ =	strace $0x9FFFFFFF  }
0xc2: {  	(tm) =	ssettm $0x7FFFFFFF  }
0xc3: {  	_ =	shalt  }
tec
execute0_lowered:
.L_overlay_start_1:
0x0: {  	(tag) =	ssettag $0x1  }
0x1: {  	s0 =	srdreg.scid;
	s26 =	stileid.u32  }
0x2: {  	s5 =	rddreg [dreg:$0x0];
	s14 =	simm.s32 $0xE200;
	s15 =	simm.s32 $0x5  }
0x3: {  	s16 =	simm.s32 $0x5000;
	s17 =	simm.s32 $0x7900;
	s18 =	simm.s32 $0x80  }
0x4: {  	s19 =	simm.s32 $0xA200;
	s20 =	simm.s32 $0x5080;
	s21 =	simm.s32 $0xB200  }
0x5: {  	s22 =	simm.s32 $0xC200;
	s23 =	simm.s32 $0x1;
	s24 =	simm.s32 $0xD200  }
0x6: {  	s25 =	simm.s32 $0x2;
	s28 =	simm.s32 $0x4;
	s7 =	smul.u32 $0x5000, s26  }
0x7: {  	s1 =	sand.u32 $0x1, s0;
	s9 =	smul.u32 $0x14000, s26;
	s4 =	sadd.s32 $0x40200, s5  }
0x8: {  	s2 =	sshll.u32 s1, $0x4;
	s8 =	smul.u32 $0x50000, s1;
	s1 =	ssub.s32 $0x2, s1  }
0x9: {  	s3 =	sor.u32 s26, s2;
	s2 =	rddreg [dreg:$0x1];
	s30 =	sshrl.u32 s9, $0x2  }
0xa: {  	s31 =	sshrl.u32 s1, $0x1;
	s26 =	simm.s32 $0x3;
	s6 =	smul.u32 $0x500, s3  }
0xb: {  	s3 =	simm.s32 $0x0;
	s29 =	sadd.s32 s7, s8;
	s9 =	sadd.s32 s30, s2  }
0xc: {  	s1 =	ssub.s32 s1, s31;
	[smem:$0x7FF] =	sst s3;
	s8 =	sadd.s32 $0x3000, s9  }
0xd: {  	s13 =	smax.u32 s1, $0x1;
	s11 =	sadd.s32 s6, s5;
	s6 =	sshrl.u32 s29, $0x3  }
0xe: {  	_ =	strace $0x8000004A;
	s12 =	sadd.s32 s6, s5;
	s5 =	sadd.s32 s7, s2  }
0xf: {  	v1 =	vlaneseq.u32;
	s6 =	sadd.s32 $0x1000, s9;
	s7 =	sadd.s32 $0x2000, s9;
	s9 =	sadd.s32 $0x4000, s9  }
0x10: {  	v0 =	vimm.f32 $0.0e+00;
	v1 =	vor.u32 $0x27F0, v1;
	s10 =	sadd.s32 $0xE200, s11;
	s11 =	sadd.s32 $0x4200, s11;
	s12 =	sadd.s32 $0x4A200, s12  }
.LBB2_1:
0x11: {  	s29 =	simm.s32 $0x80;
	s1 =	simm.s32 $0x0  }
.LBB2_2:
0x12: {  	p0 =	sne.s32 s29, $0x3F80;
	[tilespmem:s1+$0xE200] =	vst v0;
	s30 =	smov.u32 s29;
	s29 =	sadd.s32 $0x80, s29  }
.Ltmp0:
0x13: {  	[tilespmem:s1+$0xE210] =	vst v0;
	(pc) =	sbr.rel @p0 .LBB2_2-.Ltmp0, $2  }
0x14: {  	_ =	sdelay $0x2  }
0x15: {  	s1 =	sshra.s32 s30, $0x2  }
0x16: {  	[tilespmem:s1+$0xE200] =	vst v0  }
0x17: {  	[tilespmem:s1+$0xE210] =	vst v0  }
0x18: {  	[spmem:s5] =	stream.linear.scatter [tilespmem:s14], [sflag:$0x5], $0x1000, $0x38;
	[tilespmem:$0xF200] =	vst v63  }
0x19: {  	_ =	swait.ge [sflag:s15], $0x1000  }
0x1a: {  	[sflag:s15] =	ssyncset.done $0x0  }
0x1b: {  	[sflag:s15] =	ssyncadd.s32 $0xFFFFF000  }
0x1c: {  	[spmem:s6] =	stream.linear.scatter [tilespmem:s14], [sflag:$0x5], $0x1000, $0x38;
	[tilespmem:$0xF200] =	vst v63  }
0x1d: {  	_ =	swait.ge [sflag:s15], $0x1000  }
0x1e: {  	[sflag:s15] =	ssyncset.done $0x0  }
0x1f: {  	[sflag:s15] =	ssyncadd.s32 $0xFFFFF000  }
0x20: {  	[spmem:s7] =	stream.linear.scatter [tilespmem:s14], [sflag:$0x5], $0x1000, $0x38;
	[tilespmem:$0xF200] =	vst v63  }
0x21: {  	_ =	swait.ge [sflag:s15], $0x1000  }
0x22: {  	[sflag:s15] =	ssyncset.done $0x0  }
0x23: {  	[sflag:s15] =	ssyncadd.s32 $0xFFFFF000  }
0x24: {  	[spmem:s8] =	stream.linear.scatter [tilespmem:s14], [sflag:$0x5], $0x1000, $0x38;
	[tilespmem:$0xF200] =	vst v63  }
0x25: {  	_ =	swait.ge [sflag:s15], $0x1000  }
0x26: {  	[sflag:s15] =	ssyncset.done $0x0  }
0x27: {  	[sflag:s15] =	ssyncadd.s32 $0xFFFFF000  }
0x28: {  	[spmem:s9] =	stream.linear.scatter [tilespmem:s14], [sflag:$0x5], $0x1000, $0x38;
	[tilespmem:$0xF200] =	vst v63  }
0x29: {  	_ =	swait.ge [sflag:s15], $0x1000  }
0x2a: {  	[sflag:s15] =	ssyncset.done $0x0  }
0x2b: {  	[sflag:s15] =	ssyncadd.s32 $0xFFFFF000  }
0x2c: {  	s31 =	simm.s32 $0x0;
	[bflag:$0x0] =	sbarrier.arrive $0xFFFF  }
0x2d: {  	[tilespmem:s16], [sflag:$0x5] =	stream.linear.gather [hbm4b:s10+s31], $0x2800, $0x38;
	[tilespmem:$0xF200] =	vst v63  }
0x2e: {  	_ =	swait.ge [sflag:s15], $0x2800  }
0x2f: {  	[sflag:s15] =	ssyncset.done $0x0  }
0x30: {  	[sflag:s15] =	ssyncadd.s32 $0xFFFFD800  }
0x31: {  	[tilespmem:s17], [sflag:$0x5] =	stream.linear.gather [hbm4b:s11+s31], $0x2800, $0x38;
	[tilespmem:$0xF200] =	vst v63  }
0x32: {  	_ =	swait.ge [sflag:s15], $0x2800  }
0x33: {  	[sflag:s15] =	ssyncset.done $0x0  }
0x34: {  	[sflag:s15] =	ssyncadd.s32 $0xFFFFD800  }
0x35: {  	[tilespmem:$0x7800] =	vst v1  }
0x36: {  	[tilespmem:$0x7810] =	vst v1  }
0x37: {  	[tilespmem:$0x7820] =	vst v1  }
0x38: {  	[tilespmem:$0x7830] =	vst v1  }
0x39: {  	[tilespmem:$0x7840] =	vst v1  }
0x3a: {  	[tilespmem:$0x7850] =	vst v1  }
0x3b: {  	[tilespmem:$0x7860] =	vst v1  }
0x3c: {  	[tilespmem:$0x7870] =	vst v1  }
0x3d: {  	[tilespmem:$0x7880] =	vst v1  }
0x3e: {  	[tilespmem:$0x7890] =	vst v1  }
0x3f: {  	[tilespmem:$0x78A0] =	vst v1  }
0x40: {  	[tilespmem:$0x78B0] =	vst v1  }
0x41: {  	[tilespmem:$0x78C0] =	vst v1  }
0x42: {  	[tilespmem:$0x78D0] =	vst v1  }
0x43: {  	[tilespmem:$0x78E0] =	vst v1  }
0x44: {  	[tilespmem:$0x78F0] =	vst v1  }
0x45: {  	[tilespmem:s19], [sflag:$0x1] =	stream.indirect.gather [hbm4b:s4+s18], $0x20, s16, s18, $0xb8;
	[tilespmem:$0xF200] =	vst v63  }
0x46: {  	_ = 	snop  }
0x47: {  	[tilespmem:s21], [sflag:$0x2] =	stream.indirect.gather [hbm4b:s4+s18], $0x20, s20, s18, $0xb8;
	[tilespmem:$0xF200] =	vst v63  }
0x48: {  	s0 =	simm.s32 $0x5100  }
0x49: {  	[tilespmem:s22], [sflag:$0x3] =	stream.indirect.gather [hbm4b:s4+s18], $0x20, s0, s18, $0xb8;
	[tilespmem:$0xF200] =	vst v63  }
0x4a: {  	_ =	swait.ge [sflag:s23], $0x1000  }
0x4b: {  	[sflag:s23] =	ssyncset.done $0x0  }
0x4c: {  	s31 =	simm.s32 $0x7900;
	[sflag:s23] =	ssyncadd.s32 $0xFFFFF000  }
0x4d: {  	[spmem:s2] =	stream.indirect.scatter.add.f32 [tilespmem:s19], [sflag:$0x5], $0x20, s31, s18, $0xb8;
	[tilespmem:$0xF200] =	vst v63  }
0x4e: {  	_ =	swait.ge [sflag:s15], $0x1000  }
0x4f: {  	[sflag:s15] =	ssyncset.done $0x0  }
0x50: {  	s0 =	simm.s32 $0x5180;
	[sflag:s15] =	ssyncadd.s32 $0xFFFFF000  }
0x51: {  	[tilespmem:s24], [sflag:$0x4] =	stream.indirect.gather [hbm4b:s4+s18], $0x20, s0, s18, $0xb8;
	[tilespmem:$0xF200] =	vst v63  }
0x52: {  	_ =	swait.ge [sflag:s25], $0x1000  }
0x53: {  	[sflag:s25] =	ssyncset.done $0x0  }
0x54: {  	s31 =	simm.s32 $0x7980;
	[sflag:s25] =	ssyncadd.s32 $0xFFFFF000  }
0x55: {  	[spmem:s2] =	stream.indirect.scatter.add.f32 [tilespmem:s21], [sflag:$0x5], $0x20, s31, s18, $0xb8;
	[tilespmem:$0xF200] =	vst v63  }
0x56: {  	_ =	swait.ge [sflag:s15], $0x1000  }
0x57: {  	[sflag:s15] =	ssyncset.done $0x0  }
0x58: {  	s0 =	simm.s32 $0x5200;
	[sflag:s15] =	ssyncadd.s32 $0xFFFFF000  }
0x59: {  	[tilespmem:s19], [sflag:$0x1] =	stream.indirect.gather [hbm4b:s4+s18], $0x20, s0, s18, $0xb8;
	[tilespmem:$0xF200] =	vst v63  }
0x5a: {  	_ =	swait.ge [sflag:s26], $0x1000  }
0x5b: {  	[sflag:s26] =	ssyncset.done $0x0  }
0x5c: {  	s31 =	simm.s32 $0x7A00;
	[sflag:s26] =	ssyncadd.s32 $0xFFFFF000  }
0x5d: {  	[spmem:s2] =	stream.indirect.scatter.add.f32 [tilespmem:s22], [sflag:$0x5], $0x20, s31, s18, $0xb8;
	[tilespmem:$0xF200] =	vst v63  }
0x5e: {  	_ =	swait.ge [sflag:s15], $0x1000  }
0x5f: {  	[sflag:s15] =	ssyncset.done $0x0  }
0x60: {  	s0 =	simm.s32 $0x5280;
	[sflag:s15] =	ssyncadd.s32 $0xFFFFF000  }
0x61: {  	[tilespmem:s21], [sflag:$0x2] =	stream.indirect.gather [hbm4b:s4+s18], $0x20, s0, s18, $0xb8;
	[tilespmem:$0xF200] =	vst v63  }
0x62: {  	_ =	swait.ge [sflag:s28], $0x1000  }
0x63: {  	[sflag:s28] =	ssyncset.done $0x0  }
0x64: {  	s31 =	simm.s32 $0x7A80;
	[sflag:s28] =	ssyncadd.s32 $0xFFFFF000  }
0x65: {  	[spmem:s2] =	stream.indirect.scatter.add.f32 [tilespmem:s24], [sflag:$0x5], $0x20, s31, s18, $0xb8;
	[tilespmem:$0xF200] =	vst v63  }
0x66: {  	_ =	swait.ge [sflag:s15], $0x1000  }
0x67: {  	s30 =	simm.s32 $0x1000;
	s29 =	simm.s32 $0x200;
	[sflag:s15] =	ssyncset.done $0x0  }
.LBB2_4:
0x68: {  	s0 =	sadd.s32 $0x5100, s29  }
0x69: {  	[sflag:s15] =	ssyncadd.s32 $0xFFFFF000;
	s31 =	smov.u32 s30;
	s1 =	sadd.s32 $0x800, s30  }
0x6a: {  	[tilespmem:s22], [sflag:$0x3] =	stream.indirect.gather [hbm4b:s4+s18], $0x20, s0, s18, $0xb8;
	[tilespmem:$0xF200] =	vst v63  }
0x6b: {  	p0 =	sne.s32 s30, $0x9800;
	_ =	swait.ge [sflag:s23], $0x1000  }
0x6c: {  	[sflag:s23] =	ssyncset.done $0x0  }
0x6d: {  	s0 =	sadd.s32 $0x7900, s29;
	[sflag:s23] =	ssyncadd.s32 $0xFFFFF000  }
0x6e: {  	[spmem:s2] =	stream.indirect.scatter.add.f32 [tilespmem:s19], [sflag:$0x5], $0x20, s0, s18, $0xb8;
	[tilespmem:$0xF200] =	vst v63  }
0x6f: {  	_ =	swait.ge [sflag:s15], $0x1000  }
0x70: {  	[sflag:s15] =	ssyncset.done $0x0  }
0x71: {  	s0 =	sadd.s32 $0x5180, s29;
	[sflag:s15] =	ssyncadd.s32 $0xFFFFF000  }
0x72: {  	[tilespmem:s24], [sflag:$0x4] =	stream.indirect.gather [hbm4b:s4+s18], $0x20, s0, s18, $0xb8;
	[tilespmem:$0xF200] =	vst v63  }
0x73: {  	_ =	swait.ge [sflag:s25], $0x1000  }
0x74: {  	[sflag:s25] =	ssyncset.done $0x0  }
0x75: {  	s0 =	sadd.s32 $0x7980, s29;
	[sflag:s25] =	ssyncadd.s32 $0xFFFFF000  }
0x76: {  	[spmem:s2] =	stream.indirect.scatter.add.f32 [tilespmem:s21], [sflag:$0x5], $0x20, s0, s18, $0xb8;
	[tilespmem:$0xF200] =	vst v63  }
0x77: {  	_ =	swait.ge [sflag:s15], $0x1000  }
0x78: {  	[sflag:s15] =	ssyncset.done $0x0  }
0x79: {  	s0 =	sadd.s32 $0x5200, s29;
	[sflag:s15] =	ssyncadd.s32 $0xFFFFF000  }
0x7a: {  	[tilespmem:s19], [sflag:$0x1] =	stream.indirect.gather [hbm4b:s4+s18], $0x20, s0, s18, $0xb8;
	[tilespmem:$0xF200] =	vst v63  }
0x7b: {  	_ =	swait.ge [sflag:s26], $0x1000  }
0x7c: {  	[sflag:s26] =	ssyncset.done $0x0  }
0x7d: {  	s0 =	sadd.s32 $0x7A00, s29;
	[sflag:s26] =	ssyncadd.s32 $0xFFFFF000  }
0x7e: {  	[spmem:s2] =	stream.indirect.scatter.add.f32 [tilespmem:s22], [sflag:$0x5], $0x20, s0, s18, $0xb8;
	[tilespmem:$0xF200] =	vst v63  }
0x7f: {  	_ =	swait.ge [sflag:s15], $0x1000  }
0x80: {  	[sflag:s15] =	ssyncset.done $0x0  }
0x81: {  	s0 =	sadd.s32 $0x5280, s29;
	[sflag:s15] =	ssyncadd.s32 $0xFFFFF000  }
0x82: {  	[tilespmem:s21], [sflag:$0x2] =	stream.indirect.gather [hbm4b:s4+s18], $0x20, s0, s18, $0xb8;
	[tilespmem:$0xF200] =	vst v63  }
0x83: {  	_ =	swait.ge [sflag:s28], $0x1000  }
.Ltmp1:
0x84: {  	[sflag:s28] =	ssyncset.done $0x0;
	(pc) =	sbr.rel @p0 .LBB2_4-.Ltmp1, $4  }
0x85: {  	s0 =	sadd.s32 $0x7A80, s29;
	[sflag:s28] =	ssyncadd.s32 $0xFFFFF000  }
0x86: {  	[spmem:s2] =	stream.indirect.scatter.add.f32 [tilespmem:s24], [sflag:$0x5], $0x20, s0, s18, $0xb8;
	[tilespmem:$0xF200] =	vst v63  }
0x87: {  	_ =	swait.ge [sflag:s15], $0x1000  }
0x88: {  	s30 =	smov.u32 s1;
	s29 =	sshra.s32 s31, $0x2;
	[sflag:s15] =	ssyncset.done $0x0  }
0x89: {  	s0 =	sadd.s32 $0x5100, s29;
	[sflag:s15] =	ssyncadd.s32 $0xFFFFF000  }
0x8a: {  	[tilespmem:s22], [sflag:$0x3] =	stream.indirect.gather [hbm4b:s4+s18], $0x20, s0, s18, $0xb8;
	[tilespmem:$0xF200] =	vst v63  }
0x8b: {  	_ =	swait.ge [sflag:s23], $0x1000  }
0x8c: {  	[sflag:s23] =	ssyncset.done $0x0  }
0x8d: {  	s30 =	sadd.s32 $0x7900, s29;
	[sflag:s23] =	ssyncadd.s32 $0xFFFFF000  }
0x8e: {  	[spmem:s2] =	stream.indirect.scatter.add.f32 [tilespmem:s19], [sflag:$0x5], $0x20, s30, s18, $0xb8;
	[tilespmem:$0xF200] =	vst v63  }
0x8f: {  	_ =	swait.ge [sflag:s15], $0x1000  }
0x90: {  	[sflag:s15] =	ssyncset.done $0x0  }
0x91: {  	s31 =	sadd.s32 $0x5180, s29;
	[sflag:s15] =	ssyncadd.s32 $0xFFFFF000  }
0x92: {  	[tilespmem:s24], [sflag:$0x4] =	stream.indirect.gather [hbm4b:s4+s18], $0x20, s31, s18, $0xb8;
	[tilespmem:$0xF200] =	vst v63  }
0x93: {  	_ =	swait.ge [sflag:s25], $0x1000  }
0x94: {  	[sflag:s25] =	ssyncset.done $0x0  }
0x95: {  	s1 =	sadd.s32 $0x7980, s29;
	[sflag:s25] =	ssyncadd.s32 $0xFFFFF000  }
0x96: {  	[spmem:s2] =	stream.indirect.scatter.add.f32 [tilespmem:s21], [sflag:$0x5], $0x20, s1, s18, $0xb8;
	[tilespmem:$0xF200] =	vst v63  }
0x97: {  	_ =	swait.ge [sflag:s15], $0x1000  }
0x98: {  	[sflag:s15] =	ssyncset.done $0x0  }
0x99: {  	s30 =	sadd.s32 $0x5200, s29;
	[sflag:s15] =	ssyncadd.s32 $0xFFFFF000  }
0x9a: {  	[tilespmem:s19], [sflag:$0x1] =	stream.indirect.gather [hbm4b:s4+s18], $0x20, s30, s18, $0xb8;
	[tilespmem:$0xF200] =	vst v63  }
0x9b: {  	_ =	swait.ge [sflag:s26], $0x1000  }
0x9c: {  	[sflag:s26] =	ssyncset.done $0x0  }
0x9d: {  	s31 =	sadd.s32 $0x7A00, s29;
	[sflag:s26] =	ssyncadd.s32 $0xFFFFF000  }
0x9e: {  	[spmem:s2] =	stream.indirect.scatter.add.f32 [tilespmem:s22], [sflag:$0x5], $0x20, s31, s18, $0xb8;
	[tilespmem:$0xF200] =	vst v63  }
0x9f: {  	_ =	swait.ge [sflag:s15], $0x1000  }
0xa0: {  	[sflag:s15] =	ssyncset.done $0x0  }
0xa1: {  	s1 =	sadd.s32 $0x5280, s29;
	[sflag:s15] =	ssyncadd.s32 $0xFFFFF000  }
0xa2: {  	[tilespmem:s21], [sflag:$0x2] =	stream.indirect.gather [hbm4b:s4+s18], $0x20, s1, s18, $0xb8;
	[tilespmem:$0xF200] =	vst v63  }
0xa3: {  	_ =	swait.ge [sflag:s28], $0x1000  }
0xa4: {  	[sflag:s28] =	ssyncset.done $0x0  }
0xa5: {  	s30 =	sadd.s32 $0x7A80, s29;
	[sflag:s28] =	ssyncadd.s32 $0xFFFFF000  }
0xa6: {  	[spmem:s2] =	stream.indirect.scatter.add.f32 [tilespmem:s24], [sflag:$0x5], $0x20, s30, s18, $0xb8;
	[tilespmem:$0xF200] =	vst v63  }
0xa7: {  	_ =	swait.ge [sflag:s15], $0x1000  }
0xa8: {  	[sflag:s15] =	ssyncset.done $0x0  }
0xa9: {  	[sflag:s15] =	ssyncadd.s32 $0xFFFFF000  }
0xaa: {  	_ =	swait.ge [sflag:s23], $0x1000  }
0xab: {  	[sflag:s23] =	ssyncset.done $0x0  }
0xac: {  	[sflag:s23] =	ssyncadd.s32 $0xFFFFF000  }
0xad: {  	s31 =	stileid.u32;
	_ =	swait.ge [sflag:s25], $0x1000  }
0xae: {  	s3 =	sadd.s32 $0x1, s3;
	s0 =	sshll.u32 s31, $0x6;
	[sflag:s25] =	ssyncset.done $0x0  }
0xaf: {  	p0 =	sne.s32 s3, s13;
	s0 =	sor.u32 $0x1C05, s0;
	[sflag:s25] =	ssyncadd.s32 $0xFFFFF000  }
.Ltmp2:
0xb0: {  	s1 =	sshrl.u32 s5, $0x3;
	[bflag:$0x0] =	sbarrier.arrive $0xFFFF;
	(pc) =	sbr.rel @p0 .LBB2_1-.Ltmp2, $4  }
0xb1: {  	[hbm:s12], [sflag:s0] =	dma.local [spmem:s1], $0xA00  }
0xb2: {  	_ =	swait.ge [sflag:s15], $0xA00  }
0xb3: {  	[sflag:s15] =	ssyncset.done $0x0  }
0xb4: {  	[sflag:s15] =	ssyncadd.s32 $0xFFFFF600  }
0xb5: {  	_ =	sfence.sel $0x180000  }
0xb6: {  	[bflag:$0x0] =	sbarrier.arrive $0xFFFF  }
0xb7: {  	_ =	strace $0x9000004A  }
0xb8: {  	s0 =	stileid.u32;
	[bflag:$0x2] =	sbarrier.arrive $0xFFFF  }
0xb9: {  	p0 =	sne.s32 s0, $0x0;
	s0 =	rddreg [dreg:$0x2]  }
0xba: {  	s0 =	sadd.s32 @!p0 $0x100000, s0  }
0xbb: {  	[sflag:s0] =	ssyncadd.tile.s32 @!p0 $0x1;
	_ =	shalt  }
.Lfunc_end2:
_tile_overlayer_lowered:
.L_overlay_start_2:
0xbc: {  	(tag) =	ssettag $0x2  }
0xbd: {  	s0 =	rddreg [dreg:$0x0];
	s2 =	stileid.u32  }
0xbe: {  	s1 =	rddreg [dreg:$0x1];
	p0 =	sne.s32 s2, $0x0  }
0xbf: {  	s3 =	rddreg [dreg:$0x2];
	[bflag:$0x3] =	sbarrier.arrive $0xFFFF;
	s2 =	simm.s32 @!p0 $0x1C05  }
0xc0: {  	[timem:s3], [sflag:s2] =	dma.local @!p0 [hbm:s0], s1  }
0xc1: {  	s0 =	simm.s32 @!p0 $0x5  }
0xc2: {  	_ =	swait.ge @!p0 [sflag:s0], s1  }
0xc3: {  	s1 =	ssub.s32 @!p0 $0x0, s1;
	[sflag:s0] =	ssyncset.done @!p0 $0x0  }
0xc4: {  	[sflag:s0] =	ssyncadd.s32 @!p0 s1  }
0xc5: {  	[bflag:$0x3] =	sbarrier.arrive $0xFFFF  }
0xc6: {  	_ =	shalt  }

// kernel: kernel.15.cloned.1.call-start
scs
__scs_entry_jumppad:
0x0: {  	(pc) =	sbr.rel $0x88, $3  }
0x1: {  	(tag) =	ssettag $0x0;
	lr =	simm.s32 $0x1  }
0x2: {  	[smem:$0x3F8F] =	sst lr;
	_ =	strace $0xD0000000  }
0x3: {  	_ = 	snop  }
0x4: {  	_ = 	snop  }
0x5: {  	_ = 	snop  }
0x6: {  	_ = 	snop  }
0x7: {  	_ = 	snop  }
__scs_overlays_trampoline_lowered:
0x8: {  	[smem:$0x3F9E] =	sst s0  }
0x9: {  	[smem:$0x3F9F] =	sst s1  }
0xa: {  	[smem:$0x3FA0] =	sst s2  }
0xb: {  	[smem:$0x3FA1] =	sst s3  }
0xc: {  	[smem:$0x3FA2] =	sst s4  }
0xd: {  	[smem:$0x3FA3] =	sst s5  }
0xe: {  	[smem:$0x3FA4] =	sst s6  }
0xf: {  	[smem:$0x3FA5] =	sst s7  }
0x10: {  	[smem:$0x3FA6] =	sst s8  }
0x11: {  	[smem:$0x3FA7] =	sst s9;
	s0 =	simm.s32 @!p0 $0x0  }
0x12: {  	s1 =	sld [smem:$0x3F8D];
	s0 =	simm.s32 @p0 $0x1  }
0x13: {  	[smem:$0x3FA8] =	sst s0;
	s0 =	simm.s32 @!p1 $0x0  }
0x14: {  	s2 =	sld [smem:$0x3F8C];
	s0 =	simm.s32 @p1 $0x1  }
0x15: {  	[smem:$0x3FA9] =	sst s0;
	s0 =	simm.s32 @!p2 $0x0  }
0x16: {  	s3 =	sld [smem:$0x3FDB];
	s0 =	simm.s32 @p2 $0x1  }
0x17: {  	s4 =	simm.s32 $0x1BF5;
	[smem:$0x3FAB] =	sst s0  }
0x18: {  	s0 =	sld [smem:$0x3F8E];
	_ =	swait.ge [sflag:s4], $0x0  }
0x19: {  	s7 =	sld [smem:$0x3F8F]  }
0x1a: {  	s8 =	sadd.s32 $0xFFFFE003, lr  }
0x1b: {  	s9 =	sadd.s32 $0xFFFFFEF7, lr;
	s5 =	simm.s32 $0xFFFFFFFF;
	p2 =	slt.u32 s8, $0xFFFFF086  }
0x1c: {  	p1 =	slt.u32 s9, $0xF7A;
	s5 =	simm.s32 @!p2 $0x0  }
0x1d: {  	s5 =	simm.s32 @p1 $0x1;
	p0 =	seq.s32 s7, s2  }
0x1e: {  	s7 =	smul.u32 @!p0 $0xF7A, s2;
	p2 =	seq.s32 @!p0 s5, $0x0  }
0x1f: {  	s9 =	smul.u32 $0xF7A, s1;
	s8 =	simm.s32 @!p0 $0x1BF5;
	p2 =	por !p2, p0  }
0x20: {  	[sflag:s8] =	ssyncset.s32 @!p0 $0xFFFFF086;
	s6 =	sadd.s32 @!p0 s3, s7;
	s7 =	simm.s32 @!p0 $0x108  }
0x21: {  	s3 =	sadd.s32 s3, s9;
	s6 =	sadd.s32 @!p0 $0x88, s6;
	s7 =	simm.s32 @p2 $0x1082  }
0x22: {  	[simem:s7], [sflag:s8] =	dma.local @!p0 [hbm:s6], $0xF7A  }
0x23: {  	s9 =	sor.u32 $0xD0000000, s2;
	s6 =	simm.s32 $0x108;
	_ =	swait.ge @!p0 [sflag:s8], $0x0  }
0x24: {  	s3 =	sadd.s32 $0x88, s3;
	s6 =	simm.s32 @!p1 $0x1082;
	[sflag:s4] =	ssyncset.s32 $0xFFFFF086  }
0x25: {  	[simem:s6], [sflag:s4] =	dma.local [hbm:s3], $0xF7A  }
0x26: {  	[smem:$0x3F8F] =	sst s1;
	(tag) =	ssettag s2;
	_ =	strace s9  }
0x27: {  	s1 =	sld [smem:$0x3F9F]  }
0x28: {  	s2 =	sld [smem:$0x3FA0]  }
0x29: {  	s4 =	sld [smem:$0x3FA2]  }
0x2a: {  	p0 =	seq.s32 s5, $0x0;
	s5 =	sld [smem:$0x3FA3]  }
0x2b: {  	s6 =	sld [smem:$0x3FA4]  }
0x2c: {  	s7 =	sld [smem:$0x3FA5]  }
0x2d: {  	s3 =	simm.s32 $0x108;
	s8 =	sld [smem:$0x3FA6]  }
0x2e: {  	s3 =	simm.s32 @!p0 $0x1082;
	s9 =	sld [smem:$0x3FA7]  }
0x2f: {  	lr =	sadd.s32 s0, s3;
	s0 =	sld [smem:$0x3F9E]  }
0x30: {  	s3 =	sld [smem:$0x3FA1]  }
0x31: {  	[smem:$0x3FAA] =	sst s10  }
0x32: {  	s10 =	sld [smem:$0x3FA8];
	_ =	sdelay $0x3  }
0x33: {  	p0 =	seq.s32 s10, $0x1;
	s10 =	sld [smem:$0x3FAA];
	_ =	sdelay $0x3  }
0x34: {  	[smem:$0x3FAA] =	sst s10  }
0x35: {  	s10 =	sld [smem:$0x3FA9];
	_ =	sdelay $0x3  }
0x36: {  	p1 =	seq.s32 s10, $0x1;
	s10 =	sld [smem:$0x3FAA];
	_ =	sdelay $0x3  }
0x37: {  	[smem:$0x3FAA] =	sst s10  }
0x38: {  	s10 =	sld [smem:$0x3FAB]  }
0x39: {  	_ = 	snop;
	(pc) =	sbr.ind lr, $3  }
0x3a: {  	_ = 	snop  }
0x3b: {  	_ = 	snop  }
0x3c: {  	p2 =	seq.s32 s10, $0x1;
	s10 =	sld [smem:$0x3FAA]  }
0x3d: {  	_ =	shalt  }
0x3e: {  	_ =	shalt  }
0x3f: {  	_ =	shalt  }
0x40: {  	_ =	shalt  }
0x41: {  	_ =	shalt  }
0x42: {  	_ =	shalt  }
0x43: {  	_ =	shalt  }
0x44: {  	_ =	shalt  }
0x45: {  	_ =	shalt  }
0x46: {  	_ =	shalt  }
0x47: {  	_ =	shalt  }
0x48: {  	_ =	shalt  }
0x49: {  	_ =	shalt  }
0x4a: {  	_ =	shalt  }
0x4b: {  	_ =	shalt  }
0x4c: {  	_ =	shalt  }
0x4d: {  	_ =	shalt  }
0x4e: {  	_ =	shalt  }
0x4f: {  	_ =	shalt  }
0x50: {  	_ =	shalt  }
0x51: {  	_ =	shalt  }
0x52: {  	_ =	shalt  }
0x53: {  	_ =	shalt  }
0x54: {  	_ =	shalt  }
0x55: {  	_ =	shalt  }
0x56: {  	_ =	shalt  }
0x57: {  	_ =	shalt  }
0x58: {  	_ =	shalt  }
0x59: {  	_ =	shalt  }
0x5a: {  	_ =	shalt  }
0x5b: {  	_ =	shalt  }
0x5c: {  	_ =	shalt  }
0x5d: {  	_ =	shalt  }
0x5e: {  	_ =	shalt  }
0x5f: {  	_ =	shalt  }
0x60: {  	_ =	shalt  }
0x61: {  	_ =	shalt  }
0x62: {  	_ =	shalt  }
0x63: {  	_ =	shalt  }
0x64: {  	_ =	shalt  }
0x65: {  	_ =	shalt  }
0x66: {  	_ =	shalt  }
0x67: {  	_ =	shalt  }
0x68: {  	_ =	shalt  }
0x69: {  	_ =	shalt  }
0x6a: {  	_ =	shalt  }
0x6b: {  	_ =	shalt  }
0x6c: {  	_ =	shalt  }
0x6d: {  	_ =	shalt  }
0x6e: {  	_ =	shalt  }
0x6f: {  	_ =	shalt  }
0x70: {  	_ =	shalt  }
0x71: {  	_ =	shalt  }
0x72: {  	_ =	shalt  }
0x73: {  	_ =	shalt  }
0x74: {  	_ =	shalt  }
0x75: {  	_ =	shalt  }
0x76: {  	_ =	shalt  }
0x77: {  	_ =	shalt  }
0x78: {  	_ =	shalt  }
0x79: {  	_ =	shalt  }
0x7a: {  	_ =	shalt  }
0x7b: {  	_ =	shalt  }
0x7c: {  	_ =	shalt  }
0x7d: {  	_ =	shalt  }
0x7e: {  	_ =	shalt  }
0x7f: {  	_ =	shalt  }
0x80: {  	_ =	shalt  }
0x81: {  	_ =	shalt  }
0x82: {  	_ =	shalt  }
0x83: {  	_ =	shalt  }
0x84: {  	_ =	shalt  }
0x85: {  	_ =	shalt  }
0x86: {  	_ =	shalt  }
0x87: {  	_ =	shalt  }
.Lfunc_end0:
.L_simem_size_0:
called_computation.2_lowered:
.L_overlay_start_0:
0x88: {  	s2 =	sld [smem:$0x3FD9]  }
0x89: {  	s3 =	sld [smem:$0x3FFE];
	_ =	sdelay $0x1  }
0x8a: {  	s1 =	srdreg.scid  }
0x8b: {  	s0 =	sand.u32 $0x1, s1  }
0x8c: {  	s16 =	sshll.u32 s0, $0xA;
	s2 =	sadd.s32 s3, s2  }
0x8d: {  	s2 =	sadd.s32 s2, s16  }
0x8e: {  	[smem:$0x3FB6] =	sst s2  }
0x8f: {  	_ = 	snop  }
0x90: {  	(tm) =	ssettm $0x1  }
0x91: {  	s17 =	sld [smem:$0x3FFB];
	_ =	sdelay $0x3  }
0x92: {  	_ =	strace s17  }
0x93: {  	s2 =	sld [smem:$0x3FFC];
	_ =	sdelay $0x3  }
0x94: {  	_ =	strace s2  }
0x95: {  	s2 =	sld [smem:$0x3FFD];
	_ =	sdelay $0x3  }
0x96: {  	_ =	strace s2  }
0x97: {  	_ =	strace $0x8FFFFFFF  }
0x98: {  	s18 =	sld [smem:$0x3FDB];
	_ =	sdelay $0x1  }
0x99: {  	s19 =	simm.s32 $_scs_section_size  }
0x9a: {  	s4 =	simm.s32 $_size__tile_overlayer_lowered;
	s5 =	simm.s32 $_tile_overlayer_lowered  }
0x9b: {  	s22 =	simm.s32 $0x1BFF;
	s21 =	sshll.u32 s5, $0x1;
	s2 =	sadd.s32 s19, s18  }
0x9c: {  	s6 =	simm.s32 $0x0;
	s20 =	sshll.u32 s4, $0x1;
	s4 =	sadd.s32 s21, s2  }
0x9d: {  	[timem:s6], [sflag:s22] =	dma.local [hbm:s4], s20  }
0x9e: {  	_ =	swait.ge [sflag:s22], s20  }
0x9f: {  	s3 =	ssub.s32 $0x0, s20;
	[sflag:s22] =	ssyncset.done $0x0  }
0xa0: {  	[sflag:s22] =	ssyncadd.s32 s3;
	_ =	sdelay $0x1  }
0xa1: {  	s23 =	simm.s32 $0x1B8B  }
0xa2: {  	_ =	swait.ge [sflag:s23], $0x1  }
0xa3: {  	[sflag:s23] =	ssyncset.done $0x0  }
0xa4: {  	s25 =	simm.s32 $0x1B8E;
	s24 =	sld [smem:$0x3FFE];
	[sflag:s23] =	ssyncadd.s32 $0xFFFFFFFF  }
0xa5: {  	s26 =	simm.s32 $execute0_lowered;
	[smem:$0x3FD2] =	sst s25  }
0xa6: {  	s4 =	sshll.u32 s26, $0x1;
	_ =	strace $0x8000004C;
	[dreg:$0x1] =	wrdreg $0xFFFFFFFF  }
0xa7: {  	s28 =	simm.s32 $_size_execute0_lowered;
	s2 =	sadd.s32 s2, s4;
	[dreg:$0x0] =	wrdreg $0x0  }
0xa8: {  	s4 =	sshll.u32 s28, $0x1;
	[dreg:$0x2] =	wrdreg s2  }
0xa9: {  	[dreg:$0x3] =	wrdreg s4  }
0xaa: {  	[dreg:$0x4] =	wrdreg $0xC0  }
0xab: {  	_ =	task [dreg:s6], $0x5FFFF  }
0xac: {  	[dreg:$0x1] =	wrdreg $0xFFFFFFFF  }
0xad: {  	[dreg:$0x0] =	wrdreg $0x60  }
0xae: {  	[dreg:$0x2] =	wrdreg s24  }
0xaf: {  	[dreg:$0x3] =	wrdreg $0x0  }
0xb0: {  	[dreg:$0x4] =	wrdreg $0x9  }
0xb1: {  	_ =	task.clear_ibuf [dreg:s6], $0x5FFFF;
	_ =	strace $0x9000004C  }
0xb2: {  	s29 =	simm.s32 $0x9;
	_ =	strace $0x8000004E  }
0xb3: {  	_ =	swait.ge [sflag:s29], $0x1  }
0xb4: {  	[sflag:s29] =	ssyncadd.s32 $0xFFFFFFFF  }
0xb5: {  	_ =	strace $0x9000004E  }
0xb6: {  	_ =	sfence  }
0xb7: {  	s30 =	sld [smem:$0x0];
	_ =	sdelay $0x2  }
0xb8: {  	s31 =	sshll.u32 s1, $0xD;
	s1 =	sshrl.u32 s1, $0x2  }
0xb9: {  	s3 =	sand.u32 $0x4000, s31;
	s1 =	sadd.s32 s1, s30  }
0xba: {  	s0 =	sor.u32 s3, s0;
	s1 =	sshll.u32 s1, $0x11  }
0xbb: {  	s0 =	sor.u32 s1, s0  }
0xbc: {  	s0 =	sadd.s32 $0x8F2B, s0  }
0xbd: {  	[sflag:s0] =	ssyncadd.remote.s32 $0x1  }
0xbe: {  	_ =	sfence.sel $0xFFFF  }
0xbf: {  	[dreg:$0x0] =	wrdreg $0xFFFFFFFF;
	(pc) =	sbr.abs _section_cstart, $3  }
0xc0: {  	[dreg:$0x1] =	wrdreg $0xFFFFFFFF  }
0xc1: {  	_ =	task.clear_ibuf [dreg:s6], $0x2FFFF;
	_ =	strace $0x9FFFFFFF  }
0xc2: {  	(tm) =	ssettm $0x7FFFFFFF  }
0xc3: {  	_ =	shalt  }
tec
execute0_lowered:
.L_overlay_start_1:
0x0: {  	(tag) =	ssettag $0x1  }
0x1: {  	s0 =	srdreg.scid;
	s26 =	stileid.u32  }
0x2: {  	s5 =	rddreg [dreg:$0x0];
	s14 =	simm.s32 $0x17200;
	s15 =	simm.s32 $0x5  }
0x3: {  	s16 =	simm.s32 $0xA000;
	s17 =	simm.s32 $0xC900;
	s18 =	simm.s32 $0x80  }
0x4: {  	s19 =	simm.s32 $0xF200;
	s20 =	simm.s32 $0xA080;
	s21 =	simm.s32 $0x11200  }
0x5: {  	s22 =	simm.s32 $0x13200;
	s23 =	simm.s32 $0x1;
	s24 =	simm.s32 $0x15200  }
0x6: {  	s25 =	simm.s32 $0x2;
	s28 =	simm.s32 $0x4;
	s7 =	smul.u32 $0xA000, s26  }
0x7: {  	s1 =	sand.u32 $0x1, s0;
	s9 =	smul.u32 $0x28000, s26;
	s4 =	sadd.s32 $0x40200, s5  }
0x8: {  	s2 =	sshll.u32 s1, $0x4;
	s8 =	smul.u32 $0xA0000, s1;
	s1 =	ssub.s32 $0x2, s1  }
0x9: {  	s3 =	sor.u32 s26, s2;
	s2 =	rddreg [dreg:$0x1];
	s30 =	sshrl.u32 s9, $0x2  }
0xa: {  	s31 =	sshrl.u32 s1, $0x1;
	s26 =	simm.s32 $0x3;
	s6 =	smul.u32 $0x500, s3  }
0xb: {  	s3 =	simm.s32 $0x0;
	s29 =	sadd.s32 s7, s8;
	s9 =	sadd.s32 s30, s2  }
0xc: {  	s1 =	ssub.s32 s1, s31;
	[smem:$0x7FF] =	sst s3;
	s8 =	sadd.s32 $0x6000, s9  }
0xd: {  	s13 =	smax.u32 s1, $0x1;
	s11 =	sadd.s32 s6, s5;
	s6 =	sshrl.u32 s29, $0x3  }
0xe: {  	_ =	strace $0x8000004D;
	s12 =	sadd.s32 s6, s5;
	s5 =	sadd.s32 s7, s2  }
0xf: {  	v1 =	vlaneseq.u32;
	s6 =	sadd.s32 $0x2000, s9;
	s7 =	sadd.s32 $0x4000, s9;
	s9 =	sadd.s32 $0x8000, s9  }
0x10: {  	v0 =	vimm.f32 $0.0e+00;
	v1 =	vor.u32 $0x27F0, v1;
	s10 =	sadd.s32 $0xE200, s11;
	s11 =	sadd.s32 $0x4200, s11;
	s12 =	sadd.s32 $0x54200, s12  }
.LBB2_1:
0x11: {  	s30 =	simm.s32 $0x100;
	s29 =	simm.s32 $0x0  }
.LBB2_2:
0x12: {  	p0 =	sne.s32 s30, $0x7F00;
	[tilespmem:s29+$0x17230] =	vst v0;
	s1 =	smov.u32 s30;
	s30 =	sadd.s32 $0x100, s30  }
.Ltmp0:
0x13: {  	[tilespmem:s29+$0x17220] =	vst v0;
	(pc) =	sbr.rel @p0 .LBB2_2-.Ltmp0, $3  }
0x14: {  	[tilespmem:s29+$0x17200] =	vst v0  }
0x15: {  	[tilespmem:s29+$0x17210] =	vst v0;
	_ =	sdelay $0x1  }
0x16: {  	s29 =	sshra.s32 s1, $0x2  }
0x17: {  	[tilespmem:s29+$0x17230] =	vst v0  }
0x18: {  	[tilespmem:s29+$0x17220] =	vst v0  }
0x19: {  	[tilespmem:s29+$0x17200] =	vst v0  }
0x1a: {  	[tilespmem:s29+$0x17210] =	vst v0  }
0x1b: {  	[spmem:s5] =	stream.linear.scatter [tilespmem:s14], [sflag:$0x5], $0x2000, $0x38;
	[tilespmem:$0x19200] =	vst v63  }
0x1c: {  	_ =	swait.ge [sflag:s15], $0x2000  }
0x1d: {  	[sflag:s15] =	ssyncset.done $0x0  }
0x1e: {  	[sflag:s15] =	ssyncadd.s32 $0xFFFFE000  }
0x1f: {  	[spmem:s6] =	stream.linear.scatter [tilespmem:s14], [sflag:$0x5], $0x2000, $0x38;
	[tilespmem:$0x19200] =	vst v63  }
0x20: {  	_ =	swait.ge [sflag:s15], $0x2000  }
0x21: {  	[sflag:s15] =	ssyncset.done $0x0  }
0x22: {  	[sflag:s15] =	ssyncadd.s32 $0xFFFFE000  }
0x23: {  	[spmem:s7] =	stream.linear.scatter [tilespmem:s14], [sflag:$0x5], $0x2000, $0x38;
	[tilespmem:$0x19200] =	vst v63  }
0x24: {  	_ =	swait.ge [sflag:s15], $0x2000  }
0x25: {  	[sflag:s15] =	ssyncset.done $0x0  }
0x26: {  	[sflag:s15] =	ssyncadd.s32 $0xFFFFE000  }
0x27: {  	[spmem:s8] =	stream.linear.scatter [tilespmem:s14], [sflag:$0x5], $0x2000, $0x38;
	[tilespmem:$0x19200] =	vst v63  }
0x28: {  	_ =	swait.ge [sflag:s15], $0x2000  }
0x29: {  	[sflag:s15] =	ssyncset.done $0x0  }
0x2a: {  	[sflag:s15] =	ssyncadd.s32 $0xFFFFE000  }
0x2b: {  	[spmem:s9] =	stream.linear.scatter [tilespmem:s14], [sflag:$0x5], $0x2000, $0x38;
	[tilespmem:$0x19200] =	vst v63  }
0x2c: {  	_ =	swait.ge [sflag:s15], $0x2000  }
0x2d: {  	[sflag:s15] =	ssyncset.done $0x0  }
0x2e: {  	[sflag:s15] =	ssyncadd.s32 $0xFFFFE000  }
0x2f: {  	s1 =	simm.s32 $0x0;
	[bflag:$0x0] =	sbarrier.arrive $0xFFFF  }
0x30: {  	[tilespmem:s16], [sflag:$0x5] =	stream.linear.gather [hbm4b:s10+s1], $0x2800, $0x38;
	[tilespmem:$0x19200] =	vst v63  }
0x31: {  	_ =	swait.ge [sflag:s15], $0x2800  }
0x32: {  	[sflag:s15] =	ssyncset.done $0x0  }
0x33: {  	[sflag:s15] =	ssyncadd.s32 $0xFFFFD800  }
0x34: {  	[tilespmem:s17], [sflag:$0x5] =	stream.linear.gather [hbm4b:s11+s1], $0x2800, $0x38;
	[tilespmem:$0x19200] =	vst v63  }
0x35: {  	_ =	swait.ge [sflag:s15], $0x2800  }
0x36: {  	[sflag:s15] =	ssyncset.done $0x0  }
0x37: {  	[sflag:s15] =	ssyncadd.s32 $0xFFFFD800  }
0x38: {  	[tilespmem:$0xC800] =	vst v1  }
0x39: {  	[tilespmem:$0xC810] =	vst v1  }
0x3a: {  	[tilespmem:$0xC820] =	vst v1  }
0x3b: {  	[tilespmem:$0xC830] =	vst v1  }
0x3c: {  	[tilespmem:$0xC840] =	vst v1  }
0x3d: {  	[tilespmem:$0xC850] =	vst v1  }
0x3e: {  	[tilespmem:$0xC860] =	vst v1  }
0x3f: {  	[tilespmem:$0xC870] =	vst v1  }
0x40: {  	[tilespmem:$0xC880] =	vst v1  }
0x41: {  	[tilespmem:$0xC890] =	vst v1  }
0x42: {  	[tilespmem:$0xC8A0] =	vst v1  }
0x43: {  	[tilespmem:$0xC8B0] =	vst v1  }
0x44: {  	[tilespmem:$0xC8C0] =	vst v1  }
0x45: {  	[tilespmem:$0xC8D0] =	vst v1  }
0x46: {  	[tilespmem:$0xC8E0] =	vst v1  }
0x47: {  	[tilespmem:$0xC8F0] =	vst v1  }
0x48: {  	[tilespmem:s19], [sflag:$0x1] =	stream.indirect.gather [hbm4b:s4+s18], $0x40, s16, s18, $0xb8;
	[tilespmem:$0x19200] =	vst v63  }
0x49: {  	_ = 	snop  }
0x4a: {  	[tilespmem:s21], [sflag:$0x2] =	stream.indirect.gather [hbm4b:s4+s18], $0x40, s20, s18, $0xb8;
	[tilespmem:$0x19200] =	vst v63  }
0x4b: {  	s0 =	simm.s32 $0xA100  }
0x4c: {  	[tilespmem:s22], [sflag:$0x3] =	stream.indirect.gather [hbm4b:s4+s18], $0x40, s0, s18, $0xb8;
	[tilespmem:$0x19200] =	vst v63  }
0x4d: {  	_ =	swait.ge [sflag:s23], $0x2000  }
0x4e: {  	[sflag:s23] =	ssyncset.done $0x0  }
0x4f: {  	s31 =	simm.s32 $0xC900;
	[sflag:s23] =	ssyncadd.s32 $0xFFFFE000  }
0x50: {  	[spmem:s2] =	stream.indirect.scatter.add.f32 [tilespmem:s19], [sflag:$0x5], $0x40, s31, s18, $0xb8;
	[tilespmem:$0x19200] =	vst v63  }
0x51: {  	_ =	swait.ge [sflag:s15], $0x2000  }
0x52: {  	[sflag:s15] =	ssyncset.done $0x0  }
0x53: {  	s0 =	simm.s32 $0xA180;
	[sflag:s15] =	ssyncadd.s32 $0xFFFFE000  }
0x54: {  	[tilespmem:s24], [sflag:$0x4] =	stream.indirect.gather [hbm4b:s4+s18], $0x40, s0, s18, $0xb8;
	[tilespmem:$0x19200] =	vst v63  }
0x55: {  	_ =	swait.ge [sflag:s25], $0x2000  }
0x56: {  	[sflag:s25] =	ssyncset.done $0x0  }
0x57: {  	s31 =	simm.s32 $0xC980;
	[sflag:s25] =	ssyncadd.s32 $0xFFFFE000  }
0x58: {  	[spmem:s2] =	stream.indirect.scatter.add.f32 [tilespmem:s21], [sflag:$0x5], $0x40, s31, s18, $0xb8;
	[tilespmem:$0x19200] =	vst v63  }
0x59: {  	_ =	swait.ge [sflag:s15], $0x2000  }
0x5a: {  	[sflag:s15] =	ssyncset.done $0x0  }
0x5b: {  	s0 =	simm.s32 $0xA200;
	[sflag:s15] =	ssyncadd.s32 $0xFFFFE000  }
0x5c: {  	[tilespmem:s19], [sflag:$0x1] =	stream.indirect.gather [hbm4b:s4+s18], $0x40, s0, s18, $0xb8;
	[tilespmem:$0x19200] =	vst v63  }
0x5d: {  	_ =	swait.ge [sflag:s26], $0x2000  }
0x5e: {  	[sflag:s26] =	ssyncset.done $0x0  }
0x5f: {  	s31 =	simm.s32 $0xCA00;
	[sflag:s26] =	ssyncadd.s32 $0xFFFFE000  }
0x60: {  	[spmem:s2] =	stream.indirect.scatter.add.f32 [tilespmem:s22], [sflag:$0x5], $0x40, s31, s18, $0xb8;
	[tilespmem:$0x19200] =	vst v63  }
0x61: {  	_ =	swait.ge [sflag:s15], $0x2000  }
0x62: {  	[sflag:s15] =	ssyncset.done $0x0  }
0x63: {  	s0 =	simm.s32 $0xA280;
	[sflag:s15] =	ssyncadd.s32 $0xFFFFE000  }
0x64: {  	[tilespmem:s21], [sflag:$0x2] =	stream.indirect.gather [hbm4b:s4+s18], $0x40, s0, s18, $0xb8;
	[tilespmem:$0x19200] =	vst v63  }
0x65: {  	_ =	swait.ge [sflag:s28], $0x2000  }
0x66: {  	[sflag:s28] =	ssyncset.done $0x0  }
0x67: {  	s31 =	simm.s32 $0xCA80;
	[sflag:s28] =	ssyncadd.s32 $0xFFFFE000  }
0x68: {  	[spmem:s2] =	stream.indirect.scatter.add.f32 [tilespmem:s24], [sflag:$0x5], $0x40, s31, s18, $0xb8;
	[tilespmem:$0x19200] =	vst v63  }
0x69: {  	_ =	swait.ge [sflag:s15], $0x2000  }
0x6a: {  	s30 =	simm.s32 $0x1000;
	s29 =	simm.s32 $0x200;
	[sflag:s15] =	ssyncset.done $0x0  }
.LBB2_4:
0x6b: {  	s0 =	sadd.s32 $0xA100, s29  }
0x6c: {  	[sflag:s15] =	ssyncadd.s32 $0xFFFFE000;
	s31 =	smov.u32 s30;
	s1 =	sadd.s32 $0x800, s30  }
0x6d: {  	[tilespmem:s22], [sflag:$0x3] =	stream.indirect.gather [hbm4b:s4+s18], $0x40, s0, s18, $0xb8;
	[tilespmem:$0x19200] =	vst v63  }
0x6e: {  	p0 =	sne.s32 s30, $0x9800;
	_ =	swait.ge [sflag:s23], $0x2000  }
0x6f: {  	[sflag:s23] =	ssyncset.done $0x0  }
0x70: {  	s0 =	sadd.s32 $0xC900, s29;
	[sflag:s23] =	ssyncadd.s32 $0xFFFFE000  }
0x71: {  	[spmem:s2] =	stream.indirect.scatter.add.f32 [tilespmem:s19], [sflag:$0x5], $0x40, s0, s18, $0xb8;
	[tilespmem:$0x19200] =	vst v63  }
0x72: {  	_ =	swait.ge [sflag:s15], $0x2000  }
0x73: {  	[sflag:s15] =	ssyncset.done $0x0  }
0x74: {  	s0 =	sadd.s32 $0xA180, s29;
	[sflag:s15] =	ssyncadd.s32 $0xFFFFE000  }
0x75: {  	[tilespmem:s24], [sflag:$0x4] =	stream.indirect.gather [hbm4b:s4+s18], $0x40, s0, s18, $0xb8;
	[tilespmem:$0x19200] =	vst v63  }
0x76: {  	_ =	swait.ge [sflag:s25], $0x2000  }
0x77: {  	[sflag:s25] =	ssyncset.done $0x0  }
0x78: {  	s0 =	sadd.s32 $0xC980, s29;
	[sflag:s25] =	ssyncadd.s32 $0xFFFFE000  }
0x79: {  	[spmem:s2] =	stream.indirect.scatter.add.f32 [tilespmem:s21], [sflag:$0x5], $0x40, s0, s18, $0xb8;
	[tilespmem:$0x19200] =	vst v63  }
0x7a: {  	_ =	swait.ge [sflag:s15], $0x2000  }
0x7b: {  	[sflag:s15] =	ssyncset.done $0x0  }
0x7c: {  	s0 =	sadd.s32 $0xA200, s29;
	[sflag:s15] =	ssyncadd.s32 $0xFFFFE000  }
0x7d: {  	[tilespmem:s19], [sflag:$0x1] =	stream.indirect.gather [hbm4b:s4+s18], $0x40, s0, s18, $0xb8;
	[tilespmem:$0x19200] =	vst v63  }
0x7e: {  	_ =	swait.ge [sflag:s26], $0x2000  }
0x7f: {  	[sflag:s26] =	ssyncset.done $0x0  }
0x80: {  	s0 =	sadd.s32 $0xCA00, s29;
	[sflag:s26] =	ssyncadd.s32 $0xFFFFE000  }
0x81: {  	[spmem:s2] =	stream.indirect.scatter.add.f32 [tilespmem:s22], [sflag:$0x5], $0x40, s0, s18, $0xb8;
	[tilespmem:$0x19200] =	vst v63  }
0x82: {  	_ =	swait.ge [sflag:s15], $0x2000  }
0x83: {  	[sflag:s15] =	ssyncset.done $0x0  }
0x84: {  	s0 =	sadd.s32 $0xA280, s29;
	[sflag:s15] =	ssyncadd.s32 $0xFFFFE000  }
0x85: {  	[tilespmem:s21], [sflag:$0x2] =	stream.indirect.gather [hbm4b:s4+s18], $0x40, s0, s18, $0xb8;
	[tilespmem:$0x19200] =	vst v63  }
0x86: {  	_ =	swait.ge [sflag:s28], $0x2000  }
.Ltmp1:
0x87: {  	[sflag:s28] =	ssyncset.done $0x0;
	(pc) =	sbr.rel @p0 .LBB2_4-.Ltmp1, $4  }
0x88: {  	s0 =	sadd.s32 $0xCA80, s29;
	[sflag:s28] =	ssyncadd.s32 $0xFFFFE000  }
0x89: {  	[spmem:s2] =	stream.indirect.scatter.add.f32 [tilespmem:s24], [sflag:$0x5], $0x40, s0, s18, $0xb8;
	[tilespmem:$0x19200] =	vst v63  }
0x8a: {  	_ =	swait.ge [sflag:s15], $0x2000  }
0x8b: {  	s30 =	smov.u32 s1;
	s29 =	sshra.s32 s31, $0x2;
	[sflag:s15] =	ssyncset.done $0x0  }
0x8c: {  	s0 =	sadd.s32 $0xA100, s29;
	[sflag:s15] =	ssyncadd.s32 $0xFFFFE000  }
0x8d: {  	[tilespmem:s22], [sflag:$0x3] =	stream.indirect.gather [hbm4b:s4+s18], $0x40, s0, s18, $0xb8;
	[tilespmem:$0x19200] =	vst v63  }
0x8e: {  	_ =	swait.ge [sflag:s23], $0x2000  }
0x8f: {  	[sflag:s23] =	ssyncset.done $0x0  }
0x90: {  	s30 =	sadd.s32 $0xC900, s29;
	[sflag:s23] =	ssyncadd.s32 $0xFFFFE000  }
0x91: {  	[spmem:s2] =	stream.indirect.scatter.add.f32 [tilespmem:s19], [sflag:$0x5], $0x40, s30, s18, $0xb8;
	[tilespmem:$0x19200] =	vst v63  }
0x92: {  	_ =	swait.ge [sflag:s15], $0x2000  }
0x93: {  	[sflag:s15] =	ssyncset.done $0x0  }
0x94: {  	s31 =	sadd.s32 $0xA180, s29;
	[sflag:s15] =	ssyncadd.s32 $0xFFFFE000  }
0x95: {  	[tilespmem:s24], [sflag:$0x4] =	stream.indirect.gather [hbm4b:s4+s18], $0x40, s31, s18, $0xb8;
	[tilespmem:$0x19200] =	vst v63  }
0x96: {  	_ =	swait.ge [sflag:s25], $0x2000  }
0x97: {  	[sflag:s25] =	ssyncset.done $0x0  }
0x98: {  	s1 =	sadd.s32 $0xC980, s29;
	[sflag:s25] =	ssyncadd.s32 $0xFFFFE000  }
0x99: {  	[spmem:s2] =	stream.indirect.scatter.add.f32 [tilespmem:s21], [sflag:$0x5], $0x40, s1, s18, $0xb8;
	[tilespmem:$0x19200] =	vst v63  }
0x9a: {  	_ =	swait.ge [sflag:s15], $0x2000  }
0x9b: {  	[sflag:s15] =	ssyncset.done $0x0  }
0x9c: {  	s30 =	sadd.s32 $0xA200, s29;
	[sflag:s15] =	ssyncadd.s32 $0xFFFFE000  }
0x9d: {  	[tilespmem:s19], [sflag:$0x1] =	stream.indirect.gather [hbm4b:s4+s18], $0x40, s30, s18, $0xb8;
	[tilespmem:$0x19200] =	vst v63  }
0x9e: {  	_ =	swait.ge [sflag:s26], $0x2000  }
0x9f: {  	[sflag:s26] =	ssyncset.done $0x0  }
0xa0: {  	s31 =	sadd.s32 $0xCA00, s29;
	[sflag:s26] =	ssyncadd.s32 $0xFFFFE000  }
0xa1: {  	[spmem:s2] =	stream.indirect.scatter.add.f32 [tilespmem:s22], [sflag:$0x5], $0x40, s31, s18, $0xb8;
	[tilespmem:$0x19200] =	vst v63  }
0xa2: {  	_ =	swait.ge [sflag:s15], $0x2000  }
0xa3: {  	[sflag:s15] =	ssyncset.done $0x0  }
0xa4: {  	s1 =	sadd.s32 $0xA280, s29;
	[sflag:s15] =	ssyncadd.s32 $0xFFFFE000  }
0xa5: {  	[tilespmem:s21], [sflag:$0x2] =	stream.indirect.gather [hbm4b:s4+s18], $0x40, s1, s18, $0xb8;
	[tilespmem:$0x19200] =	vst v63  }
0xa6: {  	_ =	swait.ge [sflag:s28], $0x2000  }
0xa7: {  	[sflag:s28] =	ssyncset.done $0x0  }
0xa8: {  	s30 =	sadd.s32 $0xCA80, s29;
	[sflag:s28] =	ssyncadd.s32 $0xFFFFE000  }
0xa9: {  	[spmem:s2] =	stream.indirect.scatter.add.f32 [tilespmem:s24], [sflag:$0x5], $0x40, s30, s18, $0xb8;
	[tilespmem:$0x19200] =	vst v63  }
0xaa: {  	_ =	swait.ge [sflag:s15], $0x2000  }
0xab: {  	[sflag:s15] =	ssyncset.done $0x0  }
0xac: {  	[sflag:s15] =	ssyncadd.s32 $0xFFFFE000  }
0xad: {  	_ =	swait.ge [sflag:s23], $0x2000  }
0xae: {  	[sflag:s23] =	ssyncset.done $0x0  }
0xaf: {  	[sflag:s23] =	ssyncadd.s32 $0xFFFFE000  }
0xb0: {  	s31 =	stileid.u32;
	_ =	swait.ge [sflag:s25], $0x2000  }
0xb1: {  	s3 =	sadd.s32 $0x1, s3;
	s0 =	sshll.u32 s31, $0x6;
	[sflag:s25] =	ssyncset.done $0x0  }
0xb2: {  	p0 =	sne.s32 s3, s13;
	s0 =	sor.u32 $0x1C05, s0;
	[sflag:s25] =	ssyncadd.s32 $0xFFFFE000  }
.Ltmp2:
0xb3: {  	s1 =	sshrl.u32 s5, $0x3;
	[bflag:$0x0] =	sbarrier.arrive $0xFFFF;
	(pc) =	sbr.rel @p0 .LBB2_1-.Ltmp2, $4  }
0xb4: {  	[hbm:s12], [sflag:s0] =	dma.local [spmem:s1], $0x1400  }
0xb5: {  	_ =	swait.ge [sflag:s15], $0x1400  }
0xb6: {  	[sflag:s15] =	ssyncset.done $0x0  }
0xb7: {  	[sflag:s15] =	ssyncadd.s32 $0xFFFFEC00  }
0xb8: {  	_ =	sfence.sel $0x180000  }
0xb9: {  	[bflag:$0x0] =	sbarrier.arrive $0xFFFF  }
0xba: {  	_ =	strace $0x9000004D  }
0xbb: {  	s0 =	stileid.u32;
	[bflag:$0x2] =	sbarrier.arrive $0xFFFF  }
0xbc: {  	p0 =	sne.s32 s0, $0x0;
	s0 =	rddreg [dreg:$0x2]  }
0xbd: {  	s0 =	sadd.s32 @!p0 $0x100000, s0  }
0xbe: {  	[sflag:s0] =	ssyncadd.tile.s32 @!p0 $0x1;
	_ =	shalt  }
.Lfunc_end2:
_tile_overlayer_lowered:
.L_overlay_start_2:
0xbf: {  	(tag) =	ssettag $0x2  }
0xc0: {  	s0 =	rddreg [dreg:$0x0];
	s2 =	stileid.u32  }
0xc1: {  	s1 =	rddreg [dreg:$0x1];
	p0 =	sne.s32 s2, $0x0  }
0xc2: {  	s3 =	rddreg [dreg:$0x2];
	[bflag:$0x3] =	sbarrier.arrive $0xFFFF;
	s2 =	simm.s32 @!p0 $0x1C05  }
0xc3: {  	[timem:s3], [sflag:s2] =	dma.local @!p0 [hbm:s0], s1  }
0xc4: {  	s0 =	simm.s32 @!p0 $0x5  }
0xc5: {  	_ =	swait.ge @!p0 [sflag:s0], s1  }
0xc6: {  	s1 =	ssub.s32 @!p0 $0x0, s1;
	[sflag:s0] =	ssyncset.done @!p0 $0x0  }
0xc7: {  	[sflag:s0] =	ssyncadd.s32 @!p0 s1  }
0xc8: {  	[bflag:$0x3] =	sbarrier.arrive $0xFFFF  }
0xc9: {  	_ =	shalt  }

// kernel: kernel.9.cloned.1.call-start
scs
__scs_entry_jumppad:
0x0: {  	(pc) =	sbr.rel $0x88, $3  }
0x1: {  	(tag) =	ssettag $0x0;
	lr =	simm.s32 $0x1  }
0x2: {  	[smem:$0x3F8F] =	sst lr;
	_ =	strace $0xD0000000  }
0x3: {  	_ = 	snop  }
0x4: {  	_ = 	snop  }
0x5: {  	_ = 	snop  }
0x6: {  	_ = 	snop  }
0x7: {  	_ = 	snop  }
__scs_overlays_trampoline_lowered:
0x8: {  	[smem:$0x3F9E] =	sst s0  }
0x9: {  	[smem:$0x3F9F] =	sst s1  }
0xa: {  	[smem:$0x3FA0] =	sst s2  }
0xb: {  	[smem:$0x3FA1] =	sst s3  }
0xc: {  	[smem:$0x3FA2] =	sst s4  }
0xd: {  	[smem:$0x3FA3] =	sst s5  }
0xe: {  	[smem:$0x3FA4] =	sst s6  }
0xf: {  	[smem:$0x3FA5] =	sst s7  }
0x10: {  	[smem:$0x3FA6] =	sst s8  }
0x11: {  	[smem:$0x3FA7] =	sst s9;
	s0 =	simm.s32 @!p0 $0x0  }
0x12: {  	s1 =	sld [smem:$0x3F8D];
	s0 =	simm.s32 @p0 $0x1  }
0x13: {  	[smem:$0x3FA8] =	sst s0;
	s0 =	simm.s32 @!p1 $0x0  }
0x14: {  	s2 =	sld [smem:$0x3F8C];
	s0 =	simm.s32 @p1 $0x1  }
0x15: {  	[smem:$0x3FA9] =	sst s0;
	s0 =	simm.s32 @!p2 $0x0  }
0x16: {  	s3 =	sld [smem:$0x3FDB];
	s0 =	simm.s32 @p2 $0x1  }
0x17: {  	s4 =	simm.s32 $0x1BF5;
	[smem:$0x3FAB] =	sst s0  }
0x18: {  	s0 =	sld [smem:$0x3F8E];
	_ =	swait.ge [sflag:s4], $0x0  }
0x19: {  	s7 =	sld [smem:$0x3F8F]  }
0x1a: {  	s8 =	sadd.s32 $0xFFFFE003, lr  }
0x1b: {  	s9 =	sadd.s32 $0xFFFFFEF7, lr;
	s5 =	simm.s32 $0xFFFFFFFF;
	p2 =	slt.u32 s8, $0xFFFFF086  }
0x1c: {  	p1 =	slt.u32 s9, $0xF7A;
	s5 =	simm.s32 @!p2 $0x0  }
0x1d: {  	s5 =	simm.s32 @p1 $0x1;
	p0 =	seq.s32 s7, s2  }
0x1e: {  	s7 =	smul.u32 @!p0 $0xF7A, s2;
	p2 =	seq.s32 @!p0 s5, $0x0  }
0x1f: {  	s9 =	smul.u32 $0xF7A, s1;
	s8 =	simm.s32 @!p0 $0x1BF5;
	p2 =	por !p2, p0  }
0x20: {  	[sflag:s8] =	ssyncset.s32 @!p0 $0xFFFFF086;
	s6 =	sadd.s32 @!p0 s3, s7;
	s7 =	simm.s32 @!p0 $0x108  }
0x21: {  	s3 =	sadd.s32 s3, s9;
	s6 =	sadd.s32 @!p0 $0x88, s6;
	s7 =	simm.s32 @p2 $0x1082  }
0x22: {  	[simem:s7], [sflag:s8] =	dma.local @!p0 [hbm:s6], $0xF7A  }
0x23: {  	s9 =	sor.u32 $0xD0000000, s2;
	s6 =	simm.s32 $0x108;
	_ =	swait.ge @!p0 [sflag:s8], $0x0  }
0x24: {  	s3 =	sadd.s32 $0x88, s3;
	s6 =	simm.s32 @!p1 $0x1082;
	[sflag:s4] =	ssyncset.s32 $0xFFFFF086  }
0x25: {  	[simem:s6], [sflag:s4] =	dma.local [hbm:s3], $0xF7A  }
0x26: {  	[smem:$0x3F8F] =	sst s1;
	(tag) =	ssettag s2;
	_ =	strace s9  }
0x27: {  	s1 =	sld [smem:$0x3F9F]  }
0x28: {  	s2 =	sld [smem:$0x3FA0]  }
0x29: {  	s4 =	sld [smem:$0x3FA2]  }
0x2a: {  	p0 =	seq.s32 s5, $0x0;
	s5 =	sld [smem:$0x3FA3]  }
0x2b: {  	s6 =	sld [smem:$0x3FA4]  }
0x2c: {  	s7 =	sld [smem:$0x3FA5]  }
0x2d: {  	s3 =	simm.s32 $0x108;
	s8 =	sld [smem:$0x3FA6]  }
0x2e: {  	s3 =	simm.s32 @!p0 $0x1082;
	s9 =	sld [smem:$0x3FA7]  }
0x2f: {  	lr =	sadd.s32 s0, s3;
	s0 =	sld [smem:$0x3F9E]  }
0x30: {  	s3 =	sld [smem:$0x3FA1]  }
0x31: {  	[smem:$0x3FAA] =	sst s10  }
0x32: {  	s10 =	sld [smem:$0x3FA8];
	_ =	sdelay $0x3  }
0x33: {  	p0 =	seq.s32 s10, $0x1;
	s10 =	sld [smem:$0x3FAA];
	_ =	sdelay $0x3  }
0x34: {  	[smem:$0x3FAA] =	sst s10  }
0x35: {  	s10 =	sld [smem:$0x3FA9];
	_ =	sdelay $0x3  }
0x36: {  	p1 =	seq.s32 s10, $0x1;
	s10 =	sld [smem:$0x3FAA];
	_ =	sdelay $0x3  }
0x37: {  	[smem:$0x3FAA] =	sst s10  }
0x38: {  	s10 =	sld [smem:$0x3FAB]  }
0x39: {  	_ = 	snop;
	(pc) =	sbr.ind lr, $3  }
0x3a: {  	_ = 	snop  }
0x3b: {  	_ = 	snop  }
0x3c: {  	p2 =	seq.s32 s10, $0x1;
	s10 =	sld [smem:$0x3FAA]  }
0x3d: {  	_ =	shalt  }
0x3e: {  	_ =	shalt  }
0x3f: {  	_ =	shalt  }
0x40: {  	_ =	shalt  }
0x41: {  	_ =	shalt  }
0x42: {  	_ =	shalt  }
0x43: {  	_ =	shalt  }
0x44: {  	_ =	shalt  }
0x45: {  	_ =	shalt  }
0x46: {  	_ =	shalt  }
0x47: {  	_ =	shalt  }
0x48: {  	_ =	shalt  }
0x49: {  	_ =	shalt  }
0x4a: {  	_ =	shalt  }
0x4b: {  	_ =	shalt  }
0x4c: {  	_ =	shalt  }
0x4d: {  	_ =	shalt  }
0x4e: {  	_ =	shalt  }
0x4f: {  	_ =	shalt  }
0x50: {  	_ =	shalt  }
0x51: {  	_ =	shalt  }
0x52: {  	_ =	shalt  }
0x53: {  	_ =	shalt  }
0x54: {  	_ =	shalt  }
0x55: {  	_ =	shalt  }
0x56: {  	_ =	shalt  }
0x57: {  	_ =	shalt  }
0x58: {  	_ =	shalt  }
0x59: {  	_ =	shalt  }
0x5a: {  	_ =	shalt  }
0x5b: {  	_ =	shalt  }
0x5c: {  	_ =	shalt  }
0x5d: {  	_ =	shalt  }
0x5e: {  	_ =	shalt  }
0x5f: {  	_ =	shalt  }
0x60: {  	_ =	shalt  }
0x61: {  	_ =	shalt  }
0x62: {  	_ =	shalt  }
0x63: {  	_ =	shalt  }
0x64: {  	_ =	shalt  }
0x65: {  	_ =	shalt  }
0x66: {  	_ =	shalt  }
0x67: {  	_ =	shalt  }
0x68: {  	_ =	shalt  }
0x69: {  	_ =	shalt  }
0x6a: {  	_ =	shalt  }
0x6b: {  	_ =	shalt  }
0x6c: {  	_ =	shalt  }
0x6d: {  	_ =	shalt  }
0x6e: {  	_ =	shalt  }
0x6f: {  	_ =	shalt  }
0x70: {  	_ =	shalt  }
0x71: {  	_ =	shalt  }
0x72: {  	_ =	shalt  }
0x73: {  	_ =	shalt  }
0x74: {  	_ =	shalt  }
0x75: {  	_ =	shalt  }
0x76: {  	_ =	shalt  }
0x77: {  	_ =	shalt  }
0x78: {  	_ =	shalt  }
0x79: {  	_ =	shalt  }
0x7a: {  	_ =	shalt  }
0x7b: {  	_ =	shalt  }
0x7c: {  	_ =	shalt  }
0x7d: {  	_ =	shalt  }
0x7e: {  	_ =	shalt  }
0x7f: {  	_ =	shalt  }
0x80: {  	_ =	shalt  }
0x81: {  	_ =	shalt  }
0x82: {  	_ =	shalt  }
0x83: {  	_ =	shalt  }
0x84: {  	_ =	shalt  }
0x85: {  	_ =	shalt  }
0x86: {  	_ =	shalt  }
0x87: {  	_ =	shalt  }
.Lfunc_end0:
.L_simem_size_0:
called_computation_lowered:
.L_overlay_start_0:
0x88: {  	s2 =	sld [smem:$0x3FD9]  }
0x89: {  	s3 =	sld [smem:$0x3FFE];
	_ =	sdelay $0x1  }
0x8a: {  	s1 =	srdreg.scid  }
0x8b: {  	s0 =	sand.u32 $0x1, s1  }
0x8c: {  	s16 =	sshll.u32 s0, $0xA;
	s2 =	sadd.s32 s3, s2  }
0x8d: {  	s2 =	sadd.s32 s2, s16  }
0x8e: {  	[smem:$0x3FB6] =	sst s2  }
0x8f: {  	_ = 	snop  }
0x90: {  	(tm) =	ssettm $0x1  }
0x91: {  	s17 =	sld [smem:$0x3FFB];
	_ =	sdelay $0x3  }
0x92: {  	_ =	strace s17  }
0x93: {  	s2 =	sld [smem:$0x3FFC];
	_ =	sdelay $0x3  }
0x94: {  	_ =	strace s2  }
0x95: {  	s2 =	sld [smem:$0x3FFD];
	_ =	sdelay $0x3  }
0x96: {  	_ =	strace s2  }
0x97: {  	_ =	strace $0x8FFFFFFF  }
0x98: {  	s18 =	sld [smem:$0x3FDB];
	_ =	sdelay $0x1  }
0x99: {  	s19 =	simm.s32 $_scs_section_size  }
0x9a: {  	s4 =	simm.s32 $_size__tile_overlayer_lowered;
	s5 =	simm.s32 $_tile_overlayer_lowered  }
0x9b: {  	s22 =	simm.s32 $0x1BFF;
	s21 =	sshll.u32 s5, $0x1;
	s2 =	sadd.s32 s19, s18  }
0x9c: {  	s6 =	simm.s32 $0x0;
	s20 =	sshll.u32 s4, $0x1;
	s4 =	sadd.s32 s21, s2  }
0x9d: {  	[timem:s6], [sflag:s22] =	dma.local [hbm:s4], s20  }
0x9e: {  	_ =	swait.ge [sflag:s22], s20  }
0x9f: {  	s3 =	ssub.s32 $0x0, s20;
	[sflag:s22] =	ssyncset.done $0x0  }
0xa0: {  	[sflag:s22] =	ssyncadd.s32 s3;
	_ =	sdelay $0x1  }
0xa1: {  	s23 =	simm.s32 $0x1B8B  }
0xa2: {  	_ =	swait.ge [sflag:s23], $0x1  }
0xa3: {  	[sflag:s23] =	ssyncset.done $0x0  }
0xa4: {  	s25 =	simm.s32 $0x1B8E;
	s24 =	sld [smem:$0x3FFE];
	[sflag:s23] =	ssyncadd.s32 $0xFFFFFFFF  }
0xa5: {  	s26 =	simm.s32 $execute0_lowered;
	[smem:$0x3FD2] =	sst s25  }
0xa6: {  	s4 =	sshll.u32 s26, $0x1;
	_ =	strace $0x80000046;
	[dreg:$0x1] =	wrdreg $0xFFFFFFFF  }
0xa7: {  	s28 =	simm.s32 $_size_execute0_lowered;
	s2 =	sadd.s32 s2, s4;
	[dreg:$0x0] =	wrdreg $0x0  }
0xa8: {  	s4 =	sshll.u32 s28, $0x1;
	[dreg:$0x2] =	wrdreg s2  }
0xa9: {  	[dreg:$0x3] =	wrdreg s4  }
0xaa: {  	[dreg:$0x4] =	wrdreg $0xC0  }
0xab: {  	_ =	task [dreg:s6], $0x5FFFF  }
0xac: {  	[dreg:$0x1] =	wrdreg $0xFFFFFFFF  }
0xad: {  	[dreg:$0x0] =	wrdreg $0x60  }
0xae: {  	[dreg:$0x2] =	wrdreg s24  }
0xaf: {  	[dreg:$0x3] =	wrdreg $0x0  }
0xb0: {  	[dreg:$0x4] =	wrdreg $0x28000  }
0xb1: {  	[dreg:$0x5] =	wrdreg $0x9  }
0xb2: {  	_ =	task.clear_ibuf [dreg:s6], $0x6FFFF;
	_ =	strace $0x90000046  }
0xb3: {  	s29 =	simm.s32 $0x9;
	_ =	strace $0x80000048  }
0xb4: {  	_ =	swait.ge [sflag:s29], $0x1  }
0xb5: {  	[sflag:s29] =	ssyncadd.s32 $0xFFFFFFFF  }
0xb6: {  	_ =	strace $0x90000048  }
0xb7: {  	_ =	sfence  }
0xb8: {  	s30 =	sld [smem:$0x0];
	_ =	sdelay $0x2  }
0xb9: {  	s31 =	sshll.u32 s1, $0xD;
	s1 =	sshrl.u32 s1, $0x2  }
0xba: {  	s3 =	sand.u32 $0x4000, s31;
	s1 =	sadd.s32 s1, s30  }
0xbb: {  	s0 =	sor.u32 s3, s0;
	s1 =	sshll.u32 s1, $0x11  }
0xbc: {  	s0 =	sor.u32 s1, s0  }
0xbd: {  	s0 =	sadd.s32 $0x8F2B, s0  }
0xbe: {  	[sflag:s0] =	ssyncadd.remote.s32 $0x1  }
0xbf: {  	_ =	sfence.sel $0xFFFF  }
0xc0: {  	[dreg:$0x0] =	wrdreg $0xFFFFFFFF;
	(pc) =	sbr.abs _section_cstart, $3  }
0xc1: {  	[dreg:$0x1] =	wrdreg $0xFFFFFFFF  }
0xc2: {  	_ =	task.clear_ibuf [dreg:s6], $0x2FFFF;
	_ =	strace $0x9FFFFFFF  }
0xc3: {  	(tm) =	ssettm $0x7FFFFFFF  }
tec
execute0_lowered:
.L_overlay_start_1:
0x0: {  	(tag) =	ssettag $0x1  }
0x1: {  	s0 =	rddreg [dreg:$0x0]  }
0x2: {  	s2 =	rddreg [dreg:$0x1]  }
0x3: {  	s3 =	rddreg [dreg:$0x2]  }
0x4: {  	s1 =	srdreg.scid;
	s6 =	stileid.u32;
	s4 =	simm.s32 $0x0  }
0x5: {  	s29 =	simm.s32 $0xAA00;
	s30 =	simm.s32 $0xB200;
	s31 =	simm.s32 $0x1  }
0x6: {  	s28 =	simm.s32 $0x3;
	s1 =	sand.u32 $0x1, s1;
	s8 =	smul.u32 $0x2800, s6  }
0x7: {  	[smem:$0x7FF] =	sst s4;
	s5 =	sshll.u32 s1, $0x4;
	s21 =	smul.u32 $0x28000, s1  }
0x8: {  	_ =	strace $0x80000047;
	s1 =	ssub.s32 $0x2, s1;
	s5 =	sor.u32 s6, s5  }
0x9: {  	s22 =	sshrl.u32 s1, $0x1;
	s10 =	sadd.s32 $0x800, s8;
	s11 =	sadd.s32 $0x1000, s8  }
0xa: {  	s25 =	sadd.s32 $0x1800, s8;
	s7 =	smul.u32 $0x500, s5;
	s12 =	sadd.s32 s10, s2  }
0xb: {  	s5 =	sadd.s32 $0x40200, s0;
	s10 =	sadd.s32 s10, s3;
	[dreg:$0x4] =	wrdreg s12  }
0xc: {  	s6 =	sadd.s32 s8, s21;
	s23 =	sadd.s32 s11, s2;
	[dreg:$0x5] =	wrdreg s10  }
0xd: {  	s1 =	ssub.s32 s1, s22;
	s24 =	sadd.s32 s11, s3;
	[dreg:$0x6] =	wrdreg s23  }
0xe: {  	s26 =	sadd.s32 s25, s2;
	s21 =	simm.s32 $0xC200;
	[dreg:$0x7] =	wrdreg s24  }
0xf: {  	s22 =	simm.s32 $0x5;
	s6 =	sshrl.u32 s6, $0x3;
	[dreg:$0x8] =	wrdreg s26  }
0x10: {  	s10 =	sadd.s32 s25, s3;
	s20 =	smax.u32 s1, $0x1;
	s23 =	simm.s32 $0x5000  }
0x11: {  	s25 =	simm.s32 $0x80;
	s26 =	simm.s32 $0xA200;
	s1 =	simm.s32 $0xBA00  }
0x12: {  	s24 =	simm.s32 $0x2;
	s9 =	sadd.s32 s7, s0;
	s0 =	sadd.s32 s6, s0  }
0x13: {  	s6 =	sadd.s32 s8, s2;
	s7 =	sadd.s32 s8, s3;
	s8 =	sadd.s32 $0x2000, s8  }
0x14: {  	[dreg:$0x9] =	wrdreg s10;
	s14 =	sadd.s32 s8, s2;
	s15 =	sadd.s32 s8, s3  }
0x15: {  	v2 =	vlaneseq.u32;
	s16 =	sadd.s32 $0xE200, s9;
	s17 =	sadd.s32 $0x4200, s9;
	s18 =	sadd.s32 $0x4F200, s0  }
0x16: {  	v0 =	vimm.f32 $0.0e+00;
	v1 =	vimm.f32 $1.000000000e+00;
	v2 =	vor.u32 $0x27F0, v2;
	s19 =	sadd.s32 $0x45200, s0;
	s0 =	simm.s32 $0xCA00;
	s8 =	simm.s32 $0x4  }
.LBB2_1:
0x17: {  	s9 =	simm.s32 $0x0  }
.LBB2_2:
0x18: {  	p0 =	sne.s32 s9, $0x1FC0  }
.Ltmp0:
0x19: {  	_ = 	snop;
	(pc) =	sbr.rel @p0 .LBB2_2-.Ltmp0, $3  }
0x1a: {  	_ =	sdelay $0x1  }
0x1b: {  	s10 =	sshra.s32 s9, $0x2  }
0x1c: {  	s9 =	sadd.s32 $0x40, s9;
	[tilespmem:s10+$0xC200] =	vst v0  }
0x1d: {  	s9 =	simm.s32 $0x40;
	s10 =	simm.s32 $0x0  }
.LBB2_4:
0x1e: {  	p0 =	sne.s32 s9, $0x1FC0;
	[tilespmem:s10+$0xCA00] =	vst v1;
	s10 =	smov.u32 s9;
	s9 =	sadd.s32 $0x40, s9  }
.Ltmp1:
0x1f: {  	(pc) =	sbr.rel @p0 .LBB2_4-.Ltmp1, $2  }
0x20: {  	_ =	sdelay $0x2  }
0x21: {  	s10 =	sshra.s32 s10, $0x2  }
0x22: {  	[tilespmem:s10+$0xCA00] =	vst v1  }
0x23: {  	[spmem:s6] =	stream.linear.scatter [tilespmem:s21], [sflag:$0x5], $0x800, $0x38;
	[tilespmem:$0xD200] =	vst v63  }
0x24: {  	_ =	swait.ge [sflag:s22], $0x800  }
0x25: {  	[sflag:s22] =	ssyncset.done $0x0  }
0x26: {  	[sflag:s22] =	ssyncadd.s32 $0xFFFFF800  }
0x27: {  	[spmem:s7] =	stream.linear.scatter [tilespmem:s21], [sflag:$0x5], $0x800, $0x38;
	[tilespmem:$0xD200] =	vst v63  }
0x28: {  	_ =	swait.ge [sflag:s22], $0x800  }
0x29: {  	[sflag:s22] =	ssyncset.done $0x0  }
0x2a: {  	s9 =	rddreg [dreg:$0x4];
	[sflag:s22] =	ssyncadd.s32 $0xFFFFF800  }
0x2b: {  	[spmem:s9] =	stream.linear.scatter [tilespmem:s21], [sflag:$0x5], $0x800, $0x38;
	[tilespmem:$0xD200] =	vst v63  }
0x2c: {  	_ =	swait.ge [sflag:s22], $0x800  }
0x2d: {  	[sflag:s22] =	ssyncset.done $0x0  }
0x2e: {  	s10 =	rddreg [dreg:$0x5];
	[sflag:s22] =	ssyncadd.s32 $0xFFFFF800  }
0x2f: {  	[spmem:s10] =	stream.linear.scatter [tilespmem:s21], [sflag:$0x5], $0x800, $0x38;
	[tilespmem:$0xD200] =	vst v63  }
0x30: {  	_ =	swait.ge [sflag:s22], $0x800  }
0x31: {  	[sflag:s22] =	ssyncset.done $0x0  }
0x32: {  	s11 =	rddreg [dreg:$0x6];
	[sflag:s22] =	ssyncadd.s32 $0xFFFFF800  }
0x33: {  	[spmem:s11] =	stream.linear.scatter [tilespmem:s21], [sflag:$0x5], $0x800, $0x38;
	[tilespmem:$0xD200] =	vst v63  }
0x34: {  	_ =	swait.ge [sflag:s22], $0x800  }
0x35: {  	[sflag:s22] =	ssyncset.done $0x0  }
0x36: {  	s12 =	rddreg [dreg:$0x7];
	[sflag:s22] =	ssyncadd.s32 $0xFFFFF800  }
0x37: {  	[spmem:s12] =	stream.linear.scatter [tilespmem:s21], [sflag:$0x5], $0x800, $0x38;
	[tilespmem:$0xD200] =	vst v63  }
0x38: {  	_ =	swait.ge [sflag:s22], $0x800  }
0x39: {  	[sflag:s22] =	ssyncset.done $0x0  }
0x3a: {  	s13 =	rddreg [dreg:$0x8];
	[sflag:s22] =	ssyncadd.s32 $0xFFFFF800  }
0x3b: {  	[spmem:s13] =	stream.linear.scatter [tilespmem:s21], [sflag:$0x5], $0x800, $0x38;
	[tilespmem:$0xD200] =	vst v63  }
0x3c: {  	_ =	swait.ge [sflag:s22], $0x800  }
0x3d: {  	[sflag:s22] =	ssyncset.done $0x0  }
0x3e: {  	s10 =	rddreg [dreg:$0x9];
	[sflag:s22] =	ssyncadd.s32 $0xFFFFF800  }
0x3f: {  	[spmem:s10] =	stream.linear.scatter [tilespmem:s21], [sflag:$0x5], $0x800, $0x38;
	[tilespmem:$0xD200] =	vst v63  }
0x40: {  	_ =	swait.ge [sflag:s22], $0x800  }
0x41: {  	[sflag:s22] =	ssyncset.done $0x0  }
0x42: {  	[sflag:s22] =	ssyncadd.s32 $0xFFFFF800  }
0x43: {  	[spmem:s14] =	stream.linear.scatter [tilespmem:s21], [sflag:$0x5], $0x800, $0x38;
	[tilespmem:$0xD200] =	vst v63  }
0x44: {  	_ =	swait.ge [sflag:s22], $0x800  }
0x45: {  	[sflag:s22] =	ssyncset.done $0x0  }
0x46: {  	[sflag:s22] =	ssyncadd.s32 $0xFFFFF800  }
0x47: {  	[spmem:s15] =	stream.linear.scatter [tilespmem:s21], [sflag:$0x5], $0x800, $0x38;
	[tilespmem:$0xD200] =	vst v63  }
0x48: {  	_ =	swait.ge [sflag:s22], $0x800  }
0x49: {  	[sflag:s22] =	ssyncset.done $0x0  }
0x4a: {  	[sflag:s22] =	ssyncadd.s32 $0xFFFFF800  }
0x4b: {  	s11 =	simm.s32 $0x0;
	[bflag:$0x0] =	sbarrier.arrive $0xFFFF  }
0x4c: {  	[tilespmem:s23], [sflag:$0x5] =	stream.linear.gather [hbm4b:s16+s11], $0x2800, $0x38;
	[tilespmem:$0xD200] =	vst v63  }
0x4d: {  	_ =	swait.ge [sflag:s22], $0x2800  }
0x4e: {  	[sflag:s22] =	ssyncset.done $0x0  }
0x4f: {  	s12 =	simm.s32 $0x7900;
	[sflag:s22] =	ssyncadd.s32 $0xFFFFD800  }
0x50: {  	[tilespmem:s12], [sflag:$0x5] =	stream.linear.gather [hbm4b:s17+s11], $0x2800, $0x38;
	[tilespmem:$0xD200] =	vst v63  }
0x51: {  	_ =	swait.ge [sflag:s22], $0x2800  }
0x52: {  	[sflag:s22] =	ssyncset.done $0x0  }
0x53: {  	[sflag:s22] =	ssyncadd.s32 $0xFFFFD800  }
0x54: {  	[tilespmem:$0x7800] =	vst v2  }
0x55: {  	[tilespmem:$0x7810] =	vst v2  }
0x56: {  	[tilespmem:$0x7820] =	vst v2  }
0x57: {  	[tilespmem:$0x7830] =	vst v2  }
0x58: {  	[tilespmem:$0x7840] =	vst v2  }
0x59: {  	[tilespmem:$0x7850] =	vst v2  }
0x5a: {  	[tilespmem:$0x7860] =	vst v2  }
0x5b: {  	[tilespmem:$0x7870] =	vst v2  }
0x5c: {  	[tilespmem:$0x7880] =	vst v2  }
0x5d: {  	[tilespmem:$0x7890] =	vst v2  }
0x5e: {  	[tilespmem:$0x78A0] =	vst v2  }
0x5f: {  	[tilespmem:$0x78B0] =	vst v2  }
0x60: {  	[tilespmem:$0x78C0] =	vst v2  }
0x61: {  	[tilespmem:$0x78D0] =	vst v2  }
0x62: {  	[tilespmem:$0x78E0] =	vst v2  }
0x63: {  	[tilespmem:$0x78F0] =	vst v2  }
0x64: {  	[tilespmem:s26], [sflag:$0x1] =	stream.indirect.gather [hbm4b:s5+s25], $0x10, s23, s25, $0xb8;
	[tilespmem:$0xD200] =	vst v63  }
0x65: {  	s13 =	simm.s32 $0x5080  }
0x66: {  	[tilespmem:s29], [sflag:$0x2] =	stream.indirect.gather [hbm4b:s5+s25], $0x10, s13, s25, $0xb8;
	[tilespmem:$0xD200] =	vst v63  }
0x67: {  	s10 =	simm.s32 $0x5100  }
0x68: {  	[tilespmem:s30], [sflag:$0x3] =	stream.indirect.gather [hbm4b:s5+s25], $0x10, s10, s25, $0xb8;
	[tilespmem:$0xD200] =	vst v63  }
0x69: {  	_ =	swait.ge [sflag:s31], $0x800  }
0x6a: {  	[sflag:s31] =	ssyncset.done $0x0  }
0x6b: {  	s11 =	simm.s32 $0x7900;
	[sflag:s31] =	ssyncadd.s32 $0xFFFFF800  }
0x6c: {  	[spmem:s2] =	stream.indirect.scatter.add.f32 [tilespmem:s26], [sflag:$0x5], $0x10, s11, s25, $0xb8;
	[tilespmem:$0xD200] =	vst v63  }
0x6d: {  	_ =	swait.ge [sflag:s22], $0x800  }
0x6e: {  	[sflag:s22] =	ssyncset.done $0x0  }
0x6f: {  	[sflag:s22] =	ssyncadd.s32 $0xFFFFF800  }
0x70: {  	[spmem:s3] =	stream.indirect.scatter.add.f32 [tilespmem:s0], [sflag:$0x5], $0x10, s11, s25, $0xb8;
	[tilespmem:$0xD200] =	vst v63  }
0x71: {  	_ =	swait.ge [sflag:s22], $0x800  }
0x72: {  	[sflag:s22] =	ssyncset.done $0x0  }
0x73: {  	s12 =	simm.s32 $0x5180;
	[sflag:s22] =	ssyncadd.s32 $0xFFFFF800  }
0x74: {  	[tilespmem:s1], [sflag:$0x4] =	stream.indirect.gather [hbm4b:s5+s25], $0x10, s12, s25, $0xb8;
	[tilespmem:$0xD200] =	vst v63  }
0x75: {  	_ =	swait.ge [sflag:s24], $0x800  }
0x76: {  	[sflag:s24] =	ssyncset.done $0x0  }
0x77: {  	s13 =	simm.s32 $0x7980;
	[sflag:s24] =	ssyncadd.s32 $0xFFFFF800  }
0x78: {  	[spmem:s2] =	stream.indirect.scatter.add.f32 [tilespmem:s29], [sflag:$0x5], $0x10, s13, s25, $0xb8;
	[tilespmem:$0xD200] =	vst v63  }
0x79: {  	_ =	swait.ge [sflag:s22], $0x800  }
0x7a: {  	[sflag:s22] =	ssyncset.done $0x0  }
0x7b: {  	[sflag:s22] =	ssyncadd.s32 $0xFFFFF800  }
0x7c: {  	[spmem:s3] =	stream.indirect.scatter.add.f32 [tilespmem:s0], [sflag:$0x5], $0x10, s13, s25, $0xb8;
	[tilespmem:$0xD200] =	vst v63  }
0x7d: {  	_ =	swait.ge [sflag:s22], $0x800  }
0x7e: {  	[sflag:s22] =	ssyncset.done $0x0  }
0x7f: {  	s10 =	simm.s32 $0x5200;
	[sflag:s22] =	ssyncadd.s32 $0xFFFFF800  }
0x80: {  	[tilespmem:s26], [sflag:$0x1] =	stream.indirect.gather [hbm4b:s5+s25], $0x10, s10, s25, $0xb8;
	[tilespmem:$0xD200] =	vst v63  }
0x81: {  	_ =	swait.ge [sflag:s28], $0x800  }
0x82: {  	[sflag:s28] =	ssyncset.done $0x0  }
0x83: {  	s11 =	simm.s32 $0x7A00;
	[sflag:s28] =	ssyncadd.s32 $0xFFFFF800  }
0x84: {  	[spmem:s2] =	stream.indirect.scatter.add.f32 [tilespmem:s30], [sflag:$0x5], $0x10, s11, s25, $0xb8;
	[tilespmem:$0xD200] =	vst v63  }
0x85: {  	_ =	swait.ge [sflag:s22], $0x800  }
0x86: {  	[sflag:s22] =	ssyncset.done $0x0  }
0x87: {  	[sflag:s22] =	ssyncadd.s32 $0xFFFFF800  }
0x88: {  	[spmem:s3] =	stream.indirect.scatter.add.f32 [tilespmem:s0], [sflag:$0x5], $0x10, s11, s25, $0xb8;
	[tilespmem:$0xD200] =	vst v63  }
0x89: {  	_ =	swait.ge [sflag:s22], $0x800  }
0x8a: {  	[sflag:s22] =	ssyncset.done $0x0  }
0x8b: {  	s12 =	simm.s32 $0x5280;
	[sflag:s22] =	ssyncadd.s32 $0xFFFFF800  }
0x8c: {  	[tilespmem:s29], [sflag:$0x2] =	stream.indirect.gather [hbm4b:s5+s25], $0x10, s12, s25, $0xb8;
	[tilespmem:$0xD200] =	vst v63  }
0x8d: {  	_ =	swait.ge [sflag:s8], $0x800  }
0x8e: {  	[sflag:s8] =	ssyncset.done $0x0  }
0x8f: {  	s13 =	simm.s32 $0x7A80;
	[sflag:s8] =	ssyncadd.s32 $0xFFFFF800  }
0x90: {  	[spmem:s2] =	stream.indirect.scatter.add.f32 [tilespmem:s1], [sflag:$0x5], $0x10, s13, s25, $0xb8;
	[tilespmem:$0xD200] =	vst v63  }
0x91: {  	_ =	swait.ge [sflag:s22], $0x800  }
0x92: {  	[sflag:s22] =	ssyncset.done $0x0  }
0x93: {  	[sflag:s22] =	ssyncadd.s32 $0xFFFFF800  }
0x94: {  	[spmem:s3] =	stream.indirect.scatter.add.f32 [tilespmem:s0], [sflag:$0x5], $0x10, s13, s25, $0xb8;
	[tilespmem:$0xD200] =	vst v63  }
0x95: {  	_ =	swait.ge [sflag:s22], $0x800  }
0x96: {  	s9 =	simm.s32 $0x200;
	s10 =	simm.s32 $0x1000;
	[sflag:s22] =	ssyncset.done $0x0  }
.LBB2_6:
0x97: {  	s13 =	sadd.s32 $0x5100, s9  }
0x98: {  	[sflag:s22] =	ssyncadd.s32 $0xFFFFF800;
	s11 =	smov.u32 s10;
	s12 =	sadd.s32 $0x800, s10  }
0x99: {  	[tilespmem:s30], [sflag:$0x3] =	stream.indirect.gather [hbm4b:s5+s25], $0x10, s13, s25, $0xb8;
	[tilespmem:$0xD200] =	vst v63  }
0x9a: {  	p0 =	sne.s32 s10, $0x9800;
	_ =	swait.ge [sflag:s31], $0x800  }
0x9b: {  	[sflag:s31] =	ssyncset.done $0x0  }
0x9c: {  	s10 =	sadd.s32 $0x7900, s9;
	[sflag:s31] =	ssyncadd.s32 $0xFFFFF800  }
0x9d: {  	[spmem:s2] =	stream.indirect.scatter.add.f32 [tilespmem:s26], [sflag:$0x5], $0x10, s10, s25, $0xb8;
	[tilespmem:$0xD200] =	vst v63  }
0x9e: {  	_ =	swait.ge [sflag:s22], $0x800  }
0x9f: {  	[sflag:s22] =	ssyncset.done $0x0  }
0xa0: {  	[sflag:s22] =	ssyncadd.s32 $0xFFFFF800  }
0xa1: {  	[spmem:s3] =	stream.indirect.scatter.add.f32 [tilespmem:s0], [sflag:$0x5], $0x10, s10, s25, $0xb8;
	[tilespmem:$0xD200] =	vst v63  }
0xa2: {  	_ =	swait.ge [sflag:s22], $0x800  }
0xa3: {  	[sflag:s22] =	ssyncset.done $0x0  }
0xa4: {  	s10 =	sadd.s32 $0x5180, s9;
	[sflag:s22] =	ssyncadd.s32 $0xFFFFF800  }
0xa5: {  	[tilespmem:s1], [sflag:$0x4] =	stream.indirect.gather [hbm4b:s5+s25], $0x10, s10, s25, $0xb8;
	[tilespmem:$0xD200] =	vst v63  }
0xa6: {  	_ =	swait.ge [sflag:s24], $0x800  }
0xa7: {  	[sflag:s24] =	ssyncset.done $0x0  }
0xa8: {  	s10 =	sadd.s32 $0x7980, s9;
	[sflag:s24] =	ssyncadd.s32 $0xFFFFF800  }
0xa9: {  	[spmem:s2] =	stream.indirect.scatter.add.f32 [tilespmem:s29], [sflag:$0x5], $0x10, s10, s25, $0xb8;
	[tilespmem:$0xD200] =	vst v63  }
0xaa: {  	_ =	swait.ge [sflag:s22], $0x800  }
0xab: {  	[sflag:s22] =	ssyncset.done $0x0  }
0xac: {  	[sflag:s22] =	ssyncadd.s32 $0xFFFFF800  }
0xad: {  	[spmem:s3] =	stream.indirect.scatter.add.f32 [tilespmem:s0], [sflag:$0x5], $0x10, s10, s25, $0xb8;
	[tilespmem:$0xD200] =	vst v63  }
0xae: {  	_ =	swait.ge [sflag:s22], $0x800  }
0xaf: {  	[sflag:s22] =	ssyncset.done $0x0  }
0xb0: {  	s10 =	sadd.s32 $0x5200, s9;
	[sflag:s22] =	ssyncadd.s32 $0xFFFFF800  }
0xb1: {  	[tilespmem:s26], [sflag:$0x1] =	stream.indirect.gather [hbm4b:s5+s25], $0x10, s10, s25, $0xb8;
	[tilespmem:$0xD200] =	vst v63  }
0xb2: {  	_ =	swait.ge [sflag:s28], $0x800  }
0xb3: {  	[sflag:s28] =	ssyncset.done $0x0  }
0xb4: {  	s10 =	sadd.s32 $0x7A00, s9;
	[sflag:s28] =	ssyncadd.s32 $0xFFFFF800  }
0xb5: {  	[spmem:s2] =	stream.indirect.scatter.add.f32 [tilespmem:s30], [sflag:$0x5], $0x10, s10, s25, $0xb8;
	[tilespmem:$0xD200] =	vst v63  }
0xb6: {  	_ =	swait.ge [sflag:s22], $0x800  }
0xb7: {  	[sflag:s22] =	ssyncset.done $0x0  }
0xb8: {  	[sflag:s22] =	ssyncadd.s32 $0xFFFFF800  }
0xb9: {  	[spmem:s3] =	stream.indirect.scatter.add.f32 [tilespmem:s0], [sflag:$0x5], $0x10, s10, s25, $0xb8;
	[tilespmem:$0xD200] =	vst v63  }
0xba: {  	_ =	swait.ge [sflag:s22], $0x800  }
0xbb: {  	[sflag:s22] =	ssyncset.done $0x0  }
0xbc: {  	s10 =	sadd.s32 $0x5280, s9;
	[sflag:s22] =	ssyncadd.s32 $0xFFFFF800  }
0xbd: {  	[tilespmem:s29], [sflag:$0x2] =	stream.indirect.gather [hbm4b:s5+s25], $0x10, s10, s25, $0xb8;
	[tilespmem:$0xD200] =	vst v63  }
0xbe: {  	_ =	swait.ge [sflag:s8], $0x800  }
0xbf: {  	[sflag:s8] =	ssyncset.done $0x0  }
0xc0: {  	s9 =	sadd.s32 $0x7A80, s9;
	[sflag:s8] =	ssyncadd.s32 $0xFFFFF800  }
0xc1: {  	[spmem:s2] =	stream.indirect.scatter.add.f32 [tilespmem:s1], [sflag:$0x5], $0x10, s9, s25, $0xb8;
	[tilespmem:$0xD200] =	vst v63  }
0xc2: {  	_ =	swait.ge [sflag:s22], $0x800  }
.Ltmp2:
0xc3: {  	[sflag:s22] =	ssyncset.done $0x0;
	(pc) =	sbr.rel @p0 .LBB2_6-.Ltmp2, $4  }
0xc4: {  	[sflag:s22] =	ssyncadd.s32 $0xFFFFF800  }
0xc5: {  	[spmem:s3] =	stream.indirect.scatter.add.f32 [tilespmem:s0], [sflag:$0x5], $0x10, s9, s25, $0xb8;
	[tilespmem:$0xD200] =	vst v63  }
0xc6: {  	_ =	swait.ge [sflag:s22], $0x800  }
0xc7: {  	s10 =	smov.u32 s12;
	s9 =	sshra.s32 s11, $0x2;
	[sflag:s22] =	ssyncset.done $0x0  }
0xc8: {  	s10 =	sadd.s32 $0x5100, s9;
	[sflag:s22] =	ssyncadd.s32 $0xFFFFF800  }
0xc9: {  	[tilespmem:s30], [sflag:$0x3] =	stream.indirect.gather [hbm4b:s5+s25], $0x10, s10, s25, $0xb8;
	[tilespmem:$0xD200] =	vst v63  }
0xca: {  	_ =	swait.ge [sflag:s31], $0x800  }
0xcb: {  	[sflag:s31] =	ssyncset.done $0x0  }
0xcc: {  	s11 =	sadd.s32 $0x7900, s9;
	[sflag:s31] =	ssyncadd.s32 $0xFFFFF800  }
0xcd: {  	[spmem:s2] =	stream.indirect.scatter.add.f32 [tilespmem:s26], [sflag:$0x5], $0x10, s11, s25, $0xb8;
	[tilespmem:$0xD200] =	vst v63  }
0xce: {  	_ =	swait.ge [sflag:s22], $0x800  }
0xcf: {  	[sflag:s22] =	ssyncset.done $0x0  }
0xd0: {  	[sflag:s22] =	ssyncadd.s32 $0xFFFFF800  }
0xd1: {  	[spmem:s3] =	stream.indirect.scatter.add.f32 [tilespmem:s0], [sflag:$0x5], $0x10, s11, s25, $0xb8;
	[tilespmem:$0xD200] =	vst v63  }
0xd2: {  	_ =	swait.ge [sflag:s22], $0x800  }
0xd3: {  	[sflag:s22] =	ssyncset.done $0x0  }
0xd4: {  	s12 =	sadd.s32 $0x5180, s9;
	[sflag:s22] =	ssyncadd.s32 $0xFFFFF800  }
0xd5: {  	[tilespmem:s1], [sflag:$0x4] =	stream.indirect.gather [hbm4b:s5+s25], $0x10, s12, s25, $0xb8;
	[tilespmem:$0xD200] =	vst v63  }
0xd6: {  	_ =	swait.ge [sflag:s24], $0x800  }
0xd7: {  	[sflag:s24] =	ssyncset.done $0x0  }
0xd8: {  	s13 =	sadd.s32 $0x7980, s9;
	[sflag:s24] =	ssyncadd.s32 $0xFFFFF800  }
0xd9: {  	[spmem:s2] =	stream.indirect.scatter.add.f32 [tilespmem:s29], [sflag:$0x5], $0x10, s13, s25, $0xb8;
	[tilespmem:$0xD200] =	vst v63  }
0xda: {  	_ =	swait.ge [sflag:s22], $0x800  }
0xdb: {  	[sflag:s22] =	ssyncset.done $0x0  }
0xdc: {  	[sflag:s22] =	ssyncadd.s32 $0xFFFFF800  }
0xdd: {  	[spmem:s3] =	stream.indirect.scatter.add.f32 [tilespmem:s0], [sflag:$0x5], $0x10, s13, s25, $0xb8;
	[tilespmem:$0xD200] =	vst v63  }
0xde: {  	_ =	swait.ge [sflag:s22], $0x800  }
0xdf: {  	[sflag:s22] =	ssyncset.done $0x0  }
0xe0: {  	s11 =	sadd.s32 $0x5200, s9;
	[sflag:s22] =	ssyncadd.s32 $0xFFFFF800  }
0xe1: {  	[tilespmem:s26], [sflag:$0x1] =	stream.indirect.gather [hbm4b:s5+s25], $0x10, s11, s25, $0xb8;
	[tilespmem:$0xD200] =	vst v63  }
0xe2: {  	_ =	swait.ge [sflag:s28], $0x800  }
0xe3: {  	[sflag:s28] =	ssyncset.done $0x0  }
0xe4: {  	s12 =	sadd.s32 $0x7A00, s9;
	[sflag:s28] =	ssyncadd.s32 $0xFFFFF800  }
0xe5: {  	[spmem:s2] =	stream.indirect.scatter.add.f32 [tilespmem:s30], [sflag:$0x5], $0x10, s12, s25, $0xb8;
	[tilespmem:$0xD200] =	vst v63  }
0xe6: {  	_ =	swait.ge [sflag:s22], $0x800  }
0xe7: {  	[sflag:s22] =	ssyncset.done $0x0  }
0xe8: {  	[sflag:s22] =	ssyncadd.s32 $0xFFFFF800  }
0xe9: {  	[spmem:s3] =	stream.indirect.scatter.add.f32 [tilespmem:s0], [sflag:$0x5], $0x10, s12, s25, $0xb8;
	[tilespmem:$0xD200] =	vst v63  }
0xea: {  	_ =	swait.ge [sflag:s22], $0x800  }
0xeb: {  	[sflag:s22] =	ssyncset.done $0x0  }
0xec: {  	s13 =	sadd.s32 $0x5280, s9;
	[sflag:s22] =	ssyncadd.s32 $0xFFFFF800  }
0xed: {  	[tilespmem:s29], [sflag:$0x2] =	stream.indirect.gather [hbm4b:s5+s25], $0x10, s13, s25, $0xb8;
	[tilespmem:$0xD200] =	vst v63  }
0xee: {  	_ =	swait.ge [sflag:s8], $0x800  }
0xef: {  	[sflag:s8] =	ssyncset.done $0x0  }
0xf0: {  	s10 =	sadd.s32 $0x7A80, s9;
	[sflag:s8] =	ssyncadd.s32 $0xFFFFF800  }
0xf1: {  	[spmem:s2] =	stream.indirect.scatter.add.f32 [tilespmem:s1], [sflag:$0x5], $0x10, s10, s25, $0xb8;
	[tilespmem:$0xD200] =	vst v63  }
0xf2: {  	_ =	swait.ge [sflag:s22], $0x800  }
0xf3: {  	[sflag:s22] =	ssyncset.done $0x0  }
0xf4: {  	[sflag:s22] =	ssyncadd.s32 $0xFFFFF800  }
0xf5: {  	[spmem:s3] =	stream.indirect.scatter.add.f32 [tilespmem:s0], [sflag:$0x5], $0x10, s10, s25, $0xb8;
	[tilespmem:$0xD200] =	vst v63  }
0xf6: {  	_ =	swait.ge [sflag:s22], $0x800  }
0xf7: {  	[sflag:s22] =	ssyncset.done $0x0  }
0xf8: {  	[sflag:s22] =	ssyncadd.s32 $0xFFFFF800  }
0xf9: {  	_ =	swait.ge [sflag:s31], $0x800  }
0xfa: {  	[sflag:s31] =	ssyncset.done $0x0  }
0xfb: {  	[sflag:s31] =	ssyncadd.s32 $0xFFFFF800  }
0xfc: {  	_ =	swait.ge [sflag:s24], $0x800  }
0xfd: {  	s11 =	stileid.u32;
	[sflag:s24] =	ssyncset.done $0x0  }
0xfe: {  	s9 =	sshll.u32 s11, $0x6;
	[sflag:s24] =	ssyncadd.s32 $0xFFFFF800  }
0xff: {  	s9 =	sor.u32 $0x1C05, s9;
	s12 =	sshrl.u32 s6, $0x3;
	[bflag:$0x0] =	sbarrier.arrive $0xFFFF  }
0x100: {  	[hbm:s18], [sflag:s9] =	dma.local [spmem:s12], $0x500  }
0x101: {  	s4 =	sadd.s32 $0x1, s4;
	_ =	swait.ge [sflag:s22], $0x500  }
0x102: {  	p0 =	sne.s32 s4, s20;
	[sflag:s22] =	ssyncset.done $0x0  }
.Ltmp3:
0x103: {  	s13 =	sshrl.u32 s7, $0x3;
	[sflag:s22] =	ssyncadd.s32 $0xFFFFFB00;
	(pc) =	sbr.rel @p0 .LBB2_1-.Ltmp3, $4  }
0x104: {  	[hbm:s19], [sflag:s9] =	dma.local [spmem:s13], $0x500  }
0x105: {  	_ =	swait.ge [sflag:s22], $0x500  }
0x106: {  	[sflag:s22] =	ssyncset.done $0x0  }
0x107: {  	[sflag:s22] =	ssyncadd.s32 $0xFFFFFB00  }
0x108: {  	_ =	sfence.sel $0x180000  }
0x109: {  	[bflag:$0x0] =	sbarrier.arrive $0xFFFF  }
0x10a: {  	_ =	strace $0x90000047  }
0x10b: {  	s0 =	stileid.u32;
	[bflag:$0x2] =	sbarrier.arrive $0xFFFF  }
0x10c: {  	p0 =	sne.s32 s0, $0x0;
	s0 =	rddreg [dreg:$0x3]  }
0x10d: {  	s0 =	sadd.s32 @!p0 $0x100000, s0  }
0x10e: {  	[sflag:s0] =	ssyncadd.tile.s32 @!p0 $0x1;
	_ =	shalt  }
.Lfunc_end2:
_tile_overlayer_lowered:
.L_overlay_start_2:
0x10f: {  	(tag) =	ssettag $0x2  }
0x110: {  	s0 =	rddreg [dreg:$0x0];
	s2 =	stileid.u32  }
0x111: {  	s1 =	rddreg [dreg:$0x1];
	p0 =	sne.s32 s2, $0x0  }
0x112: {  	s3 =	rddreg [dreg:$0x2];
	[bflag:$0x3] =	sbarrier.arrive $0xFFFF;
	s2 =	simm.s32 @!p0 $0x1C05  }
0x113: {  	[timem:s3], [sflag:s2] =	dma.local @!p0 [hbm:s0], s1  }
0x114: {  	s0 =	simm.s32 @!p0 $0x5  }
0x115: {  	_ =	swait.ge @!p0 [sflag:s0], s1  }
0x116: {  	s1 =	ssub.s32 @!p0 $0x0, s1;
	[sflag:s0] =	ssyncset.done @!p0 $0x0  }
0x117: {  	[sflag:s0] =	ssyncadd.s32 @!p0 s1  }
0x118: {  	[bflag:$0x3] =	sbarrier.arrive $0xFFFF  }
0x119: {  	_ =	shalt  }

</sc_bundles>
